<compile_context>
chip_gen: v7x
topology: tpu7x:2x2x1
jax: 0.10.2.dev20260603
libtpu: 0.0.44.dev20260713+nightly
codegen_flags: <defaults>
</compile_context>

<pallas_src>
import functools
import jax
import jax.numpy as jnp
from jax import lax
from jax.experimental import pallas as pl
from jax.experimental.pallas import tpu as pltpu, tpu_sc as plsc

_N = 1020
_NNZ = 16320
_B = 16
_NPAD = 1024
_EPAD = 16384
_NC = 2
_NS = 16
_EPT = _EPAD // _NS
_GROUPS = _EPT // 16
_ROWS_PER_CORE = _NPAD // _NC
_ROWS_PER_TILE = _ROWS_PER_CORE // _NS
_ACC = _ROWS_PER_CORE * _NPAD
_TILE_SLICE = _ROWS_PER_TILE * _NPAD


def _densify_body(nm, rows_hbm, cols_hbm, vals_hbm, zeros_hbm, out_hbm,
                  rows_v, cols_v, vals_v, idx_v, upd_v, acc0, acc1,
                  sem_e, sem_z, sem_s, sem_o):
    cid = lax.axis_index("c")
    sid = lax.axis_index("s")
    lo = cid * _ROWS_PER_CORE
    hi = lo + _ROWS_PER_CORE
    base_e = sid * _EPT
    my = pl.ds(sid * _TILE_SLICE, _TILE_SLICE)
    row0 = (cid * _ROWS_PER_CORE + sid * _ROWS_PER_TILE) * _NPAD
    accs = (acc0, acc1)

    stages = [
        pltpu.async_copy(rows_hbm.at[:, pl.ds(base_e, _EPT)], rows_v, sem_e),
        pltpu.async_copy(cols_hbm.at[:, pl.ds(base_e, _EPT)], cols_v, sem_e),
        pltpu.async_copy(vals_hbm.at[:, pl.ds(base_e, _EPT)], vals_v, sem_e),
    ]
    zs = [pltpu.async_copy(zeros_hbm, accs[p].at[my], sem_z)
          for p in range(min(nm, 2))]
    for cp in stages:
        cp.wait()

    for m in range(nm):
        for g in range(_GROUPS):
            r = rows_v[m, pl.ds(g * 16, 16)]
            c = cols_v[m, pl.ds(g * 16, 16)]
            v = vals_v[m, pl.ds(g * 16, 16)]
            in_range = (r >= lo) & (r < hi)
            flat = (r - lo) * _NPAD + c
            j, o = g // 8, (g % 8) * 16
            idx_v[m, j, pl.ds(o, 16)] = jnp.where(in_range, flat, 0)
            upd_v[m, j, pl.ds(o, 16)] = jnp.where(in_range, v, 0.0)

    for z in zs:
        z.wait()
    plsc.subcore_barrier()

    ocs = [None] * nm
    rzs = [None, None]
    for m in range(nm):
        acc = accs[m % 2]
        if m >= 2:
            rzs[m % 2].wait()
            plsc.subcore_barrier()
        scs = [pltpu.async_copy(upd_v.at[m, j], acc.at[idx_v.at[m, j]],
                                sem_s, add=True)
               for j in range(8)]
        for sc in scs:
            sc.wait()
        plsc.subcore_barrier()
        dst = out_hbm.at[pl.ds(m * _NPAD * _NPAD + row0, _TILE_SLICE)]
        ocs[m] = pltpu.async_copy(acc.at[my], dst, sem_o)
        if m + 2 < nm:
            ocs[m].wait()
            rzs[m % 2] = pltpu.async_copy(zeros_hbm, acc.at[my], sem_z)
    for m in range(max(0, nm - 2), nm):
        ocs[m].wait()


@functools.partial(jax.jit, static_argnums=0)
def _densify(nm, rows_all, cols_all, vals_all, zeros32k):
    mesh = plsc.VectorSubcoreMesh(core_axis_name="c", subcore_axis_name="s",
                                  num_cores=_NC, num_subcores=_NS)
    return pl.kernel(
        functools.partial(_densify_body, nm),
        out_type=jax.ShapeDtypeStruct((nm * _NPAD * _NPAD,), jnp.float32),
        mesh=mesh,
        scratch_types=[
            pltpu.VMEM((nm, _EPT), jnp.int32),
            pltpu.VMEM((nm, _EPT), jnp.int32),
            pltpu.VMEM((nm, _EPT), jnp.float32),
            pltpu.VMEM((nm, 8, 128), jnp.int32),
            pltpu.VMEM((nm, 8, 128), jnp.float32),
            pltpu.VMEM_SHARED((_ACC,), jnp.float32),
            pltpu.VMEM_SHARED((_ACC,), jnp.float32),
            pltpu.SemaphoreType.DMA,
            pltpu.SemaphoreType.DMA,
            pltpu.SemaphoreType.DMA,
            pltpu.SemaphoreType.DMA,
        ],
    )(rows_all, cols_all, vals_all, zeros32k)


_BPG = 4


def _fw_body(a_of_layer, h_ref, a_ref, *refs):
    nl = len(a_of_layer)
    ws = refs[0:2 * nl:2]
    bs = refs[1:2 * nl:2]
    o_ref = refs[2 * nl]
    xs = [h_ref[k] for k in range(_BPG)]
    for i in range(nl):
        for k in range(_BPG):
            h = (jnp.dot(xs[k], ws[i][...], preferred_element_type=jnp.float32)
                 + bs[i][...])
            y = jnp.dot(a_ref[a_of_layer[i]], h,
                        preferred_element_type=jnp.float32)
            xs[k] = jnp.maximum(y, 0.0)
    for k in range(_BPG):
        o_ref[k] = xs[k]


@functools.partial(jax.jit, static_argnums=(0, 1))
def _forward(a_of_layer, dout, Hp, As, *wbs):
    full = lambda arr: pl.BlockSpec(arr.shape, lambda b: (0,) * arr.ndim)
    nmat = As.shape[0]
    din = Hp.shape[-1]
    return pl.pallas_call(
        functools.partial(_fw_body, a_of_layer),
        grid=(_B // _BPG,),
        in_specs=[
            pl.BlockSpec((_BPG, _NPAD, din), lambda b: (b, 0, 0)),
            pl.BlockSpec((nmat, _NPAD, _NPAD), lambda b: (0, 0, 0)),
            *[full(w) for w in wbs],
        ],
        out_specs=pl.BlockSpec((_BPG, _NPAD, dout), lambda b: (b, 0, 0)),
        out_shape=jax.ShapeDtypeStruct((_B, _NPAD, dout), jnp.float32),
        compiler_params=pltpu.CompilerParams(
            dimension_semantics=("arbitrary",),
            vmem_limit_bytes=100 * 1024 * 1024,
        ),
    )(Hp, As, *wbs)


def kernel(H, s_sm_rows, s_sm_cols, s_sm_vals, s_sp_rows, s_sp_cols, s_sp_vals,
           t_sm_rows, t_sm_cols, t_sm_vals, t_sp_rows, t_sp_cols, t_sp_vals,
           W0, b0, W1, b1, W2, b2, W3, b3, W4, b4, W5, b5):
    pad_e = _EPAD - _NNZ
    p = lambda arrs: jnp.stack([jnp.pad(a, (0, pad_e)) for a in arrs])
    zeros32k = jnp.zeros((_TILE_SLICE,), jnp.float32)

    A0 = _densify(1, p([s_sm_rows]), p([s_sm_cols]), p([s_sm_vals]),
                  zeros32k).reshape(1, _NPAD, _NPAD)
    A123 = _densify(3, p([t_sm_rows, t_sp_rows, s_sp_rows]),
                    p([t_sm_cols, t_sp_cols, s_sp_cols]),
                    p([t_sm_vals, t_sp_vals, s_sp_vals]),
                    zeros32k).reshape(3, _NPAD, _NPAD)

    Hp = jnp.pad(H, ((0, 0), (0, _NPAD - _N), (0, 0)))
    bias = lambda b: b.reshape(1, -1)
    x2 = _forward((0, 0), 300, Hp, A0,
                  W0, bias(b0), W1, bias(b1))
    out = _forward((0, 1, 2, 2), 2, x2, A123,
                   W2, bias(b2), W3, bias(b3), W4, bias(b4), W5, bias(b5))
    return out[:, :_N, :]

# --- scband reference (transcript-rebuilt; emitter-appended) ---
"""Pipeline reference for scband-model-72232759984535 (READ-ONLY COPY).

The authoritative reference and input builder live on the scoring server;
editing this copy changes nothing except your own understanding.
"""

import jax, jax.numpy as jnp
import numpy as np

N = 1020
NNZ = 16320
B = 16
DIMS = [2, 400, 300, 100, 300, 400, 2]


def _spmm(rows, cols, vals, x):
    # sparse (N x N) @ dense (N x d) via gather + scatter-add
    gathered = jnp.take(x, cols, axis=0)
    return jax.ops.segment_sum(vals[:, None] * gathered, rows, num_segments=N)


def setup_inputs(seed: int = 0):
    key = jax.random.key(seed)
    ks = jax.random.split(key, 40)
    inp = {}
    inp["H"] = jax.random.normal(ks[0], (B, N, 2), dtype=jnp.float32)
    for i, nm in enumerate(["s_sm", "s_sp", "t_sm", "t_sp"]):
        inp[nm + "_rows"] = jnp.sort(jax.random.randint(ks[1 + 3 * i], (NNZ,), 0, N, dtype=jnp.int32))
        inp[nm + "_cols"] = jax.random.randint(ks[2 + 3 * i], (NNZ,), 0, N, dtype=jnp.int32)
        inp[nm + "_vals"] = jax.random.uniform(ks[3 + 3 * i], (NNZ,), dtype=jnp.float32) * (1.0 / 16.0)
    for j in range(6):
        inp["W%d" % j] = jax.random.normal(ks[14 + 2 * j], (DIMS[j], DIMS[j + 1]), dtype=jnp.float32) * (1.0 / np.sqrt(DIMS[j]))
        inp["b%d" % j] = jnp.zeros((DIMS[j + 1],), dtype=jnp.float32)
    return inp


def reference(H, s_sm_rows, s_sm_cols, s_sm_vals, s_sp_rows, s_sp_cols, s_sp_vals,
              t_sm_rows, t_sm_cols, t_sm_vals, t_sp_rows, t_sp_cols, t_sp_vals,
              W0, b0, W1, b1, W2, b2, W3, b3, W4, b4, W5, b5):
    def layer(x, W, b, rows, cols, vals):
        h = jnp.matmul(x, W) + b
        y = jax.vmap(lambda hi: _spmm(rows, cols, vals, hi))(h)
        return jax.nn.relu(y)
    # encoder: Laplacian smoothing (Dense -> DADsm spmm -> relu)
    x = layer(H, W0, b0, s_sm_rows, s_sm_cols, s_sm_vals)
    x = layer(x, W1, b1, s_sm_rows, s_sm_cols, s_sm_vals)
    x = layer(x, W2, b2, t_sm_rows, t_sm_cols, t_sm_vals)
    # decoder: Laplacian sharpening (Dense -> DADsp spmm -> relu)
    x = layer(x, W3, b3, t_sp_rows, t_sp_cols, t_sp_vals)
    x = layer(x, W4, b4, s_sp_rows, s_sp_cols, s_sp_vals)
    x = layer(x, W5, b5, s_sp_rows, s_sp_cols, s_sp_vals)
    return x

if __name__ == "__main__":
    import jax
    _d = setup_inputs()
    print(jax.jit(kernel)(*tuple(_d.values())))

</pallas_src>

<mosaic_0001>
#map = affine_map<(d0, d1) -> (0, 0)>
#map1 = affine_map<(d0, d1) -> (0)>
module attributes {stable_mosaic.version = 14 : i64} {
  func.func @_densify_body(%arg0: i32, %arg1: i32, %arg2: memref<1x16384xi32, #tpu.memory_space<hbm>>, %arg3: memref<1x16384xi32, #tpu.memory_space<hbm>>, %arg4: memref<1x16384xf32, #tpu.memory_space<hbm>>, %arg5: memref<32768xf32, #tpu.memory_space<hbm>>, %arg6: memref<1048576xf32, #tpu.memory_space<hbm>>, %arg7: memref<1x1024xi32, #tpu.memory_space<vmem>>, %arg8: memref<1x1024xi32, #tpu.memory_space<vmem>>, %arg9: memref<1x1024xf32, #tpu.memory_space<vmem>>, %arg10: memref<1x8x128xi32, #tpu.memory_space<vmem>>, %arg11: memref<1x8x128xf32, #tpu.memory_space<vmem>>, %arg12: memref<524288xf32, #tpu.memory_space<vmem_shared>>, %arg13: memref<524288xf32, #tpu.memory_space<vmem_shared>>, %arg14: memref<!tpu.dma_semaphore, #tpu.memory_space<semaphore_mem>>, %arg15: memref<!tpu.dma_semaphore, #tpu.memory_space<semaphore_mem>>, %arg16: memref<!tpu.dma_semaphore, #tpu.memory_space<semaphore_mem>>, %arg17: memref<!tpu.dma_semaphore, #tpu.memory_space<semaphore_mem>>) attributes {dimension_semantics = [#tpu.dimension_semantics<core_parallel>, #tpu.dimension_semantics<subcore_parallel>], iteration_bounds = array<i64: 2, 16>, scalar_prefetch = 0 : i64, scratch_operands = 11 : i64, tpu.core_type = #tpu.core_type<sc_vector_subcore>, window_params = [{transform_indices = #map}, {transform_indices = #map}, {transform_indices = #map}, {transform_indices = #map1}, {transform_indices = #map1}]} {
    %mul3A = arith.constant 512 : i32
    %mul3A_0 = arith.muli %arg0, %mul3A : i32
    %add3A = arith.constant 512 : i32
    %add3A_1 = arith.addi %mul3A_0, %add3A : i32
    %mul3A_2 = arith.constant 1024 : i32
    %mul3A_3 = arith.muli %arg1, %mul3A_2 : i32
    %mul3A_4 = arith.constant 32768 : i32
    %mul3A_5 = arith.muli %arg1, %mul3A_4 : i32
    %mul3A_6 = arith.constant 512 : i32
    %mul3A_7 = arith.muli %arg0, %mul3A_6 : i32
    %mul3A_8 = arith.constant 32 : i32
    %mul3A_9 = arith.muli %arg1, %mul3A_8 : i32
    %add3A_10 = arith.addi %mul3A_7, %mul3A_9 : i32
    %mul3A_11 = arith.constant 1024 : i32
    %mul3A_12 = arith.muli %add3A_10, %mul3A_11 : i32
    %dma_start3A = arith.constant 0 : i32
    %dma_start3A_13 = tpu.memref_slice %arg2[%dma_start3A, %mul3A_3] : memref<1x16384xi32, #tpu.memory_space<hbm>> -> memref<1x1024xi32, #tpu.memory_space<hbm>>
    %dma_start3A_14 = arith.constant 0 : i32
    %dma_start3A_15 = tpu.memref_slice %arg2[%dma_start3A_14, %mul3A_3] : memref<1x16384xi32, #tpu.memory_space<hbm>> -> memref<1x1024xi32, #tpu.memory_space<hbm>>
    tpu.enqueue_dma source(%dma_start3A_15 : memref<1x1024xi32, #tpu.memory_space<hbm>>) target(%arg7 : memref<1x1024xi32, #tpu.memory_space<vmem>>) target_semaphore(%arg14 : memref<!tpu.dma_semaphore, #tpu.memory_space<semaphore_mem>>)
    %dma_start3A_16 = arith.constant 0 : i32
    %dma_start3A_17 = tpu.memref_slice %arg3[%dma_start3A_16, %mul3A_3] : memref<1x16384xi32, #tpu.memory_space<hbm>> -> memref<1x1024xi32, #tpu.memory_space<hbm>>
    %dma_start3A_18 = arith.constant 0 : i32
    %dma_start3A_19 = tpu.memref_slice %arg3[%dma_start3A_18, %mul3A_3] : memref<1x16384xi32, #tpu.memory_space<hbm>> -> memref<1x1024xi32, #tpu.memory_space<hbm>>
    tpu.enqueue_dma source(%dma_start3A_19 : memref<1x1024xi32, #tpu.memory_space<hbm>>) target(%arg8 : memref<1x1024xi32, #tpu.memory_space<vmem>>) target_semaphore(%arg14 : memref<!tpu.dma_semaphore, #tpu.memory_space<semaphore_mem>>)
    %dma_start3A_20 = arith.constant 0 : i32
    %dma_start3A_21 = tpu.memref_slice %arg4[%dma_start3A_20, %mul3A_3] : memref<1x16384xf32, #tpu.memory_space<hbm>> -> memref<1x1024xf32, #tpu.memory_space<hbm>>
    %dma_start3A_22 = arith.constant 0 : i32
    %dma_start3A_23 = tpu.memref_slice %arg4[%dma_start3A_22, %mul3A_3] : memref<1x16384xf32, #tpu.memory_space<hbm>> -> memref<1x1024xf32, #tpu.memory_space<hbm>>
    tpu.enqueue_dma source(%dma_start3A_23 : memref<1x1024xf32, #tpu.memory_space<hbm>>) target(%arg9 : memref<1x1024xf32, #tpu.memory_space<vmem>>) target_semaphore(%arg14 : memref<!tpu.dma_semaphore, #tpu.memory_space<semaphore_mem>>)
    %dma_start3A_24 = tpu.memref_slice %arg12[%mul3A_5] : memref<524288xf32, #tpu.memory_space<vmem_shared>> -> memref<32768xf32, #tpu.memory_space<vmem_shared>>
    tpu.enqueue_dma source(%arg5 : memref<32768xf32, #tpu.memory_space<hbm>>) target(%dma_start3A_24 : memref<32768xf32, #tpu.memory_space<vmem_shared>>) target_semaphore(%arg15 : memref<!tpu.dma_semaphore, #tpu.memory_space<semaphore_mem>>)
    %dma_wait3A = arith.constant 0 : i32
    %dma_wait3A_25 = tpu.memref_slice %arg2[%dma_wait3A, %mul3A_3] : memref<1x16384xi32, #tpu.memory_space<hbm>> -> memref<1x1024xi32, #tpu.memory_space<hbm>>
    %dma_wait3A_26 = arith.constant 0 : i32
    %dma_wait3A_27 = tpu.memref_slice %arg2[%dma_wait3A_26, %mul3A_3] : memref<1x16384xi32, #tpu.memory_space<hbm>> -> memref<1x1024xi32, #tpu.memory_space<hbm>>
    tpu.wait_dma2 semaphore(%arg14 : memref<!tpu.dma_semaphore, #tpu.memory_space<semaphore_mem>>) src(%dma_wait3A_27 : memref<1x1024xi32, #tpu.memory_space<hbm>>) dst(%arg7 : memref<1x1024xi32, #tpu.memory_space<vmem>>)
    %dma_wait3A_28 = arith.constant 0 : i32
    %dma_wait3A_29 = tpu.memref_slice %arg3[%dma_wait3A_28, %mul3A_3] : memref<1x16384xi32, #tpu.memory_space<hbm>> -> memref<1x1024xi32, #tpu.memory_space<hbm>>
    %dma_wait3A_30 = arith.constant 0 : i32
    %dma_wait3A_31 = tpu.memref_slice %arg3[%dma_wait3A_30, %mul3A_3] : memref<1x16384xi32, #tpu.memory_space<hbm>> -> memref<1x1024xi32, #tpu.memory_space<hbm>>
    tpu.wait_dma2 semaphore(%arg14 : memref<!tpu.dma_semaphore, #tpu.memory_space<semaphore_mem>>) src(%dma_wait3A_31 : memref<1x1024xi32, #tpu.memory_space<hbm>>) dst(%arg8 : memref<1x1024xi32, #tpu.memory_space<vmem>>)
    %dma_wait3A_32 = arith.constant 0 : i32
    %dma_wait3A_33 = tpu.memref_slice %arg4[%dma_wait3A_32, %mul3A_3] : memref<1x16384xf32, #tpu.memory_space<hbm>> -> memref<1x1024xf32, #tpu.memory_space<hbm>>
    %dma_wait3A_34 = arith.constant 0 : i32
    %dma_wait3A_35 = tpu.memref_slice %arg4[%dma_wait3A_34, %mul3A_3] : memref<1x16384xf32, #tpu.memory_space<hbm>> -> memref<1x1024xf32, #tpu.memory_space<hbm>>
    tpu.wait_dma2 semaphore(%arg14 : memref<!tpu.dma_semaphore, #tpu.memory_space<semaphore_mem>>) src(%dma_wait3A_35 : memref<1x1024xf32, #tpu.memory_space<hbm>>) dst(%arg9 : memref<1x1024xf32, #tpu.memory_space<vmem>>)
    %get3A = arith.constant 0 : i32
    %get3A_36 = arith.index_cast %get3A : i32 to index
    %get3A_37 = arith.constant 0 : index
    %get3A_38 = tpu.vector_load %arg7[%get3A_36, %get3A_37] {strides = array<i32>} : memref<1x1024xi32, #tpu.memory_space<vmem>>, vector<1x16xi32>,
    %get3A_39 = vector.shape_cast %get3A_38 : vector<1x16xi32> to vector<16xi32>
    %get3A_40 = arith.constant 0 : i32
    %get3A_41 = arith.index_cast %get3A_40 : i32 to index
    %get3A_42 = arith.constant 0 : index
    %get3A_43 = tpu.vector_load %arg8[%get3A_41, %get3A_42] {strides = array<i32>} : memref<1x1024xi32, #tpu.memory_space<vmem>>, vector<1x16xi32>,
    %get3A_44 = vector.shape_cast %get3A_43 : vector<1x16xi32> to vector<16xi32>
    %get3A_45 = arith.constant 0 : i32
    %get3A_46 = arith.index_cast %get3A_45 : i32 to index
    %get3A_47 = arith.constant 0 : index
    %get3A_48 = tpu.vector_load %arg9[%get3A_46, %get3A_47] {strides = array<i32>} : memref<1x1024xf32, #tpu.memory_space<vmem>>, vector<1x16xf32>,
    %get3A_49 = vector.shape_cast %get3A_48 : vector<1x16xf32> to vector<16xf32>
    %ge3A = vector.broadcast %mul3A_0 : i32 to vector<16xi32>
    %ge3A_50 = arith.cmpi sge, %get3A_39, %ge3A : vector<16xi32>
    %lt3A = vector.broadcast %add3A_1 : i32 to vector<16xi32>
    %lt3A_51 = arith.cmpi slt, %get3A_39, %lt3A : vector<16xi32>
    %and3A = arith.andi %ge3A_50, %lt3A_51 : vector<16xi1>
    %sub3A = vector.broadcast %mul3A_0 : i32 to vector<16xi32>
    %sub3A_52 = arith.subi %get3A_39, %sub3A : vector<16xi32>
    %mul3A_53 = arith.constant 1024 : i32
    %mul3A_54 = vector.broadcast %mul3A_53 : i32 to vector<16xi32>
    %mul3A_55 = arith.muli %sub3A_52, %mul3A_54 : vector<16xi32>
    %add3A_56 = arith.addi %mul3A_55, %get3A_44 : vector<16xi32>
    %jit3A = arith.constant 0 : i32
    %broadcast_in_dim3A = vector.broadcast %jit3A : i32 to vector<16xi32>
    %select_n3A = arith.select %and3A, %add3A_56, %broadcast_in_dim3A : vector<16xi1>, vector<16xi32>
    %swap3A = arith.constant 0 : i32
    %swap3A_57 = arith.constant 0 : i32
    %swap3A_58 = arith.index_cast %swap3A : i32 to index
    %swap3A_59 = arith.index_cast %swap3A_57 : i32 to index
    %swap3A_60 = arith.constant 0 : index
    %swap3A_61 = tpu.vector_load %arg10[%swap3A_58, %swap3A_59, %swap3A_60] {strides = array<i32>} : memref<1x8x128xi32, #tpu.memory_space<vmem>>, vector<1x1x16xi32>,
    %swap3A_62 = vector.shape_cast %swap3A_61 : vector<1x1x16xi32> to vector<16xi32>
    %swap3A_63 = vector.shape_cast %select_n3A : vector<16xi32> to vector<1x1x16xi32>
    tpu.vector_store %arg10[%swap3A_58, %swap3A_59, %swap3A_60], %swap3A_63 {strides = array<i32>} : memref<1x8x128xi32, #tpu.memory_space<vmem>>, vector<1x1x16xi32>,
    %jit3A_64 = arith.constant 0.000000e+00 : f32
    %broadcast_in_dim3A_65 = vector.broadcast %jit3A_64 : f32 to vector<16xf32>
    %select_n3A_66 = arith.select %and3A, %get3A_49, %broadcast_in_dim3A_65 : vector<16xi1>, vector<16xf32>
    %swap3A_67 = arith.constant 0 : i32
    %swap3A_68 = arith.constant 0 : i32
    %swap3A_69 = arith.index_cast %swap3A_67 : i32 to index
    %swap3A_70 = arith.index_cast %swap3A_68 : i32 to index
    %swap3A_71 = arith.constant 0 : index
    %swap3A_72 = tpu.vector_load %arg11[%swap3A_69, %swap3A_70, %swap3A_71] {strides = array<i32>} : memref<1x8x128xf32, #tpu.memory_space<vmem>>, vector<1x1x16xf32>,
    %swap3A_73 = vector.shape_cast %swap3A_72 : vector<1x1x16xf32> to vector<16xf32>
    %swap3A_74 = vector.shape_cast %select_n3A_66 : vector<16xf32> to vector<1x1x16xf32>
    tpu.vector_store %arg11[%swap3A_69, %swap3A_70, %swap3A_71], %swap3A_74 {strides = array<i32>} : memref<1x8x128xf32, #tpu.memory_space<vmem>>, vector<1x1x16xf32>,
    %get3A_75 = arith.constant 0 : i32
    %get3A_76 = arith.index_cast %get3A_75 : i32 to index
    %get3A_77 = arith.constant 16 : index
    %get3A_78 = tpu.vector_load %arg7[%get3A_76, %get3A_77] {strides = array<i32>} : memref<1x1024xi32, #tpu.memory_space<vmem>>, vector<1x16xi32>,
    %get3A_79 = vector.shape_cast %get3A_78 : vector<1x16xi32> to vector<16xi32>
    %get3A_80 = arith.constant 0 : i32
    %get3A_81 = arith.index_cast %get3A_80 : i32 to index
    %get3A_82 = arith.constant 16 : index
    %get3A_83 = tpu.vector_load %arg8[%get3A_81, %get3A_82] {strides = array<i32>} : memref<1x1024xi32, #tpu.memory_space<vmem>>, vector<1x16xi32>,
    %get3A_84 = vector.shape_cast %get3A_83 : vector<1x16xi32> to vector<16xi32>
    %get3A_85 = arith.constant 0 : i32
    %get3A_86 = arith.index_cast %get3A_85 : i32 to index
    %get3A_87 = arith.constant 16 : index
    %get3A_88 = tpu.vector_load %arg9[%get3A_86, %get3A_87] {strides = array<i32>} : memref<1x1024xf32, #tpu.memory_space<vmem>>, vector<1x16xf32>,
    %get3A_89 = vector.shape_cast %get3A_88 : vector<1x16xf32> to vector<16xf32>
    %ge3A_90 = vector.broadcast %mul3A_0 : i32 to vector<16xi32>
    %ge3A_91 = arith.cmpi sge, %get3A_79, %ge3A_90 : vector<16xi32>
    %lt3A_92 = vector.broadcast %add3A_1 : i32 to vector<16xi32>
    %lt3A_93 = arith.cmpi slt, %get3A_79, %lt3A_92 : vector<16xi32>
    %and3A_94 = arith.andi %ge3A_91, %lt3A_93 : vector<16xi1>
    %sub3A_95 = vector.broadcast %mul3A_0 : i32 to vector<16xi32>
    %sub3A_96 = arith.subi %get3A_79, %sub3A_95 : vector<16xi32>
    %mul3A_97 = arith.constant 1024 : i32
    %mul3A_98 = vector.broadcast %mul3A_97 : i32 to vector<16xi32>
    %mul3A_99 = arith.muli %sub3A_96, %mul3A_98 : vector<16xi32>
    %add3A_100 = arith.addi %mul3A_99, %get3A_84 : vector<16xi32>
    %jit3A_101 = arith.constant 0 : i32
    %broadcast_in_dim3A_102 = vector.broadcast %jit3A_101 : i32 to vector<16xi32>
    %select_n3A_103 = arith.select %and3A_94, %add3A_100, %broadcast_in_dim3A_102 : vector<16xi1>, vector<16xi32>
    %swap3A_104 = arith.constant 0 : i32
    %swap3A_105 = arith.constant 0 : i32
    %swap3A_106 = arith.index_cast %swap3A_104 : i32 to index
    %swap3A_107 = arith.index_cast %swap3A_105 : i32 to index
    %swap3A_108 = arith.constant 16 : index
    %swap3A_109 = tpu.vector_load %arg10[%swap3A_106, %swap3A_107, %swap3A_108] {strides = array<i32>} : memref<1x8x128xi32, #tpu.memory_space<vmem>>, vector<1x1x16xi32>,
    %swap3A_110 = vector.shape_cast %swap3A_109 : vector<1x1x16xi32> to vector<16xi32>
    %swap3A_111 = vector.shape_cast %select_n3A_103 : vector<16xi32> to vector<1x1x16xi32>
    tpu.vector_store %arg10[%swap3A_106, %swap3A_107, %swap3A_108], %swap3A_111 {strides = array<i32>} : memref<1x8x128xi32, #tpu.memory_space<vmem>>, vector<1x1x16xi32>,
    %jit3A_112 = arith.constant 0.000000e+00 : f32
    %broadcast_in_dim3A_113 = vector.broadcast %jit3A_112 : f32 to vector<16xf32>
    %select_n3A_114 = arith.select %and3A_94, %get3A_89, %broadcast_in_dim3A_113 : vector<16xi1>, vector<16xf32>
    %swap3A_115 = arith.constant 0 : i32
    %swap3A_116 = arith.constant 0 : i32
    %swap3A_117 = arith.index_cast %swap3A_115 : i32 to index
    %swap3A_118 = arith.index_cast %swap3A_116 : i32 to index
    %swap3A_119 = arith.constant 16 : index
    %swap3A_120 = tpu.vector_load %arg11[%swap3A_117, %swap3A_118, %swap3A_119] {strides = array<i32>} : memref<1x8x128xf32, #tpu.memory_space<vmem>>, vector<1x1x16xf32>,
    %swap3A_121 = vector.shape_cast %swap3A_120 : vector<1x1x16xf32> to vector<16xf32>
    %swap3A_122 = vector.shape_cast %select_n3A_114 : vector<16xf32> to vector<1x1x16xf32>
    tpu.vector_store %arg11[%swap3A_117, %swap3A_118, %swap3A_119], %swap3A_122 {strides = array<i32>} : memref<1x8x128xf32, #tpu.memory_space<vmem>>, vector<1x1x16xf32>,
    %get3A_123 = arith.constant 0 : i32
    %get3A_124 = arith.index_cast %get3A_123 : i32 to index
    %get3A_125 = arith.constant 32 : index
    %get3A_126 = tpu.vector_load %arg7[%get3A_124, %get3A_125] {strides = array<i32>} : memref<1x1024xi32, #tpu.memory_space<vmem>>, vector<1x16xi32>,
    %get3A_127 = vector.shape_cast %get3A_126 : vector<1x16xi32> to vector<16xi32>
    %get3A_128 = arith.constant 0 : i32
    %get3A_129 = arith.index_cast %get3A_128 : i32 to index
    %get3A_130 = arith.constant 32 : index
    %get3A_131 = tpu.vector_load %arg8[%get3A_129, %get3A_130] {strides = array<i32>} : memref<1x1024xi32, #tpu.memory_space<vmem>>, vector<1x16xi32>,
    %get3A_132 = vector.shape_cast %get3A_131 : vector<1x16xi32> to vector<16xi32>
    %get3A_133 = arith.constant 0 : i32
    %get3A_134 = arith.index_cast %get3A_133 : i32 to index
    %get3A_135 = arith.constant 32 : index
    %get3A_136 = tpu.vector_load %arg9[%get3A_134, %get3A_135] {strides = array<i32>} : memref<1x1024xf32, #tpu.memory_space<vmem>>, vector<1x16xf32>,
    %get3A_137 = vector.shape_cast %get3A_136 : vector<1x16xf32> to vector<16xf32>
    %ge3A_138 = vector.broadcast %mul3A_0 : i32 to vector<16xi32>
    %ge3A_139 = arith.cmpi sge, %get3A_127, %ge3A_138 : vector<16xi32>
    %lt3A_140 = vector.broadcast %add3A_1 : i32 to vector<16xi32>
    %lt3A_141 = arith.cmpi slt, %get3A_127, %lt3A_140 : vector<16xi32>
    %and3A_142 = arith.andi %ge3A_139, %lt3A_141 : vector<16xi1>
    %sub3A_143 = vector.broadcast %mul3A_0 : i32 to vector<16xi32>
    %sub3A_144 = arith.subi %get3A_127, %sub3A_143 : vector<16xi32>
    %mul3A_145 = arith.constant 1024 : i32
    %mul3A_146 = vector.broadcast %mul3A_145 : i32 to vector<16xi32>
    %mul3A_147 = arith.muli %sub3A_144, %mul3A_146 : vector<16xi32>
    %add3A_148 = arith.addi %mul3A_147, %get3A_132 : vector<16xi32>
    %jit3A_149 = arith.constant 0 : i32
    %broadcast_in_dim3A_150 = vector.broadcast %jit3A_149 : i32 to vector<16xi32>
    %select_n3A_151 = arith.select %and3A_142, %add3A_148, %broadcast_in_dim3A_150 : vector<16xi1>, vector<16xi32>
    %swap3A_152 = arith.constant 0 : i32
    %swap3A_153 = arith.constant 0 : i32
    %swap3A_154 = arith.index_cast %swap3A_152 : i32 to index
    %swap3A_155 = arith.index_cast %swap3A_153 : i32 to index
    %swap3A_156 = arith.constant 32 : index
    %swap3A_157 = tpu.vector_load %arg10[%swap3A_154, %swap3A_155, %swap3A_156] {strides = array<i32>} : memref<1x8x128xi32, #tpu.memory_space<vmem>>, vector<1x1x16xi32>,
    %swap3A_158 = vector.shape_cast %swap3A_157 : vector<1x1x16xi32> to vector<16xi32>
    %swap3A_159 = vector.shape_cast %select_n3A_151 : vector<16xi32> to vector<1x1x16xi32>
    tpu.vector_store %arg10[%swap3A_154, %swap3A_155, %swap3A_156], %swap3A_159 {strides = array<i32>} : memref<1x8x128xi32, #tpu.memory_space<vmem>>, vector<1x1x16xi32>,
    %jit3A_160 = arith.constant 0.000000e+00 : f32
    %broadcast_in_dim3A_161 = vector.broadcast %jit3A_160 : f32 to vector<16xf32>
    %select_n3A_162 = arith.select %and3A_142, %get3A_137, %broadcast_in_dim3A_161 : vector<16xi1>, vector<16xf32>
    %swap3A_163 = arith.constant 0 : i32
    %swap3A_164 = arith.constant 0 : i32
    %swap3A_165 = arith.index_cast %swap3A_163 : i32 to index
    %swap3A_166 = arith.index_cast %swap3A_164 : i32 to index
    %swap3A_167 = arith.constant 32 : index
    %swap3A_168 = tpu.vector_load %arg11[%swap3A_165, %swap3A_166, %swap3A_167] {strides = array<i32>} : memref<1x8x128xf32, #tpu.memory_space<vmem>>, vector<1x1x16xf32>,
    %swap3A_169 = vector.shape_cast %swap3A_168 : vector<1x1x16xf32> to vector<16xf32>
    %swap3A_170 = vector.shape_cast %select_n3A_162 : vector<16xf32> to vector<1x1x16xf32>
    tpu.vector_store %arg11[%swap3A_165, %swap3A_166, %swap3A_167], %swap3A_170 {strides = array<i32>} : memref<1x8x128xf32, #tpu.memory_space<vmem>>, vector<1x1x16xf32>,
    %get3A_171 = arith.constant 0 : i32
    %get3A_172 = arith.index_cast %get3A_171 : i32 to index
    %get3A_173 = arith.constant 48 : index
    %get3A_174 = tpu.vector_load %arg7[%get3A_172, %get3A_173] {strides = array<i32>} : memref<1x1024xi32, #tpu.memory_space<vmem>>, vector<1x16xi32>,
    %get3A_175 = vector.shape_cast %get3A_174 : vector<1x16xi32> to vector<16xi32>
    %get3A_176 = arith.constant 0 : i32
    %get3A_177 = arith.index_cast %get3A_176 : i32 to index
    %get3A_178 = arith.constant 48 : index
    %get3A_179 = tpu.vector_load %arg8[%get3A_177, %get3A_178] {strides = array<i32>} : memref<1x1024xi32, #tpu.memory_space<vmem>>, vector<1x16xi32>,
    %get3A_180 = vector.shape_cast %get3A_179 : vector<1x16xi32> to vector<16xi32>
    %get3A_181 = arith.constant 0 : i32
    %get3A_182 = arith.index_cast %get3A_181 : i32 to index
    %get3A_183 = arith.constant 48 : index
    %get3A_184 = tpu.vector_load %arg9[%get3A_182, %get3A_183] {strides = array<i32>} : memref<1x1024xf32, #tpu.memory_space<vmem>>, vector<1x16xf32>,
    %get3A_185 = vector.shape_cast %get3A_184 : vector<1x16xf32> to vector<16xf32>
    %ge3A_186 = vector.broadcast %mul3A_0 : i32 to vector<16xi32>
    %ge3A_187 = arith.cmpi sge, %get3A_175, %ge3A_186 : vector<16xi32>
    %lt3A_188 = vector.broadcast %add3A_1 : i32 to vector<16xi32>
    %lt3A_189 = arith.cmpi slt, %get3A_175, %lt3A_188 : vector<16xi32>
    %and3A_190 = arith.andi %ge3A_187, %lt3A_189 : vector<16xi1>
    %sub3A_191 = vector.broadcast %mul3A_0 : i32 to vector<16xi32>
    %sub3A_192 = arith.subi %get3A_175, %sub3A_191 : vector<16xi32>
    %mul3A_193 = arith.constant 1024 : i32
    %mul3A_194 = vector.broadcast %mul3A_193 : i32 to vector<16xi32>
    %mul3A_195 = arith.muli %sub3A_192, %mul3A_194 : vector<16xi32>
    %add3A_196 = arith.addi %mul3A_195, %get3A_180 : vector<16xi32>
    %jit3A_197 = arith.constant 0 : i32
    %broadcast_in_dim3A_198 = vector.broadcast %jit3A_197 : i32 to vector<16xi32>
    %select_n3A_199 = arith.select %and3A_190, %add3A_196, %broadcast_in_dim3A_198 : vector<16xi1>, vector<16xi32>
    %swap3A_200 = arith.constant 0 : i32
    %swap3A_201 = arith.constant 0 : i32
    %swap3A_202 = arith.index_cast %swap3A_200 : i32 to index
    %swap3A_203 = arith.index_cast %swap3A_201 : i32 to index
    %swap3A_204 = arith.constant 48 : index
    %swap3A_205 = tpu.vector_load %arg10[%swap3A_202, %swap3A_203, %swap3A_204] {strides = array<i32>} : memref<1x8x128xi32, #tpu.memory_space<vmem>>, vector<1x1x16xi32>,
    %swap3A_206 = vector.shape_cast %swap3A_205 : vector<1x1x16xi32> to vector<16xi32>
    %swap3A_207 = vector.shape_cast %select_n3A_199 : vector<16xi32> to vector<1x1x16xi32>
    tpu.vector_store %arg10[%swap3A_202, %swap3A_203, %swap3A_204], %swap3A_207 {strides = array<i32>} : memref<1x8x128xi32, #tpu.memory_space<vmem>>, vector<1x1x16xi32>,
    %jit3A_208 = arith.constant 0.000000e+00 : f32
    %broadcast_in_dim3A_209 = vector.broadcast %jit3A_208 : f32 to vector<16xf32>
    %select_n3A_210 = arith.select %and3A_190, %get3A_185, %broadcast_in_dim3A_209 : vector<16xi1>, vector<16xf32>
    %swap3A_211 = arith.constant 0 : i32
    %swap3A_212 = arith.constant 0 : i32
    %swap3A_213 = arith.index_cast %swap3A_211 : i32 to index
    %swap3A_214 = arith.index_cast %swap3A_212 : i32 to index
    %swap3A_215 = arith.constant 48 : index
    %swap3A_216 = tpu.vector_load %arg11[%swap3A_213, %swap3A_214, %swap3A_215] {strides = array<i32>} : memref<1x8x128xf32, #tpu.memory_space<vmem>>, vector<1x1x16xf32>,
    %swap3A_217 = vector.shape_cast %swap3A_216 : vector<1x1x16xf32> to vector<16xf32>
    %swap3A_218 = vector.shape_cast %select_n3A_210 : vector<16xf32> to vector<1x1x16xf32>
    tpu.vector_store %arg11[%swap3A_213, %swap3A_214, %swap3A_215], %swap3A_218 {strides = array<i32>} : memref<1x8x128xf32, #tpu.memory_space<vmem>>, vector<1x1x16xf32>,
    %get3A_219 = arith.constant 0 : i32
    %get3A_220 = arith.index_cast %get3A_219 : i32 to index
    %get3A_221 = arith.constant 64 : index
    %get3A_222 = tpu.vector_load %arg7[%get3A_220, %get3A_221] {strides = array<i32>} : memref<1x1024xi32, #tpu.memory_space<vmem>>, vector<1x16xi32>,
    %get3A_223 = vector.shape_cast %get3A_222 : vector<1x16xi32> to vector<16xi32>
    %get3A_224 = arith.constant 0 : i32
    %get3A_225 = arith.index_cast %get3A_224 : i32 to index
    %get3A_226 = arith.constant 64 : index
    %get3A_227 = tpu.vector_load %arg8[%get3A_225, %get3A_226] {strides = array<i32>} : memref<1x1024xi32, #tpu.memory_space<vmem>>, vector<1x16xi32>,
    %get3A_228 = vector.shape_cast %get3A_227 : vector<1x16xi32> to vector<16xi32>
    %get3A_229 = arith.constant 0 : i32
    %get3A_230 = arith.index_cast %get3A_229 : i32 to index
    %get3A_231 = arith.constant 64 : index
    %get3A_232 = tpu.vector_load %arg9[%get3A_230, %get3A_231] {strides = array<i32>} : memref<1x1024xf32, #tpu.memory_space<vmem>>, vector<1x16xf32>,
    %get3A_233 = vector.shape_cast %get3A_232 : vector<1x16xf32> to vector<16xf32>
    %ge3A_234 = vector.broadcast %mul3A_0 : i32 to vector<16xi32>
    %ge3A_235 = arith.cmpi sge, %get3A_223, %ge3A_234 : vector<16xi32>
    %lt3A_236 = vector.broadcast %add3A_1 : i32 to vector<16xi32>
    %lt3A_237 = arith.cmpi slt, %get3A_223, %lt3A_236 : vector<16xi32>
    %and3A_238 = arith.andi %ge3A_235, %lt3A_237 : vector<16xi1>
    %sub3A_239 = vector.broadcast %mul3A_0 : i32 to vector<16xi32>
    %sub3A_240 = arith.subi %get3A_223, %sub3A_239 : vector<16xi32>
    %mul3A_241 = arith.constant 1024 : i32
    %mul3A_242 = vector.broadcast %mul3A_241 : i32 to vector<16xi32>
    %mul3A_243 = arith.muli %sub3A_240, %mul3A_242 : vector<16xi32>
    %add3A_244 = arith.addi %mul3A_243, %get3A_228 : vector<16xi32>
    %jit3A_245 = arith.constant 0 : i32
    %broadcast_in_dim3A_246 = vector.broadcast %jit3A_245 : i32 to vector<16xi32>
    %select_n3A_247 = arith.select %and3A_238, %add3A_244, %broadcast_in_dim3A_246 : vector<16xi1>, vector<16xi32>
    %swap3A_248 = arith.constant 0 : i32
    %swap3A_249 = arith.constant 0 : i32
    %swap3A_250 = arith.index_cast %swap3A_248 : i32 to index
    %swap3A_251 = arith.index_cast %swap3A_249 : i32 to index
    %swap3A_252 = arith.constant 64 : index
    %swap3A_253 = tpu.vector_load %arg10[%swap3A_250, %swap3A_251, %swap3A_252] {strides = array<i32>} : memref<1x8x128xi32, #tpu.memory_space<vmem>>, vector<1x1x16xi32>,
    %swap3A_254 = vector.shape_cast %swap3A_253 : vector<1x1x16xi32> to vector<16xi32>
    %swap3A_255 = vector.shape_cast %select_n3A_247 : vector<16xi32> to vector<1x1x16xi32>
    tpu.vector_store %arg10[%swap3A_250, %swap3A_251, %swap3A_252], %swap3A_255 {strides = array<i32>} : memref<1x8x128xi32, #tpu.memory_space<vmem>>, vector<1x1x16xi32>,
    %jit3A_256 = arith.constant 0.000000e+00 : f32
    %broadcast_in_dim3A_257 = vector.broadcast %jit3A_256 : f32 to vector<16xf32>
    %select_n3A_258 = arith.select %and3A_238, %get3A_233, %broadcast_in_dim3A_257 : vector<16xi1>, vector<16xf32>
    %swap3A_259 = arith.constant 0 : i32
    %swap3A_260 = arith.constant 0 : i32
    %swap3A_261 = arith.index_cast %swap3A_259 : i32 to index
    %swap3A_262 = arith.index_cast %swap3A_260 : i32 to index
    %swap3A_263 = arith.constant 64 : index
    %swap3A_264 = tpu.vector_load %arg11[%swap3A_261, %swap3A_262, %swap3A_263] {strides = array<i32>} : memref<1x8x128xf32, #tpu.memory_space<vmem>>, vector<1x1x16xf32>,
    %swap3A_265 = vector.shape_cast %swap3A_264 : vector<1x1x16xf32> to vector<16xf32>
    %swap3A_266 = vector.shape_cast %select_n3A_258 : vector<16xf32> to vector<1x1x16xf32>
    tpu.vector_store %arg11[%swap3A_261, %swap3A_262, %swap3A_263], %swap3A_266 {strides = array<i32>} : memref<1x8x128xf32, #tpu.memory_space<vmem>>, vector<1x1x16xf32>,
    %get3A_267 = arith.constant 0 : i32
    %get3A_268 = arith.index_cast %get3A_267 : i32 to index
    %get3A_269 = arith.constant 80 : index
    %get3A_270 = tpu.vector_load %arg7[%get3A_268, %get3A_269] {strides = array<i32>} : memref<1x1024xi32, #tpu.memory_space<vmem>>, vector<1x16xi32>,
    %get3A_271 = vector.shape_cast %get3A_270 : vector<1x16xi32> to vector<16xi32>
    %get3A_272 = arith.constant 0 : i32
    %get3A_273 = arith.index_cast %get3A_272 : i32 to index
    %get3A_274 = arith.constant 80 : index
    %get3A_275 = tpu.vector_load %arg8[%get3A_273, %get3A_274] {strides = array<i32>} : memref<1x1024xi32, #tpu.memory_space<vmem>>, vector<1x16xi32>,
    %get3A_276 = vector.shape_cast %get3A_275 : vector<1x16xi32> to vector<16xi32>
    %get3A_277 = arith.constant 0 : i32
    %get3A_278 = arith.index_cast %get3A_277 : i32 to index
    %get3A_279 = arith.constant 80 : index
    %get3A_280 = tpu.vector_load %arg9[%get3A_278, %get3A_279] {strides = array<i32>} : memref<1x1024xf32, #tpu.memory_space<vmem>>, vector<1x16xf32>,
    %get3A_281 = vector.shape_cast %get3A_280 : vector<1x16xf32> to vector<16xf32>
    %ge3A_282 = vector.broadcast %mul3A_0 : i32 to vector<16xi32>
    %ge3A_283 = arith.cmpi sge, %get3A_271, %ge3A_282 : vector<16xi32>
    %lt3A_284 = vector.broadcast %add3A_1 : i32 to vector<16xi32>
    %lt3A_285 = arith.cmpi slt, %get3A_271, %lt3A_284 : vector<16xi32>
    %and3A_286 = arith.andi %ge3A_283, %lt3A_285 : vector<16xi1>
    %sub3A_287 = vector.broadcast %mul3A_0 : i32 to vector<16xi32>
    %sub3A_288 = arith.subi %get3A_271, %sub3A_287 : vector<16xi32>
    %mul3A_289 = arith.constant 1024 : i32
    %mul3A_290 = vector.broadcast %mul3A_289 : i32 to vector<16xi32>
    %mul3A_291 = arith.muli %sub3A_288, %mul3A_290 : vector<16xi32>
    %add3A_292 = arith.addi %mul3A_291, %get3A_276 : vector<16xi32>
    %jit3A_293 = arith.constant 0 : i32
    %broadcast_in_dim3A_294 = vector.broadcast %jit3A_293 : i32 to vector<16xi32>
    %select_n3A_295 = arith.select %and3A_286, %add3A_292, %broadcast_in_dim3A_294 : vector<16xi1>, vector<16xi32>
    %swap3A_296 = arith.constant 0 : i32
    %swap3A_297 = arith.constant 0 : i32
    %swap3A_298 = arith.index_cast %swap3A_296 : i32 to index
    %swap3A_299 = arith.index_cast %swap3A_297 : i32 to index
    %swap3A_300 = arith.constant 80 : index
    %swap3A_301 = tpu.vector_load %arg10[%swap3A_298, %swap3A_299, %swap3A_300] {strides = array<i32>} : memref<1x8x128xi32, #tpu.memory_space<vmem>>, vector<1x1x16xi32>,
    %swap3A_302 = vector.shape_cast %swap3A_301 : vector<1x1x16xi32> to vector<16xi32>
    %swap3A_303 = vector.shape_cast %select_n3A_295 : vector<16xi32> to vector<1x1x16xi32>
    tpu.vector_store %arg10[%swap3A_298, %swap3A_299, %swap3A_300], %swap3A_303 {strides = array<i32>} : memref<1x8x128xi32, #tpu.memory_space<vmem>>, vector<1x1x16xi32>,
    %jit3A_304 = arith.constant 0.000000e+00 : f32
    %broadcast_in_dim3A_305 = vector.broadcast %jit3A_304 : f32 to vector<16xf32>
    %select_n3A_306 = arith.select %and3A_286, %get3A_281, %broadcast_in_dim3A_305 : vector<16xi1>, vector<16xf32>
    %swap3A_307 = arith.constant 0 : i32
    %swap3A_308 = arith.constant 0 : i32
    %swap3A_309 = arith.index_cast %swap3A_307 : i32 to index
    %swap3A_310 = arith.index_cast %swap3A_308 : i32 to index
    %swap3A_311 = arith.constant 80 : index
    %swap3A_312 = tpu.vector_load %arg11[%swap3A_309, %swap3A_310, %swap3A_311] {strides = array<i32>} : memref<1x8x128xf32, #tpu.memory_space<vmem>>, vector<1x1x16xf32>,
    %swap3A_313 = vector.shape_cast %swap3A_312 : vector<1x1x16xf32> to vector<16xf32>
    %swap3A_314 = vector.shape_cast %select_n3A_306 : vector<16xf32> to vector<1x1x16xf32>
    tpu.vector_store %arg11[%swap3A_309, %swap3A_310, %swap3A_311], %swap3A_314 {strides = array<i32>} : memref<1x8x128xf32, #tpu.memory_space<vmem>>, vector<1x1x16xf32>,
    %get3A_315 = arith.constant 0 : i32
    %get3A_316 = arith.index_cast %get3A_315 : i32 to index
    %get3A_317 = arith.constant 96 : index
    %get3A_318 = tpu.vector_load %arg7[%get3A_316, %get3A_317] {strides = array<i32>} : memref<1x1024xi32, #tpu.memory_space<vmem>>, vector<1x16xi32>,
    %get3A_319 = vector.shape_cast %get3A_318 : vector<1x16xi32> to vector<16xi32>
    %get3A_320 = arith.constant 0 : i32
    %get3A_321 = arith.index_cast %get3A_320 : i32 to index
    %get3A_322 = arith.constant 96 : index
    %get3A_323 = tpu.vector_load %arg8[%get3A_321, %get3A_322] {strides = array<i32>} : memref<1x1024xi32, #tpu.memory_space<vmem>>, vector<1x16xi32>,
    %get3A_324 = vector.shape_cast %get3A_323 : vector<1x16xi32> to vector<16xi32>
    %get3A_325 = arith.constant 0 : i32
    %get3A_326 = arith.index_cast %get3A_325 : i32 to index
    %get3A_327 = arith.constant 96 : index
    %get3A_328 = tpu.vector_load %arg9[%get3A_326, %get3A_327] {strides = array<i32>} : memref<1x1024xf32, #tpu.memory_space<vmem>>, vector<1x16xf32>,
    %get3A_329 = vector.shape_cast %get3A_328 : vector<1x16xf32> to vector<16xf32>
    %ge3A_330 = vector.broadcast %mul3A_0 : i32 to vector<16xi32>
    %ge3A_331 = arith.cmpi sge, %get3A_319, %ge3A_330 : vector<16xi32>
    %lt3A_332 = vector.broadcast %add3A_1 : i32 to vector<16xi32>
    %lt3A_333 = arith.cmpi slt, %get3A_319, %lt3A_332 : vector<16xi32>
    %and3A_334 = arith.andi %ge3A_331, %lt3A_333 : vector<16xi1>
    %sub3A_335 = vector.broadcast %mul3A_0 : i32 to vector<16xi32>
    %sub3A_336 = arith.subi %get3A_319, %sub3A_335 : vector<16xi32>
    %mul3A_337 = arith.constant 1024 : i32
    %mul3A_338 = vector.broadcast %mul3A_337 : i32 to vector<16xi32>
    %mul3A_339 = arith.muli %sub3A_336, %mul3A_338 : vector<16xi32>
    %add3A_340 = arith.addi %mul3A_339, %get3A_324 : vector<16xi32>
    %jit3A_341 = arith.constant 0 : i32
    %broadcast_in_dim3A_342 = vector.broadcast %jit3A_341 : i32 to vector<16xi32>
    %select_n3A_343 = arith.select %and3A_334, %add3A_340, %broadcast_in_dim3A_342 : vector<16xi1>, vector<16xi32>
    %swap3A_344 = arith.constant 0 : i32
    %swap3A_345 = arith.constant 0 : i32
    %swap3A_346 = arith.index_cast %swap3A_344 : i32 to index
    %swap3A_347 = arith.index_cast %swap3A_345 : i32 to index
    %swap3A_348 = arith.constant 96 : index
    %swap3A_349 = tpu.vector_load %arg10[%swap3A_346, %swap3A_347, %swap3A_348] {strides = array<i32>} : memref<1x8x128xi32, #tpu.memory_space<vmem>>, vector<1x1x16xi32>,
    %swap3A_350 = vector.shape_cast %swap3A_349 : vector<1x1x16xi32> to vector<16xi32>
    %swap3A_351 = vector.shape_cast %select_n3A_343 : vector<16xi32> to vector<1x1x16xi32>
    tpu.vector_store %arg10[%swap3A_346, %swap3A_347, %swap3A_348], %swap3A_351 {strides = array<i32>} : memref<1x8x128xi32, #tpu.memory_space<vmem>>, vector<1x1x16xi32>,
    %jit3A_352 = arith.constant 0.000000e+00 : f32
    %broadcast_in_dim3A_353 = vector.broadcast %jit3A_352 : f32 to vector<16xf32>
    %select_n3A_354 = arith.select %and3A_334, %get3A_329, %broadcast_in_dim3A_353 : vector<16xi1>, vector<16xf32>
    %swap3A_355 = arith.constant 0 : i32
    %swap3A_356 = arith.constant 0 : i32
    %swap3A_357 = arith.index_cast %swap3A_355 : i32 to index
    %swap3A_358 = arith.index_cast %swap3A_356 : i32 to index
    %swap3A_359 = arith.constant 96 : index
    %swap3A_360 = tpu.vector_load %arg11[%swap3A_357, %swap3A_358, %swap3A_359] {strides = array<i32>} : memref<1x8x128xf32, #tpu.memory_space<vmem>>, vector<1x1x16xf32>,
    %swap3A_361 = vector.shape_cast %swap3A_360 : vector<1x1x16xf32> to vector<16xf32>
    %swap3A_362 = vector.shape_cast %select_n3A_354 : vector<16xf32> to vector<1x1x16xf32>
    tpu.vector_store %arg11[%swap3A_357, %swap3A_358, %swap3A_359], %swap3A_362 {strides = array<i32>} : memref<1x8x128xf32, #tpu.memory_space<vmem>>, vector<1x1x16xf32>,
    %get3A_363 = arith.constant 0 : i32
    %get3A_364 = arith.index_cast %get3A_363 : i32 to index
    %get3A_365 = arith.constant 112 : index
    %get3A_366 = tpu.vector_load %arg7[%get3A_364, %get3A_365] {strides = array<i32>} : memref<1x1024xi32, #tpu.memory_space<vmem>>, vector<1x16xi32>,
    %get3A_367 = vector.shape_cast %get3A_366 : vector<1x16xi32> to vector<16xi32>
    %get3A_368 = arith.constant 0 : i32
    %get3A_369 = arith.index_cast %get3A_368 : i32 to index
    %get3A_370 = arith.constant 112 : index
    %get3A_371 = tpu.vector_load %arg8[%get3A_369, %get3A_370] {strides = array<i32>} : memref<1x1024xi32, #tpu.memory_space<vmem>>, vector<1x16xi32>,
    %get3A_372 = vector.shape_cast %get3A_371 : vector<1x16xi32> to vector<16xi32>
    %get3A_373 = arith.constant 0 : i32
    %get3A_374 = arith.index_cast %get3A_373 : i32 to index
    %get3A_375 = arith.constant 112 : index
    %get3A_376 = tpu.vector_load %arg9[%get3A_374, %get3A_375] {strides = array<i32>} : memref<1x1024xf32, #tpu.memory_space<vmem>>, vector<1x16xf32>,
    %get3A_377 = vector.shape_cast %get3A_376 : vector<1x16xf32> to vector<16xf32>
    %ge3A_378 = vector.broadcast %mul3A_0 : i32 to vector<16xi32>
    %ge3A_379 = arith.cmpi sge, %get3A_367, %ge3A_378 : vector<16xi32>
    %lt3A_380 = vector.broadcast %add3A_1 : i32 to vector<16xi32>
    %lt3A_381 = arith.cmpi slt, %get3A_367, %lt3A_380 : vector<16xi32>
    %and3A_382 = arith.andi %ge3A_379, %lt3A_381 : vector<16xi1>
    %sub3A_383 = vector.broadcast %mul3A_0 : i32 to vector<16xi32>
    %sub3A_384 = arith.subi %get3A_367, %sub3A_383 : vector<16xi32>
    %mul3A_385 = arith.constant 1024 : i32
    %mul3A_386 = vector.broadcast %mul3A_385 : i32 to vector<16xi32>
    %mul3A_387 = arith.muli %sub3A_384, %mul3A_386 : vector<16xi32>
    %add3A_388 = arith.addi %mul3A_387, %get3A_372 : vector<16xi32>
    %jit3A_389 = arith.constant 0 : i32
    %broadcast_in_dim3A_390 = vector.broadcast %jit3A_389 : i32 to vector<16xi32>
    %select_n3A_391 = arith.select %and3A_382, %add3A_388, %broadcast_in_dim3A_390 : vector<16xi1>, vector<16xi32>
    %swap3A_392 = arith.constant 0 : i32
    %swap3A_393 = arith.constant 0 : i32
    %swap3A_394 = arith.index_cast %swap3A_392 : i32 to index
    %swap3A_395 = arith.index_cast %swap3A_393 : i32 to index
    %swap3A_396 = arith.constant 112 : index
    %swap3A_397 = tpu.vector_load %arg10[%swap3A_394, %swap3A_395, %swap3A_396] {strides = array<i32>} : memref<1x8x128xi32, #tpu.memory_space<vmem>>, vector<1x1x16xi32>,
    %swap3A_398 = vector.shape_cast %swap3A_397 : vector<1x1x16xi32> to vector<16xi32>
    %swap3A_399 = vector.shape_cast %select_n3A_391 : vector<16xi32> to vector<1x1x16xi32>
    tpu.vector_store %arg10[%swap3A_394, %swap3A_395, %swap3A_396], %swap3A_399 {strides = array<i32>} : memref<1x8x128xi32, #tpu.memory_space<vmem>>, vector<1x1x16xi32>,
    %jit3A_400 = arith.constant 0.000000e+00 : f32
    %broadcast_in_dim3A_401 = vector.broadcast %jit3A_400 : f32 to vector<16xf32>
    %select_n3A_402 = arith.select %and3A_382, %get3A_377, %broadcast_in_dim3A_401 : vector<16xi1>, vector<16xf32>
    %swap3A_403 = arith.constant 0 : i32
    %swap3A_404 = arith.constant 0 : i32
    %swap3A_405 = arith.index_cast %swap3A_403 : i32 to index
    %swap3A_406 = arith.index_cast %swap3A_404 : i32 to index
    %swap3A_407 = arith.constant 112 : index
    %swap3A_408 = tpu.vector_load %arg11[%swap3A_405, %swap3A_406, %swap3A_407] {strides = array<i32>} : memref<1x8x128xf32, #tpu.memory_space<vmem>>, vector<1x1x16xf32>,
    %swap3A_409 = vector.shape_cast %swap3A_408 : vector<1x1x16xf32> to vector<16xf32>
    %swap3A_410 = vector.shape_cast %select_n3A_402 : vector<16xf32> to vector<1x1x16xf32>
    tpu.vector_store %arg11[%swap3A_405, %swap3A_406, %swap3A_407], %swap3A_410 {strides = array<i32>} : memref<1x8x128xf32, #tpu.memory_space<vmem>>, vector<1x1x16xf32>,
    %get3A_411 = arith.constant 0 : i32
    %get3A_412 = arith.index_cast %get3A_411 : i32 to index
    %get3A_413 = arith.constant 128 : index
    %get3A_414 = tpu.vector_load %arg7[%get3A_412, %get3A_413] {strides = array<i32>} : memref<1x1024xi32, #tpu.memory_space<vmem>>, vector<1x16xi32>,
    %get3A_415 = vector.shape_cast %get3A_414 : vector<1x16xi32> to vector<16xi32>
    %get3A_416 = arith.constant 0 : i32
    %get3A_417 = arith.index_cast %get3A_416 : i32 to index
    %get3A_418 = arith.constant 128 : index
    %get3A_419 = tpu.vector_load %arg8[%get3A_417, %get3A_418] {strides = array<i32>} : memref<1x1024xi32, #tpu.memory_space<vmem>>, vector<1x16xi32>,
    %get3A_420 = vector.shape_cast %get3A_419 : vector<1x16xi32> to vector<16xi32>
    %get3A_421 = arith.constant 0 : i32
    %get3A_422 = arith.index_cast %get3A_421 : i32 to index
    %get3A_423 = arith.constant 128 : index
    %get3A_424 = tpu.vector_load %arg9[%get3A_422, %get3A_423] {strides = array<i32>} : memref<1x1024xf32, #tpu.memory_space<vmem>>, vector<1x16xf32>,
    %get3A_425 = vector.shape_cast %get3A_424 : vector<1x16xf32> to vector<16xf32>
    %ge3A_426 = vector.broadcast %mul3A_0 : i32 to vector<16xi32>
    %ge3A_427 = arith.cmpi sge, %get3A_415, %ge3A_426 : vector<16xi32>
    %lt3A_428 = vector.broadcast %add3A_1 : i32 to vector<16xi32>
    %lt3A_429 = arith.cmpi slt, %get3A_415, %lt3A_428 : vector<16xi32>
    %and3A_430 = arith.andi %ge3A_427, %lt3A_429 : vector<16xi1>
    %sub3A_431 = vector.broadcast %mul3A_0 : i32 to vector<16xi32>
    %sub3A_432 = arith.subi %get3A_415, %sub3A_431 : vector<16xi32>
    %mul3A_433 = arith.constant 1024 : i32
    %mul3A_434 = vector.broadcast %mul3A_433 : i32 to vector<16xi32>
    %mul3A_435 = arith.muli %sub3A_432, %mul3A_434 : vector<16xi32>
    %add3A_436 = arith.addi %mul3A_435, %get3A_420 : vector<16xi32>
    %jit3A_437 = arith.constant 0 : i32
    %broadcast_in_dim3A_438 = vector.broadcast %jit3A_437 : i32 to vector<16xi32>
    %select_n3A_439 = arith.select %and3A_430, %add3A_436, %broadcast_in_dim3A_438 : vector<16xi1>, vector<16xi32>
    %swap3A_440 = arith.constant 0 : i32
    %swap3A_441 = arith.constant 1 : i32
    %swap3A_442 = arith.index_cast %swap3A_440 : i32 to index
    %swap3A_443 = arith.index_cast %swap3A_441 : i32 to index
    %swap3A_444 = arith.constant 0 : index
    %swap3A_445 = tpu.vector_load %arg10[%swap3A_442, %swap3A_443, %swap3A_444] {strides = array<i32>} : memref<1x8x128xi32, #tpu.memory_space<vmem>>, vector<1x1x16xi32>,
    %swap3A_446 = vector.shape_cast %swap3A_445 : vector<1x1x16xi32> to vector<16xi32>
    %swap3A_447 = vector.shape_cast %select_n3A_439 : vector<16xi32> to vector<1x1x16xi32>
    tpu.vector_store %arg10[%swap3A_442, %swap3A_443, %swap3A_444], %swap3A_447 {strides = array<i32>} : memref<1x8x128xi32, #tpu.memory_space<vmem>>, vector<1x1x16xi32>,
    %jit3A_448 = arith.constant 0.000000e+00 : f32
    %broadcast_in_dim3A_449 = vector.broadcast %jit3A_448 : f32 to vector<16xf32>
    %select_n3A_450 = arith.select %and3A_430, %get3A_425, %broadcast_in_dim3A_449 : vector<16xi1>, vector<16xf32>
    %swap3A_451 = arith.constant 0 : i32
    %swap3A_452 = arith.constant 1 : i32
    %swap3A_453 = arith.index_cast %swap3A_451 : i32 to index
    %swap3A_454 = arith.index_cast %swap3A_452 : i32 to index
    %swap3A_455 = arith.constant 0 : index
    %swap3A_456 = tpu.vector_load %arg11[%swap3A_453, %swap3A_454, %swap3A_455] {strides = array<i32>} : memref<1x8x128xf32, #tpu.memory_space<vmem>>, vector<1x1x16xf32>,
    %swap3A_457 = vector.shape_cast %swap3A_456 : vector<1x1x16xf32> to vector<16xf32>
    %swap3A_458 = vector.shape_cast %select_n3A_450 : vector<16xf32> to vector<1x1x16xf32>
    tpu.vector_store %arg11[%swap3A_453, %swap3A_454, %swap3A_455], %swap3A_458 {strides = array<i32>} : memref<1x8x128xf32, #tpu.memory_space<vmem>>, vector<1x1x16xf32>,
    %get3A_459 = arith.constant 0 : i32
    %get3A_460 = arith.index_cast %get3A_459 : i32 to index
    %get3A_461 = arith.constant 144 : index
    %get3A_462 = tpu.vector_load %arg7[%get3A_460, %get3A_461] {strides = array<i32>} : memref<1x1024xi32, #tpu.memory_space<vmem>>, vector<1x16xi32>,
    %get3A_463 = vector.shape_cast %get3A_462 : vector<1x16xi32> to vector<16xi32>
    %get3A_464 = arith.constant 0 : i32
    %get3A_465 = arith.index_cast %get3A_464 : i32 to index
    %get3A_466 = arith.constant 144 : index
    %get3A_467 = tpu.vector_load %arg8[%get3A_465, %get3A_466] {strides = array<i32>} : memref<1x1024xi32, #tpu.memory_space<vmem>>, vector<1x16xi32>,
    %get3A_468 = vector.shape_cast %get3A_467 : vector<1x16xi32> to vector<16xi32>
    %get3A_469 = arith.constant 0 : i32
    %get3A_470 = arith.index_cast %get3A_469 : i32 to index
    %get3A_471 = arith.constant 144 : index
    %get3A_472 = tpu.vector_load %arg9[%get3A_470, %get3A_471] {strides = array<i32>} : memref<1x1024xf32, #tpu.memory_space<vmem>>, vector<1x16xf32>,
    %get3A_473 = vector.shape_cast %get3A_472 : vector<1x16xf32> to vector<16xf32>
    %ge3A_474 = vector.broadcast %mul3A_0 : i32 to vector<16xi32>
    %ge3A_475 = arith.cmpi sge, %get3A_463, %ge3A_474 : vector<16xi32>
    %lt3A_476 = vector.broadcast %add3A_1 : i32 to vector<16xi32>
    %lt3A_477 = arith.cmpi slt, %get3A_463, %lt3A_476 : vector<16xi32>
    %and3A_478 = arith.andi %ge3A_475, %lt3A_477 : vector<16xi1>
    %sub3A_479 = vector.broadcast %mul3A_0 : i32 to vector<16xi32>
    %sub3A_480 = arith.subi %get3A_463, %sub3A_479 : vector<16xi32>
    %mul3A_481 = arith.constant 1024 : i32
    %mul3A_482 = vector.broadcast %mul3A_481 : i32 to vector<16xi32>
    %mul3A_483 = arith.muli %sub3A_480, %mul3A_482 : vector<16xi32>
    %add3A_484 = arith.addi %mul3A_483, %get3A_468 : vector<16xi32>
    %jit3A_485 = arith.constant 0 : i32
    %broadcast_in_dim3A_486 = vector.broadcast %jit3A_485 : i32 to vector<16xi32>
    %select_n3A_487 = arith.select %and3A_478, %add3A_484, %broadcast_in_dim3A_486 : vector<16xi1>, vector<16xi32>
    %swap3A_488 = arith.constant 0 : i32
    %swap3A_489 = arith.constant 1 : i32
    %swap3A_490 = arith.index_cast %swap3A_488 : i32 to index
    %swap3A_491 = arith.index_cast %swap3A_489 : i32 to index
    %swap3A_492 = arith.constant 16 : index
    %swap3A_493 = tpu.vector_load %arg10[%swap3A_490, %swap3A_491, %swap3A_492] {strides = array<i32>} : memref<1x8x128xi32, #tpu.memory_space<vmem>>, vector<1x1x16xi32>,
    %swap3A_494 = vector.shape_cast %swap3A_493 : vector<1x1x16xi32> to vector<16xi32>
    %swap3A_495 = vector.shape_cast %select_n3A_487 : vector<16xi32> to vector<1x1x16xi32>
    tpu.vector_store %arg10[%swap3A_490, %swap3A_491, %swap3A_492], %swap3A_495 {strides = array<i32>} : memref<1x8x128xi32, #tpu.memory_space<vmem>>, vector<1x1x16xi32>,
    %jit3A_496 = arith.constant 0.000000e+00 : f32
    %broadcast_in_dim3A_497 = vector.broadcast %jit3A_496 : f32 to vector<16xf32>
    %select_n3A_498 = arith.select %and3A_478, %get3A_473, %broadcast_in_dim3A_497 : vector<16xi1>, vector<16xf32>
    %swap3A_499 = arith.constant 0 : i32
    %swap3A_500 = arith.constant 1 : i32
    %swap3A_501 = arith.index_cast %swap3A_499 : i32 to index
    %swap3A_502 = arith.index_cast %swap3A_500 : i32 to index
    %swap3A_503 = arith.constant 16 : index
    %swap3A_504 = tpu.vector_load %arg11[%swap3A_501, %swap3A_502, %swap3A_503] {strides = array<i32>} : memref<1x8x128xf32, #tpu.memory_space<vmem>>, vector<1x1x16xf32>,
    %swap3A_505 = vector.shape_cast %swap3A_504 : vector<1x1x16xf32> to vector<16xf32>
    %swap3A_506 = vector.shape_cast %select_n3A_498 : vector<16xf32> to vector<1x1x16xf32>
    tpu.vector_store %arg11[%swap3A_501, %swap3A_502, %swap3A_503], %swap3A_506 {strides = array<i32>} : memref<1x8x128xf32, #tpu.memory_space<vmem>>, vector<1x1x16xf32>,
    %get3A_507 = arith.constant 0 : i32
    %get3A_508 = arith.index_cast %get3A_507 : i32 to index
    %get3A_509 = arith.constant 160 : index
    %get3A_510 = tpu.vector_load %arg7[%get3A_508, %get3A_509] {strides = array<i32>} : memref<1x1024xi32, #tpu.memory_space<vmem>>, vector<1x16xi32>,
    %get3A_511 = vector.shape_cast %get3A_510 : vector<1x16xi32> to vector<16xi32>
    %get3A_512 = arith.constant 0 : i32
    %get3A_513 = arith.index_cast %get3A_512 : i32 to index
    %get3A_514 = arith.constant 160 : index
    %get3A_515 = tpu.vector_load %arg8[%get3A_513, %get3A_514] {strides = array<i32>} : memref<1x1024xi32, #tpu.memory_space<vmem>>, vector<1x16xi32>,
    %get3A_516 = vector.shape_cast %get3A_515 : vector<1x16xi32> to vector<16xi32>
    %get3A_517 = arith.constant 0 : i32
    %get3A_518 = arith.index_cast %get3A_517 : i32 to index
    %get3A_519 = arith.constant 160 : index
    %get3A_520 = tpu.vector_load %arg9[%get3A_518, %get3A_519] {strides = array<i32>} : memref<1x1024xf32, #tpu.memory_space<vmem>>, vector<1x16xf32>,
    %get3A_521 = vector.shape_cast %get3A_520 : vector<1x16xf32> to vector<16xf32>
    %ge3A_522 = vector.broadcast %mul3A_0 : i32 to vector<16xi32>
    %ge3A_523 = arith.cmpi sge, %get3A_511, %ge3A_522 : vector<16xi32>
    %lt3A_524 = vector.broadcast %add3A_1 : i32 to vector<16xi32>
    %lt3A_525 = arith.cmpi slt, %get3A_511, %lt3A_524 : vector<16xi32>
    %and3A_526 = arith.andi %ge3A_523, %lt3A_525 : vector<16xi1>
    %sub3A_527 = vector.broadcast %mul3A_0 : i32 to vector<16xi32>
    %sub3A_528 = arith.subi %get3A_511, %sub3A_527 : vector<16xi32>
    %mul3A_529 = arith.constant 1024 : i32
    %mul3A_530 = vector.broadcast %mul3A_529 : i32 to vector<16xi32>
    %mul3A_531 = arith.muli %sub3A_528, %mul3A_530 : vector<16xi32>
    %add3A_532 = arith.addi %mul3A_531, %get3A_516 : vector<16xi32>
    %jit3A_533 = arith.constant 0 : i32
    %broadcast_in_dim3A_534 = vector.broadcast %jit3A_533 : i32 to vector<16xi32>
    %select_n3A_535 = arith.select %and3A_526, %add3A_532, %broadcast_in_dim3A_534 : vector<16xi1>, vector<16xi32>
    %swap3A_536 = arith.constant 0 : i32
    %swap3A_537 = arith.constant 1 : i32
    %swap3A_538 = arith.index_cast %swap3A_536 : i32 to index
    %swap3A_539 = arith.index_cast %swap3A_537 : i32 to index
    %swap3A_540 = arith.constant 32 : index
    %swap3A_541 = tpu.vector_load %arg10[%swap3A_538, %swap3A_539, %swap3A_540] {strides = array<i32>} : memref<1x8x128xi32, #tpu.memory_space<vmem>>, vector<1x1x16xi32>,
    %swap3A_542 = vector.shape_cast %swap3A_541 : vector<1x1x16xi32> to vector<16xi32>
    %swap3A_543 = vector.shape_cast %select_n3A_535 : vector<16xi32> to vector<1x1x16xi32>
    tpu.vector_store %arg10[%swap3A_538, %swap3A_539, %swap3A_540], %swap3A_543 {strides = array<i32>} : memref<1x8x128xi32, #tpu.memory_space<vmem>>, vector<1x1x16xi32>,
    %jit3A_544 = arith.constant 0.000000e+00 : f32
    %broadcast_in_dim3A_545 = vector.broadcast %jit3A_544 : f32 to vector<16xf32>
    %select_n3A_546 = arith.select %and3A_526, %get3A_521, %broadcast_in_dim3A_545 : vector<16xi1>, vector<16xf32>
    %swap3A_547 = arith.constant 0 : i32
    %swap3A_548 = arith.constant 1 : i32
    %swap3A_549 = arith.index_cast %swap3A_547 : i32 to index
    %swap3A_550 = arith.index_cast %swap3A_548 : i32 to index
    %swap3A_551 = arith.constant 32 : index
    %swap3A_552 = tpu.vector_load %arg11[%swap3A_549, %swap3A_550, %swap3A_551] {strides = array<i32>} : memref<1x8x128xf32, #tpu.memory_space<vmem>>, vector<1x1x16xf32>,
    %swap3A_553 = vector.shape_cast %swap3A_552 : vector<1x1x16xf32> to vector<16xf32>
    %swap3A_554 = vector.shape_cast %select_n3A_546 : vector<16xf32> to vector<1x1x16xf32>
    tpu.vector_store %arg11[%swap3A_549, %swap3A_550, %swap3A_551], %swap3A_554 {strides = array<i32>} : memref<1x8x128xf32, #tpu.memory_space<vmem>>, vector<1x1x16xf32>,
    %get3A_555 = arith.constant 0 : i32
    %get3A_556 = arith.index_cast %get3A_555 : i32 to index
    %get3A_557 = arith.constant 176 : index
    %get3A_558 = tpu.vector_load %arg7[%get3A_556, %get3A_557] {strides = array<i32>} : memref<1x1024xi32, #tpu.memory_space<vmem>>, vector<1x16xi32>,
    %get3A_559 = vector.shape_cast %get3A_558 : vector<1x16xi32> to vector<16xi32>
    %get3A_560 = arith.constant 0 : i32
    %get3A_561 = arith.index_cast %get3A_560 : i32 to index
    %get3A_562 = arith.constant 176 : index
    %get3A_563 = tpu.vector_load %arg8[%get3A_561, %get3A_562] {strides = array<i32>} : memref<1x1024xi32, #tpu.memory_space<vmem>>, vector<1x16xi32>,
    %get3A_564 = vector.shape_cast %get3A_563 : vector<1x16xi32> to vector<16xi32>
    %get3A_565 = arith.constant 0 : i32
    %get3A_566 = arith.index_cast %get3A_565 : i32 to index
    %get3A_567 = arith.constant 176 : index
    %get3A_568 = tpu.vector_load %arg9[%get3A_566, %get3A_567] {strides = array<i32>} : memref<1x1024xf32, #tpu.memory_space<vmem>>, vector<1x16xf32>,
    %get3A_569 = vector.shape_cast %get3A_568 : vector<1x16xf32> to vector<16xf32>
    %ge3A_570 = vector.broadcast %mul3A_0 : i32 to vector<16xi32>
    %ge3A_571 = arith.cmpi sge, %get3A_559, %ge3A_570 : vector<16xi32>
    %lt3A_572 = vector.broadcast %add3A_1 : i32 to vector<16xi32>
    %lt3A_573 = arith.cmpi slt, %get3A_559, %lt3A_572 : vector<16xi32>
    %and3A_574 = arith.andi %ge3A_571, %lt3A_573 : vector<16xi1>
    %sub3A_575 = vector.broadcast %mul3A_0 : i32 to vector<16xi32>
    %sub3A_576 = arith.subi %get3A_559, %sub3A_575 : vector<16xi32>
    %mul3A_577 = arith.constant 1024 : i32
    %mul3A_578 = vector.broadcast %mul3A_577 : i32 to vector<16xi32>
    %mul3A_579 = arith.muli %sub3A_576, %mul3A_578 : vector<16xi32>
    %add3A_580 = arith.addi %mul3A_579, %get3A_564 : vector<16xi32>
    %jit3A_581 = arith.constant 0 : i32
    %broadcast_in_dim3A_582 = vector.broadcast %jit3A_581 : i32 to vector<16xi32>
    %select_n3A_583 = arith.select %and3A_574, %add3A_580, %broadcast_in_dim3A_582 : vector<16xi1>, vector<16xi32>
    %swap3A_584 = arith.constant 0 : i32
    %swap3A_585 = arith.constant 1 : i32
    %swap3A_586 = arith.index_cast %swap3A_584 : i32 to index
    %swap3A_587 = arith.index_cast %swap3A_585 : i32 to index
    %swap3A_588 = arith.constant 48 : index
    %swap3A_589 = tpu.vector_load %arg10[%swap3A_586, %swap3A_587, %swap3A_588] {strides = array<i32>} : memref<1x8x128xi32, #tpu.memory_space<vmem>>, vector<1x1x16xi32>,
    %swap3A_590 = vector.shape_cast %swap3A_589 : vector<1x1x16xi32> to vector<16xi32>
    %swap3A_591 = vector.shape_cast %select_n3A_583 : vector<16xi32> to vector<1x1x16xi32>
    tpu.vector_store %arg10[%swap3A_586, %swap3A_587, %swap3A_588], %swap3A_591 {strides = array<i32>} : memref<1x8x128xi32, #tpu.memory_space<vmem>>, vector<1x1x16xi32>,
    %jit3A_592 = arith.constant 0.000000e+00 : f32
    %broadcast_in_dim3A_593 = vector.broadcast %jit3A_592 : f32 to vector<16xf32>
    %select_n3A_594 = arith.select %and3A_574, %get3A_569, %broadcast_in_dim3A_593 : vector<16xi1>, vector<16xf32>
    %swap3A_595 = arith.constant 0 : i32
    %swap3A_596 = arith.constant 1 : i32
    %swap3A_597 = arith.index_cast %swap3A_595 : i32 to index
    %swap3A_598 = arith.index_cast %swap3A_596 : i32 to index
    %swap3A_599 = arith.constant 48 : index
    %swap3A_600 = tpu.vector_load %arg11[%swap3A_597, %swap3A_598, %swap3A_599] {strides = array<i32>} : memref<1x8x128xf32, #tpu.memory_space<vmem>>, vector<1x1x16xf32>,
    %swap3A_601 = vector.shape_cast %swap3A_600 : vector<1x1x16xf32> to vector<16xf32>
    %swap3A_602 = vector.shape_cast %select_n3A_594 : vector<16xf32> to vector<1x1x16xf32>
    tpu.vector_store %arg11[%swap3A_597, %swap3A_598, %swap3A_599], %swap3A_602 {strides = array<i32>} : memref<1x8x128xf32, #tpu.memory_space<vmem>>, vector<1x1x16xf32>,
    %get3A_603 = arith.constant 0 : i32
    %get3A_604 = arith.index_cast %get3A_603 : i32 to index
    %get3A_605 = arith.constant 192 : index
    %get3A_606 = tpu.vector_load %arg7[%get3A_604, %get3A_605] {strides = array<i32>} : memref<1x1024xi32, #tpu.memory_space<vmem>>, vector<1x16xi32>,
    %get3A_607 = vector.shape_cast %get3A_606 : vector<1x16xi32> to vector<16xi32>
    %get3A_608 = arith.constant 0 : i32
    %get3A_609 = arith.index_cast %get3A_608 : i32 to index
    %get3A_610 = arith.constant 192 : index
    %get3A_611 = tpu.vector_load %arg8[%get3A_609, %get3A_610] {strides = array<i32>} : memref<1x1024xi32, #tpu.memory_space<vmem>>, vector<1x16xi32>,
    %get3A_612 = vector.shape_cast %get3A_611 : vector<1x16xi32> to vector<16xi32>
    %get3A_613 = arith.constant 0 : i32
    %get3A_614 = arith.index_cast %get3A_613 : i32 to index
    %get3A_615 = arith.constant 192 : index
    %get3A_616 = tpu.vector_load %arg9[%get3A_614, %get3A_615] {strides = array<i32>} : memref<1x1024xf32, #tpu.memory_space<vmem>>, vector<1x16xf32>,
    %get3A_617 = vector.shape_cast %get3A_616 : vector<1x16xf32> to vector<16xf32>
    %ge3A_618 = vector.broadcast %mul3A_0 : i32 to vector<16xi32>
    %ge3A_619 = arith.cmpi sge, %get3A_607, %ge3A_618 : vector<16xi32>
    %lt3A_620 = vector.broadcast %add3A_1 : i32 to vector<16xi32>
    %lt3A_621 = arith.cmpi slt, %get3A_607, %lt3A_620 : vector<16xi32>
    %and3A_622 = arith.andi %ge3A_619, %lt3A_621 : vector<16xi1>
    %sub3A_623 = vector.broadcast %mul3A_0 : i32 to vector<16xi32>
    %sub3A_624 = arith.subi %get3A_607, %sub3A_623 : vector<16xi32>
    %mul3A_625 = arith.constant 1024 : i32
    %mul3A_626 = vector.broadcast %mul3A_625 : i32 to vector<16xi32>
    %mul3A_627 = arith.muli %sub3A_624, %mul3A_626 : vector<16xi32>
    %add3A_628 = arith.addi %mul3A_627, %get3A_612 : vector<16xi32>
    %jit3A_629 = arith.constant 0 : i32
    %broadcast_in_dim3A_630 = vector.broadcast %jit3A_629 : i32 to vector<16xi32>
    %select_n3A_631 = arith.select %and3A_622, %add3A_628, %broadcast_in_dim3A_630 : vector<16xi1>, vector<16xi32>
    %swap3A_632 = arith.constant 0 : i32
    %swap3A_633 = arith.constant 1 : i32
    %swap3A_634 = arith.index_cast %swap3A_632 : i32 to index
    %swap3A_635 = arith.index_cast %swap3A_633 : i32 to index
    %swap3A_636 = arith.constant 64 : index
    %swap3A_637 = tpu.vector_load %arg10[%swap3A_634, %swap3A_635, %swap3A_636] {strides = array<i32>} : memref<1x8x128xi32, #tpu.memory_space<vmem>>, vector<1x1x16xi32>,
    %swap3A_638 = vector.shape_cast %swap3A_637 : vector<1x1x16xi32> to vector<16xi32>
    %swap3A_639 = vector.shape_cast %select_n3A_631 : vector<16xi32> to vector<1x1x16xi32>
    tpu.vector_store %arg10[%swap3A_634, %swap3A_635, %swap3A_636], %swap3A_639 {strides = array<i32>} : memref<1x8x128xi32, #tpu.memory_space<vmem>>, vector<1x1x16xi32>,
    %jit3A_640 = arith.constant 0.000000e+00 : f32
    %broadcast_in_dim3A_641 = vector.broadcast %jit3A_640 : f32 to vector<16xf32>
    %select_n3A_642 = arith.select %and3A_622, %get3A_617, %broadcast_in_dim3A_641 : vector<16xi1>, vector<16xf32>
    %swap3A_643 = arith.constant 0 : i32
    %swap3A_644 = arith.constant 1 : i32
    %swap3A_645 = arith.index_cast %swap3A_643 : i32 to index
    %swap3A_646 = arith.index_cast %swap3A_644 : i32 to index
    %swap3A_647 = arith.constant 64 : index
    %swap3A_648 = tpu.vector_load %arg11[%swap3A_645, %swap3A_646, %swap3A_647] {strides = array<i32>} : memref<1x8x128xf32, #tpu.memory_space<vmem>>, vector<1x1x16xf32>,
    %swap3A_649 = vector.shape_cast %swap3A_648 : vector<1x1x16xf32> to vector<16xf32>
    %swap3A_650 = vector.shape_cast %select_n3A_642 : vector<16xf32> to vector<1x1x16xf32>
    tpu.vector_store %arg11[%swap3A_645, %swap3A_646, %swap3A_647], %swap3A_650 {strides = array<i32>} : memref<1x8x128xf32, #tpu.memory_space<vmem>>, vector<1x1x16xf32>,
    %get3A_651 = arith.constant 0 : i32
    %get3A_652 = arith.index_cast %get3A_651 : i32 to index
    %get3A_653 = arith.constant 208 : index
    %get3A_654 = tpu.vector_load %arg7[%get3A_652, %get3A_653] {strides = array<i32>} : memref<1x1024xi32, #tpu.memory_space<vmem>>, vector<1x16xi32>,
    %get3A_655 = vector.shape_cast %get3A_654 : vector<1x16xi32> to vector<16xi32>
    %get3A_656 = arith.constant 0 : i32
    %get3A_657 = arith.index_cast %get3A_656 : i32 to index
    %get3A_658 = arith.constant 208 : index
    %get3A_659 = tpu.vector_load %arg8[%get3A_657, %get3A_658] {strides = array<i32>} : memref<1x1024xi32, #tpu.memory_space<vmem>>, vector<1x16xi32>,
    %get3A_660 = vector.shape_cast %get3A_659 : vector<1x16xi32> to vector<16xi32>
    %get3A_661 = arith.constant 0 : i32
    %get3A_662 = arith.index_cast %get3A_661 : i32 to index
    %get3A_663 = arith.constant 208 : index
    %get3A_664 = tpu.vector_load %arg9[%get3A_662, %get3A_663] {strides = array<i32>} : memref<1x1024xf32, #tpu.memory_space<vmem>>, vector<1x16xf32>,
    %get3A_665 = vector.shape_cast %get3A_664 : vector<1x16xf32> to vector<16xf32>
    %ge3A_666 = vector.broadcast %mul3A_0 : i32 to vector<16xi32>
    %ge3A_667 = arith.cmpi sge, %get3A_655, %ge3A_666 : vector<16xi32>
    %lt3A_668 = vector.broadcast %add3A_1 : i32 to vector<16xi32>
    %lt3A_669 = arith.cmpi slt, %get3A_655, %lt3A_668 : vector<16xi32>
    %and3A_670 = arith.andi %ge3A_667, %lt3A_669 : vector<16xi1>
    %sub3A_671 = vector.broadcast %mul3A_0 : i32 to vector<16xi32>
    %sub3A_672 = arith.subi %get3A_655, %sub3A_671 : vector<16xi32>
    %mul3A_673 = arith.constant 1024 : i32
    %mul3A_674 = vector.broadcast %mul3A_673 : i32 to vector<16xi32>
    %mul3A_675 = arith.muli %sub3A_672, %mul3A_674 : vector<16xi32>
    %add3A_676 = arith.addi %mul3A_675, %get3A_660 : vector<16xi32>
    %jit3A_677 = arith.constant 0 : i32
    %broadcast_in_dim3A_678 = vector.broadcast %jit3A_677 : i32 to vector<16xi32>
    %select_n3A_679 = arith.select %and3A_670, %add3A_676, %broadcast_in_dim3A_678 : vector<16xi1>, vector<16xi32>
    %swap3A_680 = arith.constant 0 : i32
    %swap3A_681 = arith.constant 1 : i32
    %swap3A_682 = arith.index_cast %swap3A_680 : i32 to index
    %swap3A_683 = arith.index_cast %swap3A_681 : i32 to index
    %swap3A_684 = arith.constant 80 : index
    %swap3A_685 = tpu.vector_load %arg10[%swap3A_682, %swap3A_683, %swap3A_684] {strides = array<i32>} : memref<1x8x128xi32, #tpu.memory_space<vmem>>, vector<1x1x16xi32>,
    %swap3A_686 = vector.shape_cast %swap3A_685 : vector<1x1x16xi32> to vector<16xi32>
    %swap3A_687 = vector.shape_cast %select_n3A_679 : vector<16xi32> to vector<1x1x16xi32>
    tpu.vector_store %arg10[%swap3A_682, %swap3A_683, %swap3A_684], %swap3A_687 {strides = array<i32>} : memref<1x8x128xi32, #tpu.memory_space<vmem>>, vector<1x1x16xi32>,
    %jit3A_688 = arith.constant 0.000000e+00 : f32
    %broadcast_in_dim3A_689 = vector.broadcast %jit3A_688 : f32 to vector<16xf32>
    %select_n3A_690 = arith.select %and3A_670, %get3A_665, %broadcast_in_dim3A_689 : vector<16xi1>, vector<16xf32>
    %swap3A_691 = arith.constant 0 : i32
    %swap3A_692 = arith.constant 1 : i32
    %swap3A_693 = arith.index_cast %swap3A_691 : i32 to index
    %swap3A_694 = arith.index_cast %swap3A_692 : i32 to index
    %swap3A_695 = arith.constant 80 : index
    %swap3A_696 = tpu.vector_load %arg11[%swap3A_693, %swap3A_694, %swap3A_695] {strides = array<i32>} : memref<1x8x128xf32, #tpu.memory_space<vmem>>, vector<1x1x16xf32>,
    %swap3A_697 = vector.shape_cast %swap3A_696 : vector<1x1x16xf32> to vector<16xf32>
    %swap3A_698 = vector.shape_cast %select_n3A_690 : vector<16xf32> to vector<1x1x16xf32>
    tpu.vector_store %arg11[%swap3A_693, %swap3A_694, %swap3A_695], %swap3A_698 {strides = array<i32>} : memref<1x8x128xf32, #tpu.memory_space<vmem>>, vector<1x1x16xf32>,
    %get3A_699 = arith.constant 0 : i32
    %get3A_700 = arith.index_cast %get3A_699 : i32 to index
    %get3A_701 = arith.constant 224 : index
    %get3A_702 = tpu.vector_load %arg7[%get3A_700, %get3A_701] {strides = array<i32>} : memref<1x1024xi32, #tpu.memory_space<vmem>>, vector<1x16xi32>,
    %get3A_703 = vector.shape_cast %get3A_702 : vector<1x16xi32> to vector<16xi32>
    %get3A_704 = arith.constant 0 : i32
    %get3A_705 = arith.index_cast %get3A_704 : i32 to index
    %get3A_706 = arith.constant 224 : index
    %get3A_707 = tpu.vector_load %arg8[%get3A_705, %get3A_706] {strides = array<i32>} : memref<1x1024xi32, #tpu.memory_space<vmem>>, vector<1x16xi32>,
    %get3A_708 = vector.shape_cast %get3A_707 : vector<1x16xi32> to vector<16xi32>
    %get3A_709 = arith.constant 0 : i32
    %get3A_710 = arith.index_cast %get3A_709 : i32 to index
    %get3A_711 = arith.constant 224 : index
    %get3A_712 = tpu.vector_load %arg9[%get3A_710, %get3A_711] {strides = array<i32>} : memref<1x1024xf32, #tpu.memory_space<vmem>>, vector<1x16xf32>,
    %get3A_713 = vector.shape_cast %get3A_712 : vector<1x16xf32> to vector<16xf32>
    %ge3A_714 = vector.broadcast %mul3A_0 : i32 to vector<16xi32>
    %ge3A_715 = arith.cmpi sge, %get3A_703, %ge3A_714 : vector<16xi32>
    %lt3A_716 = vector.broadcast %add3A_1 : i32 to vector<16xi32>
    %lt3A_717 = arith.cmpi slt, %get3A_703, %lt3A_716 : vector<16xi32>
    %and3A_718 = arith.andi %ge3A_715, %lt3A_717 : vector<16xi1>
    %sub3A_719 = vector.broadcast %mul3A_0 : i32 to vector<16xi32>
    %sub3A_720 = arith.subi %get3A_703, %sub3A_719 : vector<16xi32>
    %mul3A_721 = arith.constant 1024 : i32
    %mul3A_722 = vector.broadcast %mul3A_721 : i32 to vector<16xi32>
    %mul3A_723 = arith.muli %sub3A_720, %mul3A_722 : vector<16xi32>
    %add3A_724 = arith.addi %mul3A_723, %get3A_708 : vector<16xi32>
    %jit3A_725 = arith.constant 0 : i32
    %broadcast_in_dim3A_726 = vector.broadcast %jit3A_725 : i32 to vector<16xi32>
    %select_n3A_727 = arith.select %and3A_718, %add3A_724, %broadcast_in_dim3A_726 : vector<16xi1>, vector<16xi32>
    %swap3A_728 = arith.constant 0 : i32
    %swap3A_729 = arith.constant 1 : i32
    %swap3A_730 = arith.index_cast %swap3A_728 : i32 to index
    %swap3A_731 = arith.index_cast %swap3A_729 : i32 to index
    %swap3A_732 = arith.constant 96 : index
    %swap3A_733 = tpu.vector_load %arg10[%swap3A_730, %swap3A_731, %swap3A_732] {strides = array<i32>} : memref<1x8x128xi32, #tpu.memory_space<vmem>>, vector<1x1x16xi32>,
    %swap3A_734 = vector.shape_cast %swap3A_733 : vector<1x1x16xi32> to vector<16xi32>
    %swap3A_735 = vector.shape_cast %select_n3A_727 : vector<16xi32> to vector<1x1x16xi32>
    tpu.vector_store %arg10[%swap3A_730, %swap3A_731, %swap3A_732], %swap3A_735 {strides = array<i32>} : memref<1x8x128xi32, #tpu.memory_space<vmem>>, vector<1x1x16xi32>,
    %jit3A_736 = arith.constant 0.000000e+00 : f32
    %broadcast_in_dim3A_737 = vector.broadcast %jit3A_736 : f32 to vector<16xf32>
    %select_n3A_738 = arith.select %and3A_718, %get3A_713, %broadcast_in_dim3A_737 : vector<16xi1>, vector<16xf32>
    %swap3A_739 = arith.constant 0 : i32
    %swap3A_740 = arith.constant 1 : i32
    %swap3A_741 = arith.index_cast %swap3A_739 : i32 to index
    %swap3A_742 = arith.index_cast %swap3A_740 : i32 to index
    %swap3A_743 = arith.constant 96 : index
    %swap3A_744 = tpu.vector_load %arg11[%swap3A_741, %swap3A_742, %swap3A_743] {strides = array<i32>} : memref<1x8x128xf32, #tpu.memory_space<vmem>>, vector<1x1x16xf32>,
    %swap3A_745 = vector.shape_cast %swap3A_744 : vector<1x1x16xf32> to vector<16xf32>
    %swap3A_746 = vector.shape_cast %select_n3A_738 : vector<16xf32> to vector<1x1x16xf32>
    tpu.vector_store %arg11[%swap3A_741, %swap3A_742, %swap3A_743], %swap3A_746 {strides = array<i32>} : memref<1x8x128xf32, #tpu.memory_space<vmem>>, vector<1x1x16xf32>,
    %get3A_747 = arith.constant 0 : i32
    %get3A_748 = arith.index_cast %get3A_747 : i32 to index
    %get3A_749 = arith.constant 240 : index
    %get3A_750 = tpu.vector_load %arg7[%get3A_748, %get3A_749] {strides = array<i32>} : memref<1x1024xi32, #tpu.memory_space<vmem>>, vector<1x16xi32>,
    %get3A_751 = vector.shape_cast %get3A_750 : vector<1x16xi32> to vector<16xi32>
    %get3A_752 = arith.constant 0 : i32
    %get3A_753 = arith.index_cast %get3A_752 : i32 to index
    %get3A_754 = arith.constant 240 : index
    %get3A_755 = tpu.vector_load %arg8[%get3A_753, %get3A_754] {strides = array<i32>} : memref<1x1024xi32, #tpu.memory_space<vmem>>, vector<1x16xi32>,
    %get3A_756 = vector.shape_cast %get3A_755 : vector<1x16xi32> to vector<16xi32>
    %get3A_757 = arith.constant 0 : i32
    %get3A_758 = arith.index_cast %get3A_757 : i32 to index
    %get3A_759 = arith.constant 240 : index
    %get3A_760 = tpu.vector_load %arg9[%get3A_758, %get3A_759] {strides = array<i32>} : memref<1x1024xf32, #tpu.memory_space<vmem>>, vector<1x16xf32>,
    %get3A_761 = vector.shape_cast %get3A_760 : vector<1x16xf32> to vector<16xf32>
    %ge3A_762 = vector.broadcast %mul3A_0 : i32 to vector<16xi32>
    %ge3A_763 = arith.cmpi sge, %get3A_751, %ge3A_762 : vector<16xi32>
    %lt3A_764 = vector.broadcast %add3A_1 : i32 to vector<16xi32>
    %lt3A_765 = arith.cmpi slt, %get3A_751, %lt3A_764 : vector<16xi32>
    %and3A_766 = arith.andi %ge3A_763, %lt3A_765 : vector<16xi1>
    %sub3A_767 = vector.broadcast %mul3A_0 : i32 to vector<16xi32>
    %sub3A_768 = arith.subi %get3A_751, %sub3A_767 : vector<16xi32>
    %mul3A_769 = arith.constant 1024 : i32
    %mul3A_770 = vector.broadcast %mul3A_769 : i32 to vector<16xi32>
    %mul3A_771 = arith.muli %sub3A_768, %mul3A_770 : vector<16xi32>
    %add3A_772 = arith.addi %mul3A_771, %get3A_756 : vector<16xi32>
    %jit3A_773 = arith.constant 0 : i32
    %broadcast_in_dim3A_774 = vector.broadcast %jit3A_773 : i32 to vector<16xi32>
    %select_n3A_775 = arith.select %and3A_766, %add3A_772, %broadcast_in_dim3A_774 : vector<16xi1>, vector<16xi32>
    %swap3A_776 = arith.constant 0 : i32
    %swap3A_777 = arith.constant 1 : i32
    %swap3A_778 = arith.index_cast %swap3A_776 : i32 to index
    %swap3A_779 = arith.index_cast %swap3A_777 : i32 to index
    %swap3A_780 = arith.constant 112 : index
    %swap3A_781 = tpu.vector_load %arg10[%swap3A_778, %swap3A_779, %swap3A_780] {strides = array<i32>} : memref<1x8x128xi32, #tpu.memory_space<vmem>>, vector<1x1x16xi32>,
    %swap3A_782 = vector.shape_cast %swap3A_781 : vector<1x1x16xi32> to vector<16xi32>
    %swap3A_783 = vector.shape_cast %select_n3A_775 : vector<16xi32> to vector<1x1x16xi32>
    tpu.vector_store %arg10[%swap3A_778, %swap3A_779, %swap3A_780], %swap3A_783 {strides = array<i32>} : memref<1x8x128xi32, #tpu.memory_space<vmem>>, vector<1x1x16xi32>,
    %jit3A_784 = arith.constant 0.000000e+00 : f32
    %broadcast_in_dim3A_785 = vector.broadcast %jit3A_784 : f32 to vector<16xf32>
    %select_n3A_786 = arith.select %and3A_766, %get3A_761, %broadcast_in_dim3A_785 : vector<16xi1>, vector<16xf32>
    %swap3A_787 = arith.constant 0 : i32
    %swap3A_788 = arith.constant 1 : i32
    %swap3A_789 = arith.index_cast %swap3A_787 : i32 to index
    %swap3A_790 = arith.index_cast %swap3A_788 : i32 to index
    %swap3A_791 = arith.constant 112 : index
    %swap3A_792 = tpu.vector_load %arg11[%swap3A_789, %swap3A_790, %swap3A_791] {strides = array<i32>} : memref<1x8x128xf32, #tpu.memory_space<vmem>>, vector<1x1x16xf32>,
    %swap3A_793 = vector.shape_cast %swap3A_792 : vector<1x1x16xf32> to vector<16xf32>
    %swap3A_794 = vector.shape_cast %select_n3A_786 : vector<16xf32> to vector<1x1x16xf32>
    tpu.vector_store %arg11[%swap3A_789, %swap3A_790, %swap3A_791], %swap3A_794 {strides = array<i32>} : memref<1x8x128xf32, #tpu.memory_space<vmem>>, vector<1x1x16xf32>,
    %get3A_795 = arith.constant 0 : i32
    %get3A_796 = arith.index_cast %get3A_795 : i32 to index
    %get3A_797 = arith.constant 256 : index
    %get3A_798 = tpu.vector_load %arg7[%get3A_796, %get3A_797] {strides = array<i32>} : memref<1x1024xi32, #tpu.memory_space<vmem>>, vector<1x16xi32>,
    %get3A_799 = vector.shape_cast %get3A_798 : vector<1x16xi32> to vector<16xi32>
    %get3A_800 = arith.constant 0 : i32
    %get3A_801 = arith.index_cast %get3A_800 : i32 to index
    %get3A_802 = arith.constant 256 : index
    %get3A_803 = tpu.vector_load %arg8[%get3A_801, %get3A_802] {strides = array<i32>} : memref<1x1024xi32, #tpu.memory_space<vmem>>, vector<1x16xi32>,
    %get3A_804 = vector.shape_cast %get3A_803 : vector<1x16xi32> to vector<16xi32>
    %get3A_805 = arith.constant 0 : i32
    %get3A_806 = arith.index_cast %get3A_805 : i32 to index
    %get3A_807 = arith.constant 256 : index
    %get3A_808 = tpu.vector_load %arg9[%get3A_806, %get3A_807] {strides = array<i32>} : memref<1x1024xf32, #tpu.memory_space<vmem>>, vector<1x16xf32>,
    %get3A_809 = vector.shape_cast %get3A_808 : vector<1x16xf32> to vector<16xf32>
    %ge3A_810 = vector.broadcast %mul3A_0 : i32 to vector<16xi32>
    %ge3A_811 = arith.cmpi sge, %get3A_799, %ge3A_810 : vector<16xi32>
    %lt3A_812 = vector.broadcast %add3A_1 : i32 to vector<16xi32>
    %lt3A_813 = arith.cmpi slt, %get3A_799, %lt3A_812 : vector<16xi32>
    %and3A_814 = arith.andi %ge3A_811, %lt3A_813 : vector<16xi1>
    %sub3A_815 = vector.broadcast %mul3A_0 : i32 to vector<16xi32>
    %sub3A_816 = arith.subi %get3A_799, %sub3A_815 : vector<16xi32>
    %mul3A_817 = arith.constant 1024 : i32
    %mul3A_818 = vector.broadcast %mul3A_817 : i32 to vector<16xi32>
    %mul3A_819 = arith.muli %sub3A_816, %mul3A_818 : vector<16xi32>
    %add3A_820 = arith.addi %mul3A_819, %get3A_804 : vector<16xi32>
    %jit3A_821 = arith.constant 0 : i32
    %broadcast_in_dim3A_822 = vector.broadcast %jit3A_821 : i32 to vector<16xi32>
    %select_n3A_823 = arith.select %and3A_814, %add3A_820, %broadcast_in_dim3A_822 : vector<16xi1>, vector<16xi32>
    %swap3A_824 = arith.constant 0 : i32
    %swap3A_825 = arith.constant 2 : i32
    %swap3A_826 = arith.index_cast %swap3A_824 : i32 to index
    %swap3A_827 = arith.index_cast %swap3A_825 : i32 to index
    %swap3A_828 = arith.constant 0 : index
    %swap3A_829 = tpu.vector_load %arg10[%swap3A_826, %swap3A_827, %swap3A_828] {strides = array<i32>} : memref<1x8x128xi32, #tpu.memory_space<vmem>>, vector<1x1x16xi32>,
    %swap3A_830 = vector.shape_cast %swap3A_829 : vector<1x1x16xi32> to vector<16xi32>
    %swap3A_831 = vector.shape_cast %select_n3A_823 : vector<16xi32> to vector<1x1x16xi32>
    tpu.vector_store %arg10[%swap3A_826, %swap3A_827, %swap3A_828], %swap3A_831 {strides = array<i32>} : memref<1x8x128xi32, #tpu.memory_space<vmem>>, vector<1x1x16xi32>,
    %jit3A_832 = arith.constant 0.000000e+00 : f32
    %broadcast_in_dim3A_833 = vector.broadcast %jit3A_832 : f32 to vector<16xf32>
    %select_n3A_834 = arith.select %and3A_814, %get3A_809, %broadcast_in_dim3A_833 : vector<16xi1>, vector<16xf32>
    %swap3A_835 = arith.constant 0 : i32
    %swap3A_836 = arith.constant 2 : i32
    %swap3A_837 = arith.index_cast %swap3A_835 : i32 to index
    %swap3A_838 = arith.index_cast %swap3A_836 : i32 to index
    %swap3A_839 = arith.constant 0 : index
    %swap3A_840 = tpu.vector_load %arg11[%swap3A_837, %swap3A_838, %swap3A_839] {strides = array<i32>} : memref<1x8x128xf32, #tpu.memory_space<vmem>>, vector<1x1x16xf32>,
    %swap3A_841 = vector.shape_cast %swap3A_840 : vector<1x1x16xf32> to vector<16xf32>
    %swap3A_842 = vector.shape_cast %select_n3A_834 : vector<16xf32> to vector<1x1x16xf32>
    tpu.vector_store %arg11[%swap3A_837, %swap3A_838, %swap3A_839], %swap3A_842 {strides = array<i32>} : memref<1x8x128xf32, #tpu.memory_space<vmem>>, vector<1x1x16xf32>,
    %get3A_843 = arith.constant 0 : i32
    %get3A_844 = arith.index_cast %get3A_843 : i32 to index
    %get3A_845 = arith.constant 272 : index
    %get3A_846 = tpu.vector_load %arg7[%get3A_844, %get3A_845] {strides = array<i32>} : memref<1x1024xi32, #tpu.memory_space<vmem>>, vector<1x16xi32>,
    %get3A_847 = vector.shape_cast %get3A_846 : vector<1x16xi32> to vector<16xi32>
    %get3A_848 = arith.constant 0 : i32
    %get3A_849 = arith.index_cast %get3A_848 : i32 to index
    %get3A_850 = arith.constant 272 : index
    %get3A_851 = tpu.vector_load %arg8[%get3A_849, %get3A_850] {strides = array<i32>} : memref<1x1024xi32, #tpu.memory_space<vmem>>, vector<1x16xi32>,
    %get3A_852 = vector.shape_cast %get3A_851 : vector<1x16xi32> to vector<16xi32>
    %get3A_853 = arith.constant 0 : i32
    %get3A_854 = arith.index_cast %get3A_853 : i32 to index
    %get3A_855 = arith.constant 272 : index
    %get3A_856 = tpu.vector_load %arg9[%get3A_854, %get3A_855] {strides = array<i32>} : memref<1x1024xf32, #tpu.memory_space<vmem>>, vector<1x16xf32>,
    %get3A_857 = vector.shape_cast %get3A_856 : vector<1x16xf32> to vector<16xf32>
    %ge3A_858 = vector.broadcast %mul3A_0 : i32 to vector<16xi32>
    %ge3A_859 = arith.cmpi sge, %get3A_847, %ge3A_858 : vector<16xi32>
    %lt3A_860 = vector.broadcast %add3A_1 : i32 to vector<16xi32>
    %lt3A_861 = arith.cmpi slt, %get3A_847, %lt3A_860 : vector<16xi32>
    %and3A_862 = arith.andi %ge3A_859, %lt3A_861 : vector<16xi1>
    %sub3A_863 = vector.broadcast %mul3A_0 : i32 to vector<16xi32>
    %sub3A_864 = arith.subi %get3A_847, %sub3A_863 : vector<16xi32>
    %mul3A_865 = arith.constant 1024 : i32
    %mul3A_866 = vector.broadcast %mul3A_865 : i32 to vector<16xi32>
    %mul3A_867 = arith.muli %sub3A_864, %mul3A_866 : vector<16xi32>
    %add3A_868 = arith.addi %mul3A_867, %get3A_852 : vector<16xi32>
    %jit3A_869 = arith.constant 0 : i32
    %broadcast_in_dim3A_870 = vector.broadcast %jit3A_869 : i32 to vector<16xi32>
    %select_n3A_871 = arith.select %and3A_862, %add3A_868, %broadcast_in_dim3A_870 : vector<16xi1>, vector<16xi32>
    %swap3A_872 = arith.constant 0 : i32
    %swap3A_873 = arith.constant 2 : i32
    %swap3A_874 = arith.index_cast %swap3A_872 : i32 to index
    %swap3A_875 = arith.index_cast %swap3A_873 : i32 to index
    %swap3A_876 = arith.constant 16 : index
    %swap3A_877 = tpu.vector_load %arg10[%swap3A_874, %swap3A_875, %swap3A_876] {strides = array<i32>} : memref<1x8x128xi32, #tpu.memory_space<vmem>>, vector<1x1x16xi32>,
    %swap3A_878 = vector.shape_cast %swap3A_877 : vector<1x1x16xi32> to vector<16xi32>
    %swap3A_879 = vector.shape_cast %select_n3A_871 : vector<16xi32> to vector<1x1x16xi32>
    tpu.vector_store %arg10[%swap3A_874, %swap3A_875, %swap3A_876], %swap3A_879 {strides = array<i32>} : memref<1x8x128xi32, #tpu.memory_space<vmem>>, vector<1x1x16xi32>,
    %jit3A_880 = arith.constant 0.000000e+00 : f32
    %broadcast_in_dim3A_881 = vector.broadcast %jit3A_880 : f32 to vector<16xf32>
    %select_n3A_882 = arith.select %and3A_862, %get3A_857, %broadcast_in_dim3A_881 : vector<16xi1>, vector<16xf32>
    %swap3A_883 = arith.constant 0 : i32
    %swap3A_884 = arith.constant 2 : i32
    %swap3A_885 = arith.index_cast %swap3A_883 : i32 to index
    %swap3A_886 = arith.index_cast %swap3A_884 : i32 to index
    %swap3A_887 = arith.constant 16 : index
    %swap3A_888 = tpu.vector_load %arg11[%swap3A_885, %swap3A_886, %swap3A_887] {strides = array<i32>} : memref<1x8x128xf32, #tpu.memory_space<vmem>>, vector<1x1x16xf32>,
    %swap3A_889 = vector.shape_cast %swap3A_888 : vector<1x1x16xf32> to vector<16xf32>
    %swap3A_890 = vector.shape_cast %select_n3A_882 : vector<16xf32> to vector<1x1x16xf32>
    tpu.vector_store %arg11[%swap3A_885, %swap3A_886, %swap3A_887], %swap3A_890 {strides = array<i32>} : memref<1x8x128xf32, #tpu.memory_space<vmem>>, vector<1x1x16xf32>,
    %get3A_891 = arith.constant 0 : i32
    %get3A_892 = arith.index_cast %get3A_891 : i32 to index
    %get3A_893 = arith.constant 288 : index
    %get3A_894 = tpu.vector_load %arg7[%get3A_892, %get3A_893] {strides = array<i32>} : memref<1x1024xi32, #tpu.memory_space<vmem>>, vector<1x16xi32>,
    %get3A_895 = vector.shape_cast %get3A_894 : vector<1x16xi32> to vector<16xi32>
    %get3A_896 = arith.constant 0 : i32
    %get3A_897 = arith.index_cast %get3A_896 : i32 to index
    %get3A_898 = arith.constant 288 : index
    %get3A_899 = tpu.vector_load %arg8[%get3A_897, %get3A_898] {strides = array<i32>} : memref<1x1024xi32, #tpu.memory_space<vmem>>, vector<1x16xi32>,
    %get3A_900 = vector.shape_cast %get3A_899 : vector<1x16xi32> to vector<16xi32>
    %get3A_901 = arith.constant 0 : i32
    %get3A_902 = arith.index_cast %get3A_901 : i32 to index
    %get3A_903 = arith.constant 288 : index
    %get3A_904 = tpu.vector_load %arg9[%get3A_902, %get3A_903] {strides = array<i32>} : memref<1x1024xf32, #tpu.memory_space<vmem>>, vector<1x16xf32>,
    %get3A_905 = vector.shape_cast %get3A_904 : vector<1x16xf32> to vector<16xf32>
    %ge3A_906 = vector.broadcast %mul3A_0 : i32 to vector<16xi32>
    %ge3A_907 = arith.cmpi sge, %get3A_895, %ge3A_906 : vector<16xi32>
    %lt3A_908 = vector.broadcast %add3A_1 : i32 to vector<16xi32>
    %lt3A_909 = arith.cmpi slt, %get3A_895, %lt3A_908 : vector<16xi32>
    %and3A_910 = arith.andi %ge3A_907, %lt3A_909 : vector<16xi1>
    %sub3A_911 = vector.broadcast %mul3A_0 : i32 to vector<16xi32>
    %sub3A_912 = arith.subi %get3A_895, %sub3A_911 : vector<16xi32>
    %mul3A_913 = arith.constant 1024 : i32
    %mul3A_914 = vector.broadcast %mul3A_913 : i32 to vector<16xi32>
    %mul3A_915 = arith.muli %sub3A_912, %mul3A_914 : vector<16xi32>
    %add3A_916 = arith.addi %mul3A_915, %get3A_900 : vector<16xi32>
    %jit3A_917 = arith.constant 0 : i32
    %broadcast_in_dim3A_918 = vector.broadcast %jit3A_917 : i32 to vector<16xi32>
    %select_n3A_919 = arith.select %and3A_910, %add3A_916, %broadcast_in_dim3A_918 : vector<16xi1>, vector<16xi32>
    %swap3A_920 = arith.constant 0 : i32
    %swap3A_921 = arith.constant 2 : i32
    %swap3A_922 = arith.index_cast %swap3A_920 : i32 to index
    %swap3A_923 = arith.index_cast %swap3A_921 : i32 to index
    %swap3A_924 = arith.constant 32 : index
    %swap3A_925 = tpu.vector_load %arg10[%swap3A_922, %swap3A_923, %swap3A_924] {strides = array<i32>} : memref<1x8x128xi32, #tpu.memory_space<vmem>>, vector<1x1x16xi32>,
    %swap3A_926 = vector.shape_cast %swap3A_925 : vector<1x1x16xi32> to vector<16xi32>
    %swap3A_927 = vector.shape_cast %select_n3A_919 : vector<16xi32> to vector<1x1x16xi32>
    tpu.vector_store %arg10[%swap3A_922, %swap3A_923, %swap3A_924], %swap3A_927 {strides = array<i32>} : memref<1x8x128xi32, #tpu.memory_space<vmem>>, vector<1x1x16xi32>,
    %jit3A_928 = arith.constant 0.000000e+00 : f32
    %broadcast_in_dim3A_929 = vector.broadcast %jit3A_928 : f32 to vector<16xf32>
    %select_n3A_930 = arith.select %and3A_910, %get3A_905, %broadcast_in_dim3A_929 : vector<16xi1>, vector<16xf32>
    %swap3A_931 = arith.constant 0 : i32
    %swap3A_932 = arith.constant 2 : i32
    %swap3A_933 = arith.index_cast %swap3A_931 : i32 to index
    %swap3A_934 = arith.index_cast %swap3A_932 : i32 to index
    %swap3A_935 = arith.constant 32 : index
    %swap3A_936 = tpu.vector_load %arg11[%swap3A_933, %swap3A_934, %swap3A_935] {strides = array<i32>} : memref<1x8x128xf32, #tpu.memory_space<vmem>>, vector<1x1x16xf32>,
    %swap3A_937 = vector.shape_cast %swap3A_936 : vector<1x1x16xf32> to vector<16xf32>
    %swap3A_938 = vector.shape_cast %select_n3A_930 : vector<16xf32> to vector<1x1x16xf32>
    tpu.vector_store %arg11[%swap3A_933, %swap3A_934, %swap3A_935], %swap3A_938 {strides = array<i32>} : memref<1x8x128xf32, #tpu.memory_space<vmem>>, vector<1x1x16xf32>,
    %get3A_939 = arith.constant 0 : i32
    %get3A_940 = arith.index_cast %get3A_939 : i32 to index
    %get3A_941 = arith.constant 304 : index
    %get3A_942 = tpu.vector_load %arg7[%get3A_940, %get3A_941] {strides = array<i32>} : memref<1x1024xi32, #tpu.memory_space<vmem>>, vector<1x16xi32>,
    %get3A_943 = vector.shape_cast %get3A_942 : vector<1x16xi32> to vector<16xi32>
    %get3A_944 = arith.constant 0 : i32
    %get3A_945 = arith.index_cast %get3A_944 : i32 to index
    %get3A_946 = arith.constant 304 : index
    %get3A_947 = tpu.vector_load %arg8[%get3A_945, %get3A_946] {strides = array<i32>} : memref<1x1024xi32, #tpu.memory_space<vmem>>, vector<1x16xi32>,
    %get3A_948 = vector.shape_cast %get3A_947 : vector<1x16xi32> to vector<16xi32>
    %get3A_949 = arith.constant 0 : i32
    %get3A_950 = arith.index_cast %get3A_949 : i32 to index
    %get3A_951 = arith.constant 304 : index
    %get3A_952 = tpu.vector_load %arg9[%get3A_950, %get3A_951] {strides = array<i32>} : memref<1x1024xf32, #tpu.memory_space<vmem>>, vector<1x16xf32>,
    %get3A_953 = vector.shape_cast %get3A_952 : vector<1x16xf32> to vector<16xf32>
    %ge3A_954 = vector.broadcast %mul3A_0 : i32 to vector<16xi32>
    %ge3A_955 = arith.cmpi sge, %get3A_943, %ge3A_954 : vector<16xi32>
    %lt3A_956 = vector.broadcast %add3A_1 : i32 to vector<16xi32>
    %lt3A_957 = arith.cmpi slt, %get3A_943, %lt3A_956 : vector<16xi32>
    %and3A_958 = arith.andi %ge3A_955, %lt3A_957 : vector<16xi1>
    %sub3A_959 = vector.broadcast %mul3A_0 : i32 to vector<16xi32>
    %sub3A_960 = arith.subi %get3A_943, %sub3A_959 : vector<16xi32>
    %mul3A_961 = arith.constant 1024 : i32
    %mul3A_962 = vector.broadcast %mul3A_961 : i32 to vector<16xi32>
    %mul3A_963 = arith.muli %sub3A_960, %mul3A_962 : vector<16xi32>
    %add3A_964 = arith.addi %mul3A_963, %get3A_948 : vector<16xi32>
    %jit3A_965 = arith.constant 0 : i32
    %broadcast_in_dim3A_966 = vector.broadcast %jit3A_965 : i32 to vector<16xi32>
    %select_n3A_967 = arith.select %and3A_958, %add3A_964, %broadcast_in_dim3A_966 : vector<16xi1>, vector<16xi32>
    %swap3A_968 = arith.constant 0 : i32
    %swap3A_969 = arith.constant 2 : i32
    %swap3A_970 = arith.index_cast %swap3A_968 : i32 to index
    %swap3A_971 = arith.index_cast %swap3A_969 : i32 to index
    %swap3A_972 = arith.constant 48 : index
    %swap3A_973 = tpu.vector_load %arg10[%swap3A_970, %swap3A_971, %swap3A_972] {strides = array<i32>} : memref<1x8x128xi32, #tpu.memory_space<vmem>>, vector<1x1x16xi32>,
    %swap3A_974 = vector.shape_cast %swap3A_973 : vector<1x1x16xi32> to vector<16xi32>
    %swap3A_975 = vector.shape_cast %select_n3A_967 : vector<16xi32> to vector<1x1x16xi32>
    tpu.vector_store %arg10[%swap3A_970, %swap3A_971, %swap3A_972], %swap3A_975 {strides = array<i32>} : memref<1x8x128xi32, #tpu.memory_space<vmem>>, vector<1x1x16xi32>,
    %jit3A_976 = arith.constant 0.000000e+00 : f32
    %broadcast_in_dim3A_977 = vector.broadcast %jit3A_976 : f32 to vector<16xf32>
    %select_n3A_978 = arith.select %and3A_958, %get3A_953, %broadcast_in_dim3A_977 : vector<16xi1>, vector<16xf32>
    %swap3A_979 = arith.constant 0 : i32
    %swap3A_980 = arith.constant 2 : i32
    %swap3A_981 = arith.index_cast %swap3A_979 : i32 to index
    %swap3A_982 = arith.index_cast %swap3A_980 : i32 to index
    %swap3A_983 = arith.constant 48 : index
    %swap3A_984 = tpu.vector_load %arg11[%swap3A_981, %swap3A_982, %swap3A_983] {strides = array<i32>} : memref<1x8x128xf32, #tpu.memory_space<vmem>>, vector<1x1x16xf32>,
    %swap3A_985 = vector.shape_cast %swap3A_984 : vector<1x1x16xf32> to vector<16xf32>
    %swap3A_986 = vector.shape_cast %select_n3A_978 : vector<16xf32> to vector<1x1x16xf32>
    tpu.vector_store %arg11[%swap3A_981, %swap3A_982, %swap3A_983], %swap3A_986 {strides = array<i32>} : memref<1x8x128xf32, #tpu.memory_space<vmem>>, vector<1x1x16xf32>,
    %get3A_987 = arith.constant 0 : i32
    %get3A_988 = arith.index_cast %get3A_987 : i32 to index
    %get3A_989 = arith.constant 320 : index
    %get3A_990 = tpu.vector_load %arg7[%get3A_988, %get3A_989] {strides = array<i32>} : memref<1x1024xi32, #tpu.memory_space<vmem>>, vector<1x16xi32>,
    %get3A_991 = vector.shape_cast %get3A_990 : vector<1x16xi32> to vector<16xi32>
    %get3A_992 = arith.constant 0 : i32
    %get3A_993 = arith.index_cast %get3A_992 : i32 to index
    %get3A_994 = arith.constant 320 : index
    %get3A_995 = tpu.vector_load %arg8[%get3A_993, %get3A_994] {strides = array<i32>} : memref<1x1024xi32, #tpu.memory_space<vmem>>, vector<1x16xi32>,
    %get3A_996 = vector.shape_cast %get3A_995 : vector<1x16xi32> to vector<16xi32>
    %get3A_997 = arith.constant 0 : i32
    %get3A_998 = arith.index_cast %get3A_997 : i32 to index
    %get3A_999 = arith.constant 320 : index
    %get3A_1000 = tpu.vector_load %arg9[%get3A_998, %get3A_999] {strides = array<i32>} : memref<1x1024xf32, #tpu.memory_space<vmem>>, vector<1x16xf32>,
    %get3A_1001 = vector.shape_cast %get3A_1000 : vector<1x16xf32> to vector<16xf32>
    %ge3A_1002 = vector.broadcast %mul3A_0 : i32 to vector<16xi32>
    %ge3A_1003 = arith.cmpi sge, %get3A_991, %ge3A_1002 : vector<16xi32>
    %lt3A_1004 = vector.broadcast %add3A_1 : i32 to vector<16xi32>
    %lt3A_1005 = arith.cmpi slt, %get3A_991, %lt3A_1004 : vector<16xi32>
    %and3A_1006 = arith.andi %ge3A_1003, %lt3A_1005 : vector<16xi1>
    %sub3A_1007 = vector.broadcast %mul3A_0 : i32 to vector<16xi32>
    %sub3A_1008 = arith.subi %get3A_991, %sub3A_1007 : vector<16xi32>
    %mul3A_1009 = arith.constant 1024 : i32
    %mul3A_1010 = vector.broadcast %mul3A_1009 : i32 to vector<16xi32>
    %mul3A_1011 = arith.muli %sub3A_1008, %mul3A_1010 : vector<16xi32>
    %add3A_1012 = arith.addi %mul3A_1011, %get3A_996 : vector<16xi32>
    %jit3A_1013 = arith.constant 0 : i32
    %broadcast_in_dim3A_1014 = vector.broadcast %jit3A_1013 : i32 to vector<16xi32>
    %select_n3A_1015 = arith.select %and3A_1006, %add3A_1012, %broadcast_in_dim3A_1014 : vector<16xi1>, vector<16xi32>
    %swap3A_1016 = arith.constant 0 : i32
    %swap3A_1017 = arith.constant 2 : i32
    %swap3A_1018 = arith.index_cast %swap3A_1016 : i32 to index
    %swap3A_1019 = arith.index_cast %swap3A_1017 : i32 to index
    %swap3A_1020 = arith.constant 64 : index
    %swap3A_1021 = tpu.vector_load %arg10[%swap3A_1018, %swap3A_1019, %swap3A_1020] {strides = array<i32>} : memref<1x8x128xi32, #tpu.memory_space<vmem>>, vector<1x1x16xi32>,
    %swap3A_1022 = vector.shape_cast %swap3A_1021 : vector<1x1x16xi32> to vector<16xi32>
    %swap3A_1023 = vector.shape_cast %select_n3A_1015 : vector<16xi32> to vector<1x1x16xi32>
    tpu.vector_store %arg10[%swap3A_1018, %swap3A_1019, %swap3A_1020], %swap3A_1023 {strides = array<i32>} : memref<1x8x128xi32, #tpu.memory_space<vmem>>, vector<1x1x16xi32>,
    %jit3A_1024 = arith.constant 0.000000e+00 : f32
    %broadcast_in_dim3A_1025 = vector.broadcast %jit3A_1024 : f32 to vector<16xf32>
    %select_n3A_1026 = arith.select %and3A_1006, %get3A_1001, %broadcast_in_dim3A_1025 : vector<16xi1>, vector<16xf32>
    %swap3A_1027 = arith.constant 0 : i32
    %swap3A_1028 = arith.constant 2 : i32
    %swap3A_1029 = arith.index_cast %swap3A_1027 : i32 to index
    %swap3A_1030 = arith.index_cast %swap3A_1028 : i32 to index
    %swap3A_1031 = arith.constant 64 : index
    %swap3A_1032 = tpu.vector_load %arg11[%swap3A_1029, %swap3A_1030, %swap3A_1031] {strides = array<i32>} : memref<1x8x128xf32, #tpu.memory_space<vmem>>, vector<1x1x16xf32>,
    %swap3A_1033 = vector.shape_cast %swap3A_1032 : vector<1x1x16xf32> to vector<16xf32>
    %swap3A_1034 = vector.shape_cast %select_n3A_1026 : vector<16xf32> to vector<1x1x16xf32>
    tpu.vector_store %arg11[%swap3A_1029, %swap3A_1030, %swap3A_1031], %swap3A_1034 {strides = array<i32>} : memref<1x8x128xf32, #tpu.memory_space<vmem>>, vector<1x1x16xf32>,
    %get3A_1035 = arith.constant 0 : i32
    %get3A_1036 = arith.index_cast %get3A_1035 : i32 to index
    %get3A_1037 = arith.constant 336 : index
    %get3A_1038 = tpu.vector_load %arg7[%get3A_1036, %get3A_1037] {strides = array<i32>} : memref<1x1024xi32, #tpu.memory_space<vmem>>, vector<1x16xi32>,
    %get3A_1039 = vector.shape_cast %get3A_1038 : vector<1x16xi32> to vector<16xi32>
    %get3A_1040 = arith.constant 0 : i32
    %get3A_1041 = arith.index_cast %get3A_1040 : i32 to index
    %get3A_1042 = arith.constant 336 : index
    %get3A_1043 = tpu.vector_load %arg8[%get3A_1041, %get3A_1042] {strides = array<i32>} : memref<1x1024xi32, #tpu.memory_space<vmem>>, vector<1x16xi32>,
    %get3A_1044 = vector.shape_cast %get3A_1043 : vector<1x16xi32> to vector<16xi32>
    %get3A_1045 = arith.constant 0 : i32
    %get3A_1046 = arith.index_cast %get3A_1045 : i32 to index
    %get3A_1047 = arith.constant 336 : index
    %get3A_1048 = tpu.vector_load %arg9[%get3A_1046, %get3A_1047] {strides = array<i32>} : memref<1x1024xf32, #tpu.memory_space<vmem>>, vector<1x16xf32>,
    %get3A_1049 = vector.shape_cast %get3A_1048 : vector<1x16xf32> to vector<16xf32>
    %ge3A_1050 = vector.broadcast %mul3A_0 : i32 to vector<16xi32>
    %ge3A_1051 = arith.cmpi sge, %get3A_1039, %ge3A_1050 : vector<16xi32>
    %lt3A_1052 = vector.broadcast %add3A_1 : i32 to vector<16xi32>
    %lt3A_1053 = arith.cmpi slt, %get3A_1039, %lt3A_1052 : vector<16xi32>
    %and3A_1054 = arith.andi %ge3A_1051, %lt3A_1053 : vector<16xi1>
    %sub3A_1055 = vector.broadcast %mul3A_0 : i32 to vector<16xi32>
    %sub3A_1056 = arith.subi %get3A_1039, %sub3A_1055 : vector<16xi32>
    %mul3A_1057 = arith.constant 1024 : i32
    %mul3A_1058 = vector.broadcast %mul3A_1057 : i32 to vector<16xi32>
    %mul3A_1059 = arith.muli %sub3A_1056, %mul3A_1058 : vector<16xi32>
    %add3A_1060 = arith.addi %mul3A_1059, %get3A_1044 : vector<16xi32>
    %jit3A_1061 = arith.constant 0 : i32
    %broadcast_in_dim3A_1062 = vector.broadcast %jit3A_1061 : i32 to vector<16xi32>
    %select_n3A_1063 = arith.select %and3A_1054, %add3A_1060, %broadcast_in_dim3A_1062 : vector<16xi1>, vector<16xi32>
    %swap3A_1064 = arith.constant 0 : i32
    %swap3A_1065 = arith.constant 2 : i32
    %swap3A_1066 = arith.index_cast %swap3A_1064 : i32 to index
    %swap3A_1067 = arith.index_cast %swap3A_1065 : i32 to index
    %swap3A_1068 = arith.constant 80 : index
    %swap3A_1069 = tpu.vector_load %arg10[%swap3A_1066, %swap3A_1067, %swap3A_1068] {strides = array<i32>} : memref<1x8x128xi32, #tpu.memory_space<vmem>>, vector<1x1x16xi32>,
    %swap3A_1070 = vector.shape_cast %swap3A_1069 : vector<1x1x16xi32> to vector<16xi32>
    %swap3A_1071 = vector.shape_cast %select_n3A_1063 : vector<16xi32> to vector<1x1x16xi32>
    tpu.vector_store %arg10[%swap3A_1066, %swap3A_1067, %swap3A_1068], %swap3A_1071 {strides = array<i32>} : memref<1x8x128xi32, #tpu.memory_space<vmem>>, vector<1x1x16xi32>,
    %jit3A_1072 = arith.constant 0.000000e+00 : f32
    %broadcast_in_dim3A_1073 = vector.broadcast %jit3A_1072 : f32 to vector<16xf32>
    %select_n3A_1074 = arith.select %and3A_1054, %get3A_1049, %broadcast_in_dim3A_1073 : vector<16xi1>, vector<16xf32>
    %swap3A_1075 = arith.constant 0 : i32
    %swap3A_1076 = arith.constant 2 : i32
    %swap3A_1077 = arith.index_cast %swap3A_1075 : i32 to index
    %swap3A_1078 = arith.index_cast %swap3A_1076 : i32 to index
    %swap3A_1079 = arith.constant 80 : index
    %swap3A_1080 = tpu.vector_load %arg11[%swap3A_1077, %swap3A_1078, %swap3A_1079] {strides = array<i32>} : memref<1x8x128xf32, #tpu.memory_space<vmem>>, vector<1x1x16xf32>,
    %swap3A_1081 = vector.shape_cast %swap3A_1080 : vector<1x1x16xf32> to vector<16xf32>
    %swap3A_1082 = vector.shape_cast %select_n3A_1074 : vector<16xf32> to vector<1x1x16xf32>
    tpu.vector_store %arg11[%swap3A_1077, %swap3A_1078, %swap3A_1079], %swap3A_1082 {strides = array<i32>} : memref<1x8x128xf32, #tpu.memory_space<vmem>>, vector<1x1x16xf32>,
    %get3A_1083 = arith.constant 0 : i32
    %get3A_1084 = arith.index_cast %get3A_1083 : i32 to index
    %get3A_1085 = arith.constant 352 : index
    %get3A_1086 = tpu.vector_load %arg7[%get3A_1084, %get3A_1085] {strides = array<i32>} : memref<1x1024xi32, #tpu.memory_space<vmem>>, vector<1x16xi32>,
    %get3A_1087 = vector.shape_cast %get3A_1086 : vector<1x16xi32> to vector<16xi32>
    %get3A_1088 = arith.constant 0 : i32
    %get3A_1089 = arith.index_cast %get3A_1088 : i32 to index
    %get3A_1090 = arith.constant 352 : index
    %get3A_1091 = tpu.vector_load %arg8[%get3A_1089, %get3A_1090] {strides = array<i32>} : memref<1x1024xi32, #tpu.memory_space<vmem>>, vector<1x16xi32>,
    %get3A_1092 = vector.shape_cast %get3A_1091 : vector<1x16xi32> to vector<16xi32>
    %get3A_1093 = arith.constant 0 : i32
    %get3A_1094 = arith.index_cast %get3A_1093 : i32 to index
    %get3A_1095 = arith.constant 352 : index
    %get3A_1096 = tpu.vector_load %arg9[%get3A_1094, %get3A_1095] {strides = array<i32>} : memref<1x1024xf32, #tpu.memory_space<vmem>>, vector<1x16xf32>,
    %get3A_1097 = vector.shape_cast %get3A_1096 : vector<1x16xf32> to vector<16xf32>
    %ge3A_1098 = vector.broadcast %mul3A_0 : i32 to vector<16xi32>
    %ge3A_1099 = arith.cmpi sge, %get3A_1087, %ge3A_1098 : vector<16xi32>
    %lt3A_1100 = vector.broadcast %add3A_1 : i32 to vector<16xi32>
    %lt3A_1101 = arith.cmpi slt, %get3A_1087, %lt3A_1100 : vector<16xi32>
    %and3A_1102 = arith.andi %ge3A_1099, %lt3A_1101 : vector<16xi1>
    %sub3A_1103 = vector.broadcast %mul3A_0 : i32 to vector<16xi32>
    %sub3A_1104 = arith.subi %get3A_1087, %sub3A_1103 : vector<16xi32>
    %mul3A_1105 = arith.constant 1024 : i32
    %mul3A_1106 = vector.broadcast %mul3A_1105 : i32 to vector<16xi32>
    %mul3A_1107 = arith.muli %sub3A_1104, %mul3A_1106 : vector<16xi32>
    %add3A_1108 = arith.addi %mul3A_1107, %get3A_1092 : vector<16xi32>
    %jit3A_1109 = arith.constant 0 : i32
    %broadcast_in_dim3A_1110 = vector.broadcast %jit3A_1109 : i32 to vector<16xi32>
    %select_n3A_1111 = arith.select %and3A_1102, %add3A_1108, %broadcast_in_dim3A_1110 : vector<16xi1>, vector<16xi32>
    %swap3A_1112 = arith.constant 0 : i32
    %swap3A_1113 = arith.constant 2 : i32
    %swap3A_1114 = arith.index_cast %swap3A_1112 : i32 to index
    %swap3A_1115 = arith.index_cast %swap3A_1113 : i32 to index
    %swap3A_1116 = arith.constant 96 : index
    %swap3A_1117 = tpu.vector_load %arg10[%swap3A_1114, %swap3A_1115, %swap3A_1116] {strides = array<i32>} : memref<1x8x128xi32, #tpu.memory_space<vmem>>, vector<1x1x16xi32>,
    %swap3A_1118 = vector.shape_cast %swap3A_1117 : vector<1x1x16xi32> to vector<16xi32>
    %swap3A_1119 = vector.shape_cast %select_n3A_1111 : vector<16xi32> to vector<1x1x16xi32>
    tpu.vector_store %arg10[%swap3A_1114, %swap3A_1115, %swap3A_1116], %swap3A_1119 {strides = array<i32>} : memref<1x8x128xi32, #tpu.memory_space<vmem>>, vector<1x1x16xi32>,
    %jit3A_1120 = arith.constant 0.000000e+00 : f32
    %broadcast_in_dim3A_1121 = vector.broadcast %jit3A_1120 : f32 to vector<16xf32>
    %select_n3A_1122 = arith.select %and3A_1102, %get3A_1097, %broadcast_in_dim3A_1121 : vector<16xi1>, vector<16xf32>
    %swap3A_1123 = arith.constant 0 : i32
    %swap3A_1124 = arith.constant 2 : i32
    %swap3A_1125 = arith.index_cast %swap3A_1123 : i32 to index
    %swap3A_1126 = arith.index_cast %swap3A_1124 : i32 to index
    %swap3A_1127 = arith.constant 96 : index
    %swap3A_1128 = tpu.vector_load %arg11[%swap3A_1125, %swap3A_1126, %swap3A_1127] {strides = array<i32>} : memref<1x8x128xf32, #tpu.memory_space<vmem>>, vector<1x1x16xf32>,
    %swap3A_1129 = vector.shape_cast %swap3A_1128 : vector<1x1x16xf32> to vector<16xf32>
    %swap3A_1130 = vector.shape_cast %select_n3A_1122 : vector<16xf32> to vector<1x1x16xf32>
    tpu.vector_store %arg11[%swap3A_1125, %swap3A_1126, %swap3A_1127], %swap3A_1130 {strides = array<i32>} : memref<1x8x128xf32, #tpu.memory_space<vmem>>, vector<1x1x16xf32>,
    %get3A_1131 = arith.constant 0 : i32
    %get3A_1132 = arith.index_cast %get3A_1131 : i32 to index
    %get3A_1133 = arith.constant 368 : index
    %get3A_1134 = tpu.vector_load %arg7[%get3A_1132, %get3A_1133] {strides = array<i32>} : memref<1x1024xi32, #tpu.memory_space<vmem>>, vector<1x16xi32>,
    %get3A_1135 = vector.shape_cast %get3A_1134 : vector<1x16xi32> to vector<16xi32>
    %get3A_1136 = arith.constant 0 : i32
    %get3A_1137 = arith.index_cast %get3A_1136 : i32 to index
    %get3A_1138 = arith.constant 368 : index
    %get3A_1139 = tpu.vector_load %arg8[%get3A_1137, %get3A_1138] {strides = array<i32>} : memref<1x1024xi32, #tpu.memory_space<vmem>>, vector<1x16xi32>,
    %get3A_1140 = vector.shape_cast %get3A_1139 : vector<1x16xi32> to vector<16xi32>
    %get3A_1141 = arith.constant 0 : i32
    %get3A_1142 = arith.index_cast %get3A_1141 : i32 to index
    %get3A_1143 = arith.constant 368 : index
    %get3A_1144 = tpu.vector_load %arg9[%get3A_1142, %get3A_1143] {strides = array<i32>} : memref<1x1024xf32, #tpu.memory_space<vmem>>, vector<1x16xf32>,
    %get3A_1145 = vector.shape_cast %get3A_1144 : vector<1x16xf32> to vector<16xf32>
    %ge3A_1146 = vector.broadcast %mul3A_0 : i32 to vector<16xi32>
    %ge3A_1147 = arith.cmpi sge, %get3A_1135, %ge3A_1146 : vector<16xi32>
    %lt3A_1148 = vector.broadcast %add3A_1 : i32 to vector<16xi32>
    %lt3A_1149 = arith.cmpi slt, %get3A_1135, %lt3A_1148 : vector<16xi32>
    %and3A_1150 = arith.andi %ge3A_1147, %lt3A_1149 : vector<16xi1>
    %sub3A_1151 = vector.broadcast %mul3A_0 : i32 to vector<16xi32>
    %sub3A_1152 = arith.subi %get3A_1135, %sub3A_1151 : vector<16xi32>
    %mul3A_1153 = arith.constant 1024 : i32
    %mul3A_1154 = vector.broadcast %mul3A_1153 : i32 to vector<16xi32>
    %mul3A_1155 = arith.muli %sub3A_1152, %mul3A_1154 : vector<16xi32>
    %add3A_1156 = arith.addi %mul3A_1155, %get3A_1140 : vector<16xi32>
    %jit3A_1157 = arith.constant 0 : i32
    %broadcast_in_dim3A_1158 = vector.broadcast %jit3A_1157 : i32 to vector<16xi32>
    %select_n3A_1159 = arith.select %and3A_1150, %add3A_1156, %broadcast_in_dim3A_1158 : vector<16xi1>, vector<16xi32>
    %swap3A_1160 = arith.constant 0 : i32
    %swap3A_1161 = arith.constant 2 : i32
    %swap3A_1162 = arith.index_cast %swap3A_1160 : i32 to index
    %swap3A_1163 = arith.index_cast %swap3A_1161 : i32 to index
    %swap3A_1164 = arith.constant 112 : index
    %swap3A_1165 = tpu.vector_load %arg10[%swap3A_1162, %swap3A_1163, %swap3A_1164] {strides = array<i32>} : memref<1x8x128xi32, #tpu.memory_space<vmem>>, vector<1x1x16xi32>,
    %swap3A_1166 = vector.shape_cast %swap3A_1165 : vector<1x1x16xi32> to vector<16xi32>
    %swap3A_1167 = vector.shape_cast %select_n3A_1159 : vector<16xi32> to vector<1x1x16xi32>
    tpu.vector_store %arg10[%swap3A_1162, %swap3A_1163, %swap3A_1164], %swap3A_1167 {strides = array<i32>} : memref<1x8x128xi32, #tpu.memory_space<vmem>>, vector<1x1x16xi32>,
    %jit3A_1168 = arith.constant 0.000000e+00 : f32
    %broadcast_in_dim3A_1169 = vector.broadcast %jit3A_1168 : f32 to vector<16xf32>
    %select_n3A_1170 = arith.select %and3A_1150, %get3A_1145, %broadcast_in_dim3A_1169 : vector<16xi1>, vector<16xf32>
    %swap3A_1171 = arith.constant 0 : i32
    %swap3A_1172 = arith.constant 2 : i32
    %swap3A_1173 = arith.index_cast %swap3A_1171 : i32 to index
    %swap3A_1174 = arith.index_cast %swap3A_1172 : i32 to index
    %swap3A_1175 = arith.constant 112 : index
    %swap3A_1176 = tpu.vector_load %arg11[%swap3A_1173, %swap3A_1174, %swap3A_1175] {strides = array<i32>} : memref<1x8x128xf32, #tpu.memory_space<vmem>>, vector<1x1x16xf32>,
    %swap3A_1177 = vector.shape_cast %swap3A_1176 : vector<1x1x16xf32> to vector<16xf32>
    %swap3A_1178 = vector.shape_cast %select_n3A_1170 : vector<16xf32> to vector<1x1x16xf32>
    tpu.vector_store %arg11[%swap3A_1173, %swap3A_1174, %swap3A_1175], %swap3A_1178 {strides = array<i32>} : memref<1x8x128xf32, #tpu.memory_space<vmem>>, vector<1x1x16xf32>,
    %get3A_1179 = arith.constant 0 : i32
    %get3A_1180 = arith.index_cast %get3A_1179 : i32 to index
    %get3A_1181 = arith.constant 384 : index
    %get3A_1182 = tpu.vector_load %arg7[%get3A_1180, %get3A_1181] {strides = array<i32>} : memref<1x1024xi32, #tpu.memory_space<vmem>>, vector<1x16xi32>,
    %get3A_1183 = vector.shape_cast %get3A_1182 : vector<1x16xi32> to vector<16xi32>
    %get3A_1184 = arith.constant 0 : i32
    %get3A_1185 = arith.index_cast %get3A_1184 : i32 to index
    %get3A_1186 = arith.constant 384 : index
    %get3A_1187 = tpu.vector_load %arg8[%get3A_1185, %get3A_1186] {strides = array<i32>} : memref<1x1024xi32, #tpu.memory_space<vmem>>, vector<1x16xi32>,
    %get3A_1188 = vector.shape_cast %get3A_1187 : vector<1x16xi32> to vector<16xi32>
    %get3A_1189 = arith.constant 0 : i32
    %get3A_1190 = arith.index_cast %get3A_1189 : i32 to index
    %get3A_1191 = arith.constant 384 : index
    %get3A_1192 = tpu.vector_load %arg9[%get3A_1190, %get3A_1191] {strides = array<i32>} : memref<1x1024xf32, #tpu.memory_space<vmem>>, vector<1x16xf32>,
    %get3A_1193 = vector.shape_cast %get3A_1192 : vector<1x16xf32> to vector<16xf32>
    %ge3A_1194 = vector.broadcast %mul3A_0 : i32 to vector<16xi32>
    %ge3A_1195 = arith.cmpi sge, %get3A_1183, %ge3A_1194 : vector<16xi32>
    %lt3A_1196 = vector.broadcast %add3A_1 : i32 to vector<16xi32>
    %lt3A_1197 = arith.cmpi slt, %get3A_1183, %lt3A_1196 : vector<16xi32>
    %and3A_1198 = arith.andi %ge3A_1195, %lt3A_1197 : vector<16xi1>
    %sub3A_1199 = vector.broadcast %mul3A_0 : i32 to vector<16xi32>
    %sub3A_1200 = arith.subi %get3A_1183, %sub3A_1199 : vector<16xi32>
    %mul3A_1201 = arith.constant 1024 : i32
    %mul3A_1202 = vector.broadcast %mul3A_1201 : i32 to vector<16xi32>
    %mul3A_1203 = arith.muli %sub3A_1200, %mul3A_1202 : vector<16xi32>
    %add3A_1204 = arith.addi %mul3A_1203, %get3A_1188 : vector<16xi32>
    %jit3A_1205 = arith.constant 0 : i32
    %broadcast_in_dim3A_1206 = vector.broadcast %jit3A_1205 : i32 to vector<16xi32>
    %select_n3A_1207 = arith.select %and3A_1198, %add3A_1204, %broadcast_in_dim3A_1206 : vector<16xi1>, vector<16xi32>
    %swap3A_1208 = arith.constant 0 : i32
    %swap3A_1209 = arith.constant 3 : i32
    %swap3A_1210 = arith.index_cast %swap3A_1208 : i32 to index
    %swap3A_1211 = arith.index_cast %swap3A_1209 : i32 to index
    %swap3A_1212 = arith.constant 0 : index
    %swap3A_1213 = tpu.vector_load %arg10[%swap3A_1210, %swap3A_1211, %swap3A_1212] {strides = array<i32>} : memref<1x8x128xi32, #tpu.memory_space<vmem>>, vector<1x1x16xi32>,
    %swap3A_1214 = vector.shape_cast %swap3A_1213 : vector<1x1x16xi32> to vector<16xi32>
    %swap3A_1215 = vector.shape_cast %select_n3A_1207 : vector<16xi32> to vector<1x1x16xi32>
    tpu.vector_store %arg10[%swap3A_1210, %swap3A_1211, %swap3A_1212], %swap3A_1215 {strides = array<i32>} : memref<1x8x128xi32, #tpu.memory_space<vmem>>, vector<1x1x16xi32>,
    %jit3A_1216 = arith.constant 0.000000e+00 : f32
    %broadcast_in_dim3A_1217 = vector.broadcast %jit3A_1216 : f32 to vector<16xf32>
    %select_n3A_1218 = arith.select %and3A_1198, %get3A_1193, %broadcast_in_dim3A_1217 : vector<16xi1>, vector<16xf32>
    %swap3A_1219 = arith.constant 0 : i32
    %swap3A_1220 = arith.constant 3 : i32
    %swap3A_1221 = arith.index_cast %swap3A_1219 : i32 to index
    %swap3A_1222 = arith.index_cast %swap3A_1220 : i32 to index
    %swap3A_1223 = arith.constant 0 : index
    %swap3A_1224 = tpu.vector_load %arg11[%swap3A_1221, %swap3A_1222, %swap3A_1223] {strides = array<i32>} : memref<1x8x128xf32, #tpu.memory_space<vmem>>, vector<1x1x16xf32>,
    %swap3A_1225 = vector.shape_cast %swap3A_1224 : vector<1x1x16xf32> to vector<16xf32>
    %swap3A_1226 = vector.shape_cast %select_n3A_1218 : vector<16xf32> to vector<1x1x16xf32>
    tpu.vector_store %arg11[%swap3A_1221, %swap3A_1222, %swap3A_1223], %swap3A_1226 {strides = array<i32>} : memref<1x8x128xf32, #tpu.memory_space<vmem>>, vector<1x1x16xf32>,
    %get3A_1227 = arith.constant 0 : i32
    %get3A_1228 = arith.index_cast %get3A_1227 : i32 to index
    %get3A_1229 = arith.constant 400 : index
    %get3A_1230 = tpu.vector_load %arg7[%get3A_1228, %get3A_1229] {strides = array<i32>} : memref<1x1024xi32, #tpu.memory_space<vmem>>, vector<1x16xi32>,
    %get3A_1231 = vector.shape_cast %get3A_1230 : vector<1x16xi32> to vector<16xi32>
    %get3A_1232 = arith.constant 0 : i32
    %get3A_1233 = arith.index_cast %get3A_1232 : i32 to index
    %get3A_1234 = arith.constant 400 : index
    %get3A_1235 = tpu.vector_load %arg8[%get3A_1233, %get3A_1234] {strides = array<i32>} : memref<1x1024xi32, #tpu.memory_space<vmem>>, vector<1x16xi32>,
    %get3A_1236 = vector.shape_cast %get3A_1235 : vector<1x16xi32> to vector<16xi32>
    %get3A_1237 = arith.constant 0 : i32
    %get3A_1238 = arith.index_cast %get3A_1237 : i32 to index
    %get3A_1239 = arith.constant 400 : index
    %get3A_1240 = tpu.vector_load %arg9[%get3A_1238, %get3A_1239] {strides = array<i32>} : memref<1x1024xf32, #tpu.memory_space<vmem>>, vector<1x16xf32>,
    %get3A_1241 = vector.shape_cast %get3A_1240 : vector<1x16xf32> to vector<16xf32>
    %ge3A_1242 = vector.broadcast %mul3A_0 : i32 to vector<16xi32>
    %ge3A_1243 = arith.cmpi sge, %get3A_1231, %ge3A_1242 : vector<16xi32>
    %lt3A_1244 = vector.broadcast %add3A_1 : i32 to vector<16xi32>
    %lt3A_1245 = arith.cmpi slt, %get3A_1231, %lt3A_1244 : vector<16xi32>
    %and3A_1246 = arith.andi %ge3A_1243, %lt3A_1245 : vector<16xi1>
    %sub3A_1247 = vector.broadcast %mul3A_0 : i32 to vector<16xi32>
    %sub3A_1248 = arith.subi %get3A_1231, %sub3A_1247 : vector<16xi32>
    %mul3A_1249 = arith.constant 1024 : i32
    %mul3A_1250 = vector.broadcast %mul3A_1249 : i32 to vector<16xi32>
    %mul3A_1251 = arith.muli %sub3A_1248, %mul3A_1250 : vector<16xi32>
    %add3A_1252 = arith.addi %mul3A_1251, %get3A_1236 : vector<16xi32>
    %jit3A_1253 = arith.constant 0 : i32
    %broadcast_in_dim3A_1254 = vector.broadcast %jit3A_1253 : i32 to vector<16xi32>
    %select_n3A_1255 = arith.select %and3A_1246, %add3A_1252, %broadcast_in_dim3A_1254 : vector<16xi1>, vector<16xi32>
    %swap3A_1256 = arith.constant 0 : i32
    %swap3A_1257 = arith.constant 3 : i32
    %swap3A_1258 = arith.index_cast %swap3A_1256 : i32 to index
    %swap3A_1259 = arith.index_cast %swap3A_1257 : i32 to index
    %swap3A_1260 = arith.constant 16 : index
    %swap3A_1261 = tpu.vector_load %arg10[%swap3A_1258, %swap3A_1259, %swap3A_1260] {strides = array<i32>} : memref<1x8x128xi32, #tpu.memory_space<vmem>>, vector<1x1x16xi32>,
    %swap3A_1262 = vector.shape_cast %swap3A_1261 : vector<1x1x16xi32> to vector<16xi32>
    %swap3A_1263 = vector.shape_cast %select_n3A_1255 : vector<16xi32> to vector<1x1x16xi32>
    tpu.vector_store %arg10[%swap3A_1258, %swap3A_1259, %swap3A_1260], %swap3A_1263 {strides = array<i32>} : memref<1x8x128xi32, #tpu.memory_space<vmem>>, vector<1x1x16xi32>,
    %jit3A_1264 = arith.constant 0.000000e+00 : f32
    %broadcast_in_dim3A_1265 = vector.broadcast %jit3A_1264 : f32 to vector<16xf32>
    %select_n3A_1266 = arith.select %and3A_1246, %get3A_1241, %broadcast_in_dim3A_1265 : vector<16xi1>, vector<16xf32>
    %swap3A_1267 = arith.constant 0 : i32
    %swap3A_1268 = arith.constant 3 : i32
    %swap3A_1269 = arith.index_cast %swap3A_1267 : i32 to index
    %swap3A_1270 = arith.index_cast %swap3A_1268 : i32 to index
    %swap3A_1271 = arith.constant 16 : index
    %swap3A_1272 = tpu.vector_load %arg11[%swap3A_1269, %swap3A_1270, %swap3A_1271] {strides = array<i32>} : memref<1x8x128xf32, #tpu.memory_space<vmem>>, vector<1x1x16xf32>,
    %swap3A_1273 = vector.shape_cast %swap3A_1272 : vector<1x1x16xf32> to vector<16xf32>
    %swap3A_1274 = vector.shape_cast %select_n3A_1266 : vector<16xf32> to vector<1x1x16xf32>
    tpu.vector_store %arg11[%swap3A_1269, %swap3A_1270, %swap3A_1271], %swap3A_1274 {strides = array<i32>} : memref<1x8x128xf32, #tpu.memory_space<vmem>>, vector<1x1x16xf32>,
    %get3A_1275 = arith.constant 0 : i32
    %get3A_1276 = arith.index_cast %get3A_1275 : i32 to index
    %get3A_1277 = arith.constant 416 : index
    %get3A_1278 = tpu.vector_load %arg7[%get3A_1276, %get3A_1277] {strides = array<i32>} : memref<1x1024xi32, #tpu.memory_space<vmem>>, vector<1x16xi32>,
    %get3A_1279 = vector.shape_cast %get3A_1278 : vector<1x16xi32> to vector<16xi32>
    %get3A_1280 = arith.constant 0 : i32
    %get3A_1281 = arith.index_cast %get3A_1280 : i32 to index
    %get3A_1282 = arith.constant 416 : index
    %get3A_1283 = tpu.vector_load %arg8[%get3A_1281, %get3A_1282] {strides = array<i32>} : memref<1x1024xi32, #tpu.memory_space<vmem>>, vector<1x16xi32>,
    %get3A_1284 = vector.shape_cast %get3A_1283 : vector<1x16xi32> to vector<16xi32>
    %get3A_1285 = arith.constant 0 : i32
    %get3A_1286 = arith.index_cast %get3A_1285 : i32 to index
    %get3A_1287 = arith.constant 416 : index
    %get3A_1288 = tpu.vector_load %arg9[%get3A_1286, %get3A_1287] {strides = array<i32>} : memref<1x1024xf32, #tpu.memory_space<vmem>>, vector<1x16xf32>,
    %get3A_1289 = vector.shape_cast %get3A_1288 : vector<1x16xf32> to vector<16xf32>
    %ge3A_1290 = vector.broadcast %mul3A_0 : i32 to vector<16xi32>
    %ge3A_1291 = arith.cmpi sge, %get3A_1279, %ge3A_1290 : vector<16xi32>
    %lt3A_1292 = vector.broadcast %add3A_1 : i32 to vector<16xi32>
    %lt3A_1293 = arith.cmpi slt, %get3A_1279, %lt3A_1292 : vector<16xi32>
    %and3A_1294 = arith.andi %ge3A_1291, %lt3A_1293 : vector<16xi1>
    %sub3A_1295 = vector.broadcast %mul3A_0 : i32 to vector<16xi32>
    %sub3A_1296 = arith.subi %get3A_1279, %sub3A_1295 : vector<16xi32>
    %mul3A_1297 = arith.constant 1024 : i32
    %mul3A_1298 = vector.broadcast %mul3A_1297 : i32 to vector<16xi32>
    %mul3A_1299 = arith.muli %sub3A_1296, %mul3A_1298 : vector<16xi32>
    %add3A_1300 = arith.addi %mul3A_1299, %get3A_1284 : vector<16xi32>
    %jit3A_1301 = arith.constant 0 : i32
    %broadcast_in_dim3A_1302 = vector.broadcast %jit3A_1301 : i32 to vector<16xi32>
    %select_n3A_1303 = arith.select %and3A_1294, %add3A_1300, %broadcast_in_dim3A_1302 : vector<16xi1>, vector<16xi32>
    %swap3A_1304 = arith.constant 0 : i32
    %swap3A_1305 = arith.constant 3 : i32
    %swap3A_1306 = arith.index_cast %swap3A_1304 : i32 to index
    %swap3A_1307 = arith.index_cast %swap3A_1305 : i32 to index
    %swap3A_1308 = arith.constant 32 : index
    %swap3A_1309 = tpu.vector_load %arg10[%swap3A_1306, %swap3A_1307, %swap3A_1308] {strides = array<i32>} : memref<1x8x128xi32, #tpu.memory_space<vmem>>, vector<1x1x16xi32>,
    %swap3A_1310 = vector.shape_cast %swap3A_1309 : vector<1x1x16xi32> to vector<16xi32>
    %swap3A_1311 = vector.shape_cast %select_n3A_1303 : vector<16xi32> to vector<1x1x16xi32>
    tpu.vector_store %arg10[%swap3A_1306, %swap3A_1307, %swap3A_1308], %swap3A_1311 {strides = array<i32>} : memref<1x8x128xi32, #tpu.memory_space<vmem>>, vector<1x1x16xi32>,
    %jit3A_1312 = arith.constant 0.000000e+00 : f32
    %broadcast_in_dim3A_1313 = vector.broadcast %jit3A_1312 : f32 to vector<16xf32>
    %select_n3A_1314 = arith.select %and3A_1294, %get3A_1289, %broadcast_in_dim3A_1313 : vector<16xi1>, vector<16xf32>
    %swap3A_1315 = arith.constant 0 : i32
    %swap3A_1316 = arith.constant 3 : i32
    %swap3A_1317 = arith.index_cast %swap3A_1315 : i32 to index
    %swap3A_1318 = arith.index_cast %swap3A_1316 : i32 to index
    %swap3A_1319 = arith.constant 32 : index
    %swap3A_1320 = tpu.vector_load %arg11[%swap3A_1317, %swap3A_1318, %swap3A_1319] {strides = array<i32>} : memref<1x8x128xf32, #tpu.memory_space<vmem>>, vector<1x1x16xf32>,
    %swap3A_1321 = vector.shape_cast %swap3A_1320 : vector<1x1x16xf32> to vector<16xf32>
    %swap3A_1322 = vector.shape_cast %select_n3A_1314 : vector<16xf32> to vector<1x1x16xf32>
    tpu.vector_store %arg11[%swap3A_1317, %swap3A_1318, %swap3A_1319], %swap3A_1322 {strides = array<i32>} : memref<1x8x128xf32, #tpu.memory_space<vmem>>, vector<1x1x16xf32>,
    %get3A_1323 = arith.constant 0 : i32
    %get3A_1324 = arith.index_cast %get3A_1323 : i32 to index
    %get3A_1325 = arith.constant 432 : index
    %get3A_1326 = tpu.vector_load %arg7[%get3A_1324, %get3A_1325] {strides = array<i32>} : memref<1x1024xi32, #tpu.memory_space<vmem>>, vector<1x16xi32>,
    %get3A_1327 = vector.shape_cast %get3A_1326 : vector<1x16xi32> to vector<16xi32>
    %get3A_1328 = arith.constant 0 : i32
    %get3A_1329 = arith.index_cast %get3A_1328 : i32 to index
    %get3A_1330 = arith.constant 432 : index
    %get3A_1331 = tpu.vector_load %arg8[%get3A_1329, %get3A_1330] {strides = array<i32>} : memref<1x1024xi32, #tpu.memory_space<vmem>>, vector<1x16xi32>,
    %get3A_1332 = vector.shape_cast %get3A_1331 : vector<1x16xi32> to vector<16xi32>
    %get3A_1333 = arith.constant 0 : i32
    %get3A_1334 = arith.index_cast %get3A_1333 : i32 to index
    %get3A_1335 = arith.constant 432 : index
    %get3A_1336 = tpu.vector_load %arg9[%get3A_1334, %get3A_1335] {strides = array<i32>} : memref<1x1024xf32, #tpu.memory_space<vmem>>, vector<1x16xf32>,
    %get3A_1337 = vector.shape_cast %get3A_1336 : vector<1x16xf32> to vector<16xf32>
    %ge3A_1338 = vector.broadcast %mul3A_0 : i32 to vector<16xi32>
    %ge3A_1339 = arith.cmpi sge, %get3A_1327, %ge3A_1338 : vector<16xi32>
    %lt3A_1340 = vector.broadcast %add3A_1 : i32 to vector<16xi32>
    %lt3A_1341 = arith.cmpi slt, %get3A_1327, %lt3A_1340 : vector<16xi32>
    %and3A_1342 = arith.andi %ge3A_1339, %lt3A_1341 : vector<16xi1>
    %sub3A_1343 = vector.broadcast %mul3A_0 : i32 to vector<16xi32>
    %sub3A_1344 = arith.subi %get3A_1327, %sub3A_1343 : vector<16xi32>
    %mul3A_1345 = arith.constant 1024 : i32
    %mul3A_1346 = vector.broadcast %mul3A_1345 : i32 to vector<16xi32>
    %mul3A_1347 = arith.muli %sub3A_1344, %mul3A_1346 : vector<16xi32>
    %add3A_1348 = arith.addi %mul3A_1347, %get3A_1332 : vector<16xi32>
    %jit3A_1349 = arith.constant 0 : i32
    %broadcast_in_dim3A_1350 = vector.broadcast %jit3A_1349 : i32 to vector<16xi32>
    %select_n3A_1351 = arith.select %and3A_1342, %add3A_1348, %broadcast_in_dim3A_1350 : vector<16xi1>, vector<16xi32>
    %swap3A_1352 = arith.constant 0 : i32
    %swap3A_1353 = arith.constant 3 : i32
    %swap3A_1354 = arith.index_cast %swap3A_1352 : i32 to index
    %swap3A_1355 = arith.index_cast %swap3A_1353 : i32 to index
    %swap3A_1356 = arith.constant 48 : index
    %swap3A_1357 = tpu.vector_load %arg10[%swap3A_1354, %swap3A_1355, %swap3A_1356] {strides = array<i32>} : memref<1x8x128xi32, #tpu.memory_space<vmem>>, vector<1x1x16xi32>,
    %swap3A_1358 = vector.shape_cast %swap3A_1357 : vector<1x1x16xi32> to vector<16xi32>
    %swap3A_1359 = vector.shape_cast %select_n3A_1351 : vector<16xi32> to vector<1x1x16xi32>
    tpu.vector_store %arg10[%swap3A_1354, %swap3A_1355, %swap3A_1356], %swap3A_1359 {strides = array<i32>} : memref<1x8x128xi32, #tpu.memory_space<vmem>>, vector<1x1x16xi32>,
    %jit3A_1360 = arith.constant 0.000000e+00 : f32
    %broadcast_in_dim3A_1361 = vector.broadcast %jit3A_1360 : f32 to vector<16xf32>
    %select_n3A_1362 = arith.select %and3A_1342, %get3A_1337, %broadcast_in_dim3A_1361 : vector<16xi1>, vector<16xf32>
    %swap3A_1363 = arith.constant 0 : i32
    %swap3A_1364 = arith.constant 3 : i32
    %swap3A_1365 = arith.index_cast %swap3A_1363 : i32 to index
    %swap3A_1366 = arith.index_cast %swap3A_1364 : i32 to index
    %swap3A_1367 = arith.constant 48 : index
    %swap3A_1368 = tpu.vector_load %arg11[%swap3A_1365, %swap3A_1366, %swap3A_1367] {strides = array<i32>} : memref<1x8x128xf32, #tpu.memory_space<vmem>>, vector<1x1x16xf32>,
    %swap3A_1369 = vector.shape_cast %swap3A_1368 : vector<1x1x16xf32> to vector<16xf32>
    %swap3A_1370 = vector.shape_cast %select_n3A_1362 : vector<16xf32> to vector<1x1x16xf32>
    tpu.vector_store %arg11[%swap3A_1365, %swap3A_1366, %swap3A_1367], %swap3A_1370 {strides = array<i32>} : memref<1x8x128xf32, #tpu.memory_space<vmem>>, vector<1x1x16xf32>,
    %get3A_1371 = arith.constant 0 : i32
    %get3A_1372 = arith.index_cast %get3A_1371 : i32 to index
    %get3A_1373 = arith.constant 448 : index
    %get3A_1374 = tpu.vector_load %arg7[%get3A_1372, %get3A_1373] {strides = array<i32>} : memref<1x1024xi32, #tpu.memory_space<vmem>>, vector<1x16xi32>,
    %get3A_1375 = vector.shape_cast %get3A_1374 : vector<1x16xi32> to vector<16xi32>
    %get3A_1376 = arith.constant 0 : i32
    %get3A_1377 = arith.index_cast %get3A_1376 : i32 to index
    %get3A_1378 = arith.constant 448 : index
    %get3A_1379 = tpu.vector_load %arg8[%get3A_1377, %get3A_1378] {strides = array<i32>} : memref<1x1024xi32, #tpu.memory_space<vmem>>, vector<1x16xi32>,
    %get3A_1380 = vector.shape_cast %get3A_1379 : vector<1x16xi32> to vector<16xi32>
    %get3A_1381 = arith.constant 0 : i32
    %get3A_1382 = arith.index_cast %get3A_1381 : i32 to index
    %get3A_1383 = arith.constant 448 : index
    %get3A_1384 = tpu.vector_load %arg9[%get3A_1382, %get3A_1383] {strides = array<i32>} : memref<1x1024xf32, #tpu.memory_space<vmem>>, vector<1x16xf32>,
    %get3A_1385 = vector.shape_cast %get3A_1384 : vector<1x16xf32> to vector<16xf32>
    %ge3A_1386 = vector.broadcast %mul3A_0 : i32 to vector<16xi32>
    %ge3A_1387 = arith.cmpi sge, %get3A_1375, %ge3A_1386 : vector<16xi32>
    %lt3A_1388 = vector.broadcast %add3A_1 : i32 to vector<16xi32>
    %lt3A_1389 = arith.cmpi slt, %get3A_1375, %lt3A_1388 : vector<16xi32>
    %and3A_1390 = arith.andi %ge3A_1387, %lt3A_1389 : vector<16xi1>
    %sub3A_1391 = vector.broadcast %mul3A_0 : i32 to vector<16xi32>
    %sub3A_1392 = arith.subi %get3A_1375, %sub3A_1391 : vector<16xi32>
    %mul3A_1393 = arith.constant 1024 : i32
    %mul3A_1394 = vector.broadcast %mul3A_1393 : i32 to vector<16xi32>
    %mul3A_1395 = arith.muli %sub3A_1392, %mul3A_1394 : vector<16xi32>
    %add3A_1396 = arith.addi %mul3A_1395, %get3A_1380 : vector<16xi32>
    %jit3A_1397 = arith.constant 0 : i32
    %broadcast_in_dim3A_1398 = vector.broadcast %jit3A_1397 : i32 to vector<16xi32>
    %select_n3A_1399 = arith.select %and3A_1390, %add3A_1396, %broadcast_in_dim3A_1398 : vector<16xi1>, vector<16xi32>
    %swap3A_1400 = arith.constant 0 : i32
    %swap3A_1401 = arith.constant 3 : i32
    %swap3A_1402 = arith.index_cast %swap3A_1400 : i32 to index
    %swap3A_1403 = arith.index_cast %swap3A_1401 : i32 to index
    %swap3A_1404 = arith.constant 64 : index
    %swap3A_1405 = tpu.vector_load %arg10[%swap3A_1402, %swap3A_1403, %swap3A_1404] {strides = array<i32>} : memref<1x8x128xi32, #tpu.memory_space<vmem>>, vector<1x1x16xi32>,
    %swap3A_1406 = vector.shape_cast %swap3A_1405 : vector<1x1x16xi32> to vector<16xi32>
    %swap3A_1407 = vector.shape_cast %select_n3A_1399 : vector<16xi32> to vector<1x1x16xi32>
    tpu.vector_store %arg10[%swap3A_1402, %swap3A_1403, %swap3A_1404], %swap3A_1407 {strides = array<i32>} : memref<1x8x128xi32, #tpu.memory_space<vmem>>, vector<1x1x16xi32>,
    %jit3A_1408 = arith.constant 0.000000e+00 : f32
    %broadcast_in_dim3A_1409 = vector.broadcast %jit3A_1408 : f32 to vector<16xf32>
    %select_n3A_1410 = arith.select %and3A_1390, %get3A_1385, %broadcast_in_dim3A_1409 : vector<16xi1>, vector<16xf32>
    %swap3A_1411 = arith.constant 0 : i32
    %swap3A_1412 = arith.constant 3 : i32
    %swap3A_1413 = arith.index_cast %swap3A_1411 : i32 to index
    %swap3A_1414 = arith.index_cast %swap3A_1412 : i32 to index
    %swap3A_1415 = arith.constant 64 : index
    %swap3A_1416 = tpu.vector_load %arg11[%swap3A_1413, %swap3A_1414, %swap3A_1415] {strides = array<i32>} : memref<1x8x128xf32, #tpu.memory_space<vmem>>, vector<1x1x16xf32>,
    %swap3A_1417 = vector.shape_cast %swap3A_1416 : vector<1x1x16xf32> to vector<16xf32>
    %swap3A_1418 = vector.shape_cast %select_n3A_1410 : vector<16xf32> to vector<1x1x16xf32>
    tpu.vector_store %arg11[%swap3A_1413, %swap3A_1414, %swap3A_1415], %swap3A_1418 {strides = array<i32>} : memref<1x8x128xf32, #tpu.memory_space<vmem>>, vector<1x1x16xf32>,
    %get3A_1419 = arith.constant 0 : i32
    %get3A_1420 = arith.index_cast %get3A_1419 : i32 to index
    %get3A_1421 = arith.constant 464 : index
    %get3A_1422 = tpu.vector_load %arg7[%get3A_1420, %get3A_1421] {strides = array<i32>} : memref<1x1024xi32, #tpu.memory_space<vmem>>, vector<1x16xi32>,
    %get3A_1423 = vector.shape_cast %get3A_1422 : vector<1x16xi32> to vector<16xi32>
    %get3A_1424 = arith.constant 0 : i32
    %get3A_1425 = arith.index_cast %get3A_1424 : i32 to index
    %get3A_1426 = arith.constant 464 : index
    %get3A_1427 = tpu.vector_load %arg8[%get3A_1425, %get3A_1426] {strides = array<i32>} : memref<1x1024xi32, #tpu.memory_space<vmem>>, vector<1x16xi32>,
    %get3A_1428 = vector.shape_cast %get3A_1427 : vector<1x16xi32> to vector<16xi32>
    %get3A_1429 = arith.constant 0 : i32
    %get3A_1430 = arith.index_cast %get3A_1429 : i32 to index
    %get3A_1431 = arith.constant 464 : index
    %get3A_1432 = tpu.vector_load %arg9[%get3A_1430, %get3A_1431] {strides = array<i32>} : memref<1x1024xf32, #tpu.memory_space<vmem>>, vector<1x16xf32>,
    %get3A_1433 = vector.shape_cast %get3A_1432 : vector<1x16xf32> to vector<16xf32>
    %ge3A_1434 = vector.broadcast %mul3A_0 : i32 to vector<16xi32>
    %ge3A_1435 = arith.cmpi sge, %get3A_1423, %ge3A_1434 : vector<16xi32>
    %lt3A_1436 = vector.broadcast %add3A_1 : i32 to vector<16xi32>
    %lt3A_1437 = arith.cmpi slt, %get3A_1423, %lt3A_1436 : vector<16xi32>
    %and3A_1438 = arith.andi %ge3A_1435, %lt3A_1437 : vector<16xi1>
    %sub3A_1439 = vector.broadcast %mul3A_0 : i32 to vector<16xi32>
    %sub3A_1440 = arith.subi %get3A_1423, %sub3A_1439 : vector<16xi32>
    %mul3A_1441 = arith.constant 1024 : i32
    %mul3A_1442 = vector.broadcast %mul3A_1441 : i32 to vector<16xi32>
    %mul3A_1443 = arith.muli %sub3A_1440, %mul3A_1442 : vector<16xi32>
    %add3A_1444 = arith.addi %mul3A_1443, %get3A_1428 : vector<16xi32>
    %jit3A_1445 = arith.constant 0 : i32
    %broadcast_in_dim3A_1446 = vector.broadcast %jit3A_1445 : i32 to vector<16xi32>
    %select_n3A_1447 = arith.select %and3A_1438, %add3A_1444, %broadcast_in_dim3A_1446 : vector<16xi1>, vector<16xi32>
    %swap3A_1448 = arith.constant 0 : i32
    %swap3A_1449 = arith.constant 3 : i32
    %swap3A_1450 = arith.index_cast %swap3A_1448 : i32 to index
    %swap3A_1451 = arith.index_cast %swap3A_1449 : i32 to index
    %swap3A_1452 = arith.constant 80 : index
    %swap3A_1453 = tpu.vector_load %arg10[%swap3A_1450, %swap3A_1451, %swap3A_1452] {strides = array<i32>} : memref<1x8x128xi32, #tpu.memory_space<vmem>>, vector<1x1x16xi32>,
    %swap3A_1454 = vector.shape_cast %swap3A_1453 : vector<1x1x16xi32> to vector<16xi32>
    %swap3A_1455 = vector.shape_cast %select_n3A_1447 : vector<16xi32> to vector<1x1x16xi32>
    tpu.vector_store %arg10[%swap3A_1450, %swap3A_1451, %swap3A_1452], %swap3A_1455 {strides = array<i32>} : memref<1x8x128xi32, #tpu.memory_space<vmem>>, vector<1x1x16xi32>,
    %jit3A_1456 = arith.constant 0.000000e+00 : f32
    %broadcast_in_dim3A_1457 = vector.broadcast %jit3A_1456 : f32 to vector<16xf32>
    %select_n3A_1458 = arith.select %and3A_1438, %get3A_1433, %broadcast_in_dim3A_1457 : vector<16xi1>, vector<16xf32>
    %swap3A_1459 = arith.constant 0 : i32
    %swap3A_1460 = arith.constant 3 : i32
    %swap3A_1461 = arith.index_cast %swap3A_1459 : i32 to index
    %swap3A_1462 = arith.index_cast %swap3A_1460 : i32 to index
    %swap3A_1463 = arith.constant 80 : index
    %swap3A_1464 = tpu.vector_load %arg11[%swap3A_1461, %swap3A_1462, %swap3A_1463] {strides = array<i32>} : memref<1x8x128xf32, #tpu.memory_space<vmem>>, vector<1x1x16xf32>,
    %swap3A_1465 = vector.shape_cast %swap3A_1464 : vector<1x1x16xf32> to vector<16xf32>
    %swap3A_1466 = vector.shape_cast %select_n3A_1458 : vector<16xf32> to vector<1x1x16xf32>
    tpu.vector_store %arg11[%swap3A_1461, %swap3A_1462, %swap3A_1463], %swap3A_1466 {strides = array<i32>} : memref<1x8x128xf32, #tpu.memory_space<vmem>>, vector<1x1x16xf32>,
    %get3A_1467 = arith.constant 0 : i32
    %get3A_1468 = arith.index_cast %get3A_1467 : i32 to index
    %get3A_1469 = arith.constant 480 : index
    %get3A_1470 = tpu.vector_load %arg7[%get3A_1468, %get3A_1469] {strides = array<i32>} : memref<1x1024xi32, #tpu.memory_space<vmem>>, vector<1x16xi32>,
    %get3A_1471 = vector.shape_cast %get3A_1470 : vector<1x16xi32> to vector<16xi32>
    %get3A_1472 = arith.constant 0 : i32
    %get3A_1473 = arith.index_cast %get3A_1472 : i32 to index
    %get3A_1474 = arith.constant 480 : index
    %get3A_1475 = tpu.vector_load %arg8[%get3A_1473, %get3A_1474] {strides = array<i32>} : memref<1x1024xi32, #tpu.memory_space<vmem>>, vector<1x16xi32>,
    %get3A_1476 = vector.shape_cast %get3A_1475 : vector<1x16xi32> to vector<16xi32>
    %get3A_1477 = arith.constant 0 : i32
    %get3A_1478 = arith.index_cast %get3A_1477 : i32 to index
    %get3A_1479 = arith.constant 480 : index
    %get3A_1480 = tpu.vector_load %arg9[%get3A_1478, %get3A_1479] {strides = array<i32>} : memref<1x1024xf32, #tpu.memory_space<vmem>>, vector<1x16xf32>,
    %get3A_1481 = vector.shape_cast %get3A_1480 : vector<1x16xf32> to vector<16xf32>
    %ge3A_1482 = vector.broadcast %mul3A_0 : i32 to vector<16xi32>
    %ge3A_1483 = arith.cmpi sge, %get3A_1471, %ge3A_1482 : vector<16xi32>
    %lt3A_1484 = vector.broadcast %add3A_1 : i32 to vector<16xi32>
    %lt3A_1485 = arith.cmpi slt, %get3A_1471, %lt3A_1484 : vector<16xi32>
    %and3A_1486 = arith.andi %ge3A_1483, %lt3A_1485 : vector<16xi1>
    %sub3A_1487 = vector.broadcast %mul3A_0 : i32 to vector<16xi32>
    %sub3A_1488 = arith.subi %get3A_1471, %sub3A_1487 : vector<16xi32>
    %mul3A_1489 = arith.constant 1024 : i32
    %mul3A_1490 = vector.broadcast %mul3A_1489 : i32 to vector<16xi32>
    %mul3A_1491 = arith.muli %sub3A_1488, %mul3A_1490 : vector<16xi32>
    %add3A_1492 = arith.addi %mul3A_1491, %get3A_1476 : vector<16xi32>
    %jit3A_1493 = arith.constant 0 : i32
    %broadcast_in_dim3A_1494 = vector.broadcast %jit3A_1493 : i32 to vector<16xi32>
    %select_n3A_1495 = arith.select %and3A_1486, %add3A_1492, %broadcast_in_dim3A_1494 : vector<16xi1>, vector<16xi32>
    %swap3A_1496 = arith.constant 0 : i32
    %swap3A_1497 = arith.constant 3 : i32
    %swap3A_1498 = arith.index_cast %swap3A_1496 : i32 to index
    %swap3A_1499 = arith.index_cast %swap3A_1497 : i32 to index
    %swap3A_1500 = arith.constant 96 : index
    %swap3A_1501 = tpu.vector_load %arg10[%swap3A_1498, %swap3A_1499, %swap3A_1500] {strides = array<i32>} : memref<1x8x128xi32, #tpu.memory_space<vmem>>, vector<1x1x16xi32>,
    %swap3A_1502 = vector.shape_cast %swap3A_1501 : vector<1x1x16xi32> to vector<16xi32>
    %swap3A_1503 = vector.shape_cast %select_n3A_1495 : vector<16xi32> to vector<1x1x16xi32>
    tpu.vector_store %arg10[%swap3A_1498, %swap3A_1499, %swap3A_1500], %swap3A_1503 {strides = array<i32>} : memref<1x8x128xi32, #tpu.memory_space<vmem>>, vector<1x1x16xi32>,
    %jit3A_1504 = arith.constant 0.000000e+00 : f32
    %broadcast_in_dim3A_1505 = vector.broadcast %jit3A_1504 : f32 to vector<16xf32>
    %select_n3A_1506 = arith.select %and3A_1486, %get3A_1481, %broadcast_in_dim3A_1505 : vector<16xi1>, vector<16xf32>
    %swap3A_1507 = arith.constant 0 : i32
    %swap3A_1508 = arith.constant 3 : i32
    %swap3A_1509 = arith.index_cast %swap3A_1507 : i32 to index
    %swap3A_1510 = arith.index_cast %swap3A_1508 : i32 to index
    %swap3A_1511 = arith.constant 96 : index
    %swap3A_1512 = tpu.vector_load %arg11[%swap3A_1509, %swap3A_1510, %swap3A_1511] {strides = array<i32>} : memref<1x8x128xf32, #tpu.memory_space<vmem>>, vector<1x1x16xf32>,
    %swap3A_1513 = vector.shape_cast %swap3A_1512 : vector<1x1x16xf32> to vector<16xf32>
    %swap3A_1514 = vector.shape_cast %select_n3A_1506 : vector<16xf32> to vector<1x1x16xf32>
    tpu.vector_store %arg11[%swap3A_1509, %swap3A_1510, %swap3A_1511], %swap3A_1514 {strides = array<i32>} : memref<1x8x128xf32, #tpu.memory_space<vmem>>, vector<1x1x16xf32>,
    %get3A_1515 = arith.constant 0 : i32
    %get3A_1516 = arith.index_cast %get3A_1515 : i32 to index
    %get3A_1517 = arith.constant 496 : index
    %get3A_1518 = tpu.vector_load %arg7[%get3A_1516, %get3A_1517] {strides = array<i32>} : memref<1x1024xi32, #tpu.memory_space<vmem>>, vector<1x16xi32>,
    %get3A_1519 = vector.shape_cast %get3A_1518 : vector<1x16xi32> to vector<16xi32>
    %get3A_1520 = arith.constant 0 : i32
    %get3A_1521 = arith.index_cast %get3A_1520 : i32 to index
    %get3A_1522 = arith.constant 496 : index
    %get3A_1523 = tpu.vector_load %arg8[%get3A_1521, %get3A_1522] {strides = array<i32>} : memref<1x1024xi32, #tpu.memory_space<vmem>>, vector<1x16xi32>,
    %get3A_1524 = vector.shape_cast %get3A_1523 : vector<1x16xi32> to vector<16xi32>
    %get3A_1525 = arith.constant 0 : i32
    %get3A_1526 = arith.index_cast %get3A_1525 : i32 to index
    %get3A_1527 = arith.constant 496 : index
    %get3A_1528 = tpu.vector_load %arg9[%get3A_1526, %get3A_1527] {strides = array<i32>} : memref<1x1024xf32, #tpu.memory_space<vmem>>, vector<1x16xf32>,
    %get3A_1529 = vector.shape_cast %get3A_1528 : vector<1x16xf32> to vector<16xf32>
    %ge3A_1530 = vector.broadcast %mul3A_0 : i32 to vector<16xi32>
    %ge3A_1531 = arith.cmpi sge, %get3A_1519, %ge3A_1530 : vector<16xi32>
    %lt3A_1532 = vector.broadcast %add3A_1 : i32 to vector<16xi32>
    %lt3A_1533 = arith.cmpi slt, %get3A_1519, %lt3A_1532 : vector<16xi32>
    %and3A_1534 = arith.andi %ge3A_1531, %lt3A_1533 : vector<16xi1>
    %sub3A_1535 = vector.broadcast %mul3A_0 : i32 to vector<16xi32>
    %sub3A_1536 = arith.subi %get3A_1519, %sub3A_1535 : vector<16xi32>
    %mul3A_1537 = arith.constant 1024 : i32
    %mul3A_1538 = vector.broadcast %mul3A_1537 : i32 to vector<16xi32>
    %mul3A_1539 = arith.muli %sub3A_1536, %mul3A_1538 : vector<16xi32>
    %add3A_1540 = arith.addi %mul3A_1539, %get3A_1524 : vector<16xi32>
    %jit3A_1541 = arith.constant 0 : i32
    %broadcast_in_dim3A_1542 = vector.broadcast %jit3A_1541 : i32 to vector<16xi32>
    %select_n3A_1543 = arith.select %and3A_1534, %add3A_1540, %broadcast_in_dim3A_1542 : vector<16xi1>, vector<16xi32>
    %swap3A_1544 = arith.constant 0 : i32
    %swap3A_1545 = arith.constant 3 : i32
    %swap3A_1546 = arith.index_cast %swap3A_1544 : i32 to index
    %swap3A_1547 = arith.index_cast %swap3A_1545 : i32 to index
    %swap3A_1548 = arith.constant 112 : index
    %swap3A_1549 = tpu.vector_load %arg10[%swap3A_1546, %swap3A_1547, %swap3A_1548] {strides = array<i32>} : memref<1x8x128xi32, #tpu.memory_space<vmem>>, vector<1x1x16xi32>,
    %swap3A_1550 = vector.shape_cast %swap3A_1549 : vector<1x1x16xi32> to vector<16xi32>
    %swap3A_1551 = vector.shape_cast %select_n3A_1543 : vector<16xi32> to vector<1x1x16xi32>
    tpu.vector_store %arg10[%swap3A_1546, %swap3A_1547, %swap3A_1548], %swap3A_1551 {strides = array<i32>} : memref<1x8x128xi32, #tpu.memory_space<vmem>>, vector<1x1x16xi32>,
    %jit3A_1552 = arith.constant 0.000000e+00 : f32
    %broadcast_in_dim3A_1553 = vector.broadcast %jit3A_1552 : f32 to vector<16xf32>
    %select_n3A_1554 = arith.select %and3A_1534, %get3A_1529, %broadcast_in_dim3A_1553 : vector<16xi1>, vector<16xf32>
    %swap3A_1555 = arith.constant 0 : i32
    %swap3A_1556 = arith.constant 3 : i32
    %swap3A_1557 = arith.index_cast %swap3A_1555 : i32 to index
    %swap3A_1558 = arith.index_cast %swap3A_1556 : i32 to index
    %swap3A_1559 = arith.constant 112 : index
    %swap3A_1560 = tpu.vector_load %arg11[%swap3A_1557, %swap3A_1558, %swap3A_1559] {strides = array<i32>} : memref<1x8x128xf32, #tpu.memory_space<vmem>>, vector<1x1x16xf32>,
    %swap3A_1561 = vector.shape_cast %swap3A_1560 : vector<1x1x16xf32> to vector<16xf32>
    %swap3A_1562 = vector.shape_cast %select_n3A_1554 : vector<16xf32> to vector<1x1x16xf32>
    tpu.vector_store %arg11[%swap3A_1557, %swap3A_1558, %swap3A_1559], %swap3A_1562 {strides = array<i32>} : memref<1x8x128xf32, #tpu.memory_space<vmem>>, vector<1x1x16xf32>,
    %get3A_1563 = arith.constant 0 : i32
    %get3A_1564 = arith.index_cast %get3A_1563 : i32 to index
    %get3A_1565 = arith.constant 512 : index
    %get3A_1566 = tpu.vector_load %arg7[%get3A_1564, %get3A_1565] {strides = array<i32>} : memref<1x1024xi32, #tpu.memory_space<vmem>>, vector<1x16xi32>,
    %get3A_1567 = vector.shape_cast %get3A_1566 : vector<1x16xi32> to vector<16xi32>
    %get3A_1568 = arith.constant 0 : i32
    %get3A_1569 = arith.index_cast %get3A_1568 : i32 to index
    %get3A_1570 = arith.constant 512 : index
    %get3A_1571 = tpu.vector_load %arg8[%get3A_1569, %get3A_1570] {strides = array<i32>} : memref<1x1024xi32, #tpu.memory_space<vmem>>, vector<1x16xi32>,
    %get3A_1572 = vector.shape_cast %get3A_1571 : vector<1x16xi32> to vector<16xi32>
    %get3A_1573 = arith.constant 0 : i32
    %get3A_1574 = arith.index_cast %get3A_1573 : i32 to index
    %get3A_1575 = arith.constant 512 : index
    %get3A_1576 = tpu.vector_load %arg9[%get3A_1574, %get3A_1575] {strides = array<i32>} : memref<1x1024xf32, #tpu.memory_space<vmem>>, vector<1x16xf32>,
    %get3A_1577 = vector.shape_cast %get3A_1576 : vector<1x16xf32> to vector<16xf32>
    %ge3A_1578 = vector.broadcast %mul3A_0 : i32 to vector<16xi32>
    %ge3A_1579 = arith.cmpi sge, %get3A_1567, %ge3A_1578 : vector<16xi32>
    %lt3A_1580 = vector.broadcast %add3A_1 : i32 to vector<16xi32>
    %lt3A_1581 = arith.cmpi slt, %get3A_1567, %lt3A_1580 : vector<16xi32>
    %and3A_1582 = arith.andi %ge3A_1579, %lt3A_1581 : vector<16xi1>
    %sub3A_1583 = vector.broadcast %mul3A_0 : i32 to vector<16xi32>
    %sub3A_1584 = arith.subi %get3A_1567, %sub3A_1583 : vector<16xi32>
    %mul3A_1585 = arith.constant 1024 : i32
    %mul3A_1586 = vector.broadcast %mul3A_1585 : i32 to vector<16xi32>
    %mul3A_1587 = arith.muli %sub3A_1584, %mul3A_1586 : vector<16xi32>
    %add3A_1588 = arith.addi %mul3A_1587, %get3A_1572 : vector<16xi32>
    %jit3A_1589 = arith.constant 0 : i32
    %broadcast_in_dim3A_1590 = vector.broadcast %jit3A_1589 : i32 to vector<16xi32>
    %select_n3A_1591 = arith.select %and3A_1582, %add3A_1588, %broadcast_in_dim3A_1590 : vector<16xi1>, vector<16xi32>
    %swap3A_1592 = arith.constant 0 : i32
    %swap3A_1593 = arith.constant 4 : i32
    %swap3A_1594 = arith.index_cast %swap3A_1592 : i32 to index
    %swap3A_1595 = arith.index_cast %swap3A_1593 : i32 to index
    %swap3A_1596 = arith.constant 0 : index
    %swap3A_1597 = tpu.vector_load %arg10[%swap3A_1594, %swap3A_1595, %swap3A_1596] {strides = array<i32>} : memref<1x8x128xi32, #tpu.memory_space<vmem>>, vector<1x1x16xi32>,
    %swap3A_1598 = vector.shape_cast %swap3A_1597 : vector<1x1x16xi32> to vector<16xi32>
    %swap3A_1599 = vector.shape_cast %select_n3A_1591 : vector<16xi32> to vector<1x1x16xi32>
    tpu.vector_store %arg10[%swap3A_1594, %swap3A_1595, %swap3A_1596], %swap3A_1599 {strides = array<i32>} : memref<1x8x128xi32, #tpu.memory_space<vmem>>, vector<1x1x16xi32>,
    %jit3A_1600 = arith.constant 0.000000e+00 : f32
    %broadcast_in_dim3A_1601 = vector.broadcast %jit3A_1600 : f32 to vector<16xf32>
    %select_n3A_1602 = arith.select %and3A_1582, %get3A_1577, %broadcast_in_dim3A_1601 : vector<16xi1>, vector<16xf32>
    %swap3A_1603 = arith.constant 0 : i32
    %swap3A_1604 = arith.constant 4 : i32
    %swap3A_1605 = arith.index_cast %swap3A_1603 : i32 to index
    %swap3A_1606 = arith.index_cast %swap3A_1604 : i32 to index
    %swap3A_1607 = arith.constant 0 : index
    %swap3A_1608 = tpu.vector_load %arg11[%swap3A_1605, %swap3A_1606, %swap3A_1607] {strides = array<i32>} : memref<1x8x128xf32, #tpu.memory_space<vmem>>, vector<1x1x16xf32>,
    %swap3A_1609 = vector.shape_cast %swap3A_1608 : vector<1x1x16xf32> to vector<16xf32>
    %swap3A_1610 = vector.shape_cast %select_n3A_1602 : vector<16xf32> to vector<1x1x16xf32>
    tpu.vector_store %arg11[%swap3A_1605, %swap3A_1606, %swap3A_1607], %swap3A_1610 {strides = array<i32>} : memref<1x8x128xf32, #tpu.memory_space<vmem>>, vector<1x1x16xf32>,
    %get3A_1611 = arith.constant 0 : i32
    %get3A_1612 = arith.index_cast %get3A_1611 : i32 to index
    %get3A_1613 = arith.constant 528 : index
    %get3A_1614 = tpu.vector_load %arg7[%get3A_1612, %get3A_1613] {strides = array<i32>} : memref<1x1024xi32, #tpu.memory_space<vmem>>, vector<1x16xi32>,
    %get3A_1615 = vector.shape_cast %get3A_1614 : vector<1x16xi32> to vector<16xi32>
    %get3A_1616 = arith.constant 0 : i32
    %get3A_1617 = arith.index_cast %get3A_1616 : i32 to index
    %get3A_1618 = arith.constant 528 : index
    %get3A_1619 = tpu.vector_load %arg8[%get3A_1617, %get3A_1618] {strides = array<i32>} : memref<1x1024xi32, #tpu.memory_space<vmem>>, vector<1x16xi32>,
    %get3A_1620 = vector.shape_cast %get3A_1619 : vector<1x16xi32> to vector<16xi32>
    %get3A_1621 = arith.constant 0 : i32
    %get3A_1622 = arith.index_cast %get3A_1621 : i32 to index
    %get3A_1623 = arith.constant 528 : index
    %get3A_1624 = tpu.vector_load %arg9[%get3A_1622, %get3A_1623] {strides = array<i32>} : memref<1x1024xf32, #tpu.memory_space<vmem>>, vector<1x16xf32>,
    %get3A_1625 = vector.shape_cast %get3A_1624 : vector<1x16xf32> to vector<16xf32>
    %ge3A_1626 = vector.broadcast %mul3A_0 : i32 to vector<16xi32>
    %ge3A_1627 = arith.cmpi sge, %get3A_1615, %ge3A_1626 : vector<16xi32>
    %lt3A_1628 = vector.broadcast %add3A_1 : i32 to vector<16xi32>
    %lt3A_1629 = arith.cmpi slt, %get3A_1615, %lt3A_1628 : vector<16xi32>
    %and3A_1630 = arith.andi %ge3A_1627, %lt3A_1629 : vector<16xi1>
    %sub3A_1631 = vector.broadcast %mul3A_0 : i32 to vector<16xi32>
    %sub3A_1632 = arith.subi %get3A_1615, %sub3A_1631 : vector<16xi32>
    %mul3A_1633 = arith.constant 1024 : i32
    %mul3A_1634 = vector.broadcast %mul3A_1633 : i32 to vector<16xi32>
    %mul3A_1635 = arith.muli %sub3A_1632, %mul3A_1634 : vector<16xi32>
    %add3A_1636 = arith.addi %mul3A_1635, %get3A_1620 : vector<16xi32>
    %jit3A_1637 = arith.constant 0 : i32
    %broadcast_in_dim3A_1638 = vector.broadcast %jit3A_1637 : i32 to vector<16xi32>
    %select_n3A_1639 = arith.select %and3A_1630, %add3A_1636, %broadcast_in_dim3A_1638 : vector<16xi1>, vector<16xi32>
    %swap3A_1640 = arith.constant 0 : i32
    %swap3A_1641 = arith.constant 4 : i32
    %swap3A_1642 = arith.index_cast %swap3A_1640 : i32 to index
    %swap3A_1643 = arith.index_cast %swap3A_1641 : i32 to index
    %swap3A_1644 = arith.constant 16 : index
    %swap3A_1645 = tpu.vector_load %arg10[%swap3A_1642, %swap3A_1643, %swap3A_1644] {strides = array<i32>} : memref<1x8x128xi32, #tpu.memory_space<vmem>>, vector<1x1x16xi32>,
    %swap3A_1646 = vector.shape_cast %swap3A_1645 : vector<1x1x16xi32> to vector<16xi32>
    %swap3A_1647 = vector.shape_cast %select_n3A_1639 : vector<16xi32> to vector<1x1x16xi32>
    tpu.vector_store %arg10[%swap3A_1642, %swap3A_1643, %swap3A_1644], %swap3A_1647 {strides = array<i32>} : memref<1x8x128xi32, #tpu.memory_space<vmem>>, vector<1x1x16xi32>,
    %jit3A_1648 = arith.constant 0.000000e+00 : f32
    %broadcast_in_dim3A_1649 = vector.broadcast %jit3A_1648 : f32 to vector<16xf32>
    %select_n3A_1650 = arith.select %and3A_1630, %get3A_1625, %broadcast_in_dim3A_1649 : vector<16xi1>, vector<16xf32>
    %swap3A_1651 = arith.constant 0 : i32
    %swap3A_1652 = arith.constant 4 : i32
    %swap3A_1653 = arith.index_cast %swap3A_1651 : i32 to index
    %swap3A_1654 = arith.index_cast %swap3A_1652 : i32 to index
    %swap3A_1655 = arith.constant 16 : index
    %swap3A_1656 = tpu.vector_load %arg11[%swap3A_1653, %swap3A_1654, %swap3A_1655] {strides = array<i32>} : memref<1x8x128xf32, #tpu.memory_space<vmem>>, vector<1x1x16xf32>,
    %swap3A_1657 = vector.shape_cast %swap3A_1656 : vector<1x1x16xf32> to vector<16xf32>
    %swap3A_1658 = vector.shape_cast %select_n3A_1650 : vector<16xf32> to vector<1x1x16xf32>
    tpu.vector_store %arg11[%swap3A_1653, %swap3A_1654, %swap3A_1655], %swap3A_1658 {strides = array<i32>} : memref<1x8x128xf32, #tpu.memory_space<vmem>>, vector<1x1x16xf32>,
    %get3A_1659 = arith.constant 0 : i32
    %get3A_1660 = arith.index_cast %get3A_1659 : i32 to index
    %get3A_1661 = arith.constant 544 : index
    %get3A_1662 = tpu.vector_load %arg7[%get3A_1660, %get3A_1661] {strides = array<i32>} : memref<1x1024xi32, #tpu.memory_space<vmem>>, vector<1x16xi32>,
    %get3A_1663 = vector.shape_cast %get3A_1662 : vector<1x16xi32> to vector<16xi32>
    %get3A_1664 = arith.constant 0 : i32
    %get3A_1665 = arith.index_cast %get3A_1664 : i32 to index
    %get3A_1666 = arith.constant 544 : index
    %get3A_1667 = tpu.vector_load %arg8[%get3A_1665, %get3A_1666] {strides = array<i32>} : memref<1x1024xi32, #tpu.memory_space<vmem>>, vector<1x16xi32>,
    %get3A_1668 = vector.shape_cast %get3A_1667 : vector<1x16xi32> to vector<16xi32>
    %get3A_1669 = arith.constant 0 : i32
    %get3A_1670 = arith.index_cast %get3A_1669 : i32 to index
    %get3A_1671 = arith.constant 544 : index
    %get3A_1672 = tpu.vector_load %arg9[%get3A_1670, %get3A_1671] {strides = array<i32>} : memref<1x1024xf32, #tpu.memory_space<vmem>>, vector<1x16xf32>,
    %get3A_1673 = vector.shape_cast %get3A_1672 : vector<1x16xf32> to vector<16xf32>
    %ge3A_1674 = vector.broadcast %mul3A_0 : i32 to vector<16xi32>
    %ge3A_1675 = arith.cmpi sge, %get3A_1663, %ge3A_1674 : vector<16xi32>
    %lt3A_1676 = vector.broadcast %add3A_1 : i32 to vector<16xi32>
    %lt3A_1677 = arith.cmpi slt, %get3A_1663, %lt3A_1676 : vector<16xi32>
    %and3A_1678 = arith.andi %ge3A_1675, %lt3A_1677 : vector<16xi1>
    %sub3A_1679 = vector.broadcast %mul3A_0 : i32 to vector<16xi32>
    %sub3A_1680 = arith.subi %get3A_1663, %sub3A_1679 : vector<16xi32>
    %mul3A_1681 = arith.constant 1024 : i32
    %mul3A_1682 = vector.broadcast %mul3A_1681 : i32 to vector<16xi32>
    %mul3A_1683 = arith.muli %sub3A_1680, %mul3A_1682 : vector<16xi32>
    %add3A_1684 = arith.addi %mul3A_1683, %get3A_1668 : vector<16xi32>
    %jit3A_1685 = arith.constant 0 : i32
    %broadcast_in_dim3A_1686 = vector.broadcast %jit3A_1685 : i32 to vector<16xi32>
    %select_n3A_1687 = arith.select %and3A_1678, %add3A_1684, %broadcast_in_dim3A_1686 : vector<16xi1>, vector<16xi32>
    %swap3A_1688 = arith.constant 0 : i32
    %swap3A_1689 = arith.constant 4 : i32
    %swap3A_1690 = arith.index_cast %swap3A_1688 : i32 to index
    %swap3A_1691 = arith.index_cast %swap3A_1689 : i32 to index
    %swap3A_1692 = arith.constant 32 : index
    %swap3A_1693 = tpu.vector_load %arg10[%swap3A_1690, %swap3A_1691, %swap3A_1692] {strides = array<i32>} : memref<1x8x128xi32, #tpu.memory_space<vmem>>, vector<1x1x16xi32>,
    %swap3A_1694 = vector.shape_cast %swap3A_1693 : vector<1x1x16xi32> to vector<16xi32>
    %swap3A_1695 = vector.shape_cast %select_n3A_1687 : vector<16xi32> to vector<1x1x16xi32>
    tpu.vector_store %arg10[%swap3A_1690, %swap3A_1691, %swap3A_1692], %swap3A_1695 {strides = array<i32>} : memref<1x8x128xi32, #tpu.memory_space<vmem>>, vector<1x1x16xi32>,
    %jit3A_1696 = arith.constant 0.000000e+00 : f32
    %broadcast_in_dim3A_1697 = vector.broadcast %jit3A_1696 : f32 to vector<16xf32>
    %select_n3A_1698 = arith.select %and3A_1678, %get3A_1673, %broadcast_in_dim3A_1697 : vector<16xi1>, vector<16xf32>
    %swap3A_1699 = arith.constant 0 : i32
    %swap3A_1700 = arith.constant 4 : i32
    %swap3A_1701 = arith.index_cast %swap3A_1699 : i32 to index
    %swap3A_1702 = arith.index_cast %swap3A_1700 : i32 to index
    %swap3A_1703 = arith.constant 32 : index
    %swap3A_1704 = tpu.vector_load %arg11[%swap3A_1701, %swap3A_1702, %swap3A_1703] {strides = array<i32>} : memref<1x8x128xf32, #tpu.memory_space<vmem>>, vector<1x1x16xf32>,
    %swap3A_1705 = vector.shape_cast %swap3A_1704 : vector<1x1x16xf32> to vector<16xf32>
    %swap3A_1706 = vector.shape_cast %select_n3A_1698 : vector<16xf32> to vector<1x1x16xf32>
    tpu.vector_store %arg11[%swap3A_1701, %swap3A_1702, %swap3A_1703], %swap3A_1706 {strides = array<i32>} : memref<1x8x128xf32, #tpu.memory_space<vmem>>, vector<1x1x16xf32>,
    %get3A_1707 = arith.constant 0 : i32
    %get3A_1708 = arith.index_cast %get3A_1707 : i32 to index
    %get3A_1709 = arith.constant 560 : index
    %get3A_1710 = tpu.vector_load %arg7[%get3A_1708, %get3A_1709] {strides = array<i32>} : memref<1x1024xi32, #tpu.memory_space<vmem>>, vector<1x16xi32>,
    %get3A_1711 = vector.shape_cast %get3A_1710 : vector<1x16xi32> to vector<16xi32>
    %get3A_1712 = arith.constant 0 : i32
    %get3A_1713 = arith.index_cast %get3A_1712 : i32 to index
    %get3A_1714 = arith.constant 560 : index
    %get3A_1715 = tpu.vector_load %arg8[%get3A_1713, %get3A_1714] {strides = array<i32>} : memref<1x1024xi32, #tpu.memory_space<vmem>>, vector<1x16xi32>,
    %get3A_1716 = vector.shape_cast %get3A_1715 : vector<1x16xi32> to vector<16xi32>
    %get3A_1717 = arith.constant 0 : i32
    %get3A_1718 = arith.index_cast %get3A_1717 : i32 to index
    %get3A_1719 = arith.constant 560 : index
    %get3A_1720 = tpu.vector_load %arg9[%get3A_1718, %get3A_1719] {strides = array<i32>} : memref<1x1024xf32, #tpu.memory_space<vmem>>, vector<1x16xf32>,
    %get3A_1721 = vector.shape_cast %get3A_1720 : vector<1x16xf32> to vector<16xf32>
    %ge3A_1722 = vector.broadcast %mul3A_0 : i32 to vector<16xi32>
    %ge3A_1723 = arith.cmpi sge, %get3A_1711, %ge3A_1722 : vector<16xi32>
    %lt3A_1724 = vector.broadcast %add3A_1 : i32 to vector<16xi32>
    %lt3A_1725 = arith.cmpi slt, %get3A_1711, %lt3A_1724 : vector<16xi32>
    %and3A_1726 = arith.andi %ge3A_1723, %lt3A_1725 : vector<16xi1>
    %sub3A_1727 = vector.broadcast %mul3A_0 : i32 to vector<16xi32>
    %sub3A_1728 = arith.subi %get3A_1711, %sub3A_1727 : vector<16xi32>
    %mul3A_1729 = arith.constant 1024 : i32
    %mul3A_1730 = vector.broadcast %mul3A_1729 : i32 to vector<16xi32>
    %mul3A_1731 = arith.muli %sub3A_1728, %mul3A_1730 : vector<16xi32>
    %add3A_1732 = arith.addi %mul3A_1731, %get3A_1716 : vector<16xi32>
    %jit3A_1733 = arith.constant 0 : i32
    %broadcast_in_dim3A_1734 = vector.broadcast %jit3A_1733 : i32 to vector<16xi32>
    %select_n3A_1735 = arith.select %and3A_1726, %add3A_1732, %broadcast_in_dim3A_1734 : vector<16xi1>, vector<16xi32>
    %swap3A_1736 = arith.constant 0 : i32
    %swap3A_1737 = arith.constant 4 : i32
    %swap3A_1738 = arith.index_cast %swap3A_1736 : i32 to index
    %swap3A_1739 = arith.index_cast %swap3A_1737 : i32 to index
    %swap3A_1740 = arith.constant 48 : index
    %swap3A_1741 = tpu.vector_load %arg10[%swap3A_1738, %swap3A_1739, %swap3A_1740] {strides = array<i32>} : memref<1x8x128xi32, #tpu.memory_space<vmem>>, vector<1x1x16xi32>,
    %swap3A_1742 = vector.shape_cast %swap3A_1741 : vector<1x1x16xi32> to vector<16xi32>
    %swap3A_1743 = vector.shape_cast %select_n3A_1735 : vector<16xi32> to vector<1x1x16xi32>
    tpu.vector_store %arg10[%swap3A_1738, %swap3A_1739, %swap3A_1740], %swap3A_1743 {strides = array<i32>} : memref<1x8x128xi32, #tpu.memory_space<vmem>>, vector<1x1x16xi32>,
    %jit3A_1744 = arith.constant 0.000000e+00 : f32
    %broadcast_in_dim3A_1745 = vector.broadcast %jit3A_1744 : f32 to vector<16xf32>
    %select_n3A_1746 = arith.select %and3A_1726, %get3A_1721, %broadcast_in_dim3A_1745 : vector<16xi1>, vector<16xf32>
    %swap3A_1747 = arith.constant 0 : i32
    %swap3A_1748 = arith.constant 4 : i32
    %swap3A_1749 = arith.index_cast %swap3A_1747 : i32 to index
    %swap3A_1750 = arith.index_cast %swap3A_1748 : i32 to index
    %swap3A_1751 = arith.constant 48 : index
    %swap3A_1752 = tpu.vector_load %arg11[%swap3A_1749, %swap3A_1750, %swap3A_1751] {strides = array<i32>} : memref<1x8x128xf32, #tpu.memory_space<vmem>>, vector<1x1x16xf32>,
    %swap3A_1753 = vector.shape_cast %swap3A_1752 : vector<1x1x16xf32> to vector<16xf32>
    %swap3A_1754 = vector.shape_cast %select_n3A_1746 : vector<16xf32> to vector<1x1x16xf32>
    tpu.vector_store %arg11[%swap3A_1749, %swap3A_1750, %swap3A_1751], %swap3A_1754 {strides = array<i32>} : memref<1x8x128xf32, #tpu.memory_space<vmem>>, vector<1x1x16xf32>,
    %get3A_1755 = arith.constant 0 : i32
    %get3A_1756 = arith.index_cast %get3A_1755 : i32 to index
    %get3A_1757 = arith.constant 576 : index
    %get3A_1758 = tpu.vector_load %arg7[%get3A_1756, %get3A_1757] {strides = array<i32>} : memref<1x1024xi32, #tpu.memory_space<vmem>>, vector<1x16xi32>,
    %get3A_1759 = vector.shape_cast %get3A_1758 : vector<1x16xi32> to vector<16xi32>
    %get3A_1760 = arith.constant 0 : i32
    %get3A_1761 = arith.index_cast %get3A_1760 : i32 to index
    %get3A_1762 = arith.constant 576 : index
    %get3A_1763 = tpu.vector_load %arg8[%get3A_1761, %get3A_1762] {strides = array<i32>} : memref<1x1024xi32, #tpu.memory_space<vmem>>, vector<1x16xi32>,
    %get3A_1764 = vector.shape_cast %get3A_1763 : vector<1x16xi32> to vector<16xi32>
    %get3A_1765 = arith.constant 0 : i32
    %get3A_1766 = arith.index_cast %get3A_1765 : i32 to index
    %get3A_1767 = arith.constant 576 : index
    %get3A_1768 = tpu.vector_load %arg9[%get3A_1766, %get3A_1767] {strides = array<i32>} : memref<1x1024xf32, #tpu.memory_space<vmem>>, vector<1x16xf32>,
    %get3A_1769 = vector.shape_cast %get3A_1768 : vector<1x16xf32> to vector<16xf32>
    %ge3A_1770 = vector.broadcast %mul3A_0 : i32 to vector<16xi32>
    %ge3A_1771 = arith.cmpi sge, %get3A_1759, %ge3A_1770 : vector<16xi32>
    %lt3A_1772 = vector.broadcast %add3A_1 : i32 to vector<16xi32>
    %lt3A_1773 = arith.cmpi slt, %get3A_1759, %lt3A_1772 : vector<16xi32>
    %and3A_1774 = arith.andi %ge3A_1771, %lt3A_1773 : vector<16xi1>
    %sub3A_1775 = vector.broadcast %mul3A_0 : i32 to vector<16xi32>
    %sub3A_1776 = arith.subi %get3A_1759, %sub3A_1775 : vector<16xi32>
    %mul3A_1777 = arith.constant 1024 : i32
    %mul3A_1778 = vector.broadcast %mul3A_1777 : i32 to vector<16xi32>
    %mul3A_1779 = arith.muli %sub3A_1776, %mul3A_1778 : vector<16xi32>
    %add3A_1780 = arith.addi %mul3A_1779, %get3A_1764 : vector<16xi32>
    %jit3A_1781 = arith.constant 0 : i32
    %broadcast_in_dim3A_1782 = vector.broadcast %jit3A_1781 : i32 to vector<16xi32>
    %select_n3A_1783 = arith.select %and3A_1774, %add3A_1780, %broadcast_in_dim3A_1782 : vector<16xi1>, vector<16xi32>
    %swap3A_1784 = arith.constant 0 : i32
    %swap3A_1785 = arith.constant 4 : i32
    %swap3A_1786 = arith.index_cast %swap3A_1784 : i32 to index
    %swap3A_1787 = arith.index_cast %swap3A_1785 : i32 to index
    %swap3A_1788 = arith.constant 64 : index
    %swap3A_1789 = tpu.vector_load %arg10[%swap3A_1786, %swap3A_1787, %swap3A_1788] {strides = array<i32>} : memref<1x8x128xi32, #tpu.memory_space<vmem>>, vector<1x1x16xi32>,
    %swap3A_1790 = vector.shape_cast %swap3A_1789 : vector<1x1x16xi32> to vector<16xi32>
    %swap3A_1791 = vector.shape_cast %select_n3A_1783 : vector<16xi32> to vector<1x1x16xi32>
    tpu.vector_store %arg10[%swap3A_1786, %swap3A_1787, %swap3A_1788], %swap3A_1791 {strides = array<i32>} : memref<1x8x128xi32, #tpu.memory_space<vmem>>, vector<1x1x16xi32>,
    %jit3A_1792 = arith.constant 0.000000e+00 : f32
    %broadcast_in_dim3A_1793 = vector.broadcast %jit3A_1792 : f32 to vector<16xf32>
    %select_n3A_1794 = arith.select %and3A_1774, %get3A_1769, %broadcast_in_dim3A_1793 : vector<16xi1>, vector<16xf32>
    %swap3A_1795 = arith.constant 0 : i32
    %swap3A_1796 = arith.constant 4 : i32
    %swap3A_1797 = arith.index_cast %swap3A_1795 : i32 to index
    %swap3A_1798 = arith.index_cast %swap3A_1796 : i32 to index
    %swap3A_1799 = arith.constant 64 : index
    %swap3A_1800 = tpu.vector_load %arg11[%swap3A_1797, %swap3A_1798, %swap3A_1799] {strides = array<i32>} : memref<1x8x128xf32, #tpu.memory_space<vmem>>, vector<1x1x16xf32>,
    %swap3A_1801 = vector.shape_cast %swap3A_1800 : vector<1x1x16xf32> to vector<16xf32>
    %swap3A_1802 = vector.shape_cast %select_n3A_1794 : vector<16xf32> to vector<1x1x16xf32>
    tpu.vector_store %arg11[%swap3A_1797, %swap3A_1798, %swap3A_1799], %swap3A_1802 {strides = array<i32>} : memref<1x8x128xf32, #tpu.memory_space<vmem>>, vector<1x1x16xf32>,
    %get3A_1803 = arith.constant 0 : i32
    %get3A_1804 = arith.index_cast %get3A_1803 : i32 to index
    %get3A_1805 = arith.constant 592 : index
    %get3A_1806 = tpu.vector_load %arg7[%get3A_1804, %get3A_1805] {strides = array<i32>} : memref<1x1024xi32, #tpu.memory_space<vmem>>, vector<1x16xi32>,
    %get3A_1807 = vector.shape_cast %get3A_1806 : vector<1x16xi32> to vector<16xi32>
    %get3A_1808 = arith.constant 0 : i32
    %get3A_1809 = arith.index_cast %get3A_1808 : i32 to index
    %get3A_1810 = arith.constant 592 : index
    %get3A_1811 = tpu.vector_load %arg8[%get3A_1809, %get3A_1810] {strides = array<i32>} : memref<1x1024xi32, #tpu.memory_space<vmem>>, vector<1x16xi32>,
    %get3A_1812 = vector.shape_cast %get3A_1811 : vector<1x16xi32> to vector<16xi32>
    %get3A_1813 = arith.constant 0 : i32
    %get3A_1814 = arith.index_cast %get3A_1813 : i32 to index
    %get3A_1815 = arith.constant 592 : index
    %get3A_1816 = tpu.vector_load %arg9[%get3A_1814, %get3A_1815] {strides = array<i32>} : memref<1x1024xf32, #tpu.memory_space<vmem>>, vector<1x16xf32>,
    %get3A_1817 = vector.shape_cast %get3A_1816 : vector<1x16xf32> to vector<16xf32>
    %ge3A_1818 = vector.broadcast %mul3A_0 : i32 to vector<16xi32>
    %ge3A_1819 = arith.cmpi sge, %get3A_1807, %ge3A_1818 : vector<16xi32>
    %lt3A_1820 = vector.broadcast %add3A_1 : i32 to vector<16xi32>
    %lt3A_1821 = arith.cmpi slt, %get3A_1807, %lt3A_1820 : vector<16xi32>
    %and3A_1822 = arith.andi %ge3A_1819, %lt3A_1821 : vector<16xi1>
    %sub3A_1823 = vector.broadcast %mul3A_0 : i32 to vector<16xi32>
    %sub3A_1824 = arith.subi %get3A_1807, %sub3A_1823 : vector<16xi32>
    %mul3A_1825 = arith.constant 1024 : i32
    %mul3A_1826 = vector.broadcast %mul3A_1825 : i32 to vector<16xi32>
    %mul3A_1827 = arith.muli %sub3A_1824, %mul3A_1826 : vector<16xi32>
    %add3A_1828 = arith.addi %mul3A_1827, %get3A_1812 : vector<16xi32>
    %jit3A_1829 = arith.constant 0 : i32
    %broadcast_in_dim3A_1830 = vector.broadcast %jit3A_1829 : i32 to vector<16xi32>
    %select_n3A_1831 = arith.select %and3A_1822, %add3A_1828, %broadcast_in_dim3A_1830 : vector<16xi1>, vector<16xi32>
    %swap3A_1832 = arith.constant 0 : i32
    %swap3A_1833 = arith.constant 4 : i32
    %swap3A_1834 = arith.index_cast %swap3A_1832 : i32 to index
    %swap3A_1835 = arith.index_cast %swap3A_1833 : i32 to index
    %swap3A_1836 = arith.constant 80 : index
    %swap3A_1837 = tpu.vector_load %arg10[%swap3A_1834, %swap3A_1835, %swap3A_1836] {strides = array<i32>} : memref<1x8x128xi32, #tpu.memory_space<vmem>>, vector<1x1x16xi32>,
    %swap3A_1838 = vector.shape_cast %swap3A_1837 : vector<1x1x16xi32> to vector<16xi32>
    %swap3A_1839 = vector.shape_cast %select_n3A_1831 : vector<16xi32> to vector<1x1x16xi32>
    tpu.vector_store %arg10[%swap3A_1834, %swap3A_1835, %swap3A_1836], %swap3A_1839 {strides = array<i32>} : memref<1x8x128xi32, #tpu.memory_space<vmem>>, vector<1x1x16xi32>,
    %jit3A_1840 = arith.constant 0.000000e+00 : f32
    %broadcast_in_dim3A_1841 = vector.broadcast %jit3A_1840 : f32 to vector<16xf32>
    %select_n3A_1842 = arith.select %and3A_1822, %get3A_1817, %broadcast_in_dim3A_1841 : vector<16xi1>, vector<16xf32>
    %swap3A_1843 = arith.constant 0 : i32
    %swap3A_1844 = arith.constant 4 : i32
    %swap3A_1845 = arith.index_cast %swap3A_1843 : i32 to index
    %swap3A_1846 = arith.index_cast %swap3A_1844 : i32 to index
    %swap3A_1847 = arith.constant 80 : index
    %swap3A_1848 = tpu.vector_load %arg11[%swap3A_1845, %swap3A_1846, %swap3A_1847] {strides = array<i32>} : memref<1x8x128xf32, #tpu.memory_space<vmem>>, vector<1x1x16xf32>,
    %swap3A_1849 = vector.shape_cast %swap3A_1848 : vector<1x1x16xf32> to vector<16xf32>
    %swap3A_1850 = vector.shape_cast %select_n3A_1842 : vector<16xf32> to vector<1x1x16xf32>
    tpu.vector_store %arg11[%swap3A_1845, %swap3A_1846, %swap3A_1847], %swap3A_1850 {strides = array<i32>} : memref<1x8x128xf32, #tpu.memory_space<vmem>>, vector<1x1x16xf32>,
    %get3A_1851 = arith.constant 0 : i32
    %get3A_1852 = arith.index_cast %get3A_1851 : i32 to index
    %get3A_1853 = arith.constant 608 : index
    %get3A_1854 = tpu.vector_load %arg7[%get3A_1852, %get3A_1853] {strides = array<i32>} : memref<1x1024xi32, #tpu.memory_space<vmem>>, vector<1x16xi32>,
    %get3A_1855 = vector.shape_cast %get3A_1854 : vector<1x16xi32> to vector<16xi32>
    %get3A_1856 = arith.constant 0 : i32
    %get3A_1857 = arith.index_cast %get3A_1856 : i32 to index
    %get3A_1858 = arith.constant 608 : index
    %get3A_1859 = tpu.vector_load %arg8[%get3A_1857, %get3A_1858] {strides = array<i32>} : memref<1x1024xi32, #tpu.memory_space<vmem>>, vector<1x16xi32>,
    %get3A_1860 = vector.shape_cast %get3A_1859 : vector<1x16xi32> to vector<16xi32>
    %get3A_1861 = arith.constant 0 : i32
    %get3A_1862 = arith.index_cast %get3A_1861 : i32 to index
    %get3A_1863 = arith.constant 608 : index
    %get3A_1864 = tpu.vector_load %arg9[%get3A_1862, %get3A_1863] {strides = array<i32>} : memref<1x1024xf32, #tpu.memory_space<vmem>>, vector<1x16xf32>,
    %get3A_1865 = vector.shape_cast %get3A_1864 : vector<1x16xf32> to vector<16xf32>
    %ge3A_1866 = vector.broadcast %mul3A_0 : i32 to vector<16xi32>
    %ge3A_1867 = arith.cmpi sge, %get3A_1855, %ge3A_1866 : vector<16xi32>
    %lt3A_1868 = vector.broadcast %add3A_1 : i32 to vector<16xi32>
    %lt3A_1869 = arith.cmpi slt, %get3A_1855, %lt3A_1868 : vector<16xi32>
    %and3A_1870 = arith.andi %ge3A_1867, %lt3A_1869 : vector<16xi1>
    %sub3A_1871 = vector.broadcast %mul3A_0 : i32 to vector<16xi32>
    %sub3A_1872 = arith.subi %get3A_1855, %sub3A_1871 : vector<16xi32>
    %mul3A_1873 = arith.constant 1024 : i32
    %mul3A_1874 = vector.broadcast %mul3A_1873 : i32 to vector<16xi32>
    %mul3A_1875 = arith.muli %sub3A_1872, %mul3A_1874 : vector<16xi32>
    %add3A_1876 = arith.addi %mul3A_1875, %get3A_1860 : vector<16xi32>
    %jit3A_1877 = arith.constant 0 : i32
    %broadcast_in_dim3A_1878 = vector.broadcast %jit3A_1877 : i32 to vector<16xi32>
    %select_n3A_1879 = arith.select %and3A_1870, %add3A_1876, %broadcast_in_dim3A_1878 : vector<16xi1>, vector<16xi32>
    %swap3A_1880 = arith.constant 0 : i32
    %swap3A_1881 = arith.constant 4 : i32
    %swap3A_1882 = arith.index_cast %swap3A_1880 : i32 to index
    %swap3A_1883 = arith.index_cast %swap3A_1881 : i32 to index
    %swap3A_1884 = arith.constant 96 : index
    %swap3A_1885 = tpu.vector_load %arg10[%swap3A_1882, %swap3A_1883, %swap3A_1884] {strides = array<i32>} : memref<1x8x128xi32, #tpu.memory_space<vmem>>, vector<1x1x16xi32>,
    %swap3A_1886 = vector.shape_cast %swap3A_1885 : vector<1x1x16xi32> to vector<16xi32>
    %swap3A_1887 = vector.shape_cast %select_n3A_1879 : vector<16xi32> to vector<1x1x16xi32>
    tpu.vector_store %arg10[%swap3A_1882, %swap3A_1883, %swap3A_1884], %swap3A_1887 {strides = array<i32>} : memref<1x8x128xi32, #tpu.memory_space<vmem>>, vector<1x1x16xi32>,
    %jit3A_1888 = arith.constant 0.000000e+00 : f32
    %broadcast_in_dim3A_1889 = vector.broadcast %jit3A_1888 : f32 to vector<16xf32>
    %select_n3A_1890 = arith.select %and3A_1870, %get3A_1865, %broadcast_in_dim3A_1889 : vector<16xi1>, vector<16xf32>
    %swap3A_1891 = arith.constant 0 : i32
    %swap3A_1892 = arith.constant 4 : i32
    %swap3A_1893 = arith.index_cast %swap3A_1891 : i32 to index
    %swap3A_1894 = arith.index_cast %swap3A_1892 : i32 to index
    %swap3A_1895 = arith.constant 96 : index
    %swap3A_1896 = tpu.vector_load %arg11[%swap3A_1893, %swap3A_1894, %swap3A_1895] {strides = array<i32>} : memref<1x8x128xf32, #tpu.memory_space<vmem>>, vector<1x1x16xf32>,
    %swap3A_1897 = vector.shape_cast %swap3A_1896 : vector<1x1x16xf32> to vector<16xf32>
    %swap3A_1898 = vector.shape_cast %select_n3A_1890 : vector<16xf32> to vector<1x1x16xf32>
    tpu.vector_store %arg11[%swap3A_1893, %swap3A_1894, %swap3A_1895], %swap3A_1898 {strides = array<i32>} : memref<1x8x128xf32, #tpu.memory_space<vmem>>, vector<1x1x16xf32>,
    %get3A_1899 = arith.constant 0 : i32
    %get3A_1900 = arith.index_cast %get3A_1899 : i32 to index
    %get3A_1901 = arith.constant 624 : index
    %get3A_1902 = tpu.vector_load %arg7[%get3A_1900, %get3A_1901] {strides = array<i32>} : memref<1x1024xi32, #tpu.memory_space<vmem>>, vector<1x16xi32>,
    %get3A_1903 = vector.shape_cast %get3A_1902 : vector<1x16xi32> to vector<16xi32>
    %get3A_1904 = arith.constant 0 : i32
    %get3A_1905 = arith.index_cast %get3A_1904 : i32 to index
    %get3A_1906 = arith.constant 624 : index
    %get3A_1907 = tpu.vector_load %arg8[%get3A_1905, %get3A_1906] {strides = array<i32>} : memref<1x1024xi32, #tpu.memory_space<vmem>>, vector<1x16xi32>,
    %get3A_1908 = vector.shape_cast %get3A_1907 : vector<1x16xi32> to vector<16xi32>
    %get3A_1909 = arith.constant 0 : i32
    %get3A_1910 = arith.index_cast %get3A_1909 : i32 to index
    %get3A_1911 = arith.constant 624 : index
    %get3A_1912 = tpu.vector_load %arg9[%get3A_1910, %get3A_1911] {strides = array<i32>} : memref<1x1024xf32, #tpu.memory_space<vmem>>, vector<1x16xf32>,
    %get3A_1913 = vector.shape_cast %get3A_1912 : vector<1x16xf32> to vector<16xf32>
    %ge3A_1914 = vector.broadcast %mul3A_0 : i32 to vector<16xi32>
    %ge3A_1915 = arith.cmpi sge, %get3A_1903, %ge3A_1914 : vector<16xi32>
    %lt3A_1916 = vector.broadcast %add3A_1 : i32 to vector<16xi32>
    %lt3A_1917 = arith.cmpi slt, %get3A_1903, %lt3A_1916 : vector<16xi32>
    %and3A_1918 = arith.andi %ge3A_1915, %lt3A_1917 : vector<16xi1>
    %sub3A_1919 = vector.broadcast %mul3A_0 : i32 to vector<16xi32>
    %sub3A_1920 = arith.subi %get3A_1903, %sub3A_1919 : vector<16xi32>
    %mul3A_1921 = arith.constant 1024 : i32
    %mul3A_1922 = vector.broadcast %mul3A_1921 : i32 to vector<16xi32>
    %mul3A_1923 = arith.muli %sub3A_1920, %mul3A_1922 : vector<16xi32>
    %add3A_1924 = arith.addi %mul3A_1923, %get3A_1908 : vector<16xi32>
    %jit3A_1925 = arith.constant 0 : i32
    %broadcast_in_dim3A_1926 = vector.broadcast %jit3A_1925 : i32 to vector<16xi32>
    %select_n3A_1927 = arith.select %and3A_1918, %add3A_1924, %broadcast_in_dim3A_1926 : vector<16xi1>, vector<16xi32>
    %swap3A_1928 = arith.constant 0 : i32
    %swap3A_1929 = arith.constant 4 : i32
    %swap3A_1930 = arith.index_cast %swap3A_1928 : i32 to index
    %swap3A_1931 = arith.index_cast %swap3A_1929 : i32 to index
    %swap3A_1932 = arith.constant 112 : index
    %swap3A_1933 = tpu.vector_load %arg10[%swap3A_1930, %swap3A_1931, %swap3A_1932] {strides = array<i32>} : memref<1x8x128xi32, #tpu.memory_space<vmem>>, vector<1x1x16xi32>,
    %swap3A_1934 = vector.shape_cast %swap3A_1933 : vector<1x1x16xi32> to vector<16xi32>
    %swap3A_1935 = vector.shape_cast %select_n3A_1927 : vector<16xi32> to vector<1x1x16xi32>
    tpu.vector_store %arg10[%swap3A_1930, %swap3A_1931, %swap3A_1932], %swap3A_1935 {strides = array<i32>} : memref<1x8x128xi32, #tpu.memory_space<vmem>>, vector<1x1x16xi32>,
    %jit3A_1936 = arith.constant 0.000000e+00 : f32
    %broadcast_in_dim3A_1937 = vector.broadcast %jit3A_1936 : f32 to vector<16xf32>
    %select_n3A_1938 = arith.select %and3A_1918, %get3A_1913, %broadcast_in_dim3A_1937 : vector<16xi1>, vector<16xf32>
    %swap3A_1939 = arith.constant 0 : i32
    %swap3A_1940 = arith.constant 4 : i32
    %swap3A_1941 = arith.index_cast %swap3A_1939 : i32 to index
    %swap3A_1942 = arith.index_cast %swap3A_1940 : i32 to index
    %swap3A_1943 = arith.constant 112 : index
    %swap3A_1944 = tpu.vector_load %arg11[%swap3A_1941, %swap3A_1942, %swap3A_1943] {strides = array<i32>} : memref<1x8x128xf32, #tpu.memory_space<vmem>>, vector<1x1x16xf32>,
    %swap3A_1945 = vector.shape_cast %swap3A_1944 : vector<1x1x16xf32> to vector<16xf32>
    %swap3A_1946 = vector.shape_cast %select_n3A_1938 : vector<16xf32> to vector<1x1x16xf32>
    tpu.vector_store %arg11[%swap3A_1941, %swap3A_1942, %swap3A_1943], %swap3A_1946 {strides = array<i32>} : memref<1x8x128xf32, #tpu.memory_space<vmem>>, vector<1x1x16xf32>,
    %get3A_1947 = arith.constant 0 : i32
    %get3A_1948 = arith.index_cast %get3A_1947 : i32 to index
    %get3A_1949 = arith.constant 640 : index
    %get3A_1950 = tpu.vector_load %arg7[%get3A_1948, %get3A_1949] {strides = array<i32>} : memref<1x1024xi32, #tpu.memory_space<vmem>>, vector<1x16xi32>,
    %get3A_1951 = vector.shape_cast %get3A_1950 : vector<1x16xi32> to vector<16xi32>
    %get3A_1952 = arith.constant 0 : i32
    %get3A_1953 = arith.index_cast %get3A_1952 : i32 to index
    %get3A_1954 = arith.constant 640 : index
    %get3A_1955 = tpu.vector_load %arg8[%get3A_1953, %get3A_1954] {strides = array<i32>} : memref<1x1024xi32, #tpu.memory_space<vmem>>, vector<1x16xi32>,
    %get3A_1956 = vector.shape_cast %get3A_1955 : vector<1x16xi32> to vector<16xi32>
    %get3A_1957 = arith.constant 0 : i32
    %get3A_1958 = arith.index_cast %get3A_1957 : i32 to index
    %get3A_1959 = arith.constant 640 : index
    %get3A_1960 = tpu.vector_load %arg9[%get3A_1958, %get3A_1959] {strides = array<i32>} : memref<1x1024xf32, #tpu.memory_space<vmem>>, vector<1x16xf32>,
    %get3A_1961 = vector.shape_cast %get3A_1960 : vector<1x16xf32> to vector<16xf32>
    %ge3A_1962 = vector.broadcast %mul3A_0 : i32 to vector<16xi32>
    %ge3A_1963 = arith.cmpi sge, %get3A_1951, %ge3A_1962 : vector<16xi32>
    %lt3A_1964 = vector.broadcast %add3A_1 : i32 to vector<16xi32>
    %lt3A_1965 = arith.cmpi slt, %get3A_1951, %lt3A_1964 : vector<16xi32>
    %and3A_1966 = arith.andi %ge3A_1963, %lt3A_1965 : vector<16xi1>
    %sub3A_1967 = vector.broadcast %mul3A_0 : i32 to vector<16xi32>
    %sub3A_1968 = arith.subi %get3A_1951, %sub3A_1967 : vector<16xi32>
    %mul3A_1969 = arith.constant 1024 : i32
    %mul3A_1970 = vector.broadcast %mul3A_1969 : i32 to vector<16xi32>
    %mul3A_1971 = arith.muli %sub3A_1968, %mul3A_1970 : vector<16xi32>
    %add3A_1972 = arith.addi %mul3A_1971, %get3A_1956 : vector<16xi32>
    %jit3A_1973 = arith.constant 0 : i32
    %broadcast_in_dim3A_1974 = vector.broadcast %jit3A_1973 : i32 to vector<16xi32>
    %select_n3A_1975 = arith.select %and3A_1966, %add3A_1972, %broadcast_in_dim3A_1974 : vector<16xi1>, vector<16xi32>
    %swap3A_1976 = arith.constant 0 : i32
    %swap3A_1977 = arith.constant 5 : i32
    %swap3A_1978 = arith.index_cast %swap3A_1976 : i32 to index
    %swap3A_1979 = arith.index_cast %swap3A_1977 : i32 to index
    %swap3A_1980 = arith.constant 0 : index
    %swap3A_1981 = tpu.vector_load %arg10[%swap3A_1978, %swap3A_1979, %swap3A_1980] {strides = array<i32>} : memref<1x8x128xi32, #tpu.memory_space<vmem>>, vector<1x1x16xi32>,
    %swap3A_1982 = vector.shape_cast %swap3A_1981 : vector<1x1x16xi32> to vector<16xi32>
    %swap3A_1983 = vector.shape_cast %select_n3A_1975 : vector<16xi32> to vector<1x1x16xi32>
    tpu.vector_store %arg10[%swap3A_1978, %swap3A_1979, %swap3A_1980], %swap3A_1983 {strides = array<i32>} : memref<1x8x128xi32, #tpu.memory_space<vmem>>, vector<1x1x16xi32>,
    %jit3A_1984 = arith.constant 0.000000e+00 : f32
    %broadcast_in_dim3A_1985 = vector.broadcast %jit3A_1984 : f32 to vector<16xf32>
    %select_n3A_1986 = arith.select %and3A_1966, %get3A_1961, %broadcast_in_dim3A_1985 : vector<16xi1>, vector<16xf32>
    %swap3A_1987 = arith.constant 0 : i32
    %swap3A_1988 = arith.constant 5 : i32
    %swap3A_1989 = arith.index_cast %swap3A_1987 : i32 to index
    %swap3A_1990 = arith.index_cast %swap3A_1988 : i32 to index
    %swap3A_1991 = arith.constant 0 : index
    %swap3A_1992 = tpu.vector_load %arg11[%swap3A_1989, %swap3A_1990, %swap3A_1991] {strides = array<i32>} : memref<1x8x128xf32, #tpu.memory_space<vmem>>, vector<1x1x16xf32>,
    %swap3A_1993 = vector.shape_cast %swap3A_1992 : vector<1x1x16xf32> to vector<16xf32>
    %swap3A_1994 = vector.shape_cast %select_n3A_1986 : vector<16xf32> to vector<1x1x16xf32>
    tpu.vector_store %arg11[%swap3A_1989, %swap3A_1990, %swap3A_1991], %swap3A_1994 {strides = array<i32>} : memref<1x8x128xf32, #tpu.memory_space<vmem>>, vector<1x1x16xf32>,
    %get3A_1995 = arith.constant 0 : i32
    %get3A_1996 = arith.index_cast %get3A_1995 : i32 to index
    %get3A_1997 = arith.constant 656 : index
    %get3A_1998 = tpu.vector_load %arg7[%get3A_1996, %get3A_1997] {strides = array<i32>} : memref<1x1024xi32, #tpu.memory_space<vmem>>, vector<1x16xi32>,
    %get3A_1999 = vector.shape_cast %get3A_1998 : vector<1x16xi32> to vector<16xi32>
    %get3A_2000 = arith.constant 0 : i32
    %get3A_2001 = arith.index_cast %get3A_2000 : i32 to index
    %get3A_2002 = arith.constant 656 : index
    %get3A_2003 = tpu.vector_load %arg8[%get3A_2001, %get3A_2002] {strides = array<i32>} : memref<1x1024xi32, #tpu.memory_space<vmem>>, vector<1x16xi32>,
    %get3A_2004 = vector.shape_cast %get3A_2003 : vector<1x16xi32> to vector<16xi32>
    %get3A_2005 = arith.constant 0 : i32
    %get3A_2006 = arith.index_cast %get3A_2005 : i32 to index
    %get3A_2007 = arith.constant 656 : index
    %get3A_2008 = tpu.vector_load %arg9[%get3A_2006, %get3A_2007] {strides = array<i32>} : memref<1x1024xf32, #tpu.memory_space<vmem>>, vector<1x16xf32>,
    %get3A_2009 = vector.shape_cast %get3A_2008 : vector<1x16xf32> to vector<16xf32>
    %ge3A_2010 = vector.broadcast %mul3A_0 : i32 to vector<16xi32>
    %ge3A_2011 = arith.cmpi sge, %get3A_1999, %ge3A_2010 : vector<16xi32>
    %lt3A_2012 = vector.broadcast %add3A_1 : i32 to vector<16xi32>
    %lt3A_2013 = arith.cmpi slt, %get3A_1999, %lt3A_2012 : vector<16xi32>
    %and3A_2014 = arith.andi %ge3A_2011, %lt3A_2013 : vector<16xi1>
    %sub3A_2015 = vector.broadcast %mul3A_0 : i32 to vector<16xi32>
    %sub3A_2016 = arith.subi %get3A_1999, %sub3A_2015 : vector<16xi32>
    %mul3A_2017 = arith.constant 1024 : i32
    %mul3A_2018 = vector.broadcast %mul3A_2017 : i32 to vector<16xi32>
    %mul3A_2019 = arith.muli %sub3A_2016, %mul3A_2018 : vector<16xi32>
    %add3A_2020 = arith.addi %mul3A_2019, %get3A_2004 : vector<16xi32>
    %jit3A_2021 = arith.constant 0 : i32
    %broadcast_in_dim3A_2022 = vector.broadcast %jit3A_2021 : i32 to vector<16xi32>
    %select_n3A_2023 = arith.select %and3A_2014, %add3A_2020, %broadcast_in_dim3A_2022 : vector<16xi1>, vector<16xi32>
    %swap3A_2024 = arith.constant 0 : i32
    %swap3A_2025 = arith.constant 5 : i32
    %swap3A_2026 = arith.index_cast %swap3A_2024 : i32 to index
    %swap3A_2027 = arith.index_cast %swap3A_2025 : i32 to index
    %swap3A_2028 = arith.constant 16 : index
    %swap3A_2029 = tpu.vector_load %arg10[%swap3A_2026, %swap3A_2027, %swap3A_2028] {strides = array<i32>} : memref<1x8x128xi32, #tpu.memory_space<vmem>>, vector<1x1x16xi32>,
    %swap3A_2030 = vector.shape_cast %swap3A_2029 : vector<1x1x16xi32> to vector<16xi32>
    %swap3A_2031 = vector.shape_cast %select_n3A_2023 : vector<16xi32> to vector<1x1x16xi32>
    tpu.vector_store %arg10[%swap3A_2026, %swap3A_2027, %swap3A_2028], %swap3A_2031 {strides = array<i32>} : memref<1x8x128xi32, #tpu.memory_space<vmem>>, vector<1x1x16xi32>,
    %jit3A_2032 = arith.constant 0.000000e+00 : f32
    %broadcast_in_dim3A_2033 = vector.broadcast %jit3A_2032 : f32 to vector<16xf32>
    %select_n3A_2034 = arith.select %and3A_2014, %get3A_2009, %broadcast_in_dim3A_2033 : vector<16xi1>, vector<16xf32>
    %swap3A_2035 = arith.constant 0 : i32
    %swap3A_2036 = arith.constant 5 : i32
    %swap3A_2037 = arith.index_cast %swap3A_2035 : i32 to index
    %swap3A_2038 = arith.index_cast %swap3A_2036 : i32 to index
    %swap3A_2039 = arith.constant 16 : index
    %swap3A_2040 = tpu.vector_load %arg11[%swap3A_2037, %swap3A_2038, %swap3A_2039] {strides = array<i32>} : memref<1x8x128xf32, #tpu.memory_space<vmem>>, vector<1x1x16xf32>,
    %swap3A_2041 = vector.shape_cast %swap3A_2040 : vector<1x1x16xf32> to vector<16xf32>
    %swap3A_2042 = vector.shape_cast %select_n3A_2034 : vector<16xf32> to vector<1x1x16xf32>
    tpu.vector_store %arg11[%swap3A_2037, %swap3A_2038, %swap3A_2039], %swap3A_2042 {strides = array<i32>} : memref<1x8x128xf32, #tpu.memory_space<vmem>>, vector<1x1x16xf32>,
    %get3A_2043 = arith.constant 0 : i32
    %get3A_2044 = arith.index_cast %get3A_2043 : i32 to index
    %get3A_2045 = arith.constant 672 : index
    %get3A_2046 = tpu.vector_load %arg7[%get3A_2044, %get3A_2045] {strides = array<i32>} : memref<1x1024xi32, #tpu.memory_space<vmem>>, vector<1x16xi32>,
    %get3A_2047 = vector.shape_cast %get3A_2046 : vector<1x16xi32> to vector<16xi32>
    %get3A_2048 = arith.constant 0 : i32
    %get3A_2049 = arith.index_cast %get3A_2048 : i32 to index
    %get3A_2050 = arith.constant 672 : index
    %get3A_2051 = tpu.vector_load %arg8[%get3A_2049, %get3A_2050] {strides = array<i32>} : memref<1x1024xi32, #tpu.memory_space<vmem>>, vector<1x16xi32>,
    %get3A_2052 = vector.shape_cast %get3A_2051 : vector<1x16xi32> to vector<16xi32>
    %get3A_2053 = arith.constant 0 : i32
    %get3A_2054 = arith.index_cast %get3A_2053 : i32 to index
    %get3A_2055 = arith.constant 672 : index
    %get3A_2056 = tpu.vector_load %arg9[%get3A_2054, %get3A_2055] {strides = array<i32>} : memref<1x1024xf32, #tpu.memory_space<vmem>>, vector<1x16xf32>,
    %get3A_2057 = vector.shape_cast %get3A_2056 : vector<1x16xf32> to vector<16xf32>
    %ge3A_2058 = vector.broadcast %mul3A_0 : i32 to vector<16xi32>
    %ge3A_2059 = arith.cmpi sge, %get3A_2047, %ge3A_2058 : vector<16xi32>
    %lt3A_2060 = vector.broadcast %add3A_1 : i32 to vector<16xi32>
    %lt3A_2061 = arith.cmpi slt, %get3A_2047, %lt3A_2060 : vector<16xi32>
    %and3A_2062 = arith.andi %ge3A_2059, %lt3A_2061 : vector<16xi1>
    %sub3A_2063 = vector.broadcast %mul3A_0 : i32 to vector<16xi32>
    %sub3A_2064 = arith.subi %get3A_2047, %sub3A_2063 : vector<16xi32>
    %mul3A_2065 = arith.constant 1024 : i32
    %mul3A_2066 = vector.broadcast %mul3A_2065 : i32 to vector<16xi32>
    %mul3A_2067 = arith.muli %sub3A_2064, %mul3A_2066 : vector<16xi32>
    %add3A_2068 = arith.addi %mul3A_2067, %get3A_2052 : vector<16xi32>
    %jit3A_2069 = arith.constant 0 : i32
    %broadcast_in_dim3A_2070 = vector.broadcast %jit3A_2069 : i32 to vector<16xi32>
    %select_n3A_2071 = arith.select %and3A_2062, %add3A_2068, %broadcast_in_dim3A_2070 : vector<16xi1>, vector<16xi32>
    %swap3A_2072 = arith.constant 0 : i32
    %swap3A_2073 = arith.constant 5 : i32
    %swap3A_2074 = arith.index_cast %swap3A_2072 : i32 to index
    %swap3A_2075 = arith.index_cast %swap3A_2073 : i32 to index
    %swap3A_2076 = arith.constant 32 : index
    %swap3A_2077 = tpu.vector_load %arg10[%swap3A_2074, %swap3A_2075, %swap3A_2076] {strides = array<i32>} : memref<1x8x128xi32, #tpu.memory_space<vmem>>, vector<1x1x16xi32>,
    %swap3A_2078 = vector.shape_cast %swap3A_2077 : vector<1x1x16xi32> to vector<16xi32>
    %swap3A_2079 = vector.shape_cast %select_n3A_2071 : vector<16xi32> to vector<1x1x16xi32>
    tpu.vector_store %arg10[%swap3A_2074, %swap3A_2075, %swap3A_2076], %swap3A_2079 {strides = array<i32>} : memref<1x8x128xi32, #tpu.memory_space<vmem>>, vector<1x1x16xi32>,
    %jit3A_2080 = arith.constant 0.000000e+00 : f32
    %broadcast_in_dim3A_2081 = vector.broadcast %jit3A_2080 : f32 to vector<16xf32>
    %select_n3A_2082 = arith.select %and3A_2062, %get3A_2057, %broadcast_in_dim3A_2081 : vector<16xi1>, vector<16xf32>
    %swap3A_2083 = arith.constant 0 : i32
    %swap3A_2084 = arith.constant 5 : i32
    %swap3A_2085 = arith.index_cast %swap3A_2083 : i32 to index
    %swap3A_2086 = arith.index_cast %swap3A_2084 : i32 to index
    %swap3A_2087 = arith.constant 32 : index
    %swap3A_2088 = tpu.vector_load %arg11[%swap3A_2085, %swap3A_2086, %swap3A_2087] {strides = array<i32>} : memref<1x8x128xf32, #tpu.memory_space<vmem>>, vector<1x1x16xf32>,
    %swap3A_2089 = vector.shape_cast %swap3A_2088 : vector<1x1x16xf32> to vector<16xf32>
    %swap3A_2090 = vector.shape_cast %select_n3A_2082 : vector<16xf32> to vector<1x1x16xf32>
    tpu.vector_store %arg11[%swap3A_2085, %swap3A_2086, %swap3A_2087], %swap3A_2090 {strides = array<i32>} : memref<1x8x128xf32, #tpu.memory_space<vmem>>, vector<1x1x16xf32>,
    %get3A_2091 = arith.constant 0 : i32
    %get3A_2092 = arith.index_cast %get3A_2091 : i32 to index
    %get3A_2093 = arith.constant 688 : index
    %get3A_2094 = tpu.vector_load %arg7[%get3A_2092, %get3A_2093] {strides = array<i32>} : memref<1x1024xi32, #tpu.memory_space<vmem>>, vector<1x16xi32>,
    %get3A_2095 = vector.shape_cast %get3A_2094 : vector<1x16xi32> to vector<16xi32>
    %get3A_2096 = arith.constant 0 : i32
    %get3A_2097 = arith.index_cast %get3A_2096 : i32 to index
    %get3A_2098 = arith.constant 688 : index
    %get3A_2099 = tpu.vector_load %arg8[%get3A_2097, %get3A_2098] {strides = array<i32>} : memref<1x1024xi32, #tpu.memory_space<vmem>>, vector<1x16xi32>,
    %get3A_2100 = vector.shape_cast %get3A_2099 : vector<1x16xi32> to vector<16xi32>
    %get3A_2101 = arith.constant 0 : i32
    %get3A_2102 = arith.index_cast %get3A_2101 : i32 to index
    %get3A_2103 = arith.constant 688 : index
    %get3A_2104 = tpu.vector_load %arg9[%get3A_2102, %get3A_2103] {strides = array<i32>} : memref<1x1024xf32, #tpu.memory_space<vmem>>, vector<1x16xf32>,
    %get3A_2105 = vector.shape_cast %get3A_2104 : vector<1x16xf32> to vector<16xf32>
    %ge3A_2106 = vector.broadcast %mul3A_0 : i32 to vector<16xi32>
    %ge3A_2107 = arith.cmpi sge, %get3A_2095, %ge3A_2106 : vector<16xi32>
    %lt3A_2108 = vector.broadcast %add3A_1 : i32 to vector<16xi32>
    %lt3A_2109 = arith.cmpi slt, %get3A_2095, %lt3A_2108 : vector<16xi32>
    %and3A_2110 = arith.andi %ge3A_2107, %lt3A_2109 : vector<16xi1>
    %sub3A_2111 = vector.broadcast %mul3A_0 : i32 to vector<16xi32>
    %sub3A_2112 = arith.subi %get3A_2095, %sub3A_2111 : vector<16xi32>
    %mul3A_2113 = arith.constant 1024 : i32
    %mul3A_2114 = vector.broadcast %mul3A_2113 : i32 to vector<16xi32>
    %mul3A_2115 = arith.muli %sub3A_2112, %mul3A_2114 : vector<16xi32>
    %add3A_2116 = arith.addi %mul3A_2115, %get3A_2100 : vector<16xi32>
    %jit3A_2117 = arith.constant 0 : i32
    %broadcast_in_dim3A_2118 = vector.broadcast %jit3A_2117 : i32 to vector<16xi32>
    %select_n3A_2119 = arith.select %and3A_2110, %add3A_2116, %broadcast_in_dim3A_2118 : vector<16xi1>, vector<16xi32>
    %swap3A_2120 = arith.constant 0 : i32
    %swap3A_2121 = arith.constant 5 : i32
    %swap3A_2122 = arith.index_cast %swap3A_2120 : i32 to index
    %swap3A_2123 = arith.index_cast %swap3A_2121 : i32 to index
    %swap3A_2124 = arith.constant 48 : index
    %swap3A_2125 = tpu.vector_load %arg10[%swap3A_2122, %swap3A_2123, %swap3A_2124] {strides = array<i32>} : memref<1x8x128xi32, #tpu.memory_space<vmem>>, vector<1x1x16xi32>,
    %swap3A_2126 = vector.shape_cast %swap3A_2125 : vector<1x1x16xi32> to vector<16xi32>
    %swap3A_2127 = vector.shape_cast %select_n3A_2119 : vector<16xi32> to vector<1x1x16xi32>
    tpu.vector_store %arg10[%swap3A_2122, %swap3A_2123, %swap3A_2124], %swap3A_2127 {strides = array<i32>} : memref<1x8x128xi32, #tpu.memory_space<vmem>>, vector<1x1x16xi32>,
    %jit3A_2128 = arith.constant 0.000000e+00 : f32
    %broadcast_in_dim3A_2129 = vector.broadcast %jit3A_2128 : f32 to vector<16xf32>
    %select_n3A_2130 = arith.select %and3A_2110, %get3A_2105, %broadcast_in_dim3A_2129 : vector<16xi1>, vector<16xf32>
    %swap3A_2131 = arith.constant 0 : i32
    %swap3A_2132 = arith.constant 5 : i32
    %swap3A_2133 = arith.index_cast %swap3A_2131 : i32 to index
    %swap3A_2134 = arith.index_cast %swap3A_2132 : i32 to index
    %swap3A_2135 = arith.constant 48 : index
    %swap3A_2136 = tpu.vector_load %arg11[%swap3A_2133, %swap3A_2134, %swap3A_2135] {strides = array<i32>} : memref<1x8x128xf32, #tpu.memory_space<vmem>>, vector<1x1x16xf32>,
    %swap3A_2137 = vector.shape_cast %swap3A_2136 : vector<1x1x16xf32> to vector<16xf32>
    %swap3A_2138 = vector.shape_cast %select_n3A_2130 : vector<16xf32> to vector<1x1x16xf32>
    tpu.vector_store %arg11[%swap3A_2133, %swap3A_2134, %swap3A_2135], %swap3A_2138 {strides = array<i32>} : memref<1x8x128xf32, #tpu.memory_space<vmem>>, vector<1x1x16xf32>,
    %get3A_2139 = arith.constant 0 : i32
    %get3A_2140 = arith.index_cast %get3A_2139 : i32 to index
    %get3A_2141 = arith.constant 704 : index
    %get3A_2142 = tpu.vector_load %arg7[%get3A_2140, %get3A_2141] {strides = array<i32>} : memref<1x1024xi32, #tpu.memory_space<vmem>>, vector<1x16xi32>,
    %get3A_2143 = vector.shape_cast %get3A_2142 : vector<1x16xi32> to vector<16xi32>
    %get3A_2144 = arith.constant 0 : i32
    %get3A_2145 = arith.index_cast %get3A_2144 : i32 to index
    %get3A_2146 = arith.constant 704 : index
    %get3A_2147 = tpu.vector_load %arg8[%get3A_2145, %get3A_2146] {strides = array<i32>} : memref<1x1024xi32, #tpu.memory_space<vmem>>, vector<1x16xi32>,
    %get3A_2148 = vector.shape_cast %get3A_2147 : vector<1x16xi32> to vector<16xi32>
    %get3A_2149 = arith.constant 0 : i32
    %get3A_2150 = arith.index_cast %get3A_2149 : i32 to index
    %get3A_2151 = arith.constant 704 : index
    %get3A_2152 = tpu.vector_load %arg9[%get3A_2150, %get3A_2151] {strides = array<i32>} : memref<1x1024xf32, #tpu.memory_space<vmem>>, vector<1x16xf32>,
    %get3A_2153 = vector.shape_cast %get3A_2152 : vector<1x16xf32> to vector<16xf32>
    %ge3A_2154 = vector.broadcast %mul3A_0 : i32 to vector<16xi32>
    %ge3A_2155 = arith.cmpi sge, %get3A_2143, %ge3A_2154 : vector<16xi32>
    %lt3A_2156 = vector.broadcast %add3A_1 : i32 to vector<16xi32>
    %lt3A_2157 = arith.cmpi slt, %get3A_2143, %lt3A_2156 : vector<16xi32>
    %and3A_2158 = arith.andi %ge3A_2155, %lt3A_2157 : vector<16xi1>
    %sub3A_2159 = vector.broadcast %mul3A_0 : i32 to vector<16xi32>
    %sub3A_2160 = arith.subi %get3A_2143, %sub3A_2159 : vector<16xi32>
    %mul3A_2161 = arith.constant 1024 : i32
    %mul3A_2162 = vector.broadcast %mul3A_2161 : i32 to vector<16xi32>
    %mul3A_2163 = arith.muli %sub3A_2160, %mul3A_2162 : vector<16xi32>
    %add3A_2164 = arith.addi %mul3A_2163, %get3A_2148 : vector<16xi32>
    %jit3A_2165 = arith.constant 0 : i32
    %broadcast_in_dim3A_2166 = vector.broadcast %jit3A_2165 : i32 to vector<16xi32>
    %select_n3A_2167 = arith.select %and3A_2158, %add3A_2164, %broadcast_in_dim3A_2166 : vector<16xi1>, vector<16xi32>
    %swap3A_2168 = arith.constant 0 : i32
    %swap3A_2169 = arith.constant 5 : i32
    %swap3A_2170 = arith.index_cast %swap3A_2168 : i32 to index
    %swap3A_2171 = arith.index_cast %swap3A_2169 : i32 to index
    %swap3A_2172 = arith.constant 64 : index
    %swap3A_2173 = tpu.vector_load %arg10[%swap3A_2170, %swap3A_2171, %swap3A_2172] {strides = array<i32>} : memref<1x8x128xi32, #tpu.memory_space<vmem>>, vector<1x1x16xi32>,
    %swap3A_2174 = vector.shape_cast %swap3A_2173 : vector<1x1x16xi32> to vector<16xi32>
    %swap3A_2175 = vector.shape_cast %select_n3A_2167 : vector<16xi32> to vector<1x1x16xi32>
    tpu.vector_store %arg10[%swap3A_2170, %swap3A_2171, %swap3A_2172], %swap3A_2175 {strides = array<i32>} : memref<1x8x128xi32, #tpu.memory_space<vmem>>, vector<1x1x16xi32>,
    %jit3A_2176 = arith.constant 0.000000e+00 : f32
    %broadcast_in_dim3A_2177 = vector.broadcast %jit3A_2176 : f32 to vector<16xf32>
    %select_n3A_2178 = arith.select %and3A_2158, %get3A_2153, %broadcast_in_dim3A_2177 : vector<16xi1>, vector<16xf32>
    %swap3A_2179 = arith.constant 0 : i32
    %swap3A_2180 = arith.constant 5 : i32
    %swap3A_2181 = arith.index_cast %swap3A_2179 : i32 to index
    %swap3A_2182 = arith.index_cast %swap3A_2180 : i32 to index
    %swap3A_2183 = arith.constant 64 : index
    %swap3A_2184 = tpu.vector_load %arg11[%swap3A_2181, %swap3A_2182, %swap3A_2183] {strides = array<i32>} : memref<1x8x128xf32, #tpu.memory_space<vmem>>, vector<1x1x16xf32>,
    %swap3A_2185 = vector.shape_cast %swap3A_2184 : vector<1x1x16xf32> to vector<16xf32>
    %swap3A_2186 = vector.shape_cast %select_n3A_2178 : vector<16xf32> to vector<1x1x16xf32>
    tpu.vector_store %arg11[%swap3A_2181, %swap3A_2182, %swap3A_2183], %swap3A_2186 {strides = array<i32>} : memref<1x8x128xf32, #tpu.memory_space<vmem>>, vector<1x1x16xf32>,
    %get3A_2187 = arith.constant 0 : i32
    %get3A_2188 = arith.index_cast %get3A_2187 : i32 to index
    %get3A_2189 = arith.constant 720 : index
    %get3A_2190 = tpu.vector_load %arg7[%get3A_2188, %get3A_2189] {strides = array<i32>} : memref<1x1024xi32, #tpu.memory_space<vmem>>, vector<1x16xi32>,
    %get3A_2191 = vector.shape_cast %get3A_2190 : vector<1x16xi32> to vector<16xi32>
    %get3A_2192 = arith.constant 0 : i32
    %get3A_2193 = arith.index_cast %get3A_2192 : i32 to index
    %get3A_2194 = arith.constant 720 : index
    %get3A_2195 = tpu.vector_load %arg8[%get3A_2193, %get3A_2194] {strides = array<i32>} : memref<1x1024xi32, #tpu.memory_space<vmem>>, vector<1x16xi32>,
    %get3A_2196 = vector.shape_cast %get3A_2195 : vector<1x16xi32> to vector<16xi32>
    %get3A_2197 = arith.constant 0 : i32
    %get3A_2198 = arith.index_cast %get3A_2197 : i32 to index
    %get3A_2199 = arith.constant 720 : index
    %get3A_2200 = tpu.vector_load %arg9[%get3A_2198, %get3A_2199] {strides = array<i32>} : memref<1x1024xf32, #tpu.memory_space<vmem>>, vector<1x16xf32>,
    %get3A_2201 = vector.shape_cast %get3A_2200 : vector<1x16xf32> to vector<16xf32>
    %ge3A_2202 = vector.broadcast %mul3A_0 : i32 to vector<16xi32>
    %ge3A_2203 = arith.cmpi sge, %get3A_2191, %ge3A_2202 : vector<16xi32>
    %lt3A_2204 = vector.broadcast %add3A_1 : i32 to vector<16xi32>
    %lt3A_2205 = arith.cmpi slt, %get3A_2191, %lt3A_2204 : vector<16xi32>
    %and3A_2206 = arith.andi %ge3A_2203, %lt3A_2205 : vector<16xi1>
    %sub3A_2207 = vector.broadcast %mul3A_0 : i32 to vector<16xi32>
    %sub3A_2208 = arith.subi %get3A_2191, %sub3A_2207 : vector<16xi32>
    %mul3A_2209 = arith.constant 1024 : i32
    %mul3A_2210 = vector.broadcast %mul3A_2209 : i32 to vector<16xi32>
    %mul3A_2211 = arith.muli %sub3A_2208, %mul3A_2210 : vector<16xi32>
    %add3A_2212 = arith.addi %mul3A_2211, %get3A_2196 : vector<16xi32>
    %jit3A_2213 = arith.constant 0 : i32
    %broadcast_in_dim3A_2214 = vector.broadcast %jit3A_2213 : i32 to vector<16xi32>
    %select_n3A_2215 = arith.select %and3A_2206, %add3A_2212, %broadcast_in_dim3A_2214 : vector<16xi1>, vector<16xi32>
    %swap3A_2216 = arith.constant 0 : i32
    %swap3A_2217 = arith.constant 5 : i32
    %swap3A_2218 = arith.index_cast %swap3A_2216 : i32 to index
    %swap3A_2219 = arith.index_cast %swap3A_2217 : i32 to index
    %swap3A_2220 = arith.constant 80 : index
    %swap3A_2221 = tpu.vector_load %arg10[%swap3A_2218, %swap3A_2219, %swap3A_2220] {strides = array<i32>} : memref<1x8x128xi32, #tpu.memory_space<vmem>>, vector<1x1x16xi32>,
    %swap3A_2222 = vector.shape_cast %swap3A_2221 : vector<1x1x16xi32> to vector<16xi32>
    %swap3A_2223 = vector.shape_cast %select_n3A_2215 : vector<16xi32> to vector<1x1x16xi32>
    tpu.vector_store %arg10[%swap3A_2218, %swap3A_2219, %swap3A_2220], %swap3A_2223 {strides = array<i32>} : memref<1x8x128xi32, #tpu.memory_space<vmem>>, vector<1x1x16xi32>,
    %jit3A_2224 = arith.constant 0.000000e+00 : f32
    %broadcast_in_dim3A_2225 = vector.broadcast %jit3A_2224 : f32 to vector<16xf32>
    %select_n3A_2226 = arith.select %and3A_2206, %get3A_2201, %broadcast_in_dim3A_2225 : vector<16xi1>, vector<16xf32>
    %swap3A_2227 = arith.constant 0 : i32
    %swap3A_2228 = arith.constant 5 : i32
    %swap3A_2229 = arith.index_cast %swap3A_2227 : i32 to index
    %swap3A_2230 = arith.index_cast %swap3A_2228 : i32 to index
    %swap3A_2231 = arith.constant 80 : index
    %swap3A_2232 = tpu.vector_load %arg11[%swap3A_2229, %swap3A_2230, %swap3A_2231] {strides = array<i32>} : memref<1x8x128xf32, #tpu.memory_space<vmem>>, vector<1x1x16xf32>,
    %swap3A_2233 = vector.shape_cast %swap3A_2232 : vector<1x1x16xf32> to vector<16xf32>
    %swap3A_2234 = vector.shape_cast %select_n3A_2226 : vector<16xf32> to vector<1x1x16xf32>
    tpu.vector_store %arg11[%swap3A_2229, %swap3A_2230, %swap3A_2231], %swap3A_2234 {strides = array<i32>} : memref<1x8x128xf32, #tpu.memory_space<vmem>>, vector<1x1x16xf32>,
    %get3A_2235 = arith.constant 0 : i32
    %get3A_2236 = arith.index_cast %get3A_2235 : i32 to index
    %get3A_2237 = arith.constant 736 : index
    %get3A_2238 = tpu.vector_load %arg7[%get3A_2236, %get3A_2237] {strides = array<i32>} : memref<1x1024xi32, #tpu.memory_space<vmem>>, vector<1x16xi32>,
    %get3A_2239 = vector.shape_cast %get3A_2238 : vector<1x16xi32> to vector<16xi32>
    %get3A_2240 = arith.constant 0 : i32
    %get3A_2241 = arith.index_cast %get3A_2240 : i32 to index
    %get3A_2242 = arith.constant 736 : index
    %get3A_2243 = tpu.vector_load %arg8[%get3A_2241, %get3A_2242] {strides = array<i32>} : memref<1x1024xi32, #tpu.memory_space<vmem>>, vector<1x16xi32>,
    %get3A_2244 = vector.shape_cast %get3A_2243 : vector<1x16xi32> to vector<16xi32>
    %get3A_2245 = arith.constant 0 : i32
    %get3A_2246 = arith.index_cast %get3A_2245 : i32 to index
    %get3A_2247 = arith.constant 736 : index
    %get3A_2248 = tpu.vector_load %arg9[%get3A_2246, %get3A_2247] {strides = array<i32>} : memref<1x1024xf32, #tpu.memory_space<vmem>>, vector<1x16xf32>,
    %get3A_2249 = vector.shape_cast %get3A_2248 : vector<1x16xf32> to vector<16xf32>
    %ge3A_2250 = vector.broadcast %mul3A_0 : i32 to vector<16xi32>
    %ge3A_2251 = arith.cmpi sge, %get3A_2239, %ge3A_2250 : vector<16xi32>
    %lt3A_2252 = vector.broadcast %add3A_1 : i32 to vector<16xi32>
    %lt3A_2253 = arith.cmpi slt, %get3A_2239, %lt3A_2252 : vector<16xi32>
    %and3A_2254 = arith.andi %ge3A_2251, %lt3A_2253 : vector<16xi1>
    %sub3A_2255 = vector.broadcast %mul3A_0 : i32 to vector<16xi32>
    %sub3A_2256 = arith.subi %get3A_2239, %sub3A_2255 : vector<16xi32>
    %mul3A_2257 = arith.constant 1024 : i32
    %mul3A_2258 = vector.broadcast %mul3A_2257 : i32 to vector<16xi32>
    %mul3A_2259 = arith.muli %sub3A_2256, %mul3A_2258 : vector<16xi32>
    %add3A_2260 = arith.addi %mul3A_2259, %get3A_2244 : vector<16xi32>
    %jit3A_2261 = arith.constant 0 : i32
    %broadcast_in_dim3A_2262 = vector.broadcast %jit3A_2261 : i32 to vector<16xi32>
    %select_n3A_2263 = arith.select %and3A_2254, %add3A_2260, %broadcast_in_dim3A_2262 : vector<16xi1>, vector<16xi32>
    %swap3A_2264 = arith.constant 0 : i32
    %swap3A_2265 = arith.constant 5 : i32
    %swap3A_2266 = arith.index_cast %swap3A_2264 : i32 to index
    %swap3A_2267 = arith.index_cast %swap3A_2265 : i32 to index
    %swap3A_2268 = arith.constant 96 : index
    %swap3A_2269 = tpu.vector_load %arg10[%swap3A_2266, %swap3A_2267, %swap3A_2268] {strides = array<i32>} : memref<1x8x128xi32, #tpu.memory_space<vmem>>, vector<1x1x16xi32>,
    %swap3A_2270 = vector.shape_cast %swap3A_2269 : vector<1x1x16xi32> to vector<16xi32>
    %swap3A_2271 = vector.shape_cast %select_n3A_2263 : vector<16xi32> to vector<1x1x16xi32>
    tpu.vector_store %arg10[%swap3A_2266, %swap3A_2267, %swap3A_2268], %swap3A_2271 {strides = array<i32>} : memref<1x8x128xi32, #tpu.memory_space<vmem>>, vector<1x1x16xi32>,
    %jit3A_2272 = arith.constant 0.000000e+00 : f32
    %broadcast_in_dim3A_2273 = vector.broadcast %jit3A_2272 : f32 to vector<16xf32>
    %select_n3A_2274 = arith.select %and3A_2254, %get3A_2249, %broadcast_in_dim3A_2273 : vector<16xi1>, vector<16xf32>
    %swap3A_2275 = arith.constant 0 : i32
    %swap3A_2276 = arith.constant 5 : i32
    %swap3A_2277 = arith.index_cast %swap3A_2275 : i32 to index
    %swap3A_2278 = arith.index_cast %swap3A_2276 : i32 to index
    %swap3A_2279 = arith.constant 96 : index
    %swap3A_2280 = tpu.vector_load %arg11[%swap3A_2277, %swap3A_2278, %swap3A_2279] {strides = array<i32>} : memref<1x8x128xf32, #tpu.memory_space<vmem>>, vector<1x1x16xf32>,
    %swap3A_2281 = vector.shape_cast %swap3A_2280 : vector<1x1x16xf32> to vector<16xf32>
    %swap3A_2282 = vector.shape_cast %select_n3A_2274 : vector<16xf32> to vector<1x1x16xf32>
    tpu.vector_store %arg11[%swap3A_2277, %swap3A_2278, %swap3A_2279], %swap3A_2282 {strides = array<i32>} : memref<1x8x128xf32, #tpu.memory_space<vmem>>, vector<1x1x16xf32>,
    %get3A_2283 = arith.constant 0 : i32
    %get3A_2284 = arith.index_cast %get3A_2283 : i32 to index
    %get3A_2285 = arith.constant 752 : index
    %get3A_2286 = tpu.vector_load %arg7[%get3A_2284, %get3A_2285] {strides = array<i32>} : memref<1x1024xi32, #tpu.memory_space<vmem>>, vector<1x16xi32>,
    %get3A_2287 = vector.shape_cast %get3A_2286 : vector<1x16xi32> to vector<16xi32>
    %get3A_2288 = arith.constant 0 : i32
    %get3A_2289 = arith.index_cast %get3A_2288 : i32 to index
    %get3A_2290 = arith.constant 752 : index
    %get3A_2291 = tpu.vector_load %arg8[%get3A_2289, %get3A_2290] {strides = array<i32>} : memref<1x1024xi32, #tpu.memory_space<vmem>>, vector<1x16xi32>,
    %get3A_2292 = vector.shape_cast %get3A_2291 : vector<1x16xi32> to vector<16xi32>
    %get3A_2293 = arith.constant 0 : i32
    %get3A_2294 = arith.index_cast %get3A_2293 : i32 to index
    %get3A_2295 = arith.constant 752 : index
    %get3A_2296 = tpu.vector_load %arg9[%get3A_2294, %get3A_2295] {strides = array<i32>} : memref<1x1024xf32, #tpu.memory_space<vmem>>, vector<1x16xf32>,
    %get3A_2297 = vector.shape_cast %get3A_2296 : vector<1x16xf32> to vector<16xf32>
    %ge3A_2298 = vector.broadcast %mul3A_0 : i32 to vector<16xi32>
    %ge3A_2299 = arith.cmpi sge, %get3A_2287, %ge3A_2298 : vector<16xi32>
    %lt3A_2300 = vector.broadcast %add3A_1 : i32 to vector<16xi32>
    %lt3A_2301 = arith.cmpi slt, %get3A_2287, %lt3A_2300 : vector<16xi32>
    %and3A_2302 = arith.andi %ge3A_2299, %lt3A_2301 : vector<16xi1>
    %sub3A_2303 = vector.broadcast %mul3A_0 : i32 to vector<16xi32>
    %sub3A_2304 = arith.subi %get3A_2287, %sub3A_2303 : vector<16xi32>
    %mul3A_2305 = arith.constant 1024 : i32
    %mul3A_2306 = vector.broadcast %mul3A_2305 : i32 to vector<16xi32>
    %mul3A_2307 = arith.muli %sub3A_2304, %mul3A_2306 : vector<16xi32>
    %add3A_2308 = arith.addi %mul3A_2307, %get3A_2292 : vector<16xi32>
    %jit3A_2309 = arith.constant 0 : i32
    %broadcast_in_dim3A_2310 = vector.broadcast %jit3A_2309 : i32 to vector<16xi32>
    %select_n3A_2311 = arith.select %and3A_2302, %add3A_2308, %broadcast_in_dim3A_2310 : vector<16xi1>, vector<16xi32>
    %swap3A_2312 = arith.constant 0 : i32
    %swap3A_2313 = arith.constant 5 : i32
    %swap3A_2314 = arith.index_cast %swap3A_2312 : i32 to index
    %swap3A_2315 = arith.index_cast %swap3A_2313 : i32 to index
    %swap3A_2316 = arith.constant 112 : index
    %swap3A_2317 = tpu.vector_load %arg10[%swap3A_2314, %swap3A_2315, %swap3A_2316] {strides = array<i32>} : memref<1x8x128xi32, #tpu.memory_space<vmem>>, vector<1x1x16xi32>,
    %swap3A_2318 = vector.shape_cast %swap3A_2317 : vector<1x1x16xi32> to vector<16xi32>
    %swap3A_2319 = vector.shape_cast %select_n3A_2311 : vector<16xi32> to vector<1x1x16xi32>
    tpu.vector_store %arg10[%swap3A_2314, %swap3A_2315, %swap3A_2316], %swap3A_2319 {strides = array<i32>} : memref<1x8x128xi32, #tpu.memory_space<vmem>>, vector<1x1x16xi32>,
    %jit3A_2320 = arith.constant 0.000000e+00 : f32
    %broadcast_in_dim3A_2321 = vector.broadcast %jit3A_2320 : f32 to vector<16xf32>
    %select_n3A_2322 = arith.select %and3A_2302, %get3A_2297, %broadcast_in_dim3A_2321 : vector<16xi1>, vector<16xf32>
    %swap3A_2323 = arith.constant 0 : i32
    %swap3A_2324 = arith.constant 5 : i32
    %swap3A_2325 = arith.index_cast %swap3A_2323 : i32 to index
    %swap3A_2326 = arith.index_cast %swap3A_2324 : i32 to index
    %swap3A_2327 = arith.constant 112 : index
    %swap3A_2328 = tpu.vector_load %arg11[%swap3A_2325, %swap3A_2326, %swap3A_2327] {strides = array<i32>} : memref<1x8x128xf32, #tpu.memory_space<vmem>>, vector<1x1x16xf32>,
    %swap3A_2329 = vector.shape_cast %swap3A_2328 : vector<1x1x16xf32> to vector<16xf32>
    %swap3A_2330 = vector.shape_cast %select_n3A_2322 : vector<16xf32> to vector<1x1x16xf32>
    tpu.vector_store %arg11[%swap3A_2325, %swap3A_2326, %swap3A_2327], %swap3A_2330 {strides = array<i32>} : memref<1x8x128xf32, #tpu.memory_space<vmem>>, vector<1x1x16xf32>,
    %get3A_2331 = arith.constant 0 : i32
    %get3A_2332 = arith.index_cast %get3A_2331 : i32 to index
    %get3A_2333 = arith.constant 768 : index
    %get3A_2334 = tpu.vector_load %arg7[%get3A_2332, %get3A_2333] {strides = array<i32>} : memref<1x1024xi32, #tpu.memory_space<vmem>>, vector<1x16xi32>,
    %get3A_2335 = vector.shape_cast %get3A_2334 : vector<1x16xi32> to vector<16xi32>
    %get3A_2336 = arith.constant 0 : i32
    %get3A_2337 = arith.index_cast %get3A_2336 : i32 to index
    %get3A_2338 = arith.constant 768 : index
    %get3A_2339 = tpu.vector_load %arg8[%get3A_2337, %get3A_2338] {strides = array<i32>} : memref<1x1024xi32, #tpu.memory_space<vmem>>, vector<1x16xi32>,
    %get3A_2340 = vector.shape_cast %get3A_2339 : vector<1x16xi32> to vector<16xi32>
    %get3A_2341 = arith.constant 0 : i32
    %get3A_2342 = arith.index_cast %get3A_2341 : i32 to index
    %get3A_2343 = arith.constant 768 : index
    %get3A_2344 = tpu.vector_load %arg9[%get3A_2342, %get3A_2343] {strides = array<i32>} : memref<1x1024xf32, #tpu.memory_space<vmem>>, vector<1x16xf32>,
    %get3A_2345 = vector.shape_cast %get3A_2344 : vector<1x16xf32> to vector<16xf32>
    %ge3A_2346 = vector.broadcast %mul3A_0 : i32 to vector<16xi32>
    %ge3A_2347 = arith.cmpi sge, %get3A_2335, %ge3A_2346 : vector<16xi32>
    %lt3A_2348 = vector.broadcast %add3A_1 : i32 to vector<16xi32>
    %lt3A_2349 = arith.cmpi slt, %get3A_2335, %lt3A_2348 : vector<16xi32>
    %and3A_2350 = arith.andi %ge3A_2347, %lt3A_2349 : vector<16xi1>
    %sub3A_2351 = vector.broadcast %mul3A_0 : i32 to vector<16xi32>
    %sub3A_2352 = arith.subi %get3A_2335, %sub3A_2351 : vector<16xi32>
    %mul3A_2353 = arith.constant 1024 : i32
    %mul3A_2354 = vector.broadcast %mul3A_2353 : i32 to vector<16xi32>
    %mul3A_2355 = arith.muli %sub3A_2352, %mul3A_2354 : vector<16xi32>
    %add3A_2356 = arith.addi %mul3A_2355, %get3A_2340 : vector<16xi32>
    %jit3A_2357 = arith.constant 0 : i32
    %broadcast_in_dim3A_2358 = vector.broadcast %jit3A_2357 : i32 to vector<16xi32>
    %select_n3A_2359 = arith.select %and3A_2350, %add3A_2356, %broadcast_in_dim3A_2358 : vector<16xi1>, vector<16xi32>
    %swap3A_2360 = arith.constant 0 : i32
    %swap3A_2361 = arith.constant 6 : i32
    %swap3A_2362 = arith.index_cast %swap3A_2360 : i32 to index
    %swap3A_2363 = arith.index_cast %swap3A_2361 : i32 to index
    %swap3A_2364 = arith.constant 0 : index
    %swap3A_2365 = tpu.vector_load %arg10[%swap3A_2362, %swap3A_2363, %swap3A_2364] {strides = array<i32>} : memref<1x8x128xi32, #tpu.memory_space<vmem>>, vector<1x1x16xi32>,
    %swap3A_2366 = vector.shape_cast %swap3A_2365 : vector<1x1x16xi32> to vector<16xi32>
    %swap3A_2367 = vector.shape_cast %select_n3A_2359 : vector<16xi32> to vector<1x1x16xi32>
    tpu.vector_store %arg10[%swap3A_2362, %swap3A_2363, %swap3A_2364], %swap3A_2367 {strides = array<i32>} : memref<1x8x128xi32, #tpu.memory_space<vmem>>, vector<1x1x16xi32>,
    %jit3A_2368 = arith.constant 0.000000e+00 : f32
    %broadcast_in_dim3A_2369 = vector.broadcast %jit3A_2368 : f32 to vector<16xf32>
    %select_n3A_2370 = arith.select %and3A_2350, %get3A_2345, %broadcast_in_dim3A_2369 : vector<16xi1>, vector<16xf32>
    %swap3A_2371 = arith.constant 0 : i32
    %swap3A_2372 = arith.constant 6 : i32
    %swap3A_2373 = arith.index_cast %swap3A_2371 : i32 to index
    %swap3A_2374 = arith.index_cast %swap3A_2372 : i32 to index
    %swap3A_2375 = arith.constant 0 : index
    %swap3A_2376 = tpu.vector_load %arg11[%swap3A_2373, %swap3A_2374, %swap3A_2375] {strides = array<i32>} : memref<1x8x128xf32, #tpu.memory_space<vmem>>, vector<1x1x16xf32>,
    %swap3A_2377 = vector.shape_cast %swap3A_2376 : vector<1x1x16xf32> to vector<16xf32>
    %swap3A_2378 = vector.shape_cast %select_n3A_2370 : vector<16xf32> to vector<1x1x16xf32>
    tpu.vector_store %arg11[%swap3A_2373, %swap3A_2374, %swap3A_2375], %swap3A_2378 {strides = array<i32>} : memref<1x8x128xf32, #tpu.memory_space<vmem>>, vector<1x1x16xf32>,
    %get3A_2379 = arith.constant 0 : i32
    %get3A_2380 = arith.index_cast %get3A_2379 : i32 to index
    %get3A_2381 = arith.constant 784 : index
    %get3A_2382 = tpu.vector_load %arg7[%get3A_2380, %get3A_2381] {strides = array<i32>} : memref<1x1024xi32, #tpu.memory_space<vmem>>, vector<1x16xi32>,
    %get3A_2383 = vector.shape_cast %get3A_2382 : vector<1x16xi32> to vector<16xi32>
    %get3A_2384 = arith.constant 0 : i32
    %get3A_2385 = arith.index_cast %get3A_2384 : i32 to index
    %get3A_2386 = arith.constant 784 : index
    %get3A_2387 = tpu.vector_load %arg8[%get3A_2385, %get3A_2386] {strides = array<i32>} : memref<1x1024xi32, #tpu.memory_space<vmem>>, vector<1x16xi32>,
    %get3A_2388 = vector.shape_cast %get3A_2387 : vector<1x16xi32> to vector<16xi32>
    %get3A_2389 = arith.constant 0 : i32
    %get3A_2390 = arith.index_cast %get3A_2389 : i32 to index
    %get3A_2391 = arith.constant 784 : index
    %get3A_2392 = tpu.vector_load %arg9[%get3A_2390, %get3A_2391] {strides = array<i32>} : memref<1x1024xf32, #tpu.memory_space<vmem>>, vector<1x16xf32>,
    %get3A_2393 = vector.shape_cast %get3A_2392 : vector<1x16xf32> to vector<16xf32>
    %ge3A_2394 = vector.broadcast %mul3A_0 : i32 to vector<16xi32>
    %ge3A_2395 = arith.cmpi sge, %get3A_2383, %ge3A_2394 : vector<16xi32>
    %lt3A_2396 = vector.broadcast %add3A_1 : i32 to vector<16xi32>
    %lt3A_2397 = arith.cmpi slt, %get3A_2383, %lt3A_2396 : vector<16xi32>
    %and3A_2398 = arith.andi %ge3A_2395, %lt3A_2397 : vector<16xi1>
    %sub3A_2399 = vector.broadcast %mul3A_0 : i32 to vector<16xi32>
    %sub3A_2400 = arith.subi %get3A_2383, %sub3A_2399 : vector<16xi32>
    %mul3A_2401 = arith.constant 1024 : i32
    %mul3A_2402 = vector.broadcast %mul3A_2401 : i32 to vector<16xi32>
    %mul3A_2403 = arith.muli %sub3A_2400, %mul3A_2402 : vector<16xi32>
    %add3A_2404 = arith.addi %mul3A_2403, %get3A_2388 : vector<16xi32>
    %jit3A_2405 = arith.constant 0 : i32
    %broadcast_in_dim3A_2406 = vector.broadcast %jit3A_2405 : i32 to vector<16xi32>
    %select_n3A_2407 = arith.select %and3A_2398, %add3A_2404, %broadcast_in_dim3A_2406 : vector<16xi1>, vector<16xi32>
    %swap3A_2408 = arith.constant 0 : i32
    %swap3A_2409 = arith.constant 6 : i32
    %swap3A_2410 = arith.index_cast %swap3A_2408 : i32 to index
    %swap3A_2411 = arith.index_cast %swap3A_2409 : i32 to index
    %swap3A_2412 = arith.constant 16 : index
    %swap3A_2413 = tpu.vector_load %arg10[%swap3A_2410, %swap3A_2411, %swap3A_2412] {strides = array<i32>} : memref<1x8x128xi32, #tpu.memory_space<vmem>>, vector<1x1x16xi32>,
    %swap3A_2414 = vector.shape_cast %swap3A_2413 : vector<1x1x16xi32> to vector<16xi32>
    %swap3A_2415 = vector.shape_cast %select_n3A_2407 : vector<16xi32> to vector<1x1x16xi32>
    tpu.vector_store %arg10[%swap3A_2410, %swap3A_2411, %swap3A_2412], %swap3A_2415 {strides = array<i32>} : memref<1x8x128xi32, #tpu.memory_space<vmem>>, vector<1x1x16xi32>,
    %jit3A_2416 = arith.constant 0.000000e+00 : f32
    %broadcast_in_dim3A_2417 = vector.broadcast %jit3A_2416 : f32 to vector<16xf32>
    %select_n3A_2418 = arith.select %and3A_2398, %get3A_2393, %broadcast_in_dim3A_2417 : vector<16xi1>, vector<16xf32>
    %swap3A_2419 = arith.constant 0 : i32
    %swap3A_2420 = arith.constant 6 : i32
    %swap3A_2421 = arith.index_cast %swap3A_2419 : i32 to index
    %swap3A_2422 = arith.index_cast %swap3A_2420 : i32 to index
    %swap3A_2423 = arith.constant 16 : index
    %swap3A_2424 = tpu.vector_load %arg11[%swap3A_2421, %swap3A_2422, %swap3A_2423] {strides = array<i32>} : memref<1x8x128xf32, #tpu.memory_space<vmem>>, vector<1x1x16xf32>,
    %swap3A_2425 = vector.shape_cast %swap3A_2424 : vector<1x1x16xf32> to vector<16xf32>
    %swap3A_2426 = vector.shape_cast %select_n3A_2418 : vector<16xf32> to vector<1x1x16xf32>
    tpu.vector_store %arg11[%swap3A_2421, %swap3A_2422, %swap3A_2423], %swap3A_2426 {strides = array<i32>} : memref<1x8x128xf32, #tpu.memory_space<vmem>>, vector<1x1x16xf32>,
    %get3A_2427 = arith.constant 0 : i32
    %get3A_2428 = arith.index_cast %get3A_2427 : i32 to index
    %get3A_2429 = arith.constant 800 : index
    %get3A_2430 = tpu.vector_load %arg7[%get3A_2428, %get3A_2429] {strides = array<i32>} : memref<1x1024xi32, #tpu.memory_space<vmem>>, vector<1x16xi32>,
    %get3A_2431 = vector.shape_cast %get3A_2430 : vector<1x16xi32> to vector<16xi32>
    %get3A_2432 = arith.constant 0 : i32
    %get3A_2433 = arith.index_cast %get3A_2432 : i32 to index
    %get3A_2434 = arith.constant 800 : index
    %get3A_2435 = tpu.vector_load %arg8[%get3A_2433, %get3A_2434] {strides = array<i32>} : memref<1x1024xi32, #tpu.memory_space<vmem>>, vector<1x16xi32>,
    %get3A_2436 = vector.shape_cast %get3A_2435 : vector<1x16xi32> to vector<16xi32>
    %get3A_2437 = arith.constant 0 : i32
    %get3A_2438 = arith.index_cast %get3A_2437 : i32 to index
    %get3A_2439 = arith.constant 800 : index
    %get3A_2440 = tpu.vector_load %arg9[%get3A_2438, %get3A_2439] {strides = array<i32>} : memref<1x1024xf32, #tpu.memory_space<vmem>>, vector<1x16xf32>,
    %get3A_2441 = vector.shape_cast %get3A_2440 : vector<1x16xf32> to vector<16xf32>
    %ge3A_2442 = vector.broadcast %mul3A_0 : i32 to vector<16xi32>
    %ge3A_2443 = arith.cmpi sge, %get3A_2431, %ge3A_2442 : vector<16xi32>
    %lt3A_2444 = vector.broadcast %add3A_1 : i32 to vector<16xi32>
    %lt3A_2445 = arith.cmpi slt, %get3A_2431, %lt3A_2444 : vector<16xi32>
    %and3A_2446 = arith.andi %ge3A_2443, %lt3A_2445 : vector<16xi1>
    %sub3A_2447 = vector.broadcast %mul3A_0 : i32 to vector<16xi32>
    %sub3A_2448 = arith.subi %get3A_2431, %sub3A_2447 : vector<16xi32>
    %mul3A_2449 = arith.constant 1024 : i32
    %mul3A_2450 = vector.broadcast %mul3A_2449 : i32 to vector<16xi32>
    %mul3A_2451 = arith.muli %sub3A_2448, %mul3A_2450 : vector<16xi32>
    %add3A_2452 = arith.addi %mul3A_2451, %get3A_2436 : vector<16xi32>
    %jit3A_2453 = arith.constant 0 : i32
    %broadcast_in_dim3A_2454 = vector.broadcast %jit3A_2453 : i32 to vector<16xi32>
    %select_n3A_2455 = arith.select %and3A_2446, %add3A_2452, %broadcast_in_dim3A_2454 : vector<16xi1>, vector<16xi32>
    %swap3A_2456 = arith.constant 0 : i32
    %swap3A_2457 = arith.constant 6 : i32
    %swap3A_2458 = arith.index_cast %swap3A_2456 : i32 to index
    %swap3A_2459 = arith.index_cast %swap3A_2457 : i32 to index
    %swap3A_2460 = arith.constant 32 : index
    %swap3A_2461 = tpu.vector_load %arg10[%swap3A_2458, %swap3A_2459, %swap3A_2460] {strides = array<i32>} : memref<1x8x128xi32, #tpu.memory_space<vmem>>, vector<1x1x16xi32>,
    %swap3A_2462 = vector.shape_cast %swap3A_2461 : vector<1x1x16xi32> to vector<16xi32>
    %swap3A_2463 = vector.shape_cast %select_n3A_2455 : vector<16xi32> to vector<1x1x16xi32>
    tpu.vector_store %arg10[%swap3A_2458, %swap3A_2459, %swap3A_2460], %swap3A_2463 {strides = array<i32>} : memref<1x8x128xi32, #tpu.memory_space<vmem>>, vector<1x1x16xi32>,
    %jit3A_2464 = arith.constant 0.000000e+00 : f32
    %broadcast_in_dim3A_2465 = vector.broadcast %jit3A_2464 : f32 to vector<16xf32>
    %select_n3A_2466 = arith.select %and3A_2446, %get3A_2441, %broadcast_in_dim3A_2465 : vector<16xi1>, vector<16xf32>
    %swap3A_2467 = arith.constant 0 : i32
    %swap3A_2468 = arith.constant 6 : i32
    %swap3A_2469 = arith.index_cast %swap3A_2467 : i32 to index
    %swap3A_2470 = arith.index_cast %swap3A_2468 : i32 to index
    %swap3A_2471 = arith.constant 32 : index
    %swap3A_2472 = tpu.vector_load %arg11[%swap3A_2469, %swap3A_2470, %swap3A_2471] {strides = array<i32>} : memref<1x8x128xf32, #tpu.memory_space<vmem>>, vector<1x1x16xf32>,
    %swap3A_2473 = vector.shape_cast %swap3A_2472 : vector<1x1x16xf32> to vector<16xf32>
    %swap3A_2474 = vector.shape_cast %select_n3A_2466 : vector<16xf32> to vector<1x1x16xf32>
    tpu.vector_store %arg11[%swap3A_2469, %swap3A_2470, %swap3A_2471], %swap3A_2474 {strides = array<i32>} : memref<1x8x128xf32, #tpu.memory_space<vmem>>, vector<1x1x16xf32>,
    %get3A_2475 = arith.constant 0 : i32
    %get3A_2476 = arith.index_cast %get3A_2475 : i32 to index
    %get3A_2477 = arith.constant 816 : index
    %get3A_2478 = tpu.vector_load %arg7[%get3A_2476, %get3A_2477] {strides = array<i32>} : memref<1x1024xi32, #tpu.memory_space<vmem>>, vector<1x16xi32>,
    %get3A_2479 = vector.shape_cast %get3A_2478 : vector<1x16xi32> to vector<16xi32>
    %get3A_2480 = arith.constant 0 : i32
    %get3A_2481 = arith.index_cast %get3A_2480 : i32 to index
    %get3A_2482 = arith.constant 816 : index
    %get3A_2483 = tpu.vector_load %arg8[%get3A_2481, %get3A_2482] {strides = array<i32>} : memref<1x1024xi32, #tpu.memory_space<vmem>>, vector<1x16xi32>,
    %get3A_2484 = vector.shape_cast %get3A_2483 : vector<1x16xi32> to vector<16xi32>
    %get3A_2485 = arith.constant 0 : i32
    %get3A_2486 = arith.index_cast %get3A_2485 : i32 to index
    %get3A_2487 = arith.constant 816 : index
    %get3A_2488 = tpu.vector_load %arg9[%get3A_2486, %get3A_2487] {strides = array<i32>} : memref<1x1024xf32, #tpu.memory_space<vmem>>, vector<1x16xf32>,
    %get3A_2489 = vector.shape_cast %get3A_2488 : vector<1x16xf32> to vector<16xf32>
    %ge3A_2490 = vector.broadcast %mul3A_0 : i32 to vector<16xi32>
    %ge3A_2491 = arith.cmpi sge, %get3A_2479, %ge3A_2490 : vector<16xi32>
    %lt3A_2492 = vector.broadcast %add3A_1 : i32 to vector<16xi32>
    %lt3A_2493 = arith.cmpi slt, %get3A_2479, %lt3A_2492 : vector<16xi32>
    %and3A_2494 = arith.andi %ge3A_2491, %lt3A_2493 : vector<16xi1>
    %sub3A_2495 = vector.broadcast %mul3A_0 : i32 to vector<16xi32>
    %sub3A_2496 = arith.subi %get3A_2479, %sub3A_2495 : vector<16xi32>
    %mul3A_2497 = arith.constant 1024 : i32
    %mul3A_2498 = vector.broadcast %mul3A_2497 : i32 to vector<16xi32>
    %mul3A_2499 = arith.muli %sub3A_2496, %mul3A_2498 : vector<16xi32>
    %add3A_2500 = arith.addi %mul3A_2499, %get3A_2484 : vector<16xi32>
    %jit3A_2501 = arith.constant 0 : i32
    %broadcast_in_dim3A_2502 = vector.broadcast %jit3A_2501 : i32 to vector<16xi32>
    %select_n3A_2503 = arith.select %and3A_2494, %add3A_2500, %broadcast_in_dim3A_2502 : vector<16xi1>, vector<16xi32>
    %swap3A_2504 = arith.constant 0 : i32
    %swap3A_2505 = arith.constant 6 : i32
    %swap3A_2506 = arith.index_cast %swap3A_2504 : i32 to index
    %swap3A_2507 = arith.index_cast %swap3A_2505 : i32 to index
    %swap3A_2508 = arith.constant 48 : index
    %swap3A_2509 = tpu.vector_load %arg10[%swap3A_2506, %swap3A_2507, %swap3A_2508] {strides = array<i32>} : memref<1x8x128xi32, #tpu.memory_space<vmem>>, vector<1x1x16xi32>,
    %swap3A_2510 = vector.shape_cast %swap3A_2509 : vector<1x1x16xi32> to vector<16xi32>
    %swap3A_2511 = vector.shape_cast %select_n3A_2503 : vector<16xi32> to vector<1x1x16xi32>
    tpu.vector_store %arg10[%swap3A_2506, %swap3A_2507, %swap3A_2508], %swap3A_2511 {strides = array<i32>} : memref<1x8x128xi32, #tpu.memory_space<vmem>>, vector<1x1x16xi32>,
    %jit3A_2512 = arith.constant 0.000000e+00 : f32
    %broadcast_in_dim3A_2513 = vector.broadcast %jit3A_2512 : f32 to vector<16xf32>
    %select_n3A_2514 = arith.select %and3A_2494, %get3A_2489, %broadcast_in_dim3A_2513 : vector<16xi1>, vector<16xf32>
    %swap3A_2515 = arith.constant 0 : i32
    %swap3A_2516 = arith.constant 6 : i32
    %swap3A_2517 = arith.index_cast %swap3A_2515 : i32 to index
    %swap3A_2518 = arith.index_cast %swap3A_2516 : i32 to index
    %swap3A_2519 = arith.constant 48 : index
    %swap3A_2520 = tpu.vector_load %arg11[%swap3A_2517, %swap3A_2518, %swap3A_2519] {strides = array<i32>} : memref<1x8x128xf32, #tpu.memory_space<vmem>>, vector<1x1x16xf32>,
    %swap3A_2521 = vector.shape_cast %swap3A_2520 : vector<1x1x16xf32> to vector<16xf32>
    %swap3A_2522 = vector.shape_cast %select_n3A_2514 : vector<16xf32> to vector<1x1x16xf32>
    tpu.vector_store %arg11[%swap3A_2517, %swap3A_2518, %swap3A_2519], %swap3A_2522 {strides = array<i32>} : memref<1x8x128xf32, #tpu.memory_space<vmem>>, vector<1x1x16xf32>,
    %get3A_2523 = arith.constant 0 : i32
    %get3A_2524 = arith.index_cast %get3A_2523 : i32 to index
    %get3A_2525 = arith.constant 832 : index
    %get3A_2526 = tpu.vector_load %arg7[%get3A_2524, %get3A_2525] {strides = array<i32>} : memref<1x1024xi32, #tpu.memory_space<vmem>>, vector<1x16xi32>,
    %get3A_2527 = vector.shape_cast %get3A_2526 : vector<1x16xi32> to vector<16xi32>
    %get3A_2528 = arith.constant 0 : i32
    %get3A_2529 = arith.index_cast %get3A_2528 : i32 to index
    %get3A_2530 = arith.constant 832 : index
    %get3A_2531 = tpu.vector_load %arg8[%get3A_2529, %get3A_2530] {strides = array<i32>} : memref<1x1024xi32, #tpu.memory_space<vmem>>, vector<1x16xi32>,
    %get3A_2532 = vector.shape_cast %get3A_2531 : vector<1x16xi32> to vector<16xi32>
    %get3A_2533 = arith.constant 0 : i32
    %get3A_2534 = arith.index_cast %get3A_2533 : i32 to index
    %get3A_2535 = arith.constant 832 : index
    %get3A_2536 = tpu.vector_load %arg9[%get3A_2534, %get3A_2535] {strides = array<i32>} : memref<1x1024xf32, #tpu.memory_space<vmem>>, vector<1x16xf32>,
    %get3A_2537 = vector.shape_cast %get3A_2536 : vector<1x16xf32> to vector<16xf32>
    %ge3A_2538 = vector.broadcast %mul3A_0 : i32 to vector<16xi32>
    %ge3A_2539 = arith.cmpi sge, %get3A_2527, %ge3A_2538 : vector<16xi32>
    %lt3A_2540 = vector.broadcast %add3A_1 : i32 to vector<16xi32>
    %lt3A_2541 = arith.cmpi slt, %get3A_2527, %lt3A_2540 : vector<16xi32>
    %and3A_2542 = arith.andi %ge3A_2539, %lt3A_2541 : vector<16xi1>
    %sub3A_2543 = vector.broadcast %mul3A_0 : i32 to vector<16xi32>
    %sub3A_2544 = arith.subi %get3A_2527, %sub3A_2543 : vector<16xi32>
    %mul3A_2545 = arith.constant 1024 : i32
    %mul3A_2546 = vector.broadcast %mul3A_2545 : i32 to vector<16xi32>
    %mul3A_2547 = arith.muli %sub3A_2544, %mul3A_2546 : vector<16xi32>
    %add3A_2548 = arith.addi %mul3A_2547, %get3A_2532 : vector<16xi32>
    %jit3A_2549 = arith.constant 0 : i32
    %broadcast_in_dim3A_2550 = vector.broadcast %jit3A_2549 : i32 to vector<16xi32>
    %select_n3A_2551 = arith.select %and3A_2542, %add3A_2548, %broadcast_in_dim3A_2550 : vector<16xi1>, vector<16xi32>
    %swap3A_2552 = arith.constant 0 : i32
    %swap3A_2553 = arith.constant 6 : i32
    %swap3A_2554 = arith.index_cast %swap3A_2552 : i32 to index
    %swap3A_2555 = arith.index_cast %swap3A_2553 : i32 to index
    %swap3A_2556 = arith.constant 64 : index
    %swap3A_2557 = tpu.vector_load %arg10[%swap3A_2554, %swap3A_2555, %swap3A_2556] {strides = array<i32>} : memref<1x8x128xi32, #tpu.memory_space<vmem>>, vector<1x1x16xi32>,
    %swap3A_2558 = vector.shape_cast %swap3A_2557 : vector<1x1x16xi32> to vector<16xi32>
    %swap3A_2559 = vector.shape_cast %select_n3A_2551 : vector<16xi32> to vector<1x1x16xi32>
    tpu.vector_store %arg10[%swap3A_2554, %swap3A_2555, %swap3A_2556], %swap3A_2559 {strides = array<i32>} : memref<1x8x128xi32, #tpu.memory_space<vmem>>, vector<1x1x16xi32>,
    %jit3A_2560 = arith.constant 0.000000e+00 : f32
    %broadcast_in_dim3A_2561 = vector.broadcast %jit3A_2560 : f32 to vector<16xf32>
    %select_n3A_2562 = arith.select %and3A_2542, %get3A_2537, %broadcast_in_dim3A_2561 : vector<16xi1>, vector<16xf32>
    %swap3A_2563 = arith.constant 0 : i32
    %swap3A_2564 = arith.constant 6 : i32
    %swap3A_2565 = arith.index_cast %swap3A_2563 : i32 to index
    %swap3A_2566 = arith.index_cast %swap3A_2564 : i32 to index
    %swap3A_2567 = arith.constant 64 : index
    %swap3A_2568 = tpu.vector_load %arg11[%swap3A_2565, %swap3A_2566, %swap3A_2567] {strides = array<i32>} : memref<1x8x128xf32, #tpu.memory_space<vmem>>, vector<1x1x16xf32>,
    %swap3A_2569 = vector.shape_cast %swap3A_2568 : vector<1x1x16xf32> to vector<16xf32>
    %swap3A_2570 = vector.shape_cast %select_n3A_2562 : vector<16xf32> to vector<1x1x16xf32>
    tpu.vector_store %arg11[%swap3A_2565, %swap3A_2566, %swap3A_2567], %swap3A_2570 {strides = array<i32>} : memref<1x8x128xf32, #tpu.memory_space<vmem>>, vector<1x1x16xf32>,
    %get3A_2571 = arith.constant 0 : i32
    %get3A_2572 = arith.index_cast %get3A_2571 : i32 to index
    %get3A_2573 = arith.constant 848 : index
    %get3A_2574 = tpu.vector_load %arg7[%get3A_2572, %get3A_2573] {strides = array<i32>} : memref<1x1024xi32, #tpu.memory_space<vmem>>, vector<1x16xi32>,
    %get3A_2575 = vector.shape_cast %get3A_2574 : vector<1x16xi32> to vector<16xi32>
    %get3A_2576 = arith.constant 0 : i32
    %get3A_2577 = arith.index_cast %get3A_2576 : i32 to index
    %get3A_2578 = arith.constant 848 : index
    %get3A_2579 = tpu.vector_load %arg8[%get3A_2577, %get3A_2578] {strides = array<i32>} : memref<1x1024xi32, #tpu.memory_space<vmem>>, vector<1x16xi32>,
    %get3A_2580 = vector.shape_cast %get3A_2579 : vector<1x16xi32> to vector<16xi32>
    %get3A_2581 = arith.constant 0 : i32
    %get3A_2582 = arith.index_cast %get3A_2581 : i32 to index
    %get3A_2583 = arith.constant 848 : index
    %get3A_2584 = tpu.vector_load %arg9[%get3A_2582, %get3A_2583] {strides = array<i32>} : memref<1x1024xf32, #tpu.memory_space<vmem>>, vector<1x16xf32>,
    %get3A_2585 = vector.shape_cast %get3A_2584 : vector<1x16xf32> to vector<16xf32>
    %ge3A_2586 = vector.broadcast %mul3A_0 : i32 to vector<16xi32>
    %ge3A_2587 = arith.cmpi sge, %get3A_2575, %ge3A_2586 : vector<16xi32>
    %lt3A_2588 = vector.broadcast %add3A_1 : i32 to vector<16xi32>
    %lt3A_2589 = arith.cmpi slt, %get3A_2575, %lt3A_2588 : vector<16xi32>
    %and3A_2590 = arith.andi %ge3A_2587, %lt3A_2589 : vector<16xi1>
    %sub3A_2591 = vector.broadcast %mul3A_0 : i32 to vector<16xi32>
    %sub3A_2592 = arith.subi %get3A_2575, %sub3A_2591 : vector<16xi32>
    %mul3A_2593 = arith.constant 1024 : i32
    %mul3A_2594 = vector.broadcast %mul3A_2593 : i32 to vector<16xi32>
    %mul3A_2595 = arith.muli %sub3A_2592, %mul3A_2594 : vector<16xi32>
    %add3A_2596 = arith.addi %mul3A_2595, %get3A_2580 : vector<16xi32>
    %jit3A_2597 = arith.constant 0 : i32
    %broadcast_in_dim3A_2598 = vector.broadcast %jit3A_2597 : i32 to vector<16xi32>
    %select_n3A_2599 = arith.select %and3A_2590, %add3A_2596, %broadcast_in_dim3A_2598 : vector<16xi1>, vector<16xi32>
    %swap3A_2600 = arith.constant 0 : i32
    %swap3A_2601 = arith.constant 6 : i32
    %swap3A_2602 = arith.index_cast %swap3A_2600 : i32 to index
    %swap3A_2603 = arith.index_cast %swap3A_2601 : i32 to index
    %swap3A_2604 = arith.constant 80 : index
    %swap3A_2605 = tpu.vector_load %arg10[%swap3A_2602, %swap3A_2603, %swap3A_2604] {strides = array<i32>} : memref<1x8x128xi32, #tpu.memory_space<vmem>>, vector<1x1x16xi32>,
    %swap3A_2606 = vector.shape_cast %swap3A_2605 : vector<1x1x16xi32> to vector<16xi32>
    %swap3A_2607 = vector.shape_cast %select_n3A_2599 : vector<16xi32> to vector<1x1x16xi32>
    tpu.vector_store %arg10[%swap3A_2602, %swap3A_2603, %swap3A_2604], %swap3A_2607 {strides = array<i32>} : memref<1x8x128xi32, #tpu.memory_space<vmem>>, vector<1x1x16xi32>,
    %jit3A_2608 = arith.constant 0.000000e+00 : f32
    %broadcast_in_dim3A_2609 = vector.broadcast %jit3A_2608 : f32 to vector<16xf32>
    %select_n3A_2610 = arith.select %and3A_2590, %get3A_2585, %broadcast_in_dim3A_2609 : vector<16xi1>, vector<16xf32>
    %swap3A_2611 = arith.constant 0 : i32
    %swap3A_2612 = arith.constant 6 : i32
    %swap3A_2613 = arith.index_cast %swap3A_2611 : i32 to index
    %swap3A_2614 = arith.index_cast %swap3A_2612 : i32 to index
    %swap3A_2615 = arith.constant 80 : index
    %swap3A_2616 = tpu.vector_load %arg11[%swap3A_2613, %swap3A_2614, %swap3A_2615] {strides = array<i32>} : memref<1x8x128xf32, #tpu.memory_space<vmem>>, vector<1x1x16xf32>,
    %swap3A_2617 = vector.shape_cast %swap3A_2616 : vector<1x1x16xf32> to vector<16xf32>
    %swap3A_2618 = vector.shape_cast %select_n3A_2610 : vector<16xf32> to vector<1x1x16xf32>
    tpu.vector_store %arg11[%swap3A_2613, %swap3A_2614, %swap3A_2615], %swap3A_2618 {strides = array<i32>} : memref<1x8x128xf32, #tpu.memory_space<vmem>>, vector<1x1x16xf32>,
    %get3A_2619 = arith.constant 0 : i32
    %get3A_2620 = arith.index_cast %get3A_2619 : i32 to index
    %get3A_2621 = arith.constant 864 : index
    %get3A_2622 = tpu.vector_load %arg7[%get3A_2620, %get3A_2621] {strides = array<i32>} : memref<1x1024xi32, #tpu.memory_space<vmem>>, vector<1x16xi32>,
    %get3A_2623 = vector.shape_cast %get3A_2622 : vector<1x16xi32> to vector<16xi32>
    %get3A_2624 = arith.constant 0 : i32
    %get3A_2625 = arith.index_cast %get3A_2624 : i32 to index
    %get3A_2626 = arith.constant 864 : index
    %get3A_2627 = tpu.vector_load %arg8[%get3A_2625, %get3A_2626] {strides = array<i32>} : memref<1x1024xi32, #tpu.memory_space<vmem>>, vector<1x16xi32>,
    %get3A_2628 = vector.shape_cast %get3A_2627 : vector<1x16xi32> to vector<16xi32>
    %get3A_2629 = arith.constant 0 : i32
    %get3A_2630 = arith.index_cast %get3A_2629 : i32 to index
    %get3A_2631 = arith.constant 864 : index
    %get3A_2632 = tpu.vector_load %arg9[%get3A_2630, %get3A_2631] {strides = array<i32>} : memref<1x1024xf32, #tpu.memory_space<vmem>>, vector<1x16xf32>,
    %get3A_2633 = vector.shape_cast %get3A_2632 : vector<1x16xf32> to vector<16xf32>
    %ge3A_2634 = vector.broadcast %mul3A_0 : i32 to vector<16xi32>
    %ge3A_2635 = arith.cmpi sge, %get3A_2623, %ge3A_2634 : vector<16xi32>
    %lt3A_2636 = vector.broadcast %add3A_1 : i32 to vector<16xi32>
    %lt3A_2637 = arith.cmpi slt, %get3A_2623, %lt3A_2636 : vector<16xi32>
    %and3A_2638 = arith.andi %ge3A_2635, %lt3A_2637 : vector<16xi1>
    %sub3A_2639 = vector.broadcast %mul3A_0 : i32 to vector<16xi32>
    %sub3A_2640 = arith.subi %get3A_2623, %sub3A_2639 : vector<16xi32>
    %mul3A_2641 = arith.constant 1024 : i32
    %mul3A_2642 = vector.broadcast %mul3A_2641 : i32 to vector<16xi32>
    %mul3A_2643 = arith.muli %sub3A_2640, %mul3A_2642 : vector<16xi32>
    %add3A_2644 = arith.addi %mul3A_2643, %get3A_2628 : vector<16xi32>
    %jit3A_2645 = arith.constant 0 : i32
    %broadcast_in_dim3A_2646 = vector.broadcast %jit3A_2645 : i32 to vector<16xi32>
    %select_n3A_2647 = arith.select %and3A_2638, %add3A_2644, %broadcast_in_dim3A_2646 : vector<16xi1>, vector<16xi32>
    %swap3A_2648 = arith.constant 0 : i32
    %swap3A_2649 = arith.constant 6 : i32
    %swap3A_2650 = arith.index_cast %swap3A_2648 : i32 to index
    %swap3A_2651 = arith.index_cast %swap3A_2649 : i32 to index
    %swap3A_2652 = arith.constant 96 : index
    %swap3A_2653 = tpu.vector_load %arg10[%swap3A_2650, %swap3A_2651, %swap3A_2652] {strides = array<i32>} : memref<1x8x128xi32, #tpu.memory_space<vmem>>, vector<1x1x16xi32>,
    %swap3A_2654 = vector.shape_cast %swap3A_2653 : vector<1x1x16xi32> to vector<16xi32>
    %swap3A_2655 = vector.shape_cast %select_n3A_2647 : vector<16xi32> to vector<1x1x16xi32>
    tpu.vector_store %arg10[%swap3A_2650, %swap3A_2651, %swap3A_2652], %swap3A_2655 {strides = array<i32>} : memref<1x8x128xi32, #tpu.memory_space<vmem>>, vector<1x1x16xi32>,
    %jit3A_2656 = arith.constant 0.000000e+00 : f32
    %broadcast_in_dim3A_2657 = vector.broadcast %jit3A_2656 : f32 to vector<16xf32>
    %select_n3A_2658 = arith.select %and3A_2638, %get3A_2633, %broadcast_in_dim3A_2657 : vector<16xi1>, vector<16xf32>
    %swap3A_2659 = arith.constant 0 : i32
    %swap3A_2660 = arith.constant 6 : i32
    %swap3A_2661 = arith.index_cast %swap3A_2659 : i32 to index
    %swap3A_2662 = arith.index_cast %swap3A_2660 : i32 to index
    %swap3A_2663 = arith.constant 96 : index
    %swap3A_2664 = tpu.vector_load %arg11[%swap3A_2661, %swap3A_2662, %swap3A_2663] {strides = array<i32>} : memref<1x8x128xf32, #tpu.memory_space<vmem>>, vector<1x1x16xf32>,
    %swap3A_2665 = vector.shape_cast %swap3A_2664 : vector<1x1x16xf32> to vector<16xf32>
    %swap3A_2666 = vector.shape_cast %select_n3A_2658 : vector<16xf32> to vector<1x1x16xf32>
    tpu.vector_store %arg11[%swap3A_2661, %swap3A_2662, %swap3A_2663], %swap3A_2666 {strides = array<i32>} : memref<1x8x128xf32, #tpu.memory_space<vmem>>, vector<1x1x16xf32>,
    %get3A_2667 = arith.constant 0 : i32
    %get3A_2668 = arith.index_cast %get3A_2667 : i32 to index
    %get3A_2669 = arith.constant 880 : index
    %get3A_2670 = tpu.vector_load %arg7[%get3A_2668, %get3A_2669] {strides = array<i32>} : memref<1x1024xi32, #tpu.memory_space<vmem>>, vector<1x16xi32>,
    %get3A_2671 = vector.shape_cast %get3A_2670 : vector<1x16xi32> to vector<16xi32>
    %get3A_2672 = arith.constant 0 : i32
    %get3A_2673 = arith.index_cast %get3A_2672 : i32 to index
    %get3A_2674 = arith.constant 880 : index
    %get3A_2675 = tpu.vector_load %arg8[%get3A_2673, %get3A_2674] {strides = array<i32>} : memref<1x1024xi32, #tpu.memory_space<vmem>>, vector<1x16xi32>,
    %get3A_2676 = vector.shape_cast %get3A_2675 : vector<1x16xi32> to vector<16xi32>
    %get3A_2677 = arith.constant 0 : i32
    %get3A_2678 = arith.index_cast %get3A_2677 : i32 to index
    %get3A_2679 = arith.constant 880 : index
    %get3A_2680 = tpu.vector_load %arg9[%get3A_2678, %get3A_2679] {strides = array<i32>} : memref<1x1024xf32, #tpu.memory_space<vmem>>, vector<1x16xf32>,
    %get3A_2681 = vector.shape_cast %get3A_2680 : vector<1x16xf32> to vector<16xf32>
    %ge3A_2682 = vector.broadcast %mul3A_0 : i32 to vector<16xi32>
    %ge3A_2683 = arith.cmpi sge, %get3A_2671, %ge3A_2682 : vector<16xi32>
    %lt3A_2684 = vector.broadcast %add3A_1 : i32 to vector<16xi32>
    %lt3A_2685 = arith.cmpi slt, %get3A_2671, %lt3A_2684 : vector<16xi32>
    %and3A_2686 = arith.andi %ge3A_2683, %lt3A_2685 : vector<16xi1>
    %sub3A_2687 = vector.broadcast %mul3A_0 : i32 to vector<16xi32>
    %sub3A_2688 = arith.subi %get3A_2671, %sub3A_2687 : vector<16xi32>
    %mul3A_2689 = arith.constant 1024 : i32
    %mul3A_2690 = vector.broadcast %mul3A_2689 : i32 to vector<16xi32>
    %mul3A_2691 = arith.muli %sub3A_2688, %mul3A_2690 : vector<16xi32>
    %add3A_2692 = arith.addi %mul3A_2691, %get3A_2676 : vector<16xi32>
    %jit3A_2693 = arith.constant 0 : i32
    %broadcast_in_dim3A_2694 = vector.broadcast %jit3A_2693 : i32 to vector<16xi32>
    %select_n3A_2695 = arith.select %and3A_2686, %add3A_2692, %broadcast_in_dim3A_2694 : vector<16xi1>, vector<16xi32>
    %swap3A_2696 = arith.constant 0 : i32
    %swap3A_2697 = arith.constant 6 : i32
    %swap3A_2698 = arith.index_cast %swap3A_2696 : i32 to index
    %swap3A_2699 = arith.index_cast %swap3A_2697 : i32 to index
    %swap3A_2700 = arith.constant 112 : index
    %swap3A_2701 = tpu.vector_load %arg10[%swap3A_2698, %swap3A_2699, %swap3A_2700] {strides = array<i32>} : memref<1x8x128xi32, #tpu.memory_space<vmem>>, vector<1x1x16xi32>,
    %swap3A_2702 = vector.shape_cast %swap3A_2701 : vector<1x1x16xi32> to vector<16xi32>
    %swap3A_2703 = vector.shape_cast %select_n3A_2695 : vector<16xi32> to vector<1x1x16xi32>
    tpu.vector_store %arg10[%swap3A_2698, %swap3A_2699, %swap3A_2700], %swap3A_2703 {strides = array<i32>} : memref<1x8x128xi32, #tpu.memory_space<vmem>>, vector<1x1x16xi32>,
    %jit3A_2704 = arith.constant 0.000000e+00 : f32
    %broadcast_in_dim3A_2705 = vector.broadcast %jit3A_2704 : f32 to vector<16xf32>
    %select_n3A_2706 = arith.select %and3A_2686, %get3A_2681, %broadcast_in_dim3A_2705 : vector<16xi1>, vector<16xf32>
    %swap3A_2707 = arith.constant 0 : i32
    %swap3A_2708 = arith.constant 6 : i32
    %swap3A_2709 = arith.index_cast %swap3A_2707 : i32 to index
    %swap3A_2710 = arith.index_cast %swap3A_2708 : i32 to index
    %swap3A_2711 = arith.constant 112 : index
    %swap3A_2712 = tpu.vector_load %arg11[%swap3A_2709, %swap3A_2710, %swap3A_2711] {strides = array<i32>} : memref<1x8x128xf32, #tpu.memory_space<vmem>>, vector<1x1x16xf32>,
    %swap3A_2713 = vector.shape_cast %swap3A_2712 : vector<1x1x16xf32> to vector<16xf32>
    %swap3A_2714 = vector.shape_cast %select_n3A_2706 : vector<16xf32> to vector<1x1x16xf32>
    tpu.vector_store %arg11[%swap3A_2709, %swap3A_2710, %swap3A_2711], %swap3A_2714 {strides = array<i32>} : memref<1x8x128xf32, #tpu.memory_space<vmem>>, vector<1x1x16xf32>,
    %get3A_2715 = arith.constant 0 : i32
    %get3A_2716 = arith.index_cast %get3A_2715 : i32 to index
    %get3A_2717 = arith.constant 896 : index
    %get3A_2718 = tpu.vector_load %arg7[%get3A_2716, %get3A_2717] {strides = array<i32>} : memref<1x1024xi32, #tpu.memory_space<vmem>>, vector<1x16xi32>,
    %get3A_2719 = vector.shape_cast %get3A_2718 : vector<1x16xi32> to vector<16xi32>
    %get3A_2720 = arith.constant 0 : i32
    %get3A_2721 = arith.index_cast %get3A_2720 : i32 to index
    %get3A_2722 = arith.constant 896 : index
    %get3A_2723 = tpu.vector_load %arg8[%get3A_2721, %get3A_2722] {strides = array<i32>} : memref<1x1024xi32, #tpu.memory_space<vmem>>, vector<1x16xi32>,
    %get3A_2724 = vector.shape_cast %get3A_2723 : vector<1x16xi32> to vector<16xi32>
    %get3A_2725 = arith.constant 0 : i32
    %get3A_2726 = arith.index_cast %get3A_2725 : i32 to index
    %get3A_2727 = arith.constant 896 : index
    %get3A_2728 = tpu.vector_load %arg9[%get3A_2726, %get3A_2727] {strides = array<i32>} : memref<1x1024xf32, #tpu.memory_space<vmem>>, vector<1x16xf32>,
    %get3A_2729 = vector.shape_cast %get3A_2728 : vector<1x16xf32> to vector<16xf32>
    %ge3A_2730 = vector.broadcast %mul3A_0 : i32 to vector<16xi32>
    %ge3A_2731 = arith.cmpi sge, %get3A_2719, %ge3A_2730 : vector<16xi32>
    %lt3A_2732 = vector.broadcast %add3A_1 : i32 to vector<16xi32>
    %lt3A_2733 = arith.cmpi slt, %get3A_2719, %lt3A_2732 : vector<16xi32>
    %and3A_2734 = arith.andi %ge3A_2731, %lt3A_2733 : vector<16xi1>
    %sub3A_2735 = vector.broadcast %mul3A_0 : i32 to vector<16xi32>
    %sub3A_2736 = arith.subi %get3A_2719, %sub3A_2735 : vector<16xi32>
    %mul3A_2737 = arith.constant 1024 : i32
    %mul3A_2738 = vector.broadcast %mul3A_2737 : i32 to vector<16xi32>
    %mul3A_2739 = arith.muli %sub3A_2736, %mul3A_2738 : vector<16xi32>
    %add3A_2740 = arith.addi %mul3A_2739, %get3A_2724 : vector<16xi32>
    %jit3A_2741 = arith.constant 0 : i32
    %broadcast_in_dim3A_2742 = vector.broadcast %jit3A_2741 : i32 to vector<16xi32>
    %select_n3A_2743 = arith.select %and3A_2734, %add3A_2740, %broadcast_in_dim3A_2742 : vector<16xi1>, vector<16xi32>
    %swap3A_2744 = arith.constant 0 : i32
    %swap3A_2745 = arith.constant 7 : i32
    %swap3A_2746 = arith.index_cast %swap3A_2744 : i32 to index
    %swap3A_2747 = arith.index_cast %swap3A_2745 : i32 to index
    %swap3A_2748 = arith.constant 0 : index
    %swap3A_2749 = tpu.vector_load %arg10[%swap3A_2746, %swap3A_2747, %swap3A_2748] {strides = array<i32>} : memref<1x8x128xi32, #tpu.memory_space<vmem>>, vector<1x1x16xi32>,
    %swap3A_2750 = vector.shape_cast %swap3A_2749 : vector<1x1x16xi32> to vector<16xi32>
    %swap3A_2751 = vector.shape_cast %select_n3A_2743 : vector<16xi32> to vector<1x1x16xi32>
    tpu.vector_store %arg10[%swap3A_2746, %swap3A_2747, %swap3A_2748], %swap3A_2751 {strides = array<i32>} : memref<1x8x128xi32, #tpu.memory_space<vmem>>, vector<1x1x16xi32>,
    %jit3A_2752 = arith.constant 0.000000e+00 : f32
    %broadcast_in_dim3A_2753 = vector.broadcast %jit3A_2752 : f32 to vector<16xf32>
    %select_n3A_2754 = arith.select %and3A_2734, %get3A_2729, %broadcast_in_dim3A_2753 : vector<16xi1>, vector<16xf32>
    %swap3A_2755 = arith.constant 0 : i32
    %swap3A_2756 = arith.constant 7 : i32
    %swap3A_2757 = arith.index_cast %swap3A_2755 : i32 to index
    %swap3A_2758 = arith.index_cast %swap3A_2756 : i32 to index
    %swap3A_2759 = arith.constant 0 : index
    %swap3A_2760 = tpu.vector_load %arg11[%swap3A_2757, %swap3A_2758, %swap3A_2759] {strides = array<i32>} : memref<1x8x128xf32, #tpu.memory_space<vmem>>, vector<1x1x16xf32>,
    %swap3A_2761 = vector.shape_cast %swap3A_2760 : vector<1x1x16xf32> to vector<16xf32>
    %swap3A_2762 = vector.shape_cast %select_n3A_2754 : vector<16xf32> to vector<1x1x16xf32>
    tpu.vector_store %arg11[%swap3A_2757, %swap3A_2758, %swap3A_2759], %swap3A_2762 {strides = array<i32>} : memref<1x8x128xf32, #tpu.memory_space<vmem>>, vector<1x1x16xf32>,
    %get3A_2763 = arith.constant 0 : i32
    %get3A_2764 = arith.index_cast %get3A_2763 : i32 to index
    %get3A_2765 = arith.constant 912 : index
    %get3A_2766 = tpu.vector_load %arg7[%get3A_2764, %get3A_2765] {strides = array<i32>} : memref<1x1024xi32, #tpu.memory_space<vmem>>, vector<1x16xi32>,
    %get3A_2767 = vector.shape_cast %get3A_2766 : vector<1x16xi32> to vector<16xi32>
    %get3A_2768 = arith.constant 0 : i32
    %get3A_2769 = arith.index_cast %get3A_2768 : i32 to index
    %get3A_2770 = arith.constant 912 : index
    %get3A_2771 = tpu.vector_load %arg8[%get3A_2769, %get3A_2770] {strides = array<i32>} : memref<1x1024xi32, #tpu.memory_space<vmem>>, vector<1x16xi32>,
    %get3A_2772 = vector.shape_cast %get3A_2771 : vector<1x16xi32> to vector<16xi32>
    %get3A_2773 = arith.constant 0 : i32
    %get3A_2774 = arith.index_cast %get3A_2773 : i32 to index
    %get3A_2775 = arith.constant 912 : index
    %get3A_2776 = tpu.vector_load %arg9[%get3A_2774, %get3A_2775] {strides = array<i32>} : memref<1x1024xf32, #tpu.memory_space<vmem>>, vector<1x16xf32>,
    %get3A_2777 = vector.shape_cast %get3A_2776 : vector<1x16xf32> to vector<16xf32>
    %ge3A_2778 = vector.broadcast %mul3A_0 : i32 to vector<16xi32>
    %ge3A_2779 = arith.cmpi sge, %get3A_2767, %ge3A_2778 : vector<16xi32>
    %lt3A_2780 = vector.broadcast %add3A_1 : i32 to vector<16xi32>
    %lt3A_2781 = arith.cmpi slt, %get3A_2767, %lt3A_2780 : vector<16xi32>
    %and3A_2782 = arith.andi %ge3A_2779, %lt3A_2781 : vector<16xi1>
    %sub3A_2783 = vector.broadcast %mul3A_0 : i32 to vector<16xi32>
    %sub3A_2784 = arith.subi %get3A_2767, %sub3A_2783 : vector<16xi32>
    %mul3A_2785 = arith.constant 1024 : i32
    %mul3A_2786 = vector.broadcast %mul3A_2785 : i32 to vector<16xi32>
    %mul3A_2787 = arith.muli %sub3A_2784, %mul3A_2786 : vector<16xi32>
    %add3A_2788 = arith.addi %mul3A_2787, %get3A_2772 : vector<16xi32>
    %jit3A_2789 = arith.constant 0 : i32
    %broadcast_in_dim3A_2790 = vector.broadcast %jit3A_2789 : i32 to vector<16xi32>
    %select_n3A_2791 = arith.select %and3A_2782, %add3A_2788, %broadcast_in_dim3A_2790 : vector<16xi1>, vector<16xi32>
    %swap3A_2792 = arith.constant 0 : i32
    %swap3A_2793 = arith.constant 7 : i32
    %swap3A_2794 = arith.index_cast %swap3A_2792 : i32 to index
    %swap3A_2795 = arith.index_cast %swap3A_2793 : i32 to index
    %swap3A_2796 = arith.constant 16 : index
    %swap3A_2797 = tpu.vector_load %arg10[%swap3A_2794, %swap3A_2795, %swap3A_2796] {strides = array<i32>} : memref<1x8x128xi32, #tpu.memory_space<vmem>>, vector<1x1x16xi32>,
    %swap3A_2798 = vector.shape_cast %swap3A_2797 : vector<1x1x16xi32> to vector<16xi32>
    %swap3A_2799 = vector.shape_cast %select_n3A_2791 : vector<16xi32> to vector<1x1x16xi32>
    tpu.vector_store %arg10[%swap3A_2794, %swap3A_2795, %swap3A_2796], %swap3A_2799 {strides = array<i32>} : memref<1x8x128xi32, #tpu.memory_space<vmem>>, vector<1x1x16xi32>,
    %jit3A_2800 = arith.constant 0.000000e+00 : f32
    %broadcast_in_dim3A_2801 = vector.broadcast %jit3A_2800 : f32 to vector<16xf32>
    %select_n3A_2802 = arith.select %and3A_2782, %get3A_2777, %broadcast_in_dim3A_2801 : vector<16xi1>, vector<16xf32>
    %swap3A_2803 = arith.constant 0 : i32
    %swap3A_2804 = arith.constant 7 : i32
    %swap3A_2805 = arith.index_cast %swap3A_2803 : i32 to index
    %swap3A_2806 = arith.index_cast %swap3A_2804 : i32 to index
    %swap3A_2807 = arith.constant 16 : index
    %swap3A_2808 = tpu.vector_load %arg11[%swap3A_2805, %swap3A_2806, %swap3A_2807] {strides = array<i32>} : memref<1x8x128xf32, #tpu.memory_space<vmem>>, vector<1x1x16xf32>,
    %swap3A_2809 = vector.shape_cast %swap3A_2808 : vector<1x1x16xf32> to vector<16xf32>
    %swap3A_2810 = vector.shape_cast %select_n3A_2802 : vector<16xf32> to vector<1x1x16xf32>
    tpu.vector_store %arg11[%swap3A_2805, %swap3A_2806, %swap3A_2807], %swap3A_2810 {strides = array<i32>} : memref<1x8x128xf32, #tpu.memory_space<vmem>>, vector<1x1x16xf32>,
    %get3A_2811 = arith.constant 0 : i32
    %get3A_2812 = arith.index_cast %get3A_2811 : i32 to index
    %get3A_2813 = arith.constant 928 : index
    %get3A_2814 = tpu.vector_load %arg7[%get3A_2812, %get3A_2813] {strides = array<i32>} : memref<1x1024xi32, #tpu.memory_space<vmem>>, vector<1x16xi32>,
    %get3A_2815 = vector.shape_cast %get3A_2814 : vector<1x16xi32> to vector<16xi32>
    %get3A_2816 = arith.constant 0 : i32
    %get3A_2817 = arith.index_cast %get3A_2816 : i32 to index
    %get3A_2818 = arith.constant 928 : index
    %get3A_2819 = tpu.vector_load %arg8[%get3A_2817, %get3A_2818] {strides = array<i32>} : memref<1x1024xi32, #tpu.memory_space<vmem>>, vector<1x16xi32>,
    %get3A_2820 = vector.shape_cast %get3A_2819 : vector<1x16xi32> to vector<16xi32>
    %get3A_2821 = arith.constant 0 : i32
    %get3A_2822 = arith.index_cast %get3A_2821 : i32 to index
    %get3A_2823 = arith.constant 928 : index
    %get3A_2824 = tpu.vector_load %arg9[%get3A_2822, %get3A_2823] {strides = array<i32>} : memref<1x1024xf32, #tpu.memory_space<vmem>>, vector<1x16xf32>,
    %get3A_2825 = vector.shape_cast %get3A_2824 : vector<1x16xf32> to vector<16xf32>
    %ge3A_2826 = vector.broadcast %mul3A_0 : i32 to vector<16xi32>
    %ge3A_2827 = arith.cmpi sge, %get3A_2815, %ge3A_2826 : vector<16xi32>
    %lt3A_2828 = vector.broadcast %add3A_1 : i32 to vector<16xi32>
    %lt3A_2829 = arith.cmpi slt, %get3A_2815, %lt3A_2828 : vector<16xi32>
    %and3A_2830 = arith.andi %ge3A_2827, %lt3A_2829 : vector<16xi1>
    %sub3A_2831 = vector.broadcast %mul3A_0 : i32 to vector<16xi32>
    %sub3A_2832 = arith.subi %get3A_2815, %sub3A_2831 : vector<16xi32>
    %mul3A_2833 = arith.constant 1024 : i32
    %mul3A_2834 = vector.broadcast %mul3A_2833 : i32 to vector<16xi32>
    %mul3A_2835 = arith.muli %sub3A_2832, %mul3A_2834 : vector<16xi32>
    %add3A_2836 = arith.addi %mul3A_2835, %get3A_2820 : vector<16xi32>
    %jit3A_2837 = arith.constant 0 : i32
    %broadcast_in_dim3A_2838 = vector.broadcast %jit3A_2837 : i32 to vector<16xi32>
    %select_n3A_2839 = arith.select %and3A_2830, %add3A_2836, %broadcast_in_dim3A_2838 : vector<16xi1>, vector<16xi32>
    %swap3A_2840 = arith.constant 0 : i32
    %swap3A_2841 = arith.constant 7 : i32
    %swap3A_2842 = arith.index_cast %swap3A_2840 : i32 to index
    %swap3A_2843 = arith.index_cast %swap3A_2841 : i32 to index
    %swap3A_2844 = arith.constant 32 : index
    %swap3A_2845 = tpu.vector_load %arg10[%swap3A_2842, %swap3A_2843, %swap3A_2844] {strides = array<i32>} : memref<1x8x128xi32, #tpu.memory_space<vmem>>, vector<1x1x16xi32>,
    %swap3A_2846 = vector.shape_cast %swap3A_2845 : vector<1x1x16xi32> to vector<16xi32>
    %swap3A_2847 = vector.shape_cast %select_n3A_2839 : vector<16xi32> to vector<1x1x16xi32>
    tpu.vector_store %arg10[%swap3A_2842, %swap3A_2843, %swap3A_2844], %swap3A_2847 {strides = array<i32>} : memref<1x8x128xi32, #tpu.memory_space<vmem>>, vector<1x1x16xi32>,
    %jit3A_2848 = arith.constant 0.000000e+00 : f32
    %broadcast_in_dim3A_2849 = vector.broadcast %jit3A_2848 : f32 to vector<16xf32>
    %select_n3A_2850 = arith.select %and3A_2830, %get3A_2825, %broadcast_in_dim3A_2849 : vector<16xi1>, vector<16xf32>
    %swap3A_2851 = arith.constant 0 : i32
    %swap3A_2852 = arith.constant 7 : i32
    %swap3A_2853 = arith.index_cast %swap3A_2851 : i32 to index
    %swap3A_2854 = arith.index_cast %swap3A_2852 : i32 to index
    %swap3A_2855 = arith.constant 32 : index
    %swap3A_2856 = tpu.vector_load %arg11[%swap3A_2853, %swap3A_2854, %swap3A_2855] {strides = array<i32>} : memref<1x8x128xf32, #tpu.memory_space<vmem>>, vector<1x1x16xf32>,
    %swap3A_2857 = vector.shape_cast %swap3A_2856 : vector<1x1x16xf32> to vector<16xf32>
    %swap3A_2858 = vector.shape_cast %select_n3A_2850 : vector<16xf32> to vector<1x1x16xf32>
    tpu.vector_store %arg11[%swap3A_2853, %swap3A_2854, %swap3A_2855], %swap3A_2858 {strides = array<i32>} : memref<1x8x128xf32, #tpu.memory_space<vmem>>, vector<1x1x16xf32>,
    %get3A_2859 = arith.constant 0 : i32
    %get3A_2860 = arith.index_cast %get3A_2859 : i32 to index
    %get3A_2861 = arith.constant 944 : index
    %get3A_2862 = tpu.vector_load %arg7[%get3A_2860, %get3A_2861] {strides = array<i32>} : memref<1x1024xi32, #tpu.memory_space<vmem>>, vector<1x16xi32>,
    %get3A_2863 = vector.shape_cast %get3A_2862 : vector<1x16xi32> to vector<16xi32>
    %get3A_2864 = arith.constant 0 : i32
    %get3A_2865 = arith.index_cast %get3A_2864 : i32 to index
    %get3A_2866 = arith.constant 944 : index
    %get3A_2867 = tpu.vector_load %arg8[%get3A_2865, %get3A_2866] {strides = array<i32>} : memref<1x1024xi32, #tpu.memory_space<vmem>>, vector<1x16xi32>,
    %get3A_2868 = vector.shape_cast %get3A_2867 : vector<1x16xi32> to vector<16xi32>
    %get3A_2869 = arith.constant 0 : i32
    %get3A_2870 = arith.index_cast %get3A_2869 : i32 to index
    %get3A_2871 = arith.constant 944 : index
    %get3A_2872 = tpu.vector_load %arg9[%get3A_2870, %get3A_2871] {strides = array<i32>} : memref<1x1024xf32, #tpu.memory_space<vmem>>, vector<1x16xf32>,
    %get3A_2873 = vector.shape_cast %get3A_2872 : vector<1x16xf32> to vector<16xf32>
    %ge3A_2874 = vector.broadcast %mul3A_0 : i32 to vector<16xi32>
    %ge3A_2875 = arith.cmpi sge, %get3A_2863, %ge3A_2874 : vector<16xi32>
    %lt3A_2876 = vector.broadcast %add3A_1 : i32 to vector<16xi32>
    %lt3A_2877 = arith.cmpi slt, %get3A_2863, %lt3A_2876 : vector<16xi32>
    %and3A_2878 = arith.andi %ge3A_2875, %lt3A_2877 : vector<16xi1>
    %sub3A_2879 = vector.broadcast %mul3A_0 : i32 to vector<16xi32>
    %sub3A_2880 = arith.subi %get3A_2863, %sub3A_2879 : vector<16xi32>
    %mul3A_2881 = arith.constant 1024 : i32
    %mul3A_2882 = vector.broadcast %mul3A_2881 : i32 to vector<16xi32>
    %mul3A_2883 = arith.muli %sub3A_2880, %mul3A_2882 : vector<16xi32>
    %add3A_2884 = arith.addi %mul3A_2883, %get3A_2868 : vector<16xi32>
    %jit3A_2885 = arith.constant 0 : i32
    %broadcast_in_dim3A_2886 = vector.broadcast %jit3A_2885 : i32 to vector<16xi32>
    %select_n3A_2887 = arith.select %and3A_2878, %add3A_2884, %broadcast_in_dim3A_2886 : vector<16xi1>, vector<16xi32>
    %swap3A_2888 = arith.constant 0 : i32
    %swap3A_2889 = arith.constant 7 : i32
    %swap3A_2890 = arith.index_cast %swap3A_2888 : i32 to index
    %swap3A_2891 = arith.index_cast %swap3A_2889 : i32 to index
    %swap3A_2892 = arith.constant 48 : index
    %swap3A_2893 = tpu.vector_load %arg10[%swap3A_2890, %swap3A_2891, %swap3A_2892] {strides = array<i32>} : memref<1x8x128xi32, #tpu.memory_space<vmem>>, vector<1x1x16xi32>,
    %swap3A_2894 = vector.shape_cast %swap3A_2893 : vector<1x1x16xi32> to vector<16xi32>
    %swap3A_2895 = vector.shape_cast %select_n3A_2887 : vector<16xi32> to vector<1x1x16xi32>
    tpu.vector_store %arg10[%swap3A_2890, %swap3A_2891, %swap3A_2892], %swap3A_2895 {strides = array<i32>} : memref<1x8x128xi32, #tpu.memory_space<vmem>>, vector<1x1x16xi32>,
    %jit3A_2896 = arith.constant 0.000000e+00 : f32
    %broadcast_in_dim3A_2897 = vector.broadcast %jit3A_2896 : f32 to vector<16xf32>
    %select_n3A_2898 = arith.select %and3A_2878, %get3A_2873, %broadcast_in_dim3A_2897 : vector<16xi1>, vector<16xf32>
    %swap3A_2899 = arith.constant 0 : i32
    %swap3A_2900 = arith.constant 7 : i32
    %swap3A_2901 = arith.index_cast %swap3A_2899 : i32 to index
    %swap3A_2902 = arith.index_cast %swap3A_2900 : i32 to index
    %swap3A_2903 = arith.constant 48 : index
    %swap3A_2904 = tpu.vector_load %arg11[%swap3A_2901, %swap3A_2902, %swap3A_2903] {strides = array<i32>} : memref<1x8x128xf32, #tpu.memory_space<vmem>>, vector<1x1x16xf32>,
    %swap3A_2905 = vector.shape_cast %swap3A_2904 : vector<1x1x16xf32> to vector<16xf32>
    %swap3A_2906 = vector.shape_cast %select_n3A_2898 : vector<16xf32> to vector<1x1x16xf32>
    tpu.vector_store %arg11[%swap3A_2901, %swap3A_2902, %swap3A_2903], %swap3A_2906 {strides = array<i32>} : memref<1x8x128xf32, #tpu.memory_space<vmem>>, vector<1x1x16xf32>,
    %get3A_2907 = arith.constant 0 : i32
    %get3A_2908 = arith.index_cast %get3A_2907 : i32 to index
    %get3A_2909 = arith.constant 960 : index
    %get3A_2910 = tpu.vector_load %arg7[%get3A_2908, %get3A_2909] {strides = array<i32>} : memref<1x1024xi32, #tpu.memory_space<vmem>>, vector<1x16xi32>,
    %get3A_2911 = vector.shape_cast %get3A_2910 : vector<1x16xi32> to vector<16xi32>
    %get3A_2912 = arith.constant 0 : i32
    %get3A_2913 = arith.index_cast %get3A_2912 : i32 to index
    %get3A_2914 = arith.constant 960 : index
    %get3A_2915 = tpu.vector_load %arg8[%get3A_2913, %get3A_2914] {strides = array<i32>} : memref<1x1024xi32, #tpu.memory_space<vmem>>, vector<1x16xi32>,
    %get3A_2916 = vector.shape_cast %get3A_2915 : vector<1x16xi32> to vector<16xi32>
    %get3A_2917 = arith.constant 0 : i32
    %get3A_2918 = arith.index_cast %get3A_2917 : i32 to index
    %get3A_2919 = arith.constant 960 : index
    %get3A_2920 = tpu.vector_load %arg9[%get3A_2918, %get3A_2919] {strides = array<i32>} : memref<1x1024xf32, #tpu.memory_space<vmem>>, vector<1x16xf32>,
    %get3A_2921 = vector.shape_cast %get3A_2920 : vector<1x16xf32> to vector<16xf32>
    %ge3A_2922 = vector.broadcast %mul3A_0 : i32 to vector<16xi32>
    %ge3A_2923 = arith.cmpi sge, %get3A_2911, %ge3A_2922 : vector<16xi32>
    %lt3A_2924 = vector.broadcast %add3A_1 : i32 to vector<16xi32>
    %lt3A_2925 = arith.cmpi slt, %get3A_2911, %lt3A_2924 : vector<16xi32>
    %and3A_2926 = arith.andi %ge3A_2923, %lt3A_2925 : vector<16xi1>
    %sub3A_2927 = vector.broadcast %mul3A_0 : i32 to vector<16xi32>
    %sub3A_2928 = arith.subi %get3A_2911, %sub3A_2927 : vector<16xi32>
    %mul3A_2929 = arith.constant 1024 : i32
    %mul3A_2930 = vector.broadcast %mul3A_2929 : i32 to vector<16xi32>
    %mul3A_2931 = arith.muli %sub3A_2928, %mul3A_2930 : vector<16xi32>
    %add3A_2932 = arith.addi %mul3A_2931, %get3A_2916 : vector<16xi32>
    %jit3A_2933 = arith.constant 0 : i32
    %broadcast_in_dim3A_2934 = vector.broadcast %jit3A_2933 : i32 to vector<16xi32>
    %select_n3A_2935 = arith.select %and3A_2926, %add3A_2932, %broadcast_in_dim3A_2934 : vector<16xi1>, vector<16xi32>
    %swap3A_2936 = arith.constant 0 : i32
    %swap3A_2937 = arith.constant 7 : i32
    %swap3A_2938 = arith.index_cast %swap3A_2936 : i32 to index
    %swap3A_2939 = arith.index_cast %swap3A_2937 : i32 to index
    %swap3A_2940 = arith.constant 64 : index
    %swap3A_2941 = tpu.vector_load %arg10[%swap3A_2938, %swap3A_2939, %swap3A_2940] {strides = array<i32>} : memref<1x8x128xi32, #tpu.memory_space<vmem>>, vector<1x1x16xi32>,
    %swap3A_2942 = vector.shape_cast %swap3A_2941 : vector<1x1x16xi32> to vector<16xi32>
    %swap3A_2943 = vector.shape_cast %select_n3A_2935 : vector<16xi32> to vector<1x1x16xi32>
    tpu.vector_store %arg10[%swap3A_2938, %swap3A_2939, %swap3A_2940], %swap3A_2943 {strides = array<i32>} : memref<1x8x128xi32, #tpu.memory_space<vmem>>, vector<1x1x16xi32>,
    %jit3A_2944 = arith.constant 0.000000e+00 : f32
    %broadcast_in_dim3A_2945 = vector.broadcast %jit3A_2944 : f32 to vector<16xf32>
    %select_n3A_2946 = arith.select %and3A_2926, %get3A_2921, %broadcast_in_dim3A_2945 : vector<16xi1>, vector<16xf32>
    %swap3A_2947 = arith.constant 0 : i32
    %swap3A_2948 = arith.constant 7 : i32
    %swap3A_2949 = arith.index_cast %swap3A_2947 : i32 to index
    %swap3A_2950 = arith.index_cast %swap3A_2948 : i32 to index
    %swap3A_2951 = arith.constant 64 : index
    %swap3A_2952 = tpu.vector_load %arg11[%swap3A_2949, %swap3A_2950, %swap3A_2951] {strides = array<i32>} : memref<1x8x128xf32, #tpu.memory_space<vmem>>, vector<1x1x16xf32>,
    %swap3A_2953 = vector.shape_cast %swap3A_2952 : vector<1x1x16xf32> to vector<16xf32>
    %swap3A_2954 = vector.shape_cast %select_n3A_2946 : vector<16xf32> to vector<1x1x16xf32>
    tpu.vector_store %arg11[%swap3A_2949, %swap3A_2950, %swap3A_2951], %swap3A_2954 {strides = array<i32>} : memref<1x8x128xf32, #tpu.memory_space<vmem>>, vector<1x1x16xf32>,
    %get3A_2955 = arith.constant 0 : i32
    %get3A_2956 = arith.index_cast %get3A_2955 : i32 to index
    %get3A_2957 = arith.constant 976 : index
    %get3A_2958 = tpu.vector_load %arg7[%get3A_2956, %get3A_2957] {strides = array<i32>} : memref<1x1024xi32, #tpu.memory_space<vmem>>, vector<1x16xi32>,
    %get3A_2959 = vector.shape_cast %get3A_2958 : vector<1x16xi32> to vector<16xi32>
    %get3A_2960 = arith.constant 0 : i32
    %get3A_2961 = arith.index_cast %get3A_2960 : i32 to index
    %get3A_2962 = arith.constant 976 : index
    %get3A_2963 = tpu.vector_load %arg8[%get3A_2961, %get3A_2962] {strides = array<i32>} : memref<1x1024xi32, #tpu.memory_space<vmem>>, vector<1x16xi32>,
    %get3A_2964 = vector.shape_cast %get3A_2963 : vector<1x16xi32> to vector<16xi32>
    %get3A_2965 = arith.constant 0 : i32
    %get3A_2966 = arith.index_cast %get3A_2965 : i32 to index
    %get3A_2967 = arith.constant 976 : index
    %get3A_2968 = tpu.vector_load %arg9[%get3A_2966, %get3A_2967] {strides = array<i32>} : memref<1x1024xf32, #tpu.memory_space<vmem>>, vector<1x16xf32>,
    %get3A_2969 = vector.shape_cast %get3A_2968 : vector<1x16xf32> to vector<16xf32>
    %ge3A_2970 = vector.broadcast %mul3A_0 : i32 to vector<16xi32>
    %ge3A_2971 = arith.cmpi sge, %get3A_2959, %ge3A_2970 : vector<16xi32>
    %lt3A_2972 = vector.broadcast %add3A_1 : i32 to vector<16xi32>
    %lt3A_2973 = arith.cmpi slt, %get3A_2959, %lt3A_2972 : vector<16xi32>
    %and3A_2974 = arith.andi %ge3A_2971, %lt3A_2973 : vector<16xi1>
    %sub3A_2975 = vector.broadcast %mul3A_0 : i32 to vector<16xi32>
    %sub3A_2976 = arith.subi %get3A_2959, %sub3A_2975 : vector<16xi32>
    %mul3A_2977 = arith.constant 1024 : i32
    %mul3A_2978 = vector.broadcast %mul3A_2977 : i32 to vector<16xi32>
    %mul3A_2979 = arith.muli %sub3A_2976, %mul3A_2978 : vector<16xi32>
    %add3A_2980 = arith.addi %mul3A_2979, %get3A_2964 : vector<16xi32>
    %jit3A_2981 = arith.constant 0 : i32
    %broadcast_in_dim3A_2982 = vector.broadcast %jit3A_2981 : i32 to vector<16xi32>
    %select_n3A_2983 = arith.select %and3A_2974, %add3A_2980, %broadcast_in_dim3A_2982 : vector<16xi1>, vector<16xi32>
    %swap3A_2984 = arith.constant 0 : i32
    %swap3A_2985 = arith.constant 7 : i32
    %swap3A_2986 = arith.index_cast %swap3A_2984 : i32 to index
    %swap3A_2987 = arith.index_cast %swap3A_2985 : i32 to index
    %swap3A_2988 = arith.constant 80 : index
    %swap3A_2989 = tpu.vector_load %arg10[%swap3A_2986, %swap3A_2987, %swap3A_2988] {strides = array<i32>} : memref<1x8x128xi32, #tpu.memory_space<vmem>>, vector<1x1x16xi32>,
    %swap3A_2990 = vector.shape_cast %swap3A_2989 : vector<1x1x16xi32> to vector<16xi32>
    %swap3A_2991 = vector.shape_cast %select_n3A_2983 : vector<16xi32> to vector<1x1x16xi32>
    tpu.vector_store %arg10[%swap3A_2986, %swap3A_2987, %swap3A_2988], %swap3A_2991 {strides = array<i32>} : memref<1x8x128xi32, #tpu.memory_space<vmem>>, vector<1x1x16xi32>,
    %jit3A_2992 = arith.constant 0.000000e+00 : f32
    %broadcast_in_dim3A_2993 = vector.broadcast %jit3A_2992 : f32 to vector<16xf32>
    %select_n3A_2994 = arith.select %and3A_2974, %get3A_2969, %broadcast_in_dim3A_2993 : vector<16xi1>, vector<16xf32>
    %swap3A_2995 = arith.constant 0 : i32
    %swap3A_2996 = arith.constant 7 : i32
    %swap3A_2997 = arith.index_cast %swap3A_2995 : i32 to index
    %swap3A_2998 = arith.index_cast %swap3A_2996 : i32 to index
    %swap3A_2999 = arith.constant 80 : index
    %swap3A_3000 = tpu.vector_load %arg11[%swap3A_2997, %swap3A_2998, %swap3A_2999] {strides = array<i32>} : memref<1x8x128xf32, #tpu.memory_space<vmem>>, vector<1x1x16xf32>,
    %swap3A_3001 = vector.shape_cast %swap3A_3000 : vector<1x1x16xf32> to vector<16xf32>
    %swap3A_3002 = vector.shape_cast %select_n3A_2994 : vector<16xf32> to vector<1x1x16xf32>
    tpu.vector_store %arg11[%swap3A_2997, %swap3A_2998, %swap3A_2999], %swap3A_3002 {strides = array<i32>} : memref<1x8x128xf32, #tpu.memory_space<vmem>>, vector<1x1x16xf32>,
    %get3A_3003 = arith.constant 0 : i32
    %get3A_3004 = arith.index_cast %get3A_3003 : i32 to index
    %get3A_3005 = arith.constant 992 : index
    %get3A_3006 = tpu.vector_load %arg7[%get3A_3004, %get3A_3005] {strides = array<i32>} : memref<1x1024xi32, #tpu.memory_space<vmem>>, vector<1x16xi32>,
    %get3A_3007 = vector.shape_cast %get3A_3006 : vector<1x16xi32> to vector<16xi32>
    %get3A_3008 = arith.constant 0 : i32
    %get3A_3009 = arith.index_cast %get3A_3008 : i32 to index
    %get3A_3010 = arith.constant 992 : index
    %get3A_3011 = tpu.vector_load %arg8[%get3A_3009, %get3A_3010] {strides = array<i32>} : memref<1x1024xi32, #tpu.memory_space<vmem>>, vector<1x16xi32>,
    %get3A_3012 = vector.shape_cast %get3A_3011 : vector<1x16xi32> to vector<16xi32>
    %get3A_3013 = arith.constant 0 : i32
    %get3A_3014 = arith.index_cast %get3A_3013 : i32 to index
    %get3A_3015 = arith.constant 992 : index
    %get3A_3016 = tpu.vector_load %arg9[%get3A_3014, %get3A_3015] {strides = array<i32>} : memref<1x1024xf32, #tpu.memory_space<vmem>>, vector<1x16xf32>,
    %get3A_3017 = vector.shape_cast %get3A_3016 : vector<1x16xf32> to vector<16xf32>
    %ge3A_3018 = vector.broadcast %mul3A_0 : i32 to vector<16xi32>
    %ge3A_3019 = arith.cmpi sge, %get3A_3007, %ge3A_3018 : vector<16xi32>
    %lt3A_3020 = vector.broadcast %add3A_1 : i32 to vector<16xi32>
    %lt3A_3021 = arith.cmpi slt, %get3A_3007, %lt3A_3020 : vector<16xi32>
    %and3A_3022 = arith.andi %ge3A_3019, %lt3A_3021 : vector<16xi1>
    %sub3A_3023 = vector.broadcast %mul3A_0 : i32 to vector<16xi32>
    %sub3A_3024 = arith.subi %get3A_3007, %sub3A_3023 : vector<16xi32>
    %mul3A_3025 = arith.constant 1024 : i32
    %mul3A_3026 = vector.broadcast %mul3A_3025 : i32 to vector<16xi32>
    %mul3A_3027 = arith.muli %sub3A_3024, %mul3A_3026 : vector<16xi32>
    %add3A_3028 = arith.addi %mul3A_3027, %get3A_3012 : vector<16xi32>
    %jit3A_3029 = arith.constant 0 : i32
    %broadcast_in_dim3A_3030 = vector.broadcast %jit3A_3029 : i32 to vector<16xi32>
    %select_n3A_3031 = arith.select %and3A_3022, %add3A_3028, %broadcast_in_dim3A_3030 : vector<16xi1>, vector<16xi32>
    %swap3A_3032 = arith.constant 0 : i32
    %swap3A_3033 = arith.constant 7 : i32
    %swap3A_3034 = arith.index_cast %swap3A_3032 : i32 to index
    %swap3A_3035 = arith.index_cast %swap3A_3033 : i32 to index
    %swap3A_3036 = arith.constant 96 : index
    %swap3A_3037 = tpu.vector_load %arg10[%swap3A_3034, %swap3A_3035, %swap3A_3036] {strides = array<i32>} : memref<1x8x128xi32, #tpu.memory_space<vmem>>, vector<1x1x16xi32>,
    %swap3A_3038 = vector.shape_cast %swap3A_3037 : vector<1x1x16xi32> to vector<16xi32>
    %swap3A_3039 = vector.shape_cast %select_n3A_3031 : vector<16xi32> to vector<1x1x16xi32>
    tpu.vector_store %arg10[%swap3A_3034, %swap3A_3035, %swap3A_3036], %swap3A_3039 {strides = array<i32>} : memref<1x8x128xi32, #tpu.memory_space<vmem>>, vector<1x1x16xi32>,
    %jit3A_3040 = arith.constant 0.000000e+00 : f32
    %broadcast_in_dim3A_3041 = vector.broadcast %jit3A_3040 : f32 to vector<16xf32>
    %select_n3A_3042 = arith.select %and3A_3022, %get3A_3017, %broadcast_in_dim3A_3041 : vector<16xi1>, vector<16xf32>
    %swap3A_3043 = arith.constant 0 : i32
    %swap3A_3044 = arith.constant 7 : i32
    %swap3A_3045 = arith.index_cast %swap3A_3043 : i32 to index
    %swap3A_3046 = arith.index_cast %swap3A_3044 : i32 to index
    %swap3A_3047 = arith.constant 96 : index
    %swap3A_3048 = tpu.vector_load %arg11[%swap3A_3045, %swap3A_3046, %swap3A_3047] {strides = array<i32>} : memref<1x8x128xf32, #tpu.memory_space<vmem>>, vector<1x1x16xf32>,
    %swap3A_3049 = vector.shape_cast %swap3A_3048 : vector<1x1x16xf32> to vector<16xf32>
    %swap3A_3050 = vector.shape_cast %select_n3A_3042 : vector<16xf32> to vector<1x1x16xf32>
    tpu.vector_store %arg11[%swap3A_3045, %swap3A_3046, %swap3A_3047], %swap3A_3050 {strides = array<i32>} : memref<1x8x128xf32, #tpu.memory_space<vmem>>, vector<1x1x16xf32>,
    %get3A_3051 = arith.constant 0 : i32
    %get3A_3052 = arith.index_cast %get3A_3051 : i32 to index
    %get3A_3053 = arith.constant 1008 : index
    %get3A_3054 = tpu.vector_load %arg7[%get3A_3052, %get3A_3053] {strides = array<i32>} : memref<1x1024xi32, #tpu.memory_space<vmem>>, vector<1x16xi32>,
    %get3A_3055 = vector.shape_cast %get3A_3054 : vector<1x16xi32> to vector<16xi32>
    %get3A_3056 = arith.constant 0 : i32
    %get3A_3057 = arith.index_cast %get3A_3056 : i32 to index
    %get3A_3058 = arith.constant 1008 : index
    %get3A_3059 = tpu.vector_load %arg8[%get3A_3057, %get3A_3058] {strides = array<i32>} : memref<1x1024xi32, #tpu.memory_space<vmem>>, vector<1x16xi32>,
    %get3A_3060 = vector.shape_cast %get3A_3059 : vector<1x16xi32> to vector<16xi32>
    %get3A_3061 = arith.constant 0 : i32
    %get3A_3062 = arith.index_cast %get3A_3061 : i32 to index
    %get3A_3063 = arith.constant 1008 : index
    %get3A_3064 = tpu.vector_load %arg9[%get3A_3062, %get3A_3063] {strides = array<i32>} : memref<1x1024xf32, #tpu.memory_space<vmem>>, vector<1x16xf32>,
    %get3A_3065 = vector.shape_cast %get3A_3064 : vector<1x16xf32> to vector<16xf32>
    %ge3A_3066 = vector.broadcast %mul3A_0 : i32 to vector<16xi32>
    %ge3A_3067 = arith.cmpi sge, %get3A_3055, %ge3A_3066 : vector<16xi32>
    %lt3A_3068 = vector.broadcast %add3A_1 : i32 to vector<16xi32>
    %lt3A_3069 = arith.cmpi slt, %get3A_3055, %lt3A_3068 : vector<16xi32>
    %and3A_3070 = arith.andi %ge3A_3067, %lt3A_3069 : vector<16xi1>
    %sub3A_3071 = vector.broadcast %mul3A_0 : i32 to vector<16xi32>
    %sub3A_3072 = arith.subi %get3A_3055, %sub3A_3071 : vector<16xi32>
    %mul3A_3073 = arith.constant 1024 : i32
    %mul3A_3074 = vector.broadcast %mul3A_3073 : i32 to vector<16xi32>
    %mul3A_3075 = arith.muli %sub3A_3072, %mul3A_3074 : vector<16xi32>
    %add3A_3076 = arith.addi %mul3A_3075, %get3A_3060 : vector<16xi32>
    %jit3A_3077 = arith.constant 0 : i32
    %broadcast_in_dim3A_3078 = vector.broadcast %jit3A_3077 : i32 to vector<16xi32>
    %select_n3A_3079 = arith.select %and3A_3070, %add3A_3076, %broadcast_in_dim3A_3078 : vector<16xi1>, vector<16xi32>
    %swap3A_3080 = arith.constant 0 : i32
    %swap3A_3081 = arith.constant 7 : i32
    %swap3A_3082 = arith.index_cast %swap3A_3080 : i32 to index
    %swap3A_3083 = arith.index_cast %swap3A_3081 : i32 to index
    %swap3A_3084 = arith.constant 112 : index
    %swap3A_3085 = tpu.vector_load %arg10[%swap3A_3082, %swap3A_3083, %swap3A_3084] {strides = array<i32>} : memref<1x8x128xi32, #tpu.memory_space<vmem>>, vector<1x1x16xi32>,
    %swap3A_3086 = vector.shape_cast %swap3A_3085 : vector<1x1x16xi32> to vector<16xi32>
    %swap3A_3087 = vector.shape_cast %select_n3A_3079 : vector<16xi32> to vector<1x1x16xi32>
    tpu.vector_store %arg10[%swap3A_3082, %swap3A_3083, %swap3A_3084], %swap3A_3087 {strides = array<i32>} : memref<1x8x128xi32, #tpu.memory_space<vmem>>, vector<1x1x16xi32>,
    %jit3A_3088 = arith.constant 0.000000e+00 : f32
    %broadcast_in_dim3A_3089 = vector.broadcast %jit3A_3088 : f32 to vector<16xf32>
    %select_n3A_3090 = arith.select %and3A_3070, %get3A_3065, %broadcast_in_dim3A_3089 : vector<16xi1>, vector<16xf32>
    %swap3A_3091 = arith.constant 0 : i32
    %swap3A_3092 = arith.constant 7 : i32
    %swap3A_3093 = arith.index_cast %swap3A_3091 : i32 to index
    %swap3A_3094 = arith.index_cast %swap3A_3092 : i32 to index
    %swap3A_3095 = arith.constant 112 : index
    %swap3A_3096 = tpu.vector_load %arg11[%swap3A_3093, %swap3A_3094, %swap3A_3095] {strides = array<i32>} : memref<1x8x128xf32, #tpu.memory_space<vmem>>, vector<1x1x16xf32>,
    %swap3A_3097 = vector.shape_cast %swap3A_3096 : vector<1x1x16xf32> to vector<16xf32>
    %swap3A_3098 = vector.shape_cast %select_n3A_3090 : vector<16xf32> to vector<1x1x16xf32>
    tpu.vector_store %arg11[%swap3A_3093, %swap3A_3094, %swap3A_3095], %swap3A_3098 {strides = array<i32>} : memref<1x8x128xf32, #tpu.memory_space<vmem>>, vector<1x1x16xf32>,
    %dma_wait3A_3099 = tpu.memref_slice %arg12[%mul3A_5] : memref<524288xf32, #tpu.memory_space<vmem_shared>> -> memref<32768xf32, #tpu.memory_space<vmem_shared>>
    tpu.wait_dma2 semaphore(%arg15 : memref<!tpu.dma_semaphore, #tpu.memory_space<semaphore_mem>>) src(%arg5 : memref<32768xf32, #tpu.memory_space<hbm>>) dst(%dma_wait3A_3099 : memref<32768xf32, #tpu.memory_space<vmem_shared>>)
    %barrier3A = arith.constant 0 : index
    tpu.barrier barrier_id(%barrier3A)
    %dma_start3A_3100 = arith.constant 0 : i32
    %dma_start3A_3101 = arith.constant 0 : i32
    %dma_start3A_3102 = arith.constant 0 : i32
    %dma_start3A_3103 = arith.constant 0 : i32
    %dma_start3A_3104 = arith.constant 0 : i32
    %dma_start3A_3105 = tpu.memref_slice %arg11[%dma_start3A_3100, %dma_start3A_3101, %dma_start3A_3104] : memref<1x8x128xf32, #tpu.memory_space<vmem>> -> memref<1x1x128xf32, #tpu.memory_space<vmem>>
    %dma_start3A_3106 = tpu.memref_squeeze %dma_start3A_3105 : memref<1x1x128xf32, #tpu.memory_space<vmem>> -> memref<128xf32, #tpu.memory_space<vmem>>
    %dma_start3A_3107 = arith.constant 0 : i32
    %dma_start3A_3108 = tpu.memref_slice %arg10[%dma_start3A_3102, %dma_start3A_3103, %dma_start3A_3107] : memref<1x8x128xi32, #tpu.memory_space<vmem>> -> memref<1x1x128xi32, #tpu.memory_space<vmem>>
    %dma_start3A_3109 = tpu.memref_squeeze %dma_start3A_3108 : memref<1x1x128xi32, #tpu.memory_space<vmem>> -> memref<128xi32, #tpu.memory_space<vmem>>
    %dma_start3A_3110 = arith.constant 0 : i32
    %dma_start3A_3111 = tpu.memref_slice %arg12[%dma_start3A_3110] : memref<524288xf32, #tpu.memory_space<vmem_shared>> -> memref<524288xf32, #tpu.memory_space<vmem_shared>>
    tpu.enqueue_indirect_dma source(%dma_start3A_3106 : memref<128xf32, #tpu.memory_space<vmem>>) target(%dma_start3A_3111 : memref<524288xf32, #tpu.memory_space<vmem_shared>>) offsets(%dma_start3A_3109 : memref<128xi32, #tpu.memory_space<vmem>>) semaphore(%arg16 : memref<!tpu.dma_semaphore, #tpu.memory_space<semaphore_mem>>) {add = true}
    %dma_start3A_3112 = arith.constant 0 : i32
    %dma_start3A_3113 = arith.constant 1 : i32
    %dma_start3A_3114 = arith.constant 0 : i32
    %dma_start3A_3115 = arith.constant 1 : i32
    %dma_start3A_3116 = arith.constant 0 : i32
    %dma_start3A_3117 = tpu.memref_slice %arg11[%dma_start3A_3112, %dma_start3A_3113, %dma_start3A_3116] : memref<1x8x128xf32, #tpu.memory_space<vmem>> -> memref<1x1x128xf32, #tpu.memory_space<vmem>>
    %dma_start3A_3118 = tpu.memref_squeeze %dma_start3A_3117 : memref<1x1x128xf32, #tpu.memory_space<vmem>> -> memref<128xf32, #tpu.memory_space<vmem>>
    %dma_start3A_3119 = arith.constant 0 : i32
    %dma_start3A_3120 = tpu.memref_slice %arg10[%dma_start3A_3114, %dma_start3A_3115, %dma_start3A_3119] : memref<1x8x128xi32, #tpu.memory_space<vmem>> -> memref<1x1x128xi32, #tpu.memory_space<vmem>>
    %dma_start3A_3121 = tpu.memref_squeeze %dma_start3A_3120 : memref<1x1x128xi32, #tpu.memory_space<vmem>> -> memref<128xi32, #tpu.memory_space<vmem>>
    %dma_start3A_3122 = arith.constant 0 : i32
    %dma_start3A_3123 = tpu.memref_slice %arg12[%dma_start3A_3122] : memref<524288xf32, #tpu.memory_space<vmem_shared>> -> memref<524288xf32, #tpu.memory_space<vmem_shared>>
    tpu.enqueue_indirect_dma source(%dma_start3A_3118 : memref<128xf32, #tpu.memory_space<vmem>>) target(%dma_start3A_3123 : memref<524288xf32, #tpu.memory_space<vmem_shared>>) offsets(%dma_start3A_3121 : memref<128xi32, #tpu.memory_space<vmem>>) semaphore(%arg16 : memref<!tpu.dma_semaphore, #tpu.memory_space<semaphore_mem>>) {add = true}
    %dma_start3A_3124 = arith.constant 0 : i32
    %dma_start3A_3125 = arith.constant 2 : i32
    %dma_start3A_3126 = arith.constant 0 : i32
    %dma_start3A_3127 = arith.constant 2 : i32
    %dma_start3A_3128 = arith.constant 0 : i32
    %dma_start3A_3129 = tpu.memref_slice %arg11[%dma_start3A_3124, %dma_start3A_3125, %dma_start3A_3128] : memref<1x8x128xf32, #tpu.memory_space<vmem>> -> memref<1x1x128xf32, #tpu.memory_space<vmem>>
    %dma_start3A_3130 = tpu.memref_squeeze %dma_start3A_3129 : memref<1x1x128xf32, #tpu.memory_space<vmem>> -> memref<128xf32, #tpu.memory_space<vmem>>
    %dma_start3A_3131 = arith.constant 0 : i32
    %dma_start3A_3132 = tpu.memref_slice %arg10[%dma_start3A_3126, %dma_start3A_3127, %dma_start3A_3131] : memref<1x8x128xi32, #tpu.memory_space<vmem>> -> memref<1x1x128xi32, #tpu.memory_space<vmem>>
    %dma_start3A_3133 = tpu.memref_squeeze %dma_start3A_3132 : memref<1x1x128xi32, #tpu.memory_space<vmem>> -> memref<128xi32, #tpu.memory_space<vmem>>
    %dma_start3A_3134 = arith.constant 0 : i32
    %dma_start3A_3135 = tpu.memref_slice %arg12[%dma_start3A_3134] : memref<524288xf32, #tpu.memory_space<vmem_shared>> -> memref<524288xf32, #tpu.memory_space<vmem_shared>>
    tpu.enqueue_indirect_dma source(%dma_start3A_3130 : memref<128xf32, #tpu.memory_space<vmem>>) target(%dma_start3A_3135 : memref<524288xf32, #tpu.memory_space<vmem_shared>>) offsets(%dma_start3A_3133 : memref<128xi32, #tpu.memory_space<vmem>>) semaphore(%arg16 : memref<!tpu.dma_semaphore, #tpu.memory_space<semaphore_mem>>) {add = true}
    %dma_start3A_3136 = arith.constant 0 : i32
    %dma_start3A_3137 = arith.constant 3 : i32
    %dma_start3A_3138 = arith.constant 0 : i32
    %dma_start3A_3139 = arith.constant 3 : i32
    %dma_start3A_3140 = arith.constant 0 : i32
    %dma_start3A_3141 = tpu.memref_slice %arg11[%dma_start3A_3136, %dma_start3A_3137, %dma_start3A_3140] : memref<1x8x128xf32, #tpu.memory_space<vmem>> -> memref<1x1x128xf32, #tpu.memory_space<vmem>>
    %dma_start3A_3142 = tpu.memref_squeeze %dma_start3A_3141 : memref<1x1x128xf32, #tpu.memory_space<vmem>> -> memref<128xf32, #tpu.memory_space<vmem>>
    %dma_start3A_3143 = arith.constant 0 : i32
    %dma_start3A_3144 = tpu.memref_slice %arg10[%dma_start3A_3138, %dma_start3A_3139, %dma_start3A_3143] : memref<1x8x128xi32, #tpu.memory_space<vmem>> -> memref<1x1x128xi32, #tpu.memory_space<vmem>>
    %dma_start3A_3145 = tpu.memref_squeeze %dma_start3A_3144 : memref<1x1x128xi32, #tpu.memory_space<vmem>> -> memref<128xi32, #tpu.memory_space<vmem>>
    %dma_start3A_3146 = arith.constant 0 : i32
    %dma_start3A_3147 = tpu.memref_slice %arg12[%dma_start3A_3146] : memref<524288xf32, #tpu.memory_space<vmem_shared>> -> memref<524288xf32, #tpu.memory_space<vmem_shared>>
    tpu.enqueue_indirect_dma source(%dma_start3A_3142 : memref<128xf32, #tpu.memory_space<vmem>>) target(%dma_start3A_3147 : memref<524288xf32, #tpu.memory_space<vmem_shared>>) offsets(%dma_start3A_3145 : memref<128xi32, #tpu.memory_space<vmem>>) semaphore(%arg16 : memref<!tpu.dma_semaphore, #tpu.memory_space<semaphore_mem>>) {add = true}
    %dma_start3A_3148 = arith.constant 0 : i32
    %dma_start3A_3149 = arith.constant 4 : i32
    %dma_start3A_3150 = arith.constant 0 : i32
    %dma_start3A_3151 = arith.constant 4 : i32
    %dma_start3A_3152 = arith.constant 0 : i32
    %dma_start3A_3153 = tpu.memref_slice %arg11[%dma_start3A_3148, %dma_start3A_3149, %dma_start3A_3152] : memref<1x8x128xf32, #tpu.memory_space<vmem>> -> memref<1x1x128xf32, #tpu.memory_space<vmem>>
    %dma_start3A_3154 = tpu.memref_squeeze %dma_start3A_3153 : memref<1x1x128xf32, #tpu.memory_space<vmem>> -> memref<128xf32, #tpu.memory_space<vmem>>
    %dma_start3A_3155 = arith.constant 0 : i32
    %dma_start3A_3156 = tpu.memref_slice %arg10[%dma_start3A_3150, %dma_start3A_3151, %dma_start3A_3155] : memref<1x8x128xi32, #tpu.memory_space<vmem>> -> memref<1x1x128xi32, #tpu.memory_space<vmem>>
    %dma_start3A_3157 = tpu.memref_squeeze %dma_start3A_3156 : memref<1x1x128xi32, #tpu.memory_space<vmem>> -> memref<128xi32, #tpu.memory_space<vmem>>
    %dma_start3A_3158 = arith.constant 0 : i32
    %dma_start3A_3159 = tpu.memref_slice %arg12[%dma_start3A_3158] : memref<524288xf32, #tpu.memory_space<vmem_shared>> -> memref<524288xf32, #tpu.memory_space<vmem_shared>>
    tpu.enqueue_indirect_dma source(%dma_start3A_3154 : memref<128xf32, #tpu.memory_space<vmem>>) target(%dma_start3A_3159 : memref<524288xf32, #tpu.memory_space<vmem_shared>>) offsets(%dma_start3A_3157 : memref<128xi32, #tpu.memory_space<vmem>>) semaphore(%arg16 : memref<!tpu.dma_semaphore, #tpu.memory_space<semaphore_mem>>) {add = true}
    %dma_start3A_3160 = arith.constant 0 : i32
    %dma_start3A_3161 = arith.constant 5 : i32
    %dma_start3A_3162 = arith.constant 0 : i32
    %dma_start3A_3163 = arith.constant 5 : i32
    %dma_start3A_3164 = arith.constant 0 : i32
    %dma_start3A_3165 = tpu.memref_slice %arg11[%dma_start3A_3160, %dma_start3A_3161, %dma_start3A_3164] : memref<1x8x128xf32, #tpu.memory_space<vmem>> -> memref<1x1x128xf32, #tpu.memory_space<vmem>>
    %dma_start3A_3166 = tpu.memref_squeeze %dma_start3A_3165 : memref<1x1x128xf32, #tpu.memory_space<vmem>> -> memref<128xf32, #tpu.memory_space<vmem>>
    %dma_start3A_3167 = arith.constant 0 : i32
    %dma_start3A_3168 = tpu.memref_slice %arg10[%dma_start3A_3162, %dma_start3A_3163, %dma_start3A_3167] : memref<1x8x128xi32, #tpu.memory_space<vmem>> -> memref<1x1x128xi32, #tpu.memory_space<vmem>>
    %dma_start3A_3169 = tpu.memref_squeeze %dma_start3A_3168 : memref<1x1x128xi32, #tpu.memory_space<vmem>> -> memref<128xi32, #tpu.memory_space<vmem>>
    %dma_start3A_3170 = arith.constant 0 : i32
    %dma_start3A_3171 = tpu.memref_slice %arg12[%dma_start3A_3170] : memref<524288xf32, #tpu.memory_space<vmem_shared>> -> memref<524288xf32, #tpu.memory_space<vmem_shared>>
    tpu.enqueue_indirect_dma source(%dma_start3A_3166 : memref<128xf32, #tpu.memory_space<vmem>>) target(%dma_start3A_3171 : memref<524288xf32, #tpu.memory_space<vmem_shared>>) offsets(%dma_start3A_3169 : memref<128xi32, #tpu.memory_space<vmem>>) semaphore(%arg16 : memref<!tpu.dma_semaphore, #tpu.memory_space<semaphore_mem>>) {add = true}
    %dma_start3A_3172 = arith.constant 0 : i32
    %dma_start3A_3173 = arith.constant 6 : i32
    %dma_start3A_3174 = arith.constant 0 : i32
    %dma_start3A_3175 = arith.constant 6 : i32
    %dma_start3A_3176 = arith.constant 0 : i32
    %dma_start3A_3177 = tpu.memref_slice %arg11[%dma_start3A_3172, %dma_start3A_3173, %dma_start3A_3176] : memref<1x8x128xf32, #tpu.memory_space<vmem>> -> memref<1x1x128xf32, #tpu.memory_space<vmem>>
    %dma_start3A_3178 = tpu.memref_squeeze %dma_start3A_3177 : memref<1x1x128xf32, #tpu.memory_space<vmem>> -> memref<128xf32, #tpu.memory_space<vmem>>
    %dma_start3A_3179 = arith.constant 0 : i32
    %dma_start3A_3180 = tpu.memref_slice %arg10[%dma_start3A_3174, %dma_start3A_3175, %dma_start3A_3179] : memref<1x8x128xi32, #tpu.memory_space<vmem>> -> memref<1x1x128xi32, #tpu.memory_space<vmem>>
    %dma_start3A_3181 = tpu.memref_squeeze %dma_start3A_3180 : memref<1x1x128xi32, #tpu.memory_space<vmem>> -> memref<128xi32, #tpu.memory_space<vmem>>
    %dma_start3A_3182 = arith.constant 0 : i32
    %dma_start3A_3183 = tpu.memref_slice %arg12[%dma_start3A_3182] : memref<524288xf32, #tpu.memory_space<vmem_shared>> -> memref<524288xf32, #tpu.memory_space<vmem_shared>>
    tpu.enqueue_indirect_dma source(%dma_start3A_3178 : memref<128xf32, #tpu.memory_space<vmem>>) target(%dma_start3A_3183 : memref<524288xf32, #tpu.memory_space<vmem_shared>>) offsets(%dma_start3A_3181 : memref<128xi32, #tpu.memory_space<vmem>>) semaphore(%arg16 : memref<!tpu.dma_semaphore, #tpu.memory_space<semaphore_mem>>) {add = true}
    %dma_start3A_3184 = arith.constant 0 : i32
    %dma_start3A_3185 = arith.constant 7 : i32
    %dma_start3A_3186 = arith.constant 0 : i32
    %dma_start3A_3187 = arith.constant 7 : i32
    %dma_start3A_3188 = arith.constant 0 : i32
    %dma_start3A_3189 = tpu.memref_slice %arg11[%dma_start3A_3184, %dma_start3A_3185, %dma_start3A_3188] : memref<1x8x128xf32, #tpu.memory_space<vmem>> -> memref<1x1x128xf32, #tpu.memory_space<vmem>>
    %dma_start3A_3190 = tpu.memref_squeeze %dma_start3A_3189 : memref<1x1x128xf32, #tpu.memory_space<vmem>> -> memref<128xf32, #tpu.memory_space<vmem>>
    %dma_start3A_3191 = arith.constant 0 : i32
    %dma_start3A_3192 = tpu.memref_slice %arg10[%dma_start3A_3186, %dma_start3A_3187, %dma_start3A_3191] : memref<1x8x128xi32, #tpu.memory_space<vmem>> -> memref<1x1x128xi32, #tpu.memory_space<vmem>>
    %dma_start3A_3193 = tpu.memref_squeeze %dma_start3A_3192 : memref<1x1x128xi32, #tpu.memory_space<vmem>> -> memref<128xi32, #tpu.memory_space<vmem>>
    %dma_start3A_3194 = arith.constant 0 : i32
    %dma_start3A_3195 = tpu.memref_slice %arg12[%dma_start3A_3194] : memref<524288xf32, #tpu.memory_space<vmem_shared>> -> memref<524288xf32, #tpu.memory_space<vmem_shared>>
    tpu.enqueue_indirect_dma source(%dma_start3A_3190 : memref<128xf32, #tpu.memory_space<vmem>>) target(%dma_start3A_3195 : memref<524288xf32, #tpu.memory_space<vmem_shared>>) offsets(%dma_start3A_3193 : memref<128xi32, #tpu.memory_space<vmem>>) semaphore(%arg16 : memref<!tpu.dma_semaphore, #tpu.memory_space<semaphore_mem>>) {add = true}
    %dma_wait3A_3196 = arith.constant 0 : i32
    %dma_wait3A_3197 = arith.constant 0 : i32
    %dma_wait3A_3198 = arith.constant 0 : i32
    %dma_wait3A_3199 = arith.constant 0 : i32
    %dma_wait3A_3200 = arith.constant 0 : i32
    %dma_wait3A_3201 = tpu.memref_slice %arg11[%dma_wait3A_3196, %dma_wait3A_3197, %dma_wait3A_3200] : memref<1x8x128xf32, #tpu.memory_space<vmem>> -> memref<1x1x128xf32, #tpu.memory_space<vmem>>
    %dma_wait3A_3202 = tpu.memref_squeeze %dma_wait3A_3201 : memref<1x1x128xf32, #tpu.memory_space<vmem>> -> memref<128xf32, #tpu.memory_space<vmem>>
    %dma_wait3A_3203 = arith.constant 0 : i32
    %dma_wait3A_3204 = tpu.memref_slice %arg10[%dma_wait3A_3198, %dma_wait3A_3199, %dma_wait3A_3203] : memref<1x8x128xi32, #tpu.memory_space<vmem>> -> memref<1x1x128xi32, #tpu.memory_space<vmem>>
    %dma_wait3A_3205 = tpu.memref_squeeze %dma_wait3A_3204 : memref<1x1x128xi32, #tpu.memory_space<vmem>> -> memref<128xi32, #tpu.memory_space<vmem>>
    %dma_wait3A_3206 = arith.constant 0 : i32
    %dma_wait3A_3207 = tpu.memref_slice %arg12[%dma_wait3A_3206] : memref<524288xf32, #tpu.memory_space<vmem_shared>> -> memref<524288xf32, #tpu.memory_space<vmem_shared>>
    tpu.wait_indirect_dma semaphore(%arg16 : memref<!tpu.dma_semaphore, #tpu.memory_space<semaphore_mem>>) src(%dma_wait3A_3202 : memref<128xf32, #tpu.memory_space<vmem>>) dst(%dma_wait3A_3207 : memref<524288xf32, #tpu.memory_space<vmem_shared>>)
    %dma_wait3A_3208 = arith.constant 0 : i32
    %dma_wait3A_3209 = arith.constant 1 : i32
    %dma_wait3A_3210 = arith.constant 0 : i32
    %dma_wait3A_3211 = arith.constant 1 : i32
    %dma_wait3A_3212 = arith.constant 0 : i32
    %dma_wait3A_3213 = tpu.memref_slice %arg11[%dma_wait3A_3208, %dma_wait3A_3209, %dma_wait3A_3212] : memref<1x8x128xf32, #tpu.memory_space<vmem>> -> memref<1x1x128xf32, #tpu.memory_space<vmem>>
    %dma_wait3A_3214 = tpu.memref_squeeze %dma_wait3A_3213 : memref<1x1x128xf32, #tpu.memory_space<vmem>> -> memref<128xf32, #tpu.memory_space<vmem>>
    %dma_wait3A_3215 = arith.constant 0 : i32
    %dma_wait3A_3216 = tpu.memref_slice %arg10[%dma_wait3A_3210, %dma_wait3A_3211, %dma_wait3A_3215] : memref<1x8x128xi32, #tpu.memory_space<vmem>> -> memref<1x1x128xi32, #tpu.memory_space<vmem>>
    %dma_wait3A_3217 = tpu.memref_squeeze %dma_wait3A_3216 : memref<1x1x128xi32, #tpu.memory_space<vmem>> -> memref<128xi32, #tpu.memory_space<vmem>>
    %dma_wait3A_3218 = arith.constant 0 : i32
    %dma_wait3A_3219 = tpu.memref_slice %arg12[%dma_wait3A_3218] : memref<524288xf32, #tpu.memory_space<vmem_shared>> -> memref<524288xf32, #tpu.memory_space<vmem_shared>>
    tpu.wait_indirect_dma semaphore(%arg16 : memref<!tpu.dma_semaphore, #tpu.memory_space<semaphore_mem>>) src(%dma_wait3A_3214 : memref<128xf32, #tpu.memory_space<vmem>>) dst(%dma_wait3A_3219 : memref<524288xf32, #tpu.memory_space<vmem_shared>>)
    %dma_wait3A_3220 = arith.constant 0 : i32
    %dma_wait3A_3221 = arith.constant 2 : i32
    %dma_wait3A_3222 = arith.constant 0 : i32
    %dma_wait3A_3223 = arith.constant 2 : i32
    %dma_wait3A_3224 = arith.constant 0 : i32
    %dma_wait3A_3225 = tpu.memref_slice %arg11[%dma_wait3A_3220, %dma_wait3A_3221, %dma_wait3A_3224] : memref<1x8x128xf32, #tpu.memory_space<vmem>> -> memref<1x1x128xf32, #tpu.memory_space<vmem>>
    %dma_wait3A_3226 = tpu.memref_squeeze %dma_wait3A_3225 : memref<1x1x128xf32, #tpu.memory_space<vmem>> -> memref<128xf32, #tpu.memory_space<vmem>>
    %dma_wait3A_3227 = arith.constant 0 : i32
    %dma_wait3A_3228 = tpu.memref_slice %arg10[%dma_wait3A_3222, %dma_wait3A_3223, %dma_wait3A_3227] : memref<1x8x128xi32, #tpu.memory_space<vmem>> -> memref<1x1x128xi32, #tpu.memory_space<vmem>>
    %dma_wait3A_3229 = tpu.memref_squeeze %dma_wait3A_3228 : memref<1x1x128xi32, #tpu.memory_space<vmem>> -> memref<128xi32, #tpu.memory_space<vmem>>
    %dma_wait3A_3230 = arith.constant 0 : i32
    %dma_wait3A_3231 = tpu.memref_slice %arg12[%dma_wait3A_3230] : memref<524288xf32, #tpu.memory_space<vmem_shared>> -> memref<524288xf32, #tpu.memory_space<vmem_shared>>
    tpu.wait_indirect_dma semaphore(%arg16 : memref<!tpu.dma_semaphore, #tpu.memory_space<semaphore_mem>>) src(%dma_wait3A_3226 : memref<128xf32, #tpu.memory_space<vmem>>) dst(%dma_wait3A_3231 : memref<524288xf32, #tpu.memory_space<vmem_shared>>)
    %dma_wait3A_3232 = arith.constant 0 : i32
    %dma_wait3A_3233 = arith.constant 3 : i32
    %dma_wait3A_3234 = arith.constant 0 : i32
    %dma_wait3A_3235 = arith.constant 3 : i32
    %dma_wait3A_3236 = arith.constant 0 : i32
    %dma_wait3A_3237 = tpu.memref_slice %arg11[%dma_wait3A_3232, %dma_wait3A_3233, %dma_wait3A_3236] : memref<1x8x128xf32, #tpu.memory_space<vmem>> -> memref<1x1x128xf32, #tpu.memory_space<vmem>>
    %dma_wait3A_3238 = tpu.memref_squeeze %dma_wait3A_3237 : memref<1x1x128xf32, #tpu.memory_space<vmem>> -> memref<128xf32, #tpu.memory_space<vmem>>
    %dma_wait3A_3239 = arith.constant 0 : i32
    %dma_wait3A_3240 = tpu.memref_slice %arg10[%dma_wait3A_3234, %dma_wait3A_3235, %dma_wait3A_3239] : memref<1x8x128xi32, #tpu.memory_space<vmem>> -> memref<1x1x128xi32, #tpu.memory_space<vmem>>
    %dma_wait3A_3241 = tpu.memref_squeeze %dma_wait3A_3240 : memref<1x1x128xi32, #tpu.memory_space<vmem>> -> memref<128xi32, #tpu.memory_space<vmem>>
    %dma_wait3A_3242 = arith.constant 0 : i32
    %dma_wait3A_3243 = tpu.memref_slice %arg12[%dma_wait3A_3242] : memref<524288xf32, #tpu.memory_space<vmem_shared>> -> memref<524288xf32, #tpu.memory_space<vmem_shared>>
    tpu.wait_indirect_dma semaphore(%arg16 : memref<!tpu.dma_semaphore, #tpu.memory_space<semaphore_mem>>) src(%dma_wait3A_3238 : memref<128xf32, #tpu.memory_space<vmem>>) dst(%dma_wait3A_3243 : memref<524288xf32, #tpu.memory_space<vmem_shared>>)
    %dma_wait3A_3244 = arith.constant 0 : i32
    %dma_wait3A_3245 = arith.constant 4 : i32
    %dma_wait3A_3246 = arith.constant 0 : i32
    %dma_wait3A_3247 = arith.constant 4 : i32
    %dma_wait3A_3248 = arith.constant 0 : i32
    %dma_wait3A_3249 = tpu.memref_slice %arg11[%dma_wait3A_3244, %dma_wait3A_3245, %dma_wait3A_3248] : memref<1x8x128xf32, #tpu.memory_space<vmem>> -> memref<1x1x128xf32, #tpu.memory_space<vmem>>
    %dma_wait3A_3250 = tpu.memref_squeeze %dma_wait3A_3249 : memref<1x1x128xf32, #tpu.memory_space<vmem>> -> memref<128xf32, #tpu.memory_space<vmem>>
    %dma_wait3A_3251 = arith.constant 0 : i32
    %dma_wait3A_3252 = tpu.memref_slice %arg10[%dma_wait3A_3246, %dma_wait3A_3247, %dma_wait3A_3251] : memref<1x8x128xi32, #tpu.memory_space<vmem>> -> memref<1x1x128xi32, #tpu.memory_space<vmem>>
    %dma_wait3A_3253 = tpu.memref_squeeze %dma_wait3A_3252 : memref<1x1x128xi32, #tpu.memory_space<vmem>> -> memref<128xi32, #tpu.memory_space<vmem>>
    %dma_wait3A_3254 = arith.constant 0 : i32
    %dma_wait3A_3255 = tpu.memref_slice %arg12[%dma_wait3A_3254] : memref<524288xf32, #tpu.memory_space<vmem_shared>> -> memref<524288xf32, #tpu.memory_space<vmem_shared>>
    tpu.wait_indirect_dma semaphore(%arg16 : memref<!tpu.dma_semaphore, #tpu.memory_space<semaphore_mem>>) src(%dma_wait3A_3250 : memref<128xf32, #tpu.memory_space<vmem>>) dst(%dma_wait3A_3255 : memref<524288xf32, #tpu.memory_space<vmem_shared>>)
    %dma_wait3A_3256 = arith.constant 0 : i32
    %dma_wait3A_3257 = arith.constant 5 : i32
    %dma_wait3A_3258 = arith.constant 0 : i32
    %dma_wait3A_3259 = arith.constant 5 : i32
    %dma_wait3A_3260 = arith.constant 0 : i32
    %dma_wait3A_3261 = tpu.memref_slice %arg11[%dma_wait3A_3256, %dma_wait3A_3257, %dma_wait3A_3260] : memref<1x8x128xf32, #tpu.memory_space<vmem>> -> memref<1x1x128xf32, #tpu.memory_space<vmem>>
    %dma_wait3A_3262 = tpu.memref_squeeze %dma_wait3A_3261 : memref<1x1x128xf32, #tpu.memory_space<vmem>> -> memref<128xf32, #tpu.memory_space<vmem>>
    %dma_wait3A_3263 = arith.constant 0 : i32
    %dma_wait3A_3264 = tpu.memref_slice %arg10[%dma_wait3A_3258, %dma_wait3A_3259, %dma_wait3A_3263] : memref<1x8x128xi32, #tpu.memory_space<vmem>> -> memref<1x1x128xi32, #tpu.memory_space<vmem>>
    %dma_wait3A_3265 = tpu.memref_squeeze %dma_wait3A_3264 : memref<1x1x128xi32, #tpu.memory_space<vmem>> -> memref<128xi32, #tpu.memory_space<vmem>>
    %dma_wait3A_3266 = arith.constant 0 : i32
    %dma_wait3A_3267 = tpu.memref_slice %arg12[%dma_wait3A_3266] : memref<524288xf32, #tpu.memory_space<vmem_shared>> -> memref<524288xf32, #tpu.memory_space<vmem_shared>>
    tpu.wait_indirect_dma semaphore(%arg16 : memref<!tpu.dma_semaphore, #tpu.memory_space<semaphore_mem>>) src(%dma_wait3A_3262 : memref<128xf32, #tpu.memory_space<vmem>>) dst(%dma_wait3A_3267 : memref<524288xf32, #tpu.memory_space<vmem_shared>>)
    %dma_wait3A_3268 = arith.constant 0 : i32
    %dma_wait3A_3269 = arith.constant 6 : i32
    %dma_wait3A_3270 = arith.constant 0 : i32
    %dma_wait3A_3271 = arith.constant 6 : i32
    %dma_wait3A_3272 = arith.constant 0 : i32
    %dma_wait3A_3273 = tpu.memref_slice %arg11[%dma_wait3A_3268, %dma_wait3A_3269, %dma_wait3A_3272] : memref<1x8x128xf32, #tpu.memory_space<vmem>> -> memref<1x1x128xf32, #tpu.memory_space<vmem>>
    %dma_wait3A_3274 = tpu.memref_squeeze %dma_wait3A_3273 : memref<1x1x128xf32, #tpu.memory_space<vmem>> -> memref<128xf32, #tpu.memory_space<vmem>>
    %dma_wait3A_3275 = arith.constant 0 : i32
    %dma_wait3A_3276 = tpu.memref_slice %arg10[%dma_wait3A_3270, %dma_wait3A_3271, %dma_wait3A_3275] : memref<1x8x128xi32, #tpu.memory_space<vmem>> -> memref<1x1x128xi32, #tpu.memory_space<vmem>>
    %dma_wait3A_3277 = tpu.memref_squeeze %dma_wait3A_3276 : memref<1x1x128xi32, #tpu.memory_space<vmem>> -> memref<128xi32, #tpu.memory_space<vmem>>
    %dma_wait3A_3278 = arith.constant 0 : i32
    %dma_wait3A_3279 = tpu.memref_slice %arg12[%dma_wait3A_3278] : memref<524288xf32, #tpu.memory_space<vmem_shared>> -> memref<524288xf32, #tpu.memory_space<vmem_shared>>
    tpu.wait_indirect_dma semaphore(%arg16 : memref<!tpu.dma_semaphore, #tpu.memory_space<semaphore_mem>>) src(%dma_wait3A_3274 : memref<128xf32, #tpu.memory_space<vmem>>) dst(%dma_wait3A_3279 : memref<524288xf32, #tpu.memory_space<vmem_shared>>)
    %dma_wait3A_3280 = arith.constant 0 : i32
    %dma_wait3A_3281 = arith.constant 7 : i32
    %dma_wait3A_3282 = arith.constant 0 : i32
    %dma_wait3A_3283 = arith.constant 7 : i32
    %dma_wait3A_3284 = arith.constant 0 : i32
    %dma_wait3A_3285 = tpu.memref_slice %arg11[%dma_wait3A_3280, %dma_wait3A_3281, %dma_wait3A_3284] : memref<1x8x128xf32, #tpu.memory_space<vmem>> -> memref<1x1x128xf32, #tpu.memory_space<vmem>>
    %dma_wait3A_3286 = tpu.memref_squeeze %dma_wait3A_3285 : memref<1x1x128xf32, #tpu.memory_space<vmem>> -> memref<128xf32, #tpu.memory_space<vmem>>
    %dma_wait3A_3287 = arith.constant 0 : i32
    %dma_wait3A_3288 = tpu.memref_slice %arg10[%dma_wait3A_3282, %dma_wait3A_3283, %dma_wait3A_3287] : memref<1x8x128xi32, #tpu.memory_space<vmem>> -> memref<1x1x128xi32, #tpu.memory_space<vmem>>
    %dma_wait3A_3289 = tpu.memref_squeeze %dma_wait3A_3288 : memref<1x1x128xi32, #tpu.memory_space<vmem>> -> memref<128xi32, #tpu.memory_space<vmem>>
    %dma_wait3A_3290 = arith.constant 0 : i32
    %dma_wait3A_3291 = tpu.memref_slice %arg12[%dma_wait3A_3290] : memref<524288xf32, #tpu.memory_space<vmem_shared>> -> memref<524288xf32, #tpu.memory_space<vmem_shared>>
    tpu.wait_indirect_dma semaphore(%arg16 : memref<!tpu.dma_semaphore, #tpu.memory_space<semaphore_mem>>) src(%dma_wait3A_3286 : memref<128xf32, #tpu.memory_space<vmem>>) dst(%dma_wait3A_3291 : memref<524288xf32, #tpu.memory_space<vmem_shared>>)
    %barrier3A_3292 = arith.constant 0 : index
    tpu.barrier barrier_id(%barrier3A_3292)
    %add3A_3293 = arith.constant 0 : i32
    %add3A_3294 = arith.addi %add3A_3293, %mul3A_12 : i32
    %dma_start3A_3295 = tpu.memref_slice %arg6[%add3A_3294] : memref<1048576xf32, #tpu.memory_space<hbm>> -> memref<32768xf32, #tpu.memory_space<hbm>>
    %dma_start3A_3296 = tpu.memref_slice %arg12[%mul3A_5] : memref<524288xf32, #tpu.memory_space<vmem_shared>> -> memref<32768xf32, #tpu.memory_space<vmem_shared>>
    tpu.enqueue_dma source(%dma_start3A_3296 : memref<32768xf32, #tpu.memory_space<vmem_shared>>) target(%dma_start3A_3295 : memref<32768xf32, #tpu.memory_space<hbm>>) target_semaphore(%arg17 : memref<!tpu.dma_semaphore, #tpu.memory_space<semaphore_mem>>)
    %dma_wait3A_3297 = tpu.memref_slice %arg6[%add3A_3294] : memref<1048576xf32, #tpu.memory_space<hbm>> -> memref<32768xf32, #tpu.memory_space<hbm>>
    %dma_wait3A_3298 = tpu.memref_slice %arg12[%mul3A_5] : memref<524288xf32, #tpu.memory_space<vmem_shared>> -> memref<32768xf32, #tpu.memory_space<vmem_shared>>
    tpu.wait_dma2 semaphore(%arg17 : memref<!tpu.dma_semaphore, #tpu.memory_space<semaphore_mem>>) src(%dma_wait3A_3298 : memref<32768xf32, #tpu.memory_space<vmem_shared>>) dst(%dma_wait3A_3297 : memref<32768xf32, #tpu.memory_space<hbm>>)
    return
  }
}

</mosaic_0001>

<sc_bundles>
// kernel: _densify.3.cloned.1.call-start
scs
__scs_entry_jumppad:
0x0: {  	(pc) =	sbr.rel $0x88, $3  }
0x1: {  	(tag) =	ssettag $0x0;
	lr =	simm.s32 $0x1  }
0x2: {  	[smem:$0x3F9D] =	sst lr;
	_ =	strace $0xD0000000  }
0x3: {  	_ = 	snop  }
0x4: {  	_ = 	snop  }
0x5: {  	_ = 	snop  }
0x6: {  	_ = 	snop  }
0x7: {  	_ = 	snop  }
__scs_overlays_trampoline_lowered:
0x8: {  	[smem:$0x3FAC] =	sst s0  }
0x9: {  	[smem:$0x3FAD] =	sst s1  }
0xa: {  	[smem:$0x3FAE] =	sst s2  }
0xb: {  	[smem:$0x3FAF] =	sst s3  }
0xc: {  	[smem:$0x3FB0] =	sst s4  }
0xd: {  	[smem:$0x3FB1] =	sst s5  }
0xe: {  	[smem:$0x3FB2] =	sst s6  }
0xf: {  	[smem:$0x3FB3] =	sst s7  }
0x10: {  	[smem:$0x3FB4] =	sst s8  }
0x11: {  	[smem:$0x3FB5] =	sst s9;
	s0 =	simm.s32 @!p0 $0x0  }
0x12: {  	s1 =	sld [smem:$0x3F9B];
	s0 =	simm.s32 @p0 $0x1  }
0x13: {  	[smem:$0x3FB6] =	sst s0;
	s0 =	simm.s32 @!p1 $0x0  }
0x14: {  	s2 =	sld [smem:$0x3F9A];
	s0 =	simm.s32 @p1 $0x1  }
0x15: {  	[smem:$0x3FB7] =	sst s0;
	s0 =	simm.s32 @!p2 $0x0  }
0x16: {  	s3 =	sld [smem:$0x3FDB];
	s0 =	simm.s32 @p2 $0x1  }
0x17: {  	s4 =	simm.s32 $0x1BF5;
	[smem:$0x3FB9] =	sst s0  }
0x18: {  	s0 =	sld [smem:$0x3F9C];
	_ =	swait.ge [sflag:s4], $0x0  }
0x19: {  	s7 =	sld [smem:$0x3F9D]  }
0x1a: {  	s8 =	sadd.s32 $0xFFFFE003, lr  }
0x1b: {  	s9 =	sadd.s32 $0xFFFFFEF7, lr;
	s5 =	simm.s32 $0xFFFFFFFF;
	p2 =	slt.u32 s8, $0xFFFFF086  }
0x1c: {  	p1 =	slt.u32 s9, $0xF7A;
	s5 =	simm.s32 @!p2 $0x0  }
0x1d: {  	s5 =	simm.s32 @p1 $0x1;
	p0 =	seq.s32 s7, s2  }
0x1e: {  	s7 =	smul.u32 @!p0 $0xF7A, s2;
	p2 =	seq.s32 @!p0 s5, $0x0  }
0x1f: {  	s9 =	smul.u32 $0xF7A, s1;
	s8 =	simm.s32 @!p0 $0x1BF5;
	p2 =	por !p2, p0  }
0x20: {  	[sflag:s8] =	ssyncset.s32 @!p0 $0xFFFFF086;
	s6 =	sadd.s32 @!p0 s3, s7;
	s7 =	simm.s32 @!p0 $0x108  }
0x21: {  	s3 =	sadd.s32 s3, s9;
	s6 =	sadd.s32 @!p0 $0x88, s6;
	s7 =	simm.s32 @p2 $0x1082  }
0x22: {  	[simem:s7], [sflag:s8] =	dma.local @!p0 [hbm:s6], $0xF7A  }
0x23: {  	s9 =	sor.u32 $0xD0000000, s2;
	s6 =	simm.s32 $0x108;
	_ =	swait.ge @!p0 [sflag:s8], $0x0  }
0x24: {  	s3 =	sadd.s32 $0x88, s3;
	s6 =	simm.s32 @!p1 $0x1082;
	[sflag:s4] =	ssyncset.s32 $0xFFFFF086  }
0x25: {  	[simem:s6], [sflag:s4] =	dma.local [hbm:s3], $0xF7A  }
0x26: {  	[smem:$0x3F9D] =	sst s1;
	(tag) =	ssettag s2;
	_ =	strace s9  }
0x27: {  	s1 =	sld [smem:$0x3FAD]  }
0x28: {  	s2 =	sld [smem:$0x3FAE]  }
0x29: {  	s4 =	sld [smem:$0x3FB0]  }
0x2a: {  	p0 =	seq.s32 s5, $0x0;
	s5 =	sld [smem:$0x3FB1]  }
0x2b: {  	s6 =	sld [smem:$0x3FB2]  }
0x2c: {  	s7 =	sld [smem:$0x3FB3]  }
0x2d: {  	s3 =	simm.s32 $0x108;
	s8 =	sld [smem:$0x3FB4]  }
0x2e: {  	s3 =	simm.s32 @!p0 $0x1082;
	s9 =	sld [smem:$0x3FB5]  }
0x2f: {  	lr =	sadd.s32 s0, s3;
	s0 =	sld [smem:$0x3FAC]  }
0x30: {  	s3 =	sld [smem:$0x3FAF]  }
0x31: {  	[smem:$0x3FB8] =	sst s10  }
0x32: {  	s10 =	sld [smem:$0x3FB6];
	_ =	sdelay $0x3  }
0x33: {  	p0 =	seq.s32 s10, $0x1;
	s10 =	sld [smem:$0x3FB8];
	_ =	sdelay $0x3  }
0x34: {  	[smem:$0x3FB8] =	sst s10  }
0x35: {  	s10 =	sld [smem:$0x3FB7];
	_ =	sdelay $0x3  }
0x36: {  	p1 =	seq.s32 s10, $0x1;
	s10 =	sld [smem:$0x3FB8];
	_ =	sdelay $0x3  }
0x37: {  	[smem:$0x3FB8] =	sst s10  }
0x38: {  	s10 =	sld [smem:$0x3FB9]  }
0x39: {  	_ = 	snop;
	(pc) =	sbr.ind lr, $3  }
0x3a: {  	_ = 	snop  }
0x3b: {  	_ = 	snop  }
0x3c: {  	p2 =	seq.s32 s10, $0x1;
	s10 =	sld [smem:$0x3FB8]  }
0x3d: {  	_ =	shalt  }
0x3e: {  	_ =	shalt  }
0x3f: {  	_ =	shalt  }
0x40: {  	_ =	shalt  }
0x41: {  	_ =	shalt  }
0x42: {  	_ =	shalt  }
0x43: {  	_ =	shalt  }
0x44: {  	_ =	shalt  }
0x45: {  	_ =	shalt  }
0x46: {  	_ =	shalt  }
0x47: {  	_ =	shalt  }
0x48: {  	_ =	shalt  }
0x49: {  	_ =	shalt  }
0x4a: {  	_ =	shalt  }
0x4b: {  	_ =	shalt  }
0x4c: {  	_ =	shalt  }
0x4d: {  	_ =	shalt  }
0x4e: {  	_ =	shalt  }
0x4f: {  	_ =	shalt  }
0x50: {  	_ =	shalt  }
0x51: {  	_ =	shalt  }
0x52: {  	_ =	shalt  }
0x53: {  	_ =	shalt  }
0x54: {  	_ =	shalt  }
0x55: {  	_ =	shalt  }
0x56: {  	_ =	shalt  }
0x57: {  	_ =	shalt  }
0x58: {  	_ =	shalt  }
0x59: {  	_ =	shalt  }
0x5a: {  	_ =	shalt  }
0x5b: {  	_ =	shalt  }
0x5c: {  	_ =	shalt  }
0x5d: {  	_ =	shalt  }
0x5e: {  	_ =	shalt  }
0x5f: {  	_ =	shalt  }
0x60: {  	_ =	shalt  }
0x61: {  	_ =	shalt  }
0x62: {  	_ =	shalt  }
0x63: {  	_ =	shalt  }
0x64: {  	_ =	shalt  }
0x65: {  	_ =	shalt  }
0x66: {  	_ =	shalt  }
0x67: {  	_ =	shalt  }
0x68: {  	_ =	shalt  }
0x69: {  	_ =	shalt  }
0x6a: {  	_ =	shalt  }
0x6b: {  	_ =	shalt  }
0x6c: {  	_ =	shalt  }
0x6d: {  	_ =	shalt  }
0x6e: {  	_ =	shalt  }
0x6f: {  	_ =	shalt  }
0x70: {  	_ =	shalt  }
0x71: {  	_ =	shalt  }
0x72: {  	_ =	shalt  }
0x73: {  	_ =	shalt  }
0x74: {  	_ =	shalt  }
0x75: {  	_ =	shalt  }
0x76: {  	_ =	shalt  }
0x77: {  	_ =	shalt  }
0x78: {  	_ =	shalt  }
0x79: {  	_ =	shalt  }
0x7a: {  	_ =	shalt  }
0x7b: {  	_ =	shalt  }
0x7c: {  	_ =	shalt  }
0x7d: {  	_ =	shalt  }
0x7e: {  	_ =	shalt  }
0x7f: {  	_ =	shalt  }
0x80: {  	_ =	shalt  }
0x81: {  	_ =	shalt  }
0x82: {  	_ =	shalt  }
0x83: {  	_ =	shalt  }
0x84: {  	_ =	shalt  }
0x85: {  	_ =	shalt  }
0x86: {  	_ =	shalt  }
0x87: {  	_ =	shalt  }
.Lfunc_end0:
.L_simem_size_0:
called_computation_lowered:
.L_overlay_start_0:
0x88: {  	s2 =	sld [smem:$0x3FD9]  }
0x89: {  	s3 =	sld [smem:$0x3FFE];
	_ =	sdelay $0x1  }
0x8a: {  	s1 =	srdreg.scid  }
0x8b: {  	s0 =	sand.u32 $0x1, s1  }
0x8c: {  	s18 =	sshll.u32 s0, $0xA;
	s2 =	sadd.s32 s3, s2  }
0x8d: {  	s2 =	sadd.s32 s2, s18  }
0x8e: {  	[smem:$0x3FC4] =	sst s2  }
0x8f: {  	_ = 	snop  }
0x90: {  	s2 =	sld [smem:$0x3FC9]  }
0x91: {  	s19 =	sld [smem:$0x3FC8]  }
0x92: {  	s4 =	sld [smem:$0x3FC7]  }
0x93: {  	s5 =	sld [smem:$0x3FC6]  }
0x94: {  	s6 =	sld [smem:$0x3FD0];
	(tm) =	ssettm $0x1  }
0x95: {  	s7 =	sld [smem:$0x3FFB];
	_ =	sdelay $0x3  }
0x96: {  	_ =	strace s7  }
0x97: {  	s7 =	sld [smem:$0x3FFC];
	_ =	sdelay $0x3  }
0x98: {  	_ =	strace s7  }
0x99: {  	s7 =	sld [smem:$0x3FFD];
	_ =	sdelay $0x3  }
0x9a: {  	_ =	strace s7  }
0x9b: {  	_ =	strace $0x8FFFFFFF  }
0x9c: {  	s20 =	sld [smem:$0x3FDB];
	_ =	sdelay $0x1  }
0x9d: {  	s8 =	simm.s32 $_scs_section_size  }
0x9e: {  	s9 =	simm.s32 $_size__tile_overlayer_lowered;
	s10 =	simm.s32 $_tile_overlayer_lowered  }
0x9f: {  	s23 =	simm.s32 $0x1BFF;
	s22 =	sshll.u32 s10, $0x1;
	s7 =	sadd.s32 s8, s20  }
0xa0: {  	s11 =	simm.s32 $0x0;
	s21 =	sshll.u32 s9, $0x1;
	s9 =	sadd.s32 s22, s7  }
0xa1: {  	[timem:s11], [sflag:s23] =	dma.local [hbm:s9], s21  }
0xa2: {  	_ =	swait.ge [sflag:s23], s21  }
0xa3: {  	s8 =	ssub.s32 $0x0, s21;
	[sflag:s23] =	ssyncset.done $0x0  }
0xa4: {  	[sflag:s23] =	ssyncadd.s32 s8;
	_ =	sdelay $0x1  }
0xa5: {  	s24 =	simm.s32 $0x1B8B  }
0xa6: {  	_ =	swait.ge [sflag:s24], $0x1  }
0xa7: {  	[sflag:s24] =	ssyncset.done $0x0  }
0xa8: {  	s25 =	simm.s32 $0x1B8E;
	[sflag:s24] =	ssyncadd.s32 $0xFFFFFFFF  }
0xa9: {  	s26 =	simm.s32 $execute0_lowered;
	[smem:$0x3FD2] =	sst s25  }
0xaa: {  	s8 =	sshll.u32 s26, $0x1;
	_ =	strace $0x80000046;
	[dreg:$0x1] =	wrdreg $0xFFFFFFFF  }
0xab: {  	s28 =	simm.s32 $_size_execute0_lowered;
	s7 =	sadd.s32 s7, s8;
	[dreg:$0x0] =	wrdreg $0x0  }
0xac: {  	s8 =	sshll.u32 s28, $0x1;
	[dreg:$0x2] =	wrdreg s7  }
0xad: {  	[dreg:$0x3] =	wrdreg s8  }
0xae: {  	[dreg:$0x4] =	wrdreg $0xC0  }
0xaf: {  	_ =	task [dreg:s11], $0x5FFFF  }
0xb0: {  	[dreg:$0x1] =	wrdreg $0xFFFFFFFF  }
0xb1: {  	[dreg:$0x0] =	wrdreg $0x60  }
0xb2: {  	[dreg:$0x2] =	wrdreg s2  }
0xb3: {  	[dreg:$0x3] =	wrdreg s19  }
0xb4: {  	[dreg:$0x4] =	wrdreg s4  }
0xb5: {  	[dreg:$0x5] =	wrdreg s5  }
0xb6: {  	[dreg:$0x6] =	wrdreg s6  }
0xb7: {  	[dreg:$0x7] =	wrdreg $0x14000  }
0xb8: {  	[dreg:$0x8] =	wrdreg $0x9  }
0xb9: {  	_ =	task.clear_ibuf [dreg:s11], $0x9FFFF;
	_ =	strace $0x90000046  }
0xba: {  	s29 =	simm.s32 $0x9;
	_ =	strace $0x80000048  }
0xbb: {  	_ =	swait.ge [sflag:s29], $0x1  }
0xbc: {  	[sflag:s29] =	ssyncadd.s32 $0xFFFFFFFF  }
0xbd: {  	_ =	strace $0x90000048  }
0xbe: {  	_ =	sfence  }
0xbf: {  	s30 =	sld [smem:$0x0];
	_ =	sdelay $0x2  }
0xc0: {  	s31 =	sshll.u32 s1, $0xD;
	s1 =	sshrl.u32 s1, $0x2  }
0xc1: {  	s3 =	sand.u32 $0x4000, s31;
	s1 =	sadd.s32 s1, s30  }
0xc2: {  	s0 =	sor.u32 s3, s0;
	s1 =	sshll.u32 s1, $0x11  }
0xc3: {  	s0 =	sor.u32 s1, s0  }
0xc4: {  	s0 =	sadd.s32 $0x8F2B, s0  }
0xc5: {  	[sflag:s0] =	ssyncadd.remote.s32 $0x1  }
0xc6: {  	_ =	sfence.sel $0xFFFF  }
0xc7: {  	[dreg:$0x0] =	wrdreg $0xFFFFFFFF;
	(pc) =	sbr.abs _section_cstart, $3  }
0xc8: {  	[dreg:$0x1] =	wrdreg $0xFFFFFFFF  }
0xc9: {  	_ =	task.clear_ibuf [dreg:s11], $0x2FFFF;
	_ =	strace $0x9FFFFFFF  }
0xca: {  	(tm) =	ssettm $0x7FFFFFFF  }
0xcb: {  	_ =	shalt  }
tec
execute0_lowered:
.L_overlay_start_1:
0x0: {  	(tag) =	ssettag $0x1  }
0x1: {  	s4 =	rddreg [dreg:$0x0]  }
0x2: {  	s5 =	rddreg [dreg:$0x1]  }
0x3: {  	s6 =	rddreg [dreg:$0x2]  }
0x4: {  	s0 =	rddreg [dreg:$0x3]  }
0x5: {  	s7 =	rddreg [dreg:$0x4]  }
0x6: {  	s1 =	rddreg [dreg:$0x5];
	s2 =	simm.s32 $0x0  }
0x7: {  	s3 =	srdreg.scid;
	s19 =	stileid.u32;
	s12 =	simm.s32 $0x80  }
0x8: {  	s13 =	simm.s32 $0xC00;
	s14 =	simm.s32 $0x1000;
	s15 =	simm.s32 $0xC80  }
0x9: {  	s16 =	simm.s32 $0x1080;
	s17 =	simm.s32 $0xD00;
	s18 =	simm.s32 $0x1100  }
0xa: {  	s28 =	simm.s32 $0xF80;
	s31 =	simm.s32 $0x4;
	[dreg:$0x7] =	wrdreg s0  }
0xb: {  	[smem:$0x7FF] =	sst s2;
	s8 =	sand.u32 $0x1, s3;
	s11 =	sshll.u32 s19, $0x7  }
0xc: {  	s20 =	sshll.u32 s19, $0xC;
	s24 =	sshll.u32 s19, $0xF;
	_ =	strace $0x80000047  }
0xd: {  	s9 =	ssub.s32 $0x2, s8;
	s29 =	sshll.u32 s8, $0x9;
	s4 =	sadd.s32 s4, s11  }
0xe: {  	s21 =	sadd.s32 s5, s11;
	s22 =	sshll.u32 s8, $0x10;
	s23 =	sadd.s32 s6, s11  }
0xf: {  	s25 =	sadd.s32 s24, s1;
	s8 =	simm.s32 $0x800;
	[dreg:$0x8] =	wrdreg s4  }
0x10: {  	s11 =	simm.s32 $0x2;
	s24 =	simm.s32 $0x1280;
	[dreg:$0x9] =	wrdreg s21  }
0x11: {  	s10 =	sshrl.u32 s9, $0x1;
	s30 =	sadd.s32 $0x200, s29;
	[dreg:$0xa] =	wrdreg s23  }
0x12: {  	s4 =	sshll.u32 s19, $0x6;
	s5 =	sadd.s32 s7, s22;
	s19 =	simm.s32 $0xD80  }
0x13: {  	s21 =	simm.s32 $0xE00;
	s22 =	simm.s32 $0x1200;
	s23 =	simm.s32 $0xE80  }
0x14: {  	v0 =	vmov s29;
	s29 =	simm.s32 $0x1380;
	s9 =	ssub.s32 s9, s10;
	s26 =	sor.u32 $0x1C02, s4  }
0x15: {  	s5 =	sadd.s32 s20, s5;
	s10 =	simm.s32 $0x1;
	s20 =	simm.s32 $0x1180  }
0x16: {  	v1 =	vmov s30;
	s30 =	simm.s32 $0x3;
	[dreg:$0xb] =	wrdreg s26;
	s6 =	smax.u32 s9, $0x1  }
0x17: {  	s9 =	sshrl.u32 s25, $0x3;
	s25 =	simm.s32 $0xF00;
	s26 =	simm.s32 $0x1300  }
.LBB2_1:
0x18: {  	s0 =	rddreg [dreg:$0x8]  }
0x19: {  	s3 =	rddreg [dreg:$0x9]  }
0x1a: {  	[tilespmem:s2], [sflag:$0x1] =	stream.linear.gather [hbm4b:s0+s2], $0x400, $0x38;
	[tilespmem:$0x9400] =	vst v63  }
0x1b: {  	s7 =	simm.s32 $0x400;
	s0 =	rddreg [dreg:$0xa]  }
0x1c: {  	[tilespmem:s7], [sflag:$0x1] =	stream.linear.gather [hbm4b:s3+s2], $0x400, $0x38;
	[tilespmem:$0x9400] =	vst v63  }
0x1d: {  	s3 =	rddreg [dreg:$0x7]  }
0x1e: {  	s7 =	rddreg [dreg:$0xb]  }
0x1f: {  	[tilespmem:s8], [sflag:$0x1] =	stream.linear.gather [hbm4b:s0+s2], $0x400, $0x38;
	[tilespmem:$0x9400] =	vst v63  }
0x20: {  	[spmem:s9], [sflag:s7] =	dma.local [hbm:s3], $0x1000  }
0x21: {  	_ =	swait.ge [sflag:s10], $0x400  }
0x22: {  	[sflag:s10] =	ssyncset.done $0x0  }
0x23: {  	[sflag:s10] =	ssyncadd.s32 $0xFFFFFC00  }
0x24: {  	_ =	swait.ge [sflag:s10], $0x400  }
0x25: {  	[sflag:s10] =	ssyncset.done $0x0  }
0x26: {  	[sflag:s10] =	ssyncadd.s32 $0xFFFFFC00  }
0x27: {  	_ =	swait.ge [sflag:s10], $0x400  }
0x28: {  	[sflag:s10] =	ssyncset.done $0x0  }
0x29: {  	[sflag:s10] =	ssyncadd.s32 $0xFFFFFC00  }
0x2a: {  	v2 =	vld [tilespmem:$0x0]  }
0x2b: {  	v3 =	vld [tilespmem:$0x400]  }
0x2c: {  	v5 =	vld [tilespmem:$0x800]  }
0x2d: {  	v6 =	vld [tilespmem:$0x10]  }
0x2e: {  	v7 =	vld [tilespmem:$0x410]  }
0x2f: {  	v8 =	vld [tilespmem:$0x810]  }
0x30: {  	v9 =	vld [tilespmem:$0x20]  }
0x31: {  	v10 =	vld [tilespmem:$0x420]  }
0x32: {  	v11 =	vld [tilespmem:$0x820]  }
0x33: {  	v12 =	vld [tilespmem:$0x30]  }
0x34: {  	v14 =	vld [tilespmem:$0x430]  }
0x35: {  	v15 =	vld [tilespmem:$0x830]  }
0x36: {  	v17 =	vld [tilespmem:$0x40]  }
0x37: {  	v18 =	vld [tilespmem:$0x440]  }
0x38: {  	v19 =	vld [tilespmem:$0x840]  }
0x39: {  	v20 =	vld [tilespmem:$0x50]  }
0x3a: {  	v21 =	vld [tilespmem:$0x450]  }
0x3b: {  	v23 =	vld [tilespmem:$0x850]  }
0x3c: {  	v24 =	vld [tilespmem:$0x60]  }
0x3d: {  	v25 =	vld [tilespmem:$0x460]  }
0x3e: {  	v26 =	vld [tilespmem:$0x860]  }
0x3f: {  	v27 =	vld [tilespmem:$0x70]  }
0x40: {  	v28 =	vld [tilespmem:$0x470]  }
0x41: {  	v29 =	vld [tilespmem:$0x870]  }
0x42: {  	v30 =	vld [tilespmem:$0x80]  }
0x43: {  	v31 =	vld [tilespmem:$0x480]  }
0x44: {  	v32 =	vld [tilespmem:$0x880];
	v4 =	vsub.s32 v2, v0;
	vm0 =	vge.s32 v2, v0;
	vm1 =	vlt.s32 v2, v1  }
0x45: {  	v33 =	vld [tilespmem:$0x90];
	vm10 =	vge.s32 v6, v0;
	vm11 =	vlt.s32 v6, v1;
	v55 =	vsub.s32 v9, v0  }
0x46: {  	v34 =	vld [tilespmem:$0x490];
	vm12 =	vge.s32 v9, v0;
	vm2 =	vlt.s32 v9, v1;
	vm13 =	vge.s32 v12, v0  }
0x47: {  	v35 =	vld [tilespmem:$0x890];
	vm14 =	vlt.s32 v12, v1;
	v56 =	vsub.s32 v17, v0;
	vm15 =	vge.s32 v17, v0  }
0x48: {  	v36 =	vld [tilespmem:$0xA0];
	vm4 =	vlt.s32 v17, v1;
	v57 =	vsub.s32 v20, v0;
	vm5 =	vge.s32 v20, v0  }
0x49: {  	v37 =	vld [tilespmem:$0x4A0];
	vm6 =	vlt.s32 v20, v1;
	v60 =	vsub.s32 v24, v0;
	vm7 =	vge.s32 v24, v0  }
0x4a: {  	v38 =	vld [tilespmem:$0x8A0];
	vm8 =	vlt.s32 v24, v1;
	v61 =	vsub.s32 v27, v0;
	vm9 =	vge.s32 v27, v0  }
0x4b: {  	v39 =	vld [tilespmem:$0xB0];
	v62 =	vsub.s32 v30, v0;
	v2 =	vshll.u32 v4, $0xA;
	vm0 =	vmand vm0, vm1  }
0x4c: {  	v41 =	vld [tilespmem:$0xC0];
	vm1 =	vmand vm12, vm2;
	vm12 =	vlt.s32 v30, v1;
	v2 =	vadd.s32 v3, v2  }
0x4d: {  	v40 =	vld [tilespmem:$0x8B0];
	v3 =	vsub.s32 v6, v0;
	v9 =	vnsel vm1, $0x0, v11;
	v4 =	vnsel vm0, $0x0, v2  }
0x4e: {  	v42 =	vld [tilespmem:$0x4C0];
	v2 =	vnsel vm0, $0x0, v5;
	v3 =	vshll.u32 v3, $0xA;
	vm0 =	vmand vm10, vm11  }
0x4f: {  	v58 =	vld [tilespmem:$0x8C0];
	v5 =	vshll.u32 v55, $0xA;
	vm10 =	vlt.s32 v27, v1;
	vm11 =	vge.s32 v30, v0  }
0x50: {  	v49 =	vld [tilespmem:$0xF0];
	v55 =	vsub.s32 v36, v0;
	v3 =	vadd.s32 v7, v3;
	v13 =	vnsel vm0, $0x0, v8  }
0x51: {  	v43 =	vld [tilespmem:$0xD0];
	v8 =	vshll.u32 v57, $0xA;
	v57 =	vsub.s32 v41, v0;
	v16 =	vnsel vm0, $0x0, v3  }
0x52: {  	v44 =	vld [tilespmem:$0x4D0];
	v3 =	vadd.s32 v10, v5;
	vm0 =	vmand vm13, vm14;
	v5 =	vshll.u32 v56, $0xA  }
0x53: {  	v46 =	vld [tilespmem:$0xE0];
	v59 =	vadd.s32 v21, v8;
	v8 =	vshll.u32 v61, $0xA;
	vm13 =	vge.s32 v33, v0  }
0x54: {  	v45 =	vld [tilespmem:$0x8D0];
	vm14 =	vlt.s32 v33, v1;
	v21 =	vshll.u32 v55, $0xA;
	v56 =	vsub.s32 v39, v0  }
0x55: {  	v47 =	vld [tilespmem:$0x4E0];
	v61 =	vsub.s32 v49, v0;
	v6 =	vnsel vm1, $0x0, v3;
	v3 =	vsub.s32 v12, v0  }
0x56: {  	v48 =	vld [tilespmem:$0x8E0];
	v5 =	vadd.s32 v18, v5;
	vm1 =	vmand vm5, vm6;
	v8 =	vadd.s32 v28, v8  }
0x57: {  	v63 =	vld [tilespmem:$0x4F0];
	v21 =	vadd.s32 v37, v21;
	vm5 =	vge.s32 v39, v0;
	vm6 =	vlt.s32 v39, v1  }
0x58: {  	v51 =	vld [tilespmem:$0x100];
	v3 =	vshll.u32 v3, $0xA;
	v10 =	vnsel vm1, $0x0, v59;
	v59 =	vsub.s32 v46, v0  }
0x59: {  	v50 =	vld [tilespmem:$0x8F0];
	v3 =	vadd.s32 v14, v3;
	v14 =	vnsel vm1, $0x0, v23;
	vm1 =	vmand vm11, vm12  }
0x5a: {  	v52 =	vld [tilespmem:$0x500];
	v23 =	vshll.u32 v56, $0xA;
	vm11 =	vge.s32 v46, v0;
	vm12 =	vlt.s32 v46, v1  }
0x5b: {  	v53 =	vld [tilespmem:$0x900];
	v7 =	vnsel vm0, $0x0, v3;
	v3 =	vnsel vm0, $0x0, v15;
	vm0 =	vmand vm15, vm4  }
0x5c: {  	v12 =	vld [tilespmem:$0x4B0];
	v15 =	vshll.u32 v62, $0xA;
	v20 =	vnsel vm1, $0x0, v32;
	vm15 =	vge.s32 v36, v0  }
0x5d: {  	v54 =	vld [tilespmem:$0x920];
	vm4 =	vlt.s32 v36, v1;
	v62 =	vsub.s32 v51, v0;
	v22 =	vnsel vm0, $0x0, v5  }
0x5e: {  	v55 =	vld [tilespmem:$0x960];
	v19 =	vnsel vm0, $0x0, v19;
	v5 =	vshll.u32 v60, $0xA;
	vm0 =	vmand vm7, vm8  }
0x5f: {  	v37 =	vld [tilespmem:$0x120];
	v30 =	vadd.s32 v31, v15;
	v31 =	vsub.s32 v33, v0;
	vm7 =	vge.s32 v41, v0  }
0x60: {  	v39 =	vld [tilespmem:$0x520];
	vm8 =	vlt.s32 v41, v1;
	v5 =	vadd.s32 v25, v5;
	v15 =	vnsel vm1, $0x0, v30  }
0x61: {  	v46 =	vld [tilespmem:$0x150];
	vm1 =	vmand vm5, vm6;
	v12 =	vadd.s32 v12, v23;
	v11 =	vnsel vm0, $0x0, v5  }
0x62: {  	v56 =	vld [tilespmem:$0x570];
	v5 =	vnsel vm0, $0x0, v26;
	vm0 =	vmand vm9, vm10;
	v25 =	vnsel vm1, $0x0, v40  }
0x63: {  	v36 =	vld [tilespmem:$0x910];
	vm9 =	vge.s32 v43, v0;
	vm10 =	vlt.s32 v43, v1;
	v26 =	vshll.u32 v59, $0xA  }
0x64: {  	v41 =	vld [tilespmem:$0x530];
	v27 =	vnsel vm0, $0x0, v8;
	v24 =	vnsel vm0, $0x0, v29;
	v8 =	vshll.u32 v31, $0xA  }
0x65: {  	[tilespmem:$0xC40] =	vst v22;
	v22 =	vld [tilespmem:$0x5A0];
	vm0 =	vmand vm13, vm14;
	v60 =	vadd.s32 v47, v26;
	v8 =	vadd.s32 v34, v8  }
0x66: {  	v40 =	vld [tilespmem:$0x930];
	vm13 =	vge.s32 v49, v0;
	vm14 =	vlt.s32 v49, v1;
	v17 =	vnsel vm0, $0x0, v8  }
0x67: {  	v47 =	vld [tilespmem:$0x550];
	v8 =	vnsel vm0, $0x0, v35;
	vm0 =	vmand vm15, vm4;
	vm15 =	vge.s32 v51, v0  }
0x68: {  	v49 =	vld [tilespmem:$0x160];
	vm4 =	vlt.s32 v51, v1;
	v31 =	vnsel vm0, $0x0, v21;
	v29 =	vnsel vm0, $0x0, v38  }
0x69: {  	v34 =	vld [tilespmem:$0x110];
	v21 =	vnsel vm1, $0x0, v12;
	v12 =	vshll.u32 v57, $0xA;
	vm0 =	vmand vm7, vm8  }
0x6a: {  	[tilespmem:$0x10B0] =	vst v25;
	v25 =	vld [tilespmem:$0x9F0];
	vm1 =	vmand vm11, vm12;
	vm7 =	vge.s32 v37, v0;
	vm8 =	vlt.s32 v37, v1  }
0x6b: {  	[tilespmem:$0x1040] =	vst v19;
	v51 =	vld [tilespmem:$0x170];
	v12 =	vadd.s32 v42, v12;
	v26 =	vnsel vm1, $0x0, v60;
	v30 =	vnsel vm1, $0x0, v48  }
0x6c: {  	[tilespmem:$0xC70] =	vst v27;
	v27 =	vld [tilespmem:$0x5C0];
	v23 =	vnsel vm0, $0x0, v12;
	v12 =	vnsel vm0, $0x0, v58;
	v58 =	vsub.s32 v43, v0  }
0x6d: {  	[tilespmem:$0x1070] =	vst v24;
	v24 =	vld [tilespmem:$0x9C0];
	vm0 =	vmand vm9, vm10;
	v19 =	vsub.s32 v49, v0;
	v18 =	vshll.u32 v58, $0xA  }
0x6e: {  	v38 =	vld [tilespmem:$0x130];
	v32 =	vnsel vm0, $0x0, v45;
	vm5 =	vge.s32 v34, v0;
	vm6 =	vlt.s32 v34, v1  }
0x6f: {  	[tilespmem:$0x1050] =	vst v14;
	v35 =	vld [tilespmem:$0x510];
	v58 =	vsub.s32 v37, v0;
	v14 =	vshll.u32 v19, $0xA;
	v18 =	vadd.s32 v44, v18  }
0x70: {  	[tilespmem:$0xC00] =	vst v4;
	v42 =	vld [tilespmem:$0x140];
	vm1 =	vmand vm5, vm6;
	v4 =	vshll.u32 v58, $0xA;
	vm5 =	vge.s32 v51, v0  }
0x71: {  	[tilespmem:$0xC20] =	vst v6;
	v48 =	vld [tilespmem:$0x560];
	vm6 =	vlt.s32 v51, v1;
	v33 =	vnsel vm0, $0x0, v18;
	v18 =	vshll.u32 v61, $0xA  }
0x72: {  	[tilespmem:$0xCA0] =	vst v31;
	v31 =	vld [tilespmem:$0x5E0];
	vm0 =	vmand vm13, vm14;
	v6 =	vnsel vm1, $0x0, v36;
	v4 =	vadd.s32 v39, v4  }
0x73: {  	[tilespmem:$0x10A0] =	vst v29;
	v29 =	vld [tilespmem:$0x1F0];
	v59 =	vsub.s32 v38, v0;
	vm9 =	vge.s32 v38, v0;
	vm10 =	vlt.s32 v38, v1  }
0x74: {  	v43 =	vld [tilespmem:$0x540];
	vm13 =	vge.s32 v46, v0;
	vm14 =	vlt.s32 v46, v1;
	v18 =	vadd.s32 v63, v18  }
0x75: {  	v45 =	vld [tilespmem:$0x950];
	v63 =	vsub.s32 v34, v0;
	v60 =	vshll.u32 v59, $0xA;
	v61 =	vsub.s32 v42, v0  }
0x76: {  	v37 =	vld [tilespmem:$0x980];
	vm11 =	vge.s32 v42, v0;
	vm12 =	vlt.s32 v42, v1;
	v14 =	vadd.s32 v48, v14  }
0x77: {  	v44 =	vld [tilespmem:$0x940];
	v28 =	vnsel vm0, $0x0, v18;
	v18 =	vnsel vm0, $0x0, v50;
	v50 =	vshll.u32 v62, $0xA  }
0x78: {  	[tilespmem:$0x1030] =	vst v3;
	v36 =	vld [tilespmem:$0x190];
	vm0 =	vmand vm15, vm4;
	v57 =	vshll.u32 v63, $0xA;
	v3 =	vadd.s32 v41, v60  }
0x79: {  	[tilespmem:$0x1000] =	vst v2;
	v39 =	vld [tilespmem:$0x590];
	v62 =	vshll.u32 v61, $0xA;
	v63 =	vsub.s32 v46, v0;
	vm15 =	vge.s32 v49, v0  }
0x7a: {  	[tilespmem:$0x1010] =	vst v13;
	v38 =	vld [tilespmem:$0x990];
	vm4 =	vlt.s32 v49, v1;
	v50 =	vadd.s32 v52, v50;
	v2 =	vadd.s32 v35, v57  }
0x7b: {  	[tilespmem:$0xC10] =	vst v16;
	v42 =	vld [tilespmem:$0x9A0];
	v16 =	vnsel vm0, $0x0, v53;
	v13 =	vshll.u32 v63, $0xA;
	v34 =	vnsel vm0, $0x0, v50  }
0x7c: {  	[tilespmem:$0x1020] =	vst v9;
	v48 =	vld [tilespmem:$0x9D0];
	v2 =	vnsel vm1, $0x0, v2;
	vm0 =	vmand vm7, vm8;
	vm1 =	vmand vm11, vm12  }
0x7d: {  	[tilespmem:$0xCD0] =	vst v33;
	v33 =	vld [tilespmem:$0xA00];
	v13 =	vadd.s32 v47, v13;
	v9 =	vnsel vm0, $0x0, v4;
	v4 =	vnsel vm0, $0x0, v54  }
0x7e: {  	[tilespmem:$0xC60] =	vst v11;
	v41 =	vld [tilespmem:$0x1A0];
	vm0 =	vmand vm9, vm10;
	v11 =	vnsel vm1, $0x0, v44;
	v54 =	vsub.s32 v51, v0  }
0x7f: {  	[tilespmem:$0xC50] =	vst v10;
	v46 =	vld [tilespmem:$0x1D0];
	v60 =	vsub.s32 v36, v0;
	vm9 =	vge.s32 v36, v0;
	vm10 =	vlt.s32 v36, v1  }
0x80: {  	[tilespmem:$0xC30] =	vst v7;
	v49 =	vld [tilespmem:$0x600];
	v7 =	vnsel vm0, $0x0, v3;
	v3 =	vadd.s32 v43, v62;
	v10 =	vnsel vm0, $0x0, v40  }
0x81: {  	v52 =	vld [tilespmem:$0x970];
	vm0 =	vmand vm13, vm14;
	v19 =	vshll.u32 v54, $0xA;
	v61 =	vshll.u32 v60, $0xA  }
0x82: {  	[tilespmem:$0x1060] =	vst v5;
	v35 =	vld [tilespmem:$0x180];
	v3 =	vnsel vm1, $0x0, v3;
	v13 =	vnsel vm0, $0x0, v13;
	v5 =	vnsel vm0, $0x0, v45  }
0x83: {  	[tilespmem:$0xCB0] =	vst v21;
	v53 =	vld [tilespmem:$0x1C0];
	vm0 =	vmand vm15, vm4;
	vm1 =	vmand vm5, vm6;
	v57 =	vadd.s32 v56, v19  }
0x84: {  	[tilespmem:$0xCF0] =	vst v28;
	v28 =	vld [tilespmem:$0xB20];
	v21 =	vadd.s32 v39, v61;
	v62 =	vsub.s32 v41, v0;
	vm11 =	vge.s32 v41, v0  }
0x85: {  	[tilespmem:$0xC80] =	vst v15;
	v50 =	vld [tilespmem:$0x580];
	vm12 =	vlt.s32 v41, v1;
	v56 =	vsub.s32 v46, v0;
	vm5 =	vge.s32 v46, v0  }
0x86: {  	[tilespmem:$0xC90] =	vst v17;
	v47 =	vld [tilespmem:$0x5D0];
	vm6 =	vlt.s32 v46, v1;
	v15 =	vnsel vm0, $0x0, v14;
	v17 =	vnsel vm0, $0x0, v55  }
0x87: {  	v44 =	vld [tilespmem:$0x9B0];
	v14 =	vnsel vm1, $0x0, v57;
	v58 =	vsub.s32 v35, v0;
	vm7 =	vge.s32 v35, v0  }
0x88: {  	v36 =	vld [tilespmem:$0x5F0];
	vm8 =	vlt.s32 v35, v1;
	v19 =	vnsel vm1, $0x0, v52;
	v63 =	vshll.u32 v62, $0xA  }
0x89: {  	[tilespmem:$0x1080] =	vst v20;
	v40 =	vld [tilespmem:$0x1B0];
	vm1 =	vmand vm11, vm12;
	v52 =	vsub.s32 v53, v0;
	vm15 =	vge.s32 v53, v0  }
0x8a: {  	[tilespmem:$0xCE0] =	vst v26;
	v51 =	vld [tilespmem:$0x210];
	vm4 =	vlt.s32 v53, v1;
	v59 =	vshll.u32 v58, $0xA;
	vm0 =	vmand vm7, vm8  }
0x8b: {  	[tilespmem:$0xD00] =	vst v34;
	v34 =	vld [tilespmem:$0x620];
	v39 =	vadd.s32 v22, v63;
	v26 =	vnsel vm1, $0x0, v42;
	v53 =	vshll.u32 v52, $0xA  }
0x8c: {  	[tilespmem:$0x1090] =	vst v8;
	v43 =	vld [tilespmem:$0x5B0];
	v63 =	vsub.s32 v29, v0;
	v8 =	vadd.s32 v50, v59;
	v55 =	vadd.s32 v27, v53  }
0x8d: {  	[tilespmem:$0x10E0] =	vst v30;
	v54 =	vld [tilespmem:$0xA10];
	v27 =	vshll.u32 v56, $0xA;
	v20 =	vnsel vm0, $0x0, v8;
	v8 =	vnsel vm0, $0x0, v37  }
0x8e: {  	[tilespmem:$0xCC0] =	vst v23;
	v60 =	vld [tilespmem:$0x230];
	vm0 =	vmand vm9, vm10;
	v41 =	vsub.s32 v40, v0;
	vm13 =	vge.s32 v40, v0  }
0x8f: {  	[tilespmem:$0x10C0] =	vst v12;
	v35 =	vld [tilespmem:$0x1E0];
	vm14 =	vlt.s32 v40, v1;
	v58 =	vadd.s32 v47, v27;
	vm9 =	vge.s32 v29, v0  }
0x90: {  	[tilespmem:$0x10D0] =	vst v32;
	v46 =	vld [tilespmem:$0xA40];
	vm10 =	vlt.s32 v29, v1;
	v12 =	vnsel vm0, $0x0, v21;
	v23 =	vnsel vm0, $0x0, v38  }
0x91: {  	[tilespmem:$0x1110] =	vst v6;
	v57 =	vld [tilespmem:$0x220];
	v21 =	vnsel vm1, $0x0, v39;
	v50 =	vshll.u32 v41, $0xA;
	vm0 =	vmand vm13, vm14  }
0x92: {  	[tilespmem:$0x10F0] =	vst v18;
	v62 =	vld [tilespmem:$0x630];
	vm1 =	vmand vm5, vm6;
	vm13 =	vge.s32 v51, v0;
	vm14 =	vlt.s32 v51, v1  }
0x93: {  	[tilespmem:$0x1100] =	vst v16;
	v22 =	vld [tilespmem:$0x200];
	vm5 =	vge.s32 v60, v0;
	vm6 =	vlt.s32 v60, v1;
	v32 =	vadd.s32 v43, v50  }
0x94: {  	[tilespmem:$0xD10] =	vst v2;
	v52 =	vld [tilespmem:$0x260];
	v18 =	vnsel vm1, $0x0, v58;
	v59 =	vsub.s32 v35, v0;
	vm7 =	vge.s32 v35, v0  }
0x95: {  	[tilespmem:$0xD20] =	vst v9;
	v42 =	vld [tilespmem:$0x690];
	vm8 =	vlt.s32 v35, v1;
	v9 =	vnsel vm1, $0x0, v48;
	v43 =	vshll.u32 v63, $0xA  }
0x96: {  	[tilespmem:$0x1120] =	vst v4;
	v53 =	vld [tilespmem:$0x660];
	v58 =	vsub.s32 v60, v0;
	v30 =	vnsel vm0, $0x0, v32;
	v32 =	vnsel vm0, $0x0, v44  }
0x97: {  	[tilespmem:$0xD30] =	vst v7;
	v37 =	vld [tilespmem:$0x9E0];
	vm0 =	vmand vm15, vm4;
	v61 =	vshll.u32 v59, $0xA;
	v7 =	vadd.s32 v36, v43  }
0x98: {  	[tilespmem:$0x1140] =	vst v11;
	v27 =	vld [tilespmem:$0xA20];
	v45 =	vsub.s32 v22, v0;
	vm11 =	vge.s32 v22, v0;
	vm12 =	vlt.s32 v22, v1  }
0x99: {  	[tilespmem:$0x1170] =	vst v19;
	v47 =	vld [tilespmem:$0x250];
	vm15 =	vge.s32 v57, v0;
	vm4 =	vlt.s32 v57, v1;
	v19 =	vshll.u32 v58, $0xA  }
0x9a: {  	[tilespmem:$0x1130] =	vst v10;
	v40 =	vld [tilespmem:$0x290];
	v16 =	vnsel vm0, $0x0, v55;
	v2 =	vnsel vm0, $0x0, v24;
	vm0 =	vmand vm7, vm8  }
0x9b: {  	[tilespmem:$0xD40] =	vst v3;
	v41 =	vld [tilespmem:$0x610];
	v6 =	vadd.s32 v31, v61;
	v3 =	vshll.u32 v45, $0xA;
	vm1 =	vmand vm11, vm12  }
0x9c: {  	[tilespmem:$0xD50] =	vst v13;
	v39 =	vld [tilespmem:$0xA80];
	v61 =	vadd.s32 v62, v19;
	v45 =	vsub.s32 v52, v0;
	vm11 =	vge.s32 v52, v0  }
0x9d: {  	[tilespmem:$0x1150] =	vst v5;
	v38 =	vld [tilespmem:$0x6E0];
	vm12 =	vlt.s32 v52, v1;
	v4 =	vnsel vm0, $0x0, v6;
	v6 =	vnsel vm0, $0x0, v37  }
0x9e: {  	[tilespmem:$0xD60] =	vst v15;
	v48 =	vld [tilespmem:$0x650];
	vm0 =	vmand vm9, vm10;
	v3 =	vadd.s32 v49, v3;
	v49 =	vsub.s32 v51, v0  }
0x9f: {  	[tilespmem:$0x1160] =	vst v17;
	v50 =	vld [tilespmem:$0xA50];
	v15 =	vnsel vm1, $0x0, v33;
	vm9 =	vge.s32 v47, v0;
	vm10 =	vlt.s32 v47, v1  }
0xa0: {  	[tilespmem:$0xD70] =	vst v14;
	v60 =	vld [tilespmem:$0xA70];
	v11 =	vshll.u32 v45, $0xA;
	v7 =	vnsel vm0, $0x0, v7;
	v13 =	vnsel vm0, $0x0, v25  }
0xa1: {  	[tilespmem:$0x11A0] =	vst v26;
	v31 =	vld [tilespmem:$0xA30];
	v3 =	vnsel vm1, $0x0, v3;
	v51 =	vshll.u32 v49, $0xA;
	vm0 =	vmand vm13, vm14  }
0xa2: {  	[tilespmem:$0xD80] =	vst v20;
	v62 =	vld [tilespmem:$0x280];
	vm1 =	vmand vm5, vm6;
	vm5 =	vge.s32 v40, v0;
	vm6 =	vlt.s32 v40, v1  }
0xa3: {  	[tilespmem:$0x1180] =	vst v8;
	v44 =	vld [tilespmem:$0x640];
	v5 =	vadd.s32 v41, v51;
	v17 =	vnsel vm0, $0x0, v54;
	v54 =	vsub.s32 v57, v0  }
0xa4: {  	[tilespmem:$0xD90] =	vst v12;
	v37 =	vld [tilespmem:$0x240];
	v41 =	vsub.s32 v47, v0;
	v5 =	vnsel vm0, $0x0, v5;
	v56 =	vshll.u32 v54, $0xA  }
0xa5: {  	[tilespmem:$0x1190] =	vst v23;
	v36 =	vld [tilespmem:$0x680];
	vm0 =	vmand vm15, vm4;
	v43 =	vshll.u32 v41, $0xA;
	v14 =	vadd.s32 v34, v56  }
0xa6: {  	[tilespmem:$0xDA0] =	vst v21;
	v55 =	vld [tilespmem:$0xA60];
	v12 =	vnsel vm0, $0x0, v27;
	v21 =	vnsel vm1, $0x0, v31;
	v10 =	vadd.s32 v48, v43  }
0xa7: {  	[tilespmem:$0xDD0] =	vst v18;
	v57 =	vld [tilespmem:$0x270];
	v48 =	vadd.s32 v53, v11;
	v56 =	vsub.s32 v62, v0;
	vm15 =	vge.s32 v62, v0  }
0xa8: {  	v59 =	vld [tilespmem:$0x670];
	[tilespmem:$0x11D0] =	vst v9;
	vm4 =	vlt.s32 v62, v1;
	v8 =	vnsel vm0, $0x0, v14;
	v14 =	vnsel vm1, $0x0, v61  }
0xa9: {  	[tilespmem:$0xDB0] =	vst v30;
	v51 =	vld [tilespmem:$0x2B0];
	v63 =	vsub.s32 v37, v0;
	vm7 =	vge.s32 v37, v0;
	vm8 =	vlt.s32 v37, v1  }
0xaa: {  	v22 =	vld [tilespmem:$0xB80];
	[tilespmem:$0x11B0] =	vst v32;
	vm1 =	vmand vm11, vm12;
	v58 =	vshll.u32 v56, $0xA;
	v37 =	vshll.u32 v63, $0xA  }
0xab: {  	[tilespmem:$0xDF0] =	vst v7;
	v62 =	vld [tilespmem:$0x2D0];
	vm0 =	vmand vm7, vm8;
	v54 =	vnsel vm1, $0x0, v55;
	v7 =	vadd.s32 v36, v58  }
0xac: {  	[tilespmem:$0xDC0] =	vst v16;
	v43 =	vld [tilespmem:$0x2F0];
	v23 =	vadd.s32 v44, v37;
	v26 =	vnsel vm0, $0x0, v46;
	vm13 =	vge.s32 v57, v0  }
0xad: {  	[tilespmem:$0x11C0] =	vst v2;
	v63 =	vld [tilespmem:$0x6D0];
	vm14 =	vlt.s32 v57, v1;
	v23 =	vnsel vm0, $0x0, v23;
	vm0 =	vmand vm9, vm10  }
0xae: {  	[tilespmem:$0xDE0] =	vst v4;
	v36 =	vld [tilespmem:$0x2E0];
	vm9 =	vge.s32 v51, v0;
	vm10 =	vlt.s32 v51, v1;
	v2 =	vnsel vm0, $0x0, v10  }
0xaf: {  	v30 =	vld [tilespmem:$0x330];
	[tilespmem:$0x11E0] =	vst v6;
	v18 =	vnsel vm0, $0x0, v50;
	v10 =	vnsel vm1, $0x0, v48;
	v50 =	vsub.s32 v57, v0  }
0xb0: {  	[tilespmem:$0x1200] =	vst v15;
	v46 =	vld [tilespmem:$0x2A0];
	vm0 =	vmand vm13, vm14;
	vm1 =	vmand vm5, vm6;
	v48 =	vsub.s32 v62, v0  }
0xb1: {  	[tilespmem:$0x11F0] =	vst v13;
	v44 =	vld [tilespmem:$0xA90];
	vm13 =	vge.s32 v62, v0;
	vm14 =	vlt.s32 v62, v1;
	vm5 =	vge.s32 v43, v0  }
0xb2: {  	v32 =	vld [tilespmem:$0x730];
	[tilespmem:$0xE00] =	vst v3;
	vm6 =	vlt.s32 v43, v1;
	v52 =	vshll.u32 v50, $0xA;
	v50 =	vshll.u32 v48, $0xA  }
0xb3: {  	v45 =	vld [tilespmem:$0x6F0];
	[tilespmem:$0x1210] =	vst v17;
	v9 =	vadd.s32 v59, v52;
	v13 =	vadd.s32 v63, v50;
	v56 =	vsub.s32 v36, v0  }
0xb4: {  	v49 =	vld [tilespmem:$0xAA0];
	[tilespmem:$0xE10] =	vst v5;
	v6 =	vnsel vm0, $0x0, v9;
	v9 =	vnsel vm0, $0x0, v60;
	vm0 =	vmand vm15, vm4  }
0xb5: {  	v47 =	vld [tilespmem:$0x6A0];
	[tilespmem:$0x1220] =	vst v12;
	v60 =	vsub.s32 v40, v0;
	v33 =	vsub.s32 v46, v0;
	vm7 =	vge.s32 v46, v0  }
0xb6: {  	[tilespmem:$0x1230] =	vst v21;
	v57 =	vld [tilespmem:$0x2C0];
	vm8 =	vlt.s32 v46, v1;
	v37 =	vnsel vm1, $0x0, v44;
	v40 =	vsub.s32 v51, v0  }
0xb7: {  	v41 =	vld [tilespmem:$0xAE0];
	[tilespmem:$0xE20] =	vst v8;
	vm15 =	vge.s32 v36, v0;
	vm4 =	vlt.s32 v36, v1;
	v58 =	vshll.u32 v56, $0xA  }
0xb8: {  	v53 =	vld [tilespmem:$0x6B0];
	[tilespmem:$0xE30] =	vst v14;
	v3 =	vshll.u32 v60, $0xA;
	v7 =	vnsel vm0, $0x0, v7;
	v5 =	vnsel vm0, $0x0, v39  }
0xb9: {  	v55 =	vld [tilespmem:$0xAB0];
	v35 =	vshll.u32 v33, $0xA;
	vm0 =	vmand vm7, vm8;
	[tilespmem:$0xE70] =	vst v6;
	v6 =	vadd.s32 v38, v58  }
0xba: {  	[tilespmem:$0x1260] =	vst v54;
	v48 =	vld [tilespmem:$0x360];
	v60 =	vsub.s32 v43, v0;
	v3 =	vadd.s32 v42, v3;
	v16 =	vadd.s32 v47, v35  }
0xbb: {  	[tilespmem:$0x1240] =	vst v26;
	v59 =	vld [tilespmem:$0x6C0];
	v11 =	vnsel vm0, $0x0, v49;
	v42 =	vshll.u32 v40, $0xA;
	v44 =	vsub.s32 v57, v0  }
0xbc: {  	v61 =	vld [tilespmem:$0xAC0];
	[tilespmem:$0xE40] =	vst v23;
	vm11 =	vge.s32 v57, v0;
	vm12 =	vlt.s32 v57, v1;
	v62 =	vshll.u32 v60, $0xA  }
0xbd: {  	v34 =	vld [tilespmem:$0xAD0];
	[tilespmem:$0xE50] =	vst v2;
	v3 =	vnsel vm1, $0x0, v3;
	v39 =	vnsel vm0, $0x0, v16;
	vm0 =	vmand vm9, vm10  }
0xbe: {  	[tilespmem:$0x1250] =	vst v18;
	v46 =	vld [tilespmem:$0xAF0];
	v14 =	vadd.s32 v53, v42;
	v21 =	vshll.u32 v44, $0xA;
	vm1 =	vmand vm11, vm12  }
0xbf: {  	[tilespmem:$0xE60] =	vst v10;
	v56 =	vld [tilespmem:$0x370];
	v27 =	vadd.s32 v45, v62;
	v45 =	vsub.s32 v30, v0;
	v62 =	vsub.s32 v48, v0  }
0xc0: {  	[tilespmem:$0x1290] =	vst v37;
	v37 =	vld [tilespmem:$0x340];
	v14 =	vnsel vm0, $0x0, v14;
	v19 =	vadd.s32 v59, v21;
	v2 =	vnsel vm0, $0x0, v55  }
0xc1: {  	[tilespmem:$0x1270] =	vst v9;
	v47 =	vld [tilespmem:$0x300];
	v52 =	vnsel vm1, $0x0, v61;
	vm0 =	vmand vm13, vm14;
	vm13 =	vge.s32 v30, v0  }
0xc2: {  	v63 =	vld [tilespmem:$0x720];
	[tilespmem:$0xE80] =	vst v7;
	vm14 =	vlt.s32 v30, v1;
	v21 =	vshll.u32 v62, $0xA;
	v19 =	vnsel vm1, $0x0, v19  }
0xc3: {  	[tilespmem:$0x1280] =	vst v5;
	v53 =	vld [tilespmem:$0x310];
	v54 =	vnsel vm0, $0x0, v13;
	v55 =	vnsel vm0, $0x0, v34;
	vm0 =	vmand vm15, vm4  }
0xc4: {  	v51 =	vld [tilespmem:$0xB00];
	[tilespmem:$0x12A0] =	vst v11;
	vm1 =	vmand vm5, vm6;
	v26 =	vsub.s32 v56, v0;
	v24 =	vnsel vm0, $0x0, v6  }
0xc5: {  	v42 =	vld [tilespmem:$0x350];
	[tilespmem:$0xE90] =	vst v3;
	v3 =	vnsel vm0, $0x0, v41;
	v6 =	vnsel vm1, $0x0, v27;
	v33 =	vnsel vm1, $0x0, v46  }
0xc6: {  	v49 =	vld [tilespmem:$0x700];
	[tilespmem:$0xEA0] =	vst v39;
	vm15 =	vge.s32 v37, v0;
	vm4 =	vlt.s32 v37, v1;
	v29 =	vsub.s32 v47, v0  }
0xc7: {  	v61 =	vld [tilespmem:$0x320];
	[tilespmem:$0xEB0] =	vst v14;
	vm7 =	vge.s32 v47, v0;
	vm8 =	vlt.s32 v47, v1;
	v47 =	vshll.u32 v45, $0xA  }
0xc8: {  	v43 =	vld [tilespmem:$0x750];
	[tilespmem:$0x12B0] =	vst v2;
	v31 =	vshll.u32 v29, $0xA;
	vm0 =	vmand vm7, vm8;
	v36 =	vsub.s32 v53, v0  }
0xc9: {  	v57 =	vld [tilespmem:$0x710];
	[tilespmem:$0x12C0] =	vst v52;
	vm9 =	vge.s32 v53, v0;
	vm10 =	vlt.s32 v53, v1;
	v50 =	vadd.s32 v32, v47  }
0xca: {  	v39 =	vld [tilespmem:$0x740];
	[tilespmem:$0xEC0] =	vst v19;
	v53 =	vsub.s32 v37, v0;
	vm5 =	vge.s32 v42, v0;
	vm6 =	vlt.s32 v42, v1  }
0xcb: {  	v58 =	vld [tilespmem:$0x770];
	[tilespmem:$0xED0] =	vst v54;
	vm7 =	vge.s32 v48, v0;
	vm8 =	vlt.s32 v48, v1;
	v8 =	vadd.s32 v49, v31  }
0xcc: {  	v59 =	vld [tilespmem:$0xB10];
	[tilespmem:$0x12D0] =	vst v55;
	v35 =	vnsel vm0, $0x0, v51;
	v38 =	vshll.u32 v36, $0xA;
	v40 =	vsub.s32 v61, v0  }
0xcd: {  	v30 =	vld [tilespmem:$0x3A0];
	[tilespmem:$0xEE0] =	vst v24;
	vm11 =	vge.s32 v61, v0;
	vm12 =	vlt.s32 v61, v1;
	v55 =	vshll.u32 v53, $0xA  }
0xce: {  	v34 =	vld [tilespmem:$0xB30];
	[tilespmem:$0x12E0] =	vst v3;
	v8 =	vnsel vm0, $0x0, v8;
	vm0 =	vmand vm9, vm10;
	v2 =	vadd.s32 v57, v38  }
0xcf: {  	v41 =	vld [tilespmem:$0xB40];
	[tilespmem:$0xEF0] =	vst v6;
	v14 =	vshll.u32 v40, $0xA;
	vm1 =	vmand vm11, vm12;
	v6 =	vadd.s32 v39, v55  }
0xd0: {  	[tilespmem:$0x12F0] =	vst v33;
	v24 =	vld [tilespmem:$0x390];
	v57 =	vsub.s32 v42, v0;
	vm9 =	vge.s32 v56, v0;
	vm10 =	vlt.s32 v56, v1  }
0xd1: {  	v46 =	vld [tilespmem:$0xB50];
	[tilespmem:$0x1300] =	vst v35;
	v2 =	vnsel vm0, $0x0, v2;
	v9 =	vadd.s32 v63, v14;
	v44 =	vnsel vm0, $0x0, v59  }
0xd2: {  	v54 =	vld [tilespmem:$0xB60];
	v49 =	vnsel vm1, $0x0, v28;
	vm0 =	vmand vm13, vm14;
	[tilespmem:$0xF00] =	vst v8;
	v59 =	vshll.u32 v57, $0xA  }
0xd3: {  	v47 =	vld [tilespmem:$0x3D0];
	v9 =	vnsel vm1, $0x0, v9;
	v3 =	vnsel vm0, $0x0, v50;
	v52 =	vnsel vm0, $0x0, v34;
	[tilespmem:$0xF10] =	vst v2  }
0xd4: {  	v51 =	vld [tilespmem:$0x760];
	vm0 =	vmand vm15, vm4;
	vm1 =	vmand vm5, vm6;
	v8 =	vadd.s32 v43, v59;
	[tilespmem:$0x1310] =	vst v44  }
0xd5: {  	v61 =	vld [tilespmem:$0x380];
	[tilespmem:$0x1320] =	vst v49;
	v35 =	vsub.s32 v24, v0;
	vm13 =	vge.s32 v24, v0;
	vm14 =	vlt.s32 v24, v1  }
0xd6: {  	v27 =	vld [tilespmem:$0x790];
	v43 =	vsub.s32 v30, v0;
	vm15 =	vge.s32 v30, v0;
	vm4 =	vlt.s32 v30, v1;
	[tilespmem:$0xF20] =	vst v9  }
0xd7: {  	v36 =	vld [tilespmem:$0x3B0];
	v6 =	vnsel vm0, $0x0, v6;
	v2 =	vnsel vm0, $0x0, v41;
	v8 =	vnsel vm1, $0x0, v8;
	[tilespmem:$0xF30] =	vst v3  }
0xd8: {  	v60 =	vld [tilespmem:$0xB70];
	v23 =	vnsel vm1, $0x0, v46;
	vm0 =	vmand vm7, vm8;
	v3 =	vshll.u32 v26, $0xA;
	[tilespmem:$0x1330] =	vst v52  }
0xd9: {  	v33 =	vld [tilespmem:$0xBA0];
	v37 =	vshll.u32 v35, $0xA;
	v55 =	vsub.s32 v47, v0;
	v4 =	vadd.s32 v51, v21;
	[tilespmem:$0xF40] =	vst v6  }
0xda: {  	v45 =	vld [tilespmem:$0x7C0];
	v25 =	vnsel vm0, $0x0, v54;
	v3 =	vadd.s32 v58, v3;
	v29 =	vsub.s32 v61, v0;
	[tilespmem:$0x1340] =	vst v2  }
0xdb: {  	v63 =	vld [tilespmem:$0x780];
	vm11 =	vge.s32 v61, v0;
	vm12 =	vlt.s32 v61, v1;
	[tilespmem:$0xF50] =	vst v8;
	v9 =	vadd.s32 v27, v37  }
0xdc: {  	v28 =	vld [tilespmem:$0xB90];
	[tilespmem:$0x1350] =	vst v23;
	v46 =	vsub.s32 v36, v0;
	vm5 =	vge.s32 v36, v0;
	vm6 =	vlt.s32 v36, v1  }
0xdd: {  	v32 =	vld [tilespmem:$0x7A0];
	v57 =	vshll.u32 v55, $0xA;
	v4 =	vnsel vm0, $0x0, v4;
	vm0 =	vmand vm9, vm10;
	[tilespmem:$0x1360] =	vst v25  }
0xde: {  	v44 =	vld [tilespmem:$0x3C0];
	v31 =	vshll.u32 v29, $0xA;
	vm1 =	vmand vm11, vm12;
	v2 =	vnsel vm0, $0x0, v3;
	[tilespmem:$0xF60] =	vst v4  }
0xdf: {  	v38 =	vld [tilespmem:$0x7B0];
	vm9 =	vge.s32 v47, v0;
	vm10 =	vlt.s32 v47, v1;
	v34 =	vnsel vm0, $0x0, v60;
	[tilespmem:$0xF70] =	vst v2  }
0xe0: {  	v40 =	vld [tilespmem:$0xBB0];
	v3 =	vadd.s32 v63, v31;
	v39 =	vnsel vm1, $0x0, v22;
	vm0 =	vmand vm13, vm14;
	[tilespmem:$0x1370] =	vst v34  }
0xe1: {  	v54 =	vld [tilespmem:$0x3E0];
	v3 =	vnsel vm1, $0x0, v3;
	v41 =	vnsel vm0, $0x0, v9;
	v42 =	vnsel vm0, $0x0, v28;
	[tilespmem:$0x1380] =	vst v39  }
0xe2: {  	v48 =	vld [tilespmem:$0xBC0];
	v2 =	vshll.u32 v43, $0xA;
	vm0 =	vmand vm15, vm4;
	vm1 =	vmand vm5, vm6;
	[tilespmem:$0xF80] =	vst v3  }
0xe3: {  	v58 =	vld [tilespmem:$0x3F0];
	vm7 =	vge.s32 v44, v0;
	vm8 =	vlt.s32 v44, v1;
	v53 =	vsub.s32 v44, v0;
	[tilespmem:$0xF90] =	vst v41  }
0xe4: {  	v49 =	vld [tilespmem:$0x7D0];
	v2 =	vadd.s32 v32, v2;
	v3 =	vshll.u32 v46, $0xA;
	v50 =	vnsel vm0, $0x0, v33;
	[tilespmem:$0x1390] =	vst v42  }
0xe5: {  	v52 =	vld [tilespmem:$0xBD0];
	v51 =	vnsel vm1, $0x0, v40;
	v2 =	vnsel vm0, $0x0, v2;
	v3 =	vadd.s32 v38, v3;
	[tilespmem:$0x13A0] =	vst v50  }
0xe6: {  	v56 =	vld [tilespmem:$0x7E0];
	vm0 =	vmand vm7, vm8;
	vm11 =	vge.s32 v54, v0;
	[tilespmem:$0xFA0] =	vst v2;
	v2 =	vshll.u32 v53, $0xA  }
0xe7: {  	v59 =	vld [tilespmem:$0xBE0];
	[tilespmem:$0x13B0] =	vst v51;
	vm12 =	vlt.s32 v54, v1;
	v3 =	vnsel vm1, $0x0, v3;
	v2 =	vadd.s32 v45, v2  }
0xe8: {  	v61 =	vld [tilespmem:$0x7F0];
	vm13 =	vge.s32 v58, v0;
	vm1 =	vmand vm9, vm10;
	[tilespmem:$0xFB0] =	vst v3;
	v2 =	vnsel vm0, $0x0, v2  }
0xe9: {  	v60 =	vnsel vm0, $0x0, v48;
	v3 =	vadd.s32 v49, v57;
	[tilespmem:$0xFC0] =	vst v2;
	v2 =	vsub.s32 v54, v0  }
0xea: {  	v63 =	vld [tilespmem:$0xBF0];
	[tilespmem:$0x13C0] =	vst v60;
	v62 =	vnsel vm1, $0x0, v52;
	v3 =	vnsel vm1, $0x0, v3;
	v2 =	vshll.u32 v2, $0xA  }
0xeb: {  	vm0 =	vmand vm11, vm12;
	[tilespmem:$0xFD0] =	vst v3;
	v3 =	vsub.s32 v58, v0;
	v2 =	vadd.s32 v56, v2  }
0xec: {  	vm14 =	vlt.s32 v58, v1;
	[tilespmem:$0x13D0] =	vst v62;
	v3 =	vshll.u32 v3, $0xA;
	v2 =	vnsel vm0, $0x0, v2  }
0xed: {  	vm15 =	vmand vm13, vm14;
	v4 =	vnsel vm0, $0x0, v59;
	[tilespmem:$0xFE0] =	vst v2;
	v2 =	vadd.s32 v61, v3  }
0xee: {  	[tilespmem:$0x13E0] =	vst v4;
	v2 =	vnsel vm15, $0x0, v2  }
0xef: {  	[tilespmem:$0xFF0] =	vst v2;
	v2 =	vnsel vm15, $0x0, v63  }
0xf0: {  	[tilespmem:$0x13F0] =	vst v2  }
0xf1: {  	_ =	swait.ge [sflag:s11], $0x1000  }
0xf2: {  	[sflag:s11] =	ssyncset.done $0x0  }
0xf3: {  	[sflag:s11] =	ssyncadd.s32 $0xFFFFF000  }
0xf4: {  	[bflag:$0x0] =	sbarrier.arrive $0xFFFF  }
0xf5: {  	[spmem:s1] =	stream.indirect.scatter.add.f32 [tilespmem:s14], [sflag:$0x3], $0x1, s13, s12, $0xb8;
	[tilespmem:$0x9400] =	vst v63  }
0xf6: {  	_ = 	snop  }
0xf7: {  	[spmem:s1] =	stream.indirect.scatter.add.f32 [tilespmem:s16], [sflag:$0x3], $0x1, s15, s12, $0xb8;
	[tilespmem:$0x9400] =	vst v63  }
0xf8: {  	_ = 	snop  }
0xf9: {  	[spmem:s1] =	stream.indirect.scatter.add.f32 [tilespmem:s18], [sflag:$0x3], $0x1, s17, s12, $0xb8;
	[tilespmem:$0x9400] =	vst v63  }
0xfa: {  	_ = 	snop  }
0xfb: {  	[spmem:s1] =	stream.indirect.scatter.add.f32 [tilespmem:s20], [sflag:$0x3], $0x1, s19, s12, $0xb8;
	[tilespmem:$0x9400] =	vst v63  }
0xfc: {  	_ = 	snop  }
0xfd: {  	[spmem:s1] =	stream.indirect.scatter.add.f32 [tilespmem:s22], [sflag:$0x3], $0x1, s21, s12, $0xb8;
	[tilespmem:$0x9400] =	vst v63  }
0xfe: {  	_ = 	snop  }
0xff: {  	[spmem:s1] =	stream.indirect.scatter.add.f32 [tilespmem:s24], [sflag:$0x3], $0x1, s23, s12, $0xb8;
	[tilespmem:$0x9400] =	vst v63  }
0x100: {  	_ = 	snop  }
0x101: {  	[spmem:s1] =	stream.indirect.scatter.add.f32 [tilespmem:s26], [sflag:$0x3], $0x1, s25, s12, $0xb8;
	[tilespmem:$0x9400] =	vst v63  }
0x102: {  	_ = 	snop  }
0x103: {  	[spmem:s1] =	stream.indirect.scatter.add.f32 [tilespmem:s29], [sflag:$0x3], $0x1, s28, s12, $0xb8;
	[tilespmem:$0x9400] =	vst v63  }
0x104: {  	_ =	swait.ge [sflag:s30], $0x80  }
0x105: {  	[sflag:s30] =	ssyncset.done $0x0  }
0x106: {  	[sflag:s30] =	ssyncadd.s32 $0xFFFFFF80  }
0x107: {  	_ =	swait.ge [sflag:s30], $0x80  }
0x108: {  	[sflag:s30] =	ssyncset.done $0x0  }
0x109: {  	[sflag:s30] =	ssyncadd.s32 $0xFFFFFF80  }
0x10a: {  	_ =	swait.ge [sflag:s30], $0x80  }
0x10b: {  	[sflag:s30] =	ssyncset.done $0x0  }
0x10c: {  	[sflag:s30] =	ssyncadd.s32 $0xFFFFFF80  }
0x10d: {  	_ =	swait.ge [sflag:s30], $0x80  }
0x10e: {  	[sflag:s30] =	ssyncset.done $0x0  }
0x10f: {  	[sflag:s30] =	ssyncadd.s32 $0xFFFFFF80  }
0x110: {  	_ =	swait.ge [sflag:s30], $0x80  }
0x111: {  	[sflag:s30] =	ssyncset.done $0x0  }
0x112: {  	[sflag:s30] =	ssyncadd.s32 $0xFFFFFF80  }
0x113: {  	_ =	swait.ge [sflag:s30], $0x80  }
0x114: {  	[sflag:s30] =	ssyncset.done $0x0  }
0x115: {  	[sflag:s30] =	ssyncadd.s32 $0xFFFFFF80  }
0x116: {  	_ =	swait.ge [sflag:s30], $0x80  }
0x117: {  	[sflag:s30] =	ssyncset.done $0x0  }
0x118: {  	[sflag:s30] =	ssyncadd.s32 $0xFFFFFF80  }
0x119: {  	_ =	swait.ge [sflag:s30], $0x80  }
0x11a: {  	[sflag:s30] =	ssyncset.done $0x0  }
0x11b: {  	p0 =	sne.s32 s6, $0x1;
	[sflag:s30] =	ssyncadd.s32 $0xFFFFFF80  }
.Ltmp0:
0x11c: {  	s7 =	sor.u32 $0x1C04, s4;
	[bflag:$0x0] =	sbarrier.arrive $0xFFFF;
	(pc) =	sbr.rel @p0 .LBB2_1-.Ltmp0, $4  }
0x11d: {  	[hbm:s5], [sflag:s7] =	dma.local [spmem:s9], $0x1000  }
0x11e: {  	_ =	swait.ge [sflag:s31], $0x1000  }
0x11f: {  	[sflag:s31] =	ssyncset.done $0x0  }
0x120: {  	s6 =	sadd.s32 $0xFFFFFFFF, s6;
	[sflag:s31] =	ssyncadd.s32 $0xFFFFF000  }
0x121: {  	_ =	sfence.sel $0x180000  }
0x122: {  	[bflag:$0x0] =	sbarrier.arrive $0xFFFF  }
0x123: {  	_ =	strace $0x90000047  }
0x124: {  	s0 =	stileid.u32;
	[bflag:$0x2] =	sbarrier.arrive $0xFFFF  }
0x125: {  	p0 =	sne.s32 s0, $0x0;
	s0 =	rddreg [dreg:$0x6]  }
0x126: {  	s0 =	sadd.s32 @!p0 $0x100000, s0  }
0x127: {  	[sflag:s0] =	ssyncadd.tile.s32 @!p0 $0x1;
	_ =	shalt  }
.Lfunc_end2:
_tile_overlayer_lowered:
.L_overlay_start_2:
0x128: {  	(tag) =	ssettag $0x2  }
0x129: {  	s0 =	rddreg [dreg:$0x0];
	s2 =	stileid.u32  }
0x12a: {  	s1 =	rddreg [dreg:$0x1];
	p0 =	sne.s32 s2, $0x0  }
0x12b: {  	s3 =	rddreg [dreg:$0x2];
	[bflag:$0x3] =	sbarrier.arrive $0xFFFF;
	s2 =	simm.s32 @!p0 $0x1C05  }
0x12c: {  	[timem:s3], [sflag:s2] =	dma.local @!p0 [hbm:s0], s1  }
0x12d: {  	s0 =	simm.s32 @!p0 $0x5  }
0x12e: {  	_ =	swait.ge @!p0 [sflag:s0], s1  }
0x12f: {  	s1 =	ssub.s32 @!p0 $0x0, s1;
	[sflag:s0] =	ssyncset.done @!p0 $0x0  }
0x130: {  	[sflag:s0] =	ssyncadd.s32 @!p0 s1  }
0x131: {  	[bflag:$0x3] =	sbarrier.arrive $0xFFFF  }
0x132: {  	_ =	shalt  }

</sc_bundles>
